<compile_context>
chip_gen: v7x
topology: tpu7x:2x2x1
jax: 0.10.2.dev20260603
libtpu: 0.0.44.dev20260713+nightly
codegen_flags: <defaults>
</compile_context>

<pallas_src>
import functools

import jax
import jax.numpy as jnp
from jax import lax
from jax.experimental import pallas as pl
from jax.experimental.pallas import tpu as pltpu
from jax.experimental.pallas import tpu_sc as plsc

NC = 2
NS = 16
NW = NC * NS
LANES = 16

N = 10000
E = 320000
D = 128
H = 16
C = 2
G = 64

N_PAD = 10240
ROWS_PER_TILE = N_PAD // NS
EPR = ((E // NW) + 1023) // 1024 * 8
EPW = EPR * 128
E_PAD = EPW * NW
EPT = E_PAD // NS // 128
CH = 4
NCH = EPR // CH
NCH2 = NCH // 2

_MESH = plsc.VectorSubcoreMesh(
    core_axis_name="c", subcore_axis_name="s", num_cores=NC, num_subcores=NS
)


@functools.partial(
    pl.kernel,
    out_type=(
        jax.ShapeDtypeStruct((NC * N_PAD, H), jnp.float32),
        jax.ShapeDtypeStruct((N_PAD,), jnp.float32),
    ),
    mesh=_MESH,
    compiler_params=pltpu.CompilerParams(use_tc_tiling_on_sc=False,
                                         needs_layout_passes=False),
    scratch_types=[
        pltpu.VMEM((EPT, 128), jnp.int32),
        pltpu.VMEM((EPR, 128), jnp.int32),
        pltpu.VMEM((ROWS_PER_TILE, H), jnp.float32),
        pltpu.VMEM((ROWS_PER_TILE,), jnp.float32),
        pltpu.VMEM((ROWS_PER_TILE,), jnp.float32),
        pltpu.VMEM((2, CH * 128, H), jnp.float32),
        pltpu.VMEM((128,), jnp.float32),
        pltpu.VMEM_SHARED((N_PAD,), jnp.float32),
        pltpu.VMEM_SHARED((N_PAD, H), jnp.float32),
        pltpu.VMEM_SHARED((N_PAD, H), jnp.float32),
        pltpu.SemaphoreType.DMA,
        pltpu.SemaphoreType.DMA,
        pltpu.SemaphoreType.DMA,
        pltpu.SemaphoreType.DMA,
        pltpu.SemaphoreType.DMA,
    ],
)
def _sc_kernel(src_hbm, dst_hbm, h_hbm, ones_hbm, zflat_hbm, zrows_hbm,
               s_out, dinv_out,
               dstv, srcv, hv, degv, dinvv, rows_v, ones_v,
               deg_sh, hp_sh, s_sh,
               dsem, gsem_a, gsem_b, ssem_a, ssem_b):
    c = lax.axis_index("c")
    s = lax.axis_index("s")
    wid = s * NC + c
    base = s * ROWS_PER_TILE

    pltpu.sync_copy(zflat_hbm, deg_sh.at[pl.ds(base, ROWS_PER_TILE)])
    pltpu.sync_copy(zrows_hbm, s_sh.at[pl.ds(base, ROWS_PER_TILE)])
    pltpu.sync_copy(ones_hbm, ones_v)
    pltpu.sync_copy(dst_hbm.at[pl.ds(s * EPT, EPT)], dstv)
    pltpu.sync_copy(src_hbm.at[pl.ds(wid * EPR, EPR)], srcv)
    pltpu.sync_copy(h_hbm.at[pl.ds(base, ROWS_PER_TILE)], hv)
    plsc.subcore_barrier()

    def deg_body(j, carry):
        for r in range(8):
            pltpu.async_copy(ones_v, deg_sh.at[dstv.at[8 * j + r]], dsem,
                             add=True)
        for r in range(8):
            pltpu.make_async_copy(
                zflat_hbm.at[pl.ds(0, 128)], ones_v, dsem
            ).wait()
        return carry

    lax.fori_loop(0, EPT // 8, deg_body, 0)
    plsc.subcore_barrier()

    pltpu.sync_copy(deg_sh.at[pl.ds(base, ROWS_PER_TILE)], degv)
    for g in range(ROWS_PER_TILE // LANES):
        x = degv[pl.ds(g * LANES, LANES)] + 1.0
        y = plsc.bitcast(
            jnp.int32(0x5F3759DF)
            - lax.shift_right_logical(plsc.bitcast(x, jnp.int32), 1),
            jnp.float32)
        for _ in range(3):
            y = y * (1.5 - 0.5 * x * y * y)
        dinvv[pl.ds(g * LANES, LANES)] = y

    def scale_body(j, carry):
        for r in range(8):
            row = 8 * j + r
            sc = plsc.load_gather(
                dinvv, [jnp.full((LANES,), row, jnp.int32)])
            hv[row] = hv[row] * sc
        return carry

    lax.fori_loop(0, ROWS_PER_TILE // 8, scale_body, 0)
    pltpu.sync_copy(hv, hp_sh.at[pl.ds(base, ROWS_PER_TILE)])

    @pl.when(c == 0)
    def _():
        pltpu.sync_copy(dinvv, dinv_out.at[pl.ds(base, ROWS_PER_TILE)])

    plsc.subcore_barrier()

    gsems = (gsem_a, gsem_b)
    ssems = (ssem_a, ssem_b)

    def fire_g(chunk, buf):
        for r in range(CH):
            pltpu.async_copy(
                hp_sh.at[srcv.at[chunk * CH + r]],
                rows_v.at[buf, pl.ds(r * 128, 128)],
                gsems[buf],
            )

    def drain(sem, buf):
        for r in range(CH):
            pltpu.make_async_copy(
                h_hbm.at[pl.ds(0, 128)],
                rows_v.at[buf, pl.ds(r * 128, 128)],
                sem,
            ).wait()

    def fire_s(chunk, buf):
        for r in range(CH):
            pltpu.async_copy(
                rows_v.at[buf, pl.ds(r * 128, 128)],
                s_sh.at[dstv.at[c * EPR + chunk * CH + r]],
                ssems[buf],
                add=True,
            )

    fire_g(0, 0)

    def body(j2, carry):
        ca = 2 * j2
        cb = 2 * j2 + 1
        drain(gsems[0], 0)

        @pl.when(j2 > 0)
        def _():
            drain(ssems[1], 1)

        fire_g(cb, 1)
        fire_s(ca, 0)
        drain(gsems[1], 1)
        drain(ssems[0], 0)

        @pl.when(j2 < NCH2 - 1)
        def _():
            fire_g(ca + 2, 0)

        fire_s(cb, 1)
        return carry

    lax.fori_loop(0, NCH2, body, 0)
    drain(ssems[1], 1)
    plsc.subcore_barrier()
    pltpu.sync_copy(
        s_sh.at[pl.ds(base, ROWS_PER_TILE)],
        s_out.at[pl.ds(c * N_PAD + base, ROWS_PER_TILE)],
    )


def _prep_body(x_ref, w_ref, h_ref):
    h = jnp.dot(x_ref[...], w_ref[...], preferred_element_type=jnp.float32)
    h_ref[...] = jnp.concatenate(
        [h, jnp.zeros((N_PAD - N, H), jnp.float32)], axis=0)


def _prep_call(x, w):
    return pl.pallas_call(
        _prep_body,
        out_shape=jax.ShapeDtypeStruct((N_PAD, H), jnp.float32),
    )(x, w)


def _final_body(sp_ref, h_ref, dinv_ref, batch_ref, b_ref, wc_ref, bc_ref,
                out_ref):
    ssum = (lax.slice(sp_ref[0], (0, 0), (N, H))
            + lax.slice(sp_ref[1], (0, 0), (N, H)))
    h_n = lax.slice(h_ref[...], (0, 0), (N, H))
    dinv = lax.slice(dinv_ref[...], (0, 0), (N, 1))
    a = dinv * ssum + (dinv * dinv) * h_n + b_ref[...]
    hr = jnp.maximum(a, 0.0)
    iota = lax.broadcasted_iota(jnp.int32, (N, G), 1)
    onehot = (batch_ref[...] == iota).astype(jnp.float32)
    ps = lax.dot_general(onehot, hr, (((0,), (0,)), ((), ())),
                         preferred_element_type=jnp.float32)
    pc = lax.dot_general(onehot, jnp.ones((N, 1), jnp.float32),
                         (((0,), (0,)), ((), ())),
                         preferred_element_type=jnp.float32)
    pooled = ps / jnp.maximum(pc, 1.0)
    out_ref[...] = (
        jnp.dot(pooled, wc_ref[...], preferred_element_type=jnp.float32)
        + bc_ref[...]
    )


def _final_call(s_p, h_pad, dinv2, batch2, b, wc, bc):
    return pl.pallas_call(
        _final_body,
        out_shape=jax.ShapeDtypeStruct((G, C), jnp.float32),
    )(s_p, h_pad, dinv2, batch2, b.reshape(1, H), wc, bc.reshape(1, C))


def kernel(x, edge_index, batch, W, b, Wc, bc):
    src = edge_index[0]
    dst = edge_index[1]
    pad_e = E_PAD - E
    src_p = jnp.concatenate(
        [src, jnp.zeros((pad_e,), jnp.int32)]).reshape(E_PAD // 128, 128)
    dst_p = jnp.concatenate(
        [dst, jnp.full((pad_e,), N, jnp.int32)]).reshape(E_PAD // 128, 128)
    batch2 = batch.reshape(N, 1)

    ones128 = jnp.ones((128,), jnp.float32)
    zeros_flat = jnp.zeros((ROWS_PER_TILE,), jnp.float32)
    zeros_rows = jnp.zeros((ROWS_PER_TILE, H), jnp.float32)

    h_pad = _prep_call(x, W)
    s_p, dinv = _sc_kernel(src_p, dst_p, h_pad, ones128, zeros_flat,
                           zeros_rows)
    return _final_call(s_p.reshape(NC, N_PAD, H), h_pad,
                       dinv.reshape(N_PAD, 1), batch2, b, Wc, bc)

# --- scband reference (transcript-rebuilt; emitter-appended) ---
"""Pipeline reference for scband-graph-discriminator-18391049961795 (READ-ONLY COPY).

The authoritative reference and input builder live on the scoring server;
editing this copy changes nothing except your own understanding.
"""

import jax, jax.numpy as jnp
import numpy as np

N = 10000
E = 320000
D = 128
H = 16
C = 2
G = 64


def setup_inputs(seed: int = 0) -> dict:
    key = jax.random.key(seed)
    k1, k2, k3, k4, k5 = jax.random.split(key, 5)
    x = jax.random.normal(k1, (N, D), dtype=jnp.float32)
    edge_index = jax.random.randint(k2, (2, E), 0, N, dtype=jnp.int32)
    batch = jnp.sort(jax.random.randint(k3, (N,), 0, G, dtype=jnp.int32))
    # GCNConv weight (lin: input_dim -> hidden_dim, bias added after aggregation)
    W = jax.random.normal(k4, (D, H), dtype=jnp.float32) * (1.0 / np.sqrt(D))
    b = jnp.zeros((H,), dtype=jnp.float32)
    # classifier Linear(hidden_dim -> num_classes)
    Wc = jax.random.normal(k5, (H, C), dtype=jnp.float32) * (1.0 / np.sqrt(H))
    bc = jnp.zeros((C,), dtype=jnp.float32)
    return {"x": x, "edge_index": edge_index, "batch": batch, "W": W, "b": b, "Wc": Wc, "bc": bc}


def reference(x, edge_index, batch, W, b, Wc, bc):
    n = x.shape[0]
    src = edge_index[0]
    dst = edge_index[1]
    # GCNConv: add self-loops, symmetric normalization D^{-1/2}(A+I)D^{-1/2}
    loop = jnp.arange(n, dtype=src.dtype)
    src = jnp.concatenate([src, loop])
    dst = jnp.concatenate([dst, loop])
    deg = jnp.zeros((n,), x.dtype).at[dst].add(1.0)
    dinv = jnp.where(deg > 0, deg ** -0.5, 0.0)
    norm = dinv[src] * dinv[dst]
    h = x @ W
    agg = jnp.zeros((n, h.shape[1]), h.dtype).at[dst].add(h[src] * norm[:, None])
    agg = agg + b
    h = jax.nn.relu(agg)
    # dropout p=0.2 is identity in eval mode
    # global_mean_pool over batch vector
    sums = jax.ops.segment_sum(h, batch, num_segments=G)
    counts = jax.ops.segment_sum(jnp.ones((n, 1), h.dtype), batch, num_segments=G)
    pooled = sums / jnp.clip(counts, 1.0)
    logits = pooled @ Wc + bc
    return logits

if __name__ == "__main__":
    import jax
    _d = setup_inputs()
    print(jax.jit(kernel)(*tuple(_d.values())))

</pallas_src>

<mosaic_0001>
#map = affine_map<(d0, d1) -> (0, 0)>
#map1 = affine_map<(d0, d1) -> (0)>
module attributes {stable_mosaic.version = 14 : i64} {
  func.func @_sc_kernel(%arg0: i32, %arg1: i32, %arg2: memref<2560x128xi32, #tpu.memory_space<hbm>>, %arg3: memref<2560x128xi32, #tpu.memory_space<hbm>>, %arg4: memref<10240x16xf32, #tpu.memory_space<hbm>>, %arg5: memref<128xf32, #tpu.memory_space<hbm>>, %arg6: memref<640xf32, #tpu.memory_space<hbm>>, %arg7: memref<640x16xf32, #tpu.memory_space<hbm>>, %arg8: memref<20480x16xf32, #tpu.memory_space<hbm>>, %arg9: memref<10240xf32, #tpu.memory_space<hbm>>, %arg10: memref<160x128xi32, #tpu.memory_space<vmem>>, %arg11: memref<80x128xi32, #tpu.memory_space<vmem>>, %arg12: memref<640x16xf32, #tpu.memory_space<vmem>>, %arg13: memref<640xf32, #tpu.memory_space<vmem>>, %arg14: memref<640xf32, #tpu.memory_space<vmem>>, %arg15: memref<2x512x16xf32, #tpu.memory_space<vmem>>, %arg16: memref<128xf32, #tpu.memory_space<vmem>>, %arg17: memref<10240xf32, #tpu.memory_space<vmem_shared>>, %arg18: memref<10240x16xf32, #tpu.memory_space<vmem_shared>>, %arg19: memref<10240x16xf32, #tpu.memory_space<vmem_shared>>, %arg20: memref<!tpu.dma_semaphore, #tpu.memory_space<semaphore_mem>>, %arg21: memref<!tpu.dma_semaphore, #tpu.memory_space<semaphore_mem>>, %arg22: memref<!tpu.dma_semaphore, #tpu.memory_space<semaphore_mem>>, %arg23: memref<!tpu.dma_semaphore, #tpu.memory_space<semaphore_mem>>, %arg24: memref<!tpu.dma_semaphore, #tpu.memory_space<semaphore_mem>>) attributes {dimension_semantics = [#tpu.dimension_semantics<core_parallel>, #tpu.dimension_semantics<subcore_parallel>], iteration_bounds = array<i64: 2, 16>, scalar_prefetch = 0 : i64, scratch_operands = 15 : i64, tpu.core_type = #tpu.core_type<sc_vector_subcore>, window_params = [{transform_indices = #map}, {transform_indices = #map}, {transform_indices = #map}, {transform_indices = #map1}, {transform_indices = #map1}, {transform_indices = #map}, {transform_indices = #map}, {transform_indices = #map1}]} {
    %mul3A = arith.constant 2 : i32
    %mul3A_0 = arith.muli %arg1, %mul3A : i32
    %add3A = arith.addi %mul3A_0, %arg0 : i32
    %mul3A_1 = arith.constant 640 : i32
    %mul3A_2 = arith.muli %arg1, %mul3A_1 : i32
    "tpu.region"() ({
      %run_scoped3A = tpu.sem_alloc : memref<!tpu.dma_semaphore, #tpu.memory_space<semaphore_mem>>
      %dma_start3A_1813 = tpu.memref_slice %arg17[%mul3A_2] : memref<10240xf32, #tpu.memory_space<vmem_shared>> -> memref<640xf32, #tpu.memory_space<vmem_shared>>
      tpu.enqueue_dma source(%arg6 : memref<640xf32, #tpu.memory_space<hbm>>) target(%dma_start3A_1813 : memref<640xf32, #tpu.memory_space<vmem_shared>>) target_semaphore(%run_scoped3A : memref<!tpu.dma_semaphore, #tpu.memory_space<semaphore_mem>>)
      %dma_wait3A_1814 = tpu.memref_slice %arg17[%mul3A_2] : memref<10240xf32, #tpu.memory_space<vmem_shared>> -> memref<640xf32, #tpu.memory_space<vmem_shared>>
      tpu.wait_dma2 semaphore(%run_scoped3A : memref<!tpu.dma_semaphore, #tpu.memory_space<semaphore_mem>>) src(%arg6 : memref<640xf32, #tpu.memory_space<hbm>>) dst(%dma_wait3A_1814 : memref<640xf32, #tpu.memory_space<vmem_shared>>)
      tpu.yield
    }) : () -> ()
    "tpu.region"() ({
      %run_scoped3A = tpu.sem_alloc : memref<!tpu.dma_semaphore, #tpu.memory_space<semaphore_mem>>
      %dma_start3A_1813 = arith.constant 0 : i32
      %dma_start3A_1814 = tpu.memref_slice %arg19[%mul3A_2, %dma_start3A_1813] : memref<10240x16xf32, #tpu.memory_space<vmem_shared>> -> memref<640x16xf32, #tpu.memory_space<vmem_shared>>
      tpu.enqueue_dma source(%arg7 : memref<640x16xf32, #tpu.memory_space<hbm>>) target(%dma_start3A_1814 : memref<640x16xf32, #tpu.memory_space<vmem_shared>>) target_semaphore(%run_scoped3A : memref<!tpu.dma_semaphore, #tpu.memory_space<semaphore_mem>>)
      %dma_wait3A_1815 = arith.constant 0 : i32
      %dma_wait3A_1816 = tpu.memref_slice %arg19[%mul3A_2, %dma_wait3A_1815] : memref<10240x16xf32, #tpu.memory_space<vmem_shared>> -> memref<640x16xf32, #tpu.memory_space<vmem_shared>>
      tpu.wait_dma2 semaphore(%run_scoped3A : memref<!tpu.dma_semaphore, #tpu.memory_space<semaphore_mem>>) src(%arg7 : memref<640x16xf32, #tpu.memory_space<hbm>>) dst(%dma_wait3A_1816 : memref<640x16xf32, #tpu.memory_space<vmem_shared>>)
      tpu.yield
    }) : () -> ()
    "tpu.region"() ({
      %run_scoped3A = tpu.sem_alloc : memref<!tpu.dma_semaphore, #tpu.memory_space<semaphore_mem>>
      tpu.enqueue_dma source(%arg5 : memref<128xf32, #tpu.memory_space<hbm>>) target(%arg16 : memref<128xf32, #tpu.memory_space<vmem>>) target_semaphore(%run_scoped3A : memref<!tpu.dma_semaphore, #tpu.memory_space<semaphore_mem>>)
      tpu.wait_dma2 semaphore(%run_scoped3A : memref<!tpu.dma_semaphore, #tpu.memory_space<semaphore_mem>>) src(%arg5 : memref<128xf32, #tpu.memory_space<hbm>>) dst(%arg16 : memref<128xf32, #tpu.memory_space<vmem>>)
      tpu.yield
    }) : () -> ()
    %mul3A_3 = arith.constant 160 : i32
    %mul3A_4 = arith.muli %arg1, %mul3A_3 : i32
    "tpu.region"() ({
      %run_scoped3A = tpu.sem_alloc : memref<!tpu.dma_semaphore, #tpu.memory_space<semaphore_mem>>
      %dma_start3A_1813 = arith.constant 0 : i32
      %dma_start3A_1814 = tpu.memref_slice %arg3[%mul3A_4, %dma_start3A_1813] : memref<2560x128xi32, #tpu.memory_space<hbm>> -> memref<160x128xi32, #tpu.memory_space<hbm>>
      %dma_start3A_1815 = arith.constant 0 : i32
      %dma_start3A_1816 = tpu.memref_slice %arg3[%mul3A_4, %dma_start3A_1815] : memref<2560x128xi32, #tpu.memory_space<hbm>> -> memref<160x128xi32, #tpu.memory_space<hbm>>
      tpu.enqueue_dma source(%dma_start3A_1816 : memref<160x128xi32, #tpu.memory_space<hbm>>) target(%arg10 : memref<160x128xi32, #tpu.memory_space<vmem>>) target_semaphore(%run_scoped3A : memref<!tpu.dma_semaphore, #tpu.memory_space<semaphore_mem>>)
      %dma_wait3A_1817 = arith.constant 0 : i32
      %dma_wait3A_1818 = tpu.memref_slice %arg3[%mul3A_4, %dma_wait3A_1817] : memref<2560x128xi32, #tpu.memory_space<hbm>> -> memref<160x128xi32, #tpu.memory_space<hbm>>
      %dma_wait3A_1819 = arith.constant 0 : i32
      %dma_wait3A_1820 = tpu.memref_slice %arg3[%mul3A_4, %dma_wait3A_1819] : memref<2560x128xi32, #tpu.memory_space<hbm>> -> memref<160x128xi32, #tpu.memory_space<hbm>>
      tpu.wait_dma2 semaphore(%run_scoped3A : memref<!tpu.dma_semaphore, #tpu.memory_space<semaphore_mem>>) src(%dma_wait3A_1820 : memref<160x128xi32, #tpu.memory_space<hbm>>) dst(%arg10 : memref<160x128xi32, #tpu.memory_space<vmem>>)
      tpu.yield
    }) : () -> ()
    %mul3A_5 = arith.constant 80 : i32
    %mul3A_6 = arith.muli %add3A, %mul3A_5 : i32
    "tpu.region"() ({
      %run_scoped3A = tpu.sem_alloc : memref<!tpu.dma_semaphore, #tpu.memory_space<semaphore_mem>>
      %dma_start3A_1813 = arith.constant 0 : i32
      %dma_start3A_1814 = tpu.memref_slice %arg2[%mul3A_6, %dma_start3A_1813] : memref<2560x128xi32, #tpu.memory_space<hbm>> -> memref<80x128xi32, #tpu.memory_space<hbm>>
      %dma_start3A_1815 = arith.constant 0 : i32
      %dma_start3A_1816 = tpu.memref_slice %arg2[%mul3A_6, %dma_start3A_1815] : memref<2560x128xi32, #tpu.memory_space<hbm>> -> memref<80x128xi32, #tpu.memory_space<hbm>>
      tpu.enqueue_dma source(%dma_start3A_1816 : memref<80x128xi32, #tpu.memory_space<hbm>>) target(%arg11 : memref<80x128xi32, #tpu.memory_space<vmem>>) target_semaphore(%run_scoped3A : memref<!tpu.dma_semaphore, #tpu.memory_space<semaphore_mem>>)
      %dma_wait3A_1817 = arith.constant 0 : i32
      %dma_wait3A_1818 = tpu.memref_slice %arg2[%mul3A_6, %dma_wait3A_1817] : memref<2560x128xi32, #tpu.memory_space<hbm>> -> memref<80x128xi32, #tpu.memory_space<hbm>>
      %dma_wait3A_1819 = arith.constant 0 : i32
      %dma_wait3A_1820 = tpu.memref_slice %arg2[%mul3A_6, %dma_wait3A_1819] : memref<2560x128xi32, #tpu.memory_space<hbm>> -> memref<80x128xi32, #tpu.memory_space<hbm>>
      tpu.wait_dma2 semaphore(%run_scoped3A : memref<!tpu.dma_semaphore, #tpu.memory_space<semaphore_mem>>) src(%dma_wait3A_1820 : memref<80x128xi32, #tpu.memory_space<hbm>>) dst(%arg11 : memref<80x128xi32, #tpu.memory_space<vmem>>)
      tpu.yield
    }) : () -> ()
    "tpu.region"() ({
      %run_scoped3A = tpu.sem_alloc : memref<!tpu.dma_semaphore, #tpu.memory_space<semaphore_mem>>
      %dma_start3A_1813 = arith.constant 0 : i32
      %dma_start3A_1814 = tpu.memref_slice %arg4[%mul3A_2, %dma_start3A_1813] : memref<10240x16xf32, #tpu.memory_space<hbm>> -> memref<640x16xf32, #tpu.memory_space<hbm>>
      %dma_start3A_1815 = arith.constant 0 : i32
      %dma_start3A_1816 = tpu.memref_slice %arg4[%mul3A_2, %dma_start3A_1815] : memref<10240x16xf32, #tpu.memory_space<hbm>> -> memref<640x16xf32, #tpu.memory_space<hbm>>
      tpu.enqueue_dma source(%dma_start3A_1816 : memref<640x16xf32, #tpu.memory_space<hbm>>) target(%arg12 : memref<640x16xf32, #tpu.memory_space<vmem>>) target_semaphore(%run_scoped3A : memref<!tpu.dma_semaphore, #tpu.memory_space<semaphore_mem>>)
      %dma_wait3A_1817 = arith.constant 0 : i32
      %dma_wait3A_1818 = tpu.memref_slice %arg4[%mul3A_2, %dma_wait3A_1817] : memref<10240x16xf32, #tpu.memory_space<hbm>> -> memref<640x16xf32, #tpu.memory_space<hbm>>
      %dma_wait3A_1819 = arith.constant 0 : i32
      %dma_wait3A_1820 = tpu.memref_slice %arg4[%mul3A_2, %dma_wait3A_1819] : memref<10240x16xf32, #tpu.memory_space<hbm>> -> memref<640x16xf32, #tpu.memory_space<hbm>>
      tpu.wait_dma2 semaphore(%run_scoped3A : memref<!tpu.dma_semaphore, #tpu.memory_space<semaphore_mem>>) src(%dma_wait3A_1820 : memref<640x16xf32, #tpu.memory_space<hbm>>) dst(%arg12 : memref<640x16xf32, #tpu.memory_space<vmem>>)
      tpu.yield
    }) : () -> ()
    %barrier3A = arith.constant 0 : index
    tpu.barrier barrier_id(%barrier3A)
    %scan3A = arith.constant 0 : i32
    %scan3A_7 = arith.constant 0 : i32
    %scan3A_8 = arith.constant 20 : i32
    %scan3A_9 = arith.addi %scan3A_7, %scan3A_8 : i32
    %scan3A_10 = arith.constant 1 : i32
    scf.for %scan3A_1813 = %scan3A_7 to %scan3A_9 step %scan3A_10  : i32 {
      %mul3A_1814 = arith.constant 8 : i32
      %mul3A_1815 = arith.muli %mul3A_1814, %scan3A_1813 : i32
      %add3A_1816 = arith.constant 0 : i32
      %add3A_1817 = arith.addi %mul3A_1815, %add3A_1816 : i32
      %dma_start3A_1818 = arith.constant 0 : i32
      %dma_start3A_1819 = tpu.memref_slice %arg10[%add3A_1817, %dma_start3A_1818] : memref<160x128xi32, #tpu.memory_space<vmem>> -> memref<1x128xi32, #tpu.memory_space<vmem>>
      %dma_start3A_1820 = tpu.memref_squeeze %dma_start3A_1819 : memref<1x128xi32, #tpu.memory_space<vmem>> -> memref<128xi32, #tpu.memory_space<vmem>>
      %dma_start3A_1821 = arith.constant 0 : i32
      %dma_start3A_1822 = tpu.memref_slice %arg17[%dma_start3A_1821] : memref<10240xf32, #tpu.memory_space<vmem_shared>> -> memref<10240xf32, #tpu.memory_space<vmem_shared>>
      tpu.enqueue_indirect_dma source(%arg16 : memref<128xf32, #tpu.memory_space<vmem>>) target(%dma_start3A_1822 : memref<10240xf32, #tpu.memory_space<vmem_shared>>) offsets(%dma_start3A_1820 : memref<128xi32, #tpu.memory_space<vmem>>) semaphore(%arg20 : memref<!tpu.dma_semaphore, #tpu.memory_space<semaphore_mem>>) {add = true}
      %mul3A_1823 = arith.constant 8 : i32
      %mul3A_1824 = arith.muli %mul3A_1823, %scan3A_1813 : i32
      %add3A_1825 = arith.constant 1 : i32
      %add3A_1826 = arith.addi %mul3A_1824, %add3A_1825 : i32
      %dma_start3A_1827 = arith.constant 0 : i32
      %dma_start3A_1828 = tpu.memref_slice %arg10[%add3A_1826, %dma_start3A_1827] : memref<160x128xi32, #tpu.memory_space<vmem>> -> memref<1x128xi32, #tpu.memory_space<vmem>>
      %dma_start3A_1829 = tpu.memref_squeeze %dma_start3A_1828 : memref<1x128xi32, #tpu.memory_space<vmem>> -> memref<128xi32, #tpu.memory_space<vmem>>
      %dma_start3A_1830 = arith.constant 0 : i32
      %dma_start3A_1831 = tpu.memref_slice %arg17[%dma_start3A_1830] : memref<10240xf32, #tpu.memory_space<vmem_shared>> -> memref<10240xf32, #tpu.memory_space<vmem_shared>>
      tpu.enqueue_indirect_dma source(%arg16 : memref<128xf32, #tpu.memory_space<vmem>>) target(%dma_start3A_1831 : memref<10240xf32, #tpu.memory_space<vmem_shared>>) offsets(%dma_start3A_1829 : memref<128xi32, #tpu.memory_space<vmem>>) semaphore(%arg20 : memref<!tpu.dma_semaphore, #tpu.memory_space<semaphore_mem>>) {add = true}
      %mul3A_1832 = arith.constant 8 : i32
      %mul3A_1833 = arith.muli %mul3A_1832, %scan3A_1813 : i32
      %add3A_1834 = arith.constant 2 : i32
      %add3A_1835 = arith.addi %mul3A_1833, %add3A_1834 : i32
      %dma_start3A_1836 = arith.constant 0 : i32
      %dma_start3A_1837 = tpu.memref_slice %arg10[%add3A_1835, %dma_start3A_1836] : memref<160x128xi32, #tpu.memory_space<vmem>> -> memref<1x128xi32, #tpu.memory_space<vmem>>
      %dma_start3A_1838 = tpu.memref_squeeze %dma_start3A_1837 : memref<1x128xi32, #tpu.memory_space<vmem>> -> memref<128xi32, #tpu.memory_space<vmem>>
      %dma_start3A_1839 = arith.constant 0 : i32
      %dma_start3A_1840 = tpu.memref_slice %arg17[%dma_start3A_1839] : memref<10240xf32, #tpu.memory_space<vmem_shared>> -> memref<10240xf32, #tpu.memory_space<vmem_shared>>
      tpu.enqueue_indirect_dma source(%arg16 : memref<128xf32, #tpu.memory_space<vmem>>) target(%dma_start3A_1840 : memref<10240xf32, #tpu.memory_space<vmem_shared>>) offsets(%dma_start3A_1838 : memref<128xi32, #tpu.memory_space<vmem>>) semaphore(%arg20 : memref<!tpu.dma_semaphore, #tpu.memory_space<semaphore_mem>>) {add = true}
      %mul3A_1841 = arith.constant 8 : i32
      %mul3A_1842 = arith.muli %mul3A_1841, %scan3A_1813 : i32
      %add3A_1843 = arith.constant 3 : i32
      %add3A_1844 = arith.addi %mul3A_1842, %add3A_1843 : i32
      %dma_start3A_1845 = arith.constant 0 : i32
      %dma_start3A_1846 = tpu.memref_slice %arg10[%add3A_1844, %dma_start3A_1845] : memref<160x128xi32, #tpu.memory_space<vmem>> -> memref<1x128xi32, #tpu.memory_space<vmem>>
      %dma_start3A_1847 = tpu.memref_squeeze %dma_start3A_1846 : memref<1x128xi32, #tpu.memory_space<vmem>> -> memref<128xi32, #tpu.memory_space<vmem>>
      %dma_start3A_1848 = arith.constant 0 : i32
      %dma_start3A_1849 = tpu.memref_slice %arg17[%dma_start3A_1848] : memref<10240xf32, #tpu.memory_space<vmem_shared>> -> memref<10240xf32, #tpu.memory_space<vmem_shared>>
      tpu.enqueue_indirect_dma source(%arg16 : memref<128xf32, #tpu.memory_space<vmem>>) target(%dma_start3A_1849 : memref<10240xf32, #tpu.memory_space<vmem_shared>>) offsets(%dma_start3A_1847 : memref<128xi32, #tpu.memory_space<vmem>>) semaphore(%arg20 : memref<!tpu.dma_semaphore, #tpu.memory_space<semaphore_mem>>) {add = true}
      %mul3A_1850 = arith.constant 8 : i32
      %mul3A_1851 = arith.muli %mul3A_1850, %scan3A_1813 : i32
      %add3A_1852 = arith.constant 4 : i32
      %add3A_1853 = arith.addi %mul3A_1851, %add3A_1852 : i32
      %dma_start3A_1854 = arith.constant 0 : i32
      %dma_start3A_1855 = tpu.memref_slice %arg10[%add3A_1853, %dma_start3A_1854] : memref<160x128xi32, #tpu.memory_space<vmem>> -> memref<1x128xi32, #tpu.memory_space<vmem>>
      %dma_start3A_1856 = tpu.memref_squeeze %dma_start3A_1855 : memref<1x128xi32, #tpu.memory_space<vmem>> -> memref<128xi32, #tpu.memory_space<vmem>>
      %dma_start3A_1857 = arith.constant 0 : i32
      %dma_start3A_1858 = tpu.memref_slice %arg17[%dma_start3A_1857] : memref<10240xf32, #tpu.memory_space<vmem_shared>> -> memref<10240xf32, #tpu.memory_space<vmem_shared>>
      tpu.enqueue_indirect_dma source(%arg16 : memref<128xf32, #tpu.memory_space<vmem>>) target(%dma_start3A_1858 : memref<10240xf32, #tpu.memory_space<vmem_shared>>) offsets(%dma_start3A_1856 : memref<128xi32, #tpu.memory_space<vmem>>) semaphore(%arg20 : memref<!tpu.dma_semaphore, #tpu.memory_space<semaphore_mem>>) {add = true}
      %mul3A_1859 = arith.constant 8 : i32
      %mul3A_1860 = arith.muli %mul3A_1859, %scan3A_1813 : i32
      %add3A_1861 = arith.constant 5 : i32
      %add3A_1862 = arith.addi %mul3A_1860, %add3A_1861 : i32
      %dma_start3A_1863 = arith.constant 0 : i32
      %dma_start3A_1864 = tpu.memref_slice %arg10[%add3A_1862, %dma_start3A_1863] : memref<160x128xi32, #tpu.memory_space<vmem>> -> memref<1x128xi32, #tpu.memory_space<vmem>>
      %dma_start3A_1865 = tpu.memref_squeeze %dma_start3A_1864 : memref<1x128xi32, #tpu.memory_space<vmem>> -> memref<128xi32, #tpu.memory_space<vmem>>
      %dma_start3A_1866 = arith.constant 0 : i32
      %dma_start3A_1867 = tpu.memref_slice %arg17[%dma_start3A_1866] : memref<10240xf32, #tpu.memory_space<vmem_shared>> -> memref<10240xf32, #tpu.memory_space<vmem_shared>>
      tpu.enqueue_indirect_dma source(%arg16 : memref<128xf32, #tpu.memory_space<vmem>>) target(%dma_start3A_1867 : memref<10240xf32, #tpu.memory_space<vmem_shared>>) offsets(%dma_start3A_1865 : memref<128xi32, #tpu.memory_space<vmem>>) semaphore(%arg20 : memref<!tpu.dma_semaphore, #tpu.memory_space<semaphore_mem>>) {add = true}
      %mul3A_1868 = arith.constant 8 : i32
      %mul3A_1869 = arith.muli %mul3A_1868, %scan3A_1813 : i32
      %add3A_1870 = arith.constant 6 : i32
      %add3A_1871 = arith.addi %mul3A_1869, %add3A_1870 : i32
      %dma_start3A_1872 = arith.constant 0 : i32
      %dma_start3A_1873 = tpu.memref_slice %arg10[%add3A_1871, %dma_start3A_1872] : memref<160x128xi32, #tpu.memory_space<vmem>> -> memref<1x128xi32, #tpu.memory_space<vmem>>
      %dma_start3A_1874 = tpu.memref_squeeze %dma_start3A_1873 : memref<1x128xi32, #tpu.memory_space<vmem>> -> memref<128xi32, #tpu.memory_space<vmem>>
      %dma_start3A_1875 = arith.constant 0 : i32
      %dma_start3A_1876 = tpu.memref_slice %arg17[%dma_start3A_1875] : memref<10240xf32, #tpu.memory_space<vmem_shared>> -> memref<10240xf32, #tpu.memory_space<vmem_shared>>
      tpu.enqueue_indirect_dma source(%arg16 : memref<128xf32, #tpu.memory_space<vmem>>) target(%dma_start3A_1876 : memref<10240xf32, #tpu.memory_space<vmem_shared>>) offsets(%dma_start3A_1874 : memref<128xi32, #tpu.memory_space<vmem>>) semaphore(%arg20 : memref<!tpu.dma_semaphore, #tpu.memory_space<semaphore_mem>>) {add = true}
      %mul3A_1877 = arith.constant 8 : i32
      %mul3A_1878 = arith.muli %mul3A_1877, %scan3A_1813 : i32
      %add3A_1879 = arith.constant 7 : i32
      %add3A_1880 = arith.addi %mul3A_1878, %add3A_1879 : i32
      %dma_start3A_1881 = arith.constant 0 : i32
      %dma_start3A_1882 = tpu.memref_slice %arg10[%add3A_1880, %dma_start3A_1881] : memref<160x128xi32, #tpu.memory_space<vmem>> -> memref<1x128xi32, #tpu.memory_space<vmem>>
      %dma_start3A_1883 = tpu.memref_squeeze %dma_start3A_1882 : memref<1x128xi32, #tpu.memory_space<vmem>> -> memref<128xi32, #tpu.memory_space<vmem>>
      %dma_start3A_1884 = arith.constant 0 : i32
      %dma_start3A_1885 = tpu.memref_slice %arg17[%dma_start3A_1884] : memref<10240xf32, #tpu.memory_space<vmem_shared>> -> memref<10240xf32, #tpu.memory_space<vmem_shared>>
      tpu.enqueue_indirect_dma source(%arg16 : memref<128xf32, #tpu.memory_space<vmem>>) target(%dma_start3A_1885 : memref<10240xf32, #tpu.memory_space<vmem_shared>>) offsets(%dma_start3A_1883 : memref<128xi32, #tpu.memory_space<vmem>>) semaphore(%arg20 : memref<!tpu.dma_semaphore, #tpu.memory_space<semaphore_mem>>) {add = true}
      %dma_wait3A_1886 = arith.constant 0 : i32
      %dma_wait3A_1887 = tpu.memref_slice %arg6[%dma_wait3A_1886] : memref<640xf32, #tpu.memory_space<hbm>> -> memref<128xf32, #tpu.memory_space<hbm>>
      %dma_wait3A_1888 = arith.constant 0 : i32
      %dma_wait3A_1889 = tpu.memref_slice %arg6[%dma_wait3A_1888] : memref<640xf32, #tpu.memory_space<hbm>> -> memref<128xf32, #tpu.memory_space<hbm>>
      tpu.wait_dma2 semaphore(%arg20 : memref<!tpu.dma_semaphore, #tpu.memory_space<semaphore_mem>>) src(%dma_wait3A_1889 : memref<128xf32, #tpu.memory_space<hbm>>) dst(%arg16 : memref<128xf32, #tpu.memory_space<vmem>>)
      %dma_wait3A_1890 = arith.constant 0 : i32
      %dma_wait3A_1891 = tpu.memref_slice %arg6[%dma_wait3A_1890] : memref<640xf32, #tpu.memory_space<hbm>> -> memref<128xf32, #tpu.memory_space<hbm>>
      %dma_wait3A_1892 = arith.constant 0 : i32
      %dma_wait3A_1893 = tpu.memref_slice %arg6[%dma_wait3A_1892] : memref<640xf32, #tpu.memory_space<hbm>> -> memref<128xf32, #tpu.memory_space<hbm>>
      tpu.wait_dma2 semaphore(%arg20 : memref<!tpu.dma_semaphore, #tpu.memory_space<semaphore_mem>>) src(%dma_wait3A_1893 : memref<128xf32, #tpu.memory_space<hbm>>) dst(%arg16 : memref<128xf32, #tpu.memory_space<vmem>>)
      %dma_wait3A_1894 = arith.constant 0 : i32
      %dma_wait3A_1895 = tpu.memref_slice %arg6[%dma_wait3A_1894] : memref<640xf32, #tpu.memory_space<hbm>> -> memref<128xf32, #tpu.memory_space<hbm>>
      %dma_wait3A_1896 = arith.constant 0 : i32
      %dma_wait3A_1897 = tpu.memref_slice %arg6[%dma_wait3A_1896] : memref<640xf32, #tpu.memory_space<hbm>> -> memref<128xf32, #tpu.memory_space<hbm>>
      tpu.wait_dma2 semaphore(%arg20 : memref<!tpu.dma_semaphore, #tpu.memory_space<semaphore_mem>>) src(%dma_wait3A_1897 : memref<128xf32, #tpu.memory_space<hbm>>) dst(%arg16 : memref<128xf32, #tpu.memory_space<vmem>>)
      %dma_wait3A_1898 = arith.constant 0 : i32
      %dma_wait3A_1899 = tpu.memref_slice %arg6[%dma_wait3A_1898] : memref<640xf32, #tpu.memory_space<hbm>> -> memref<128xf32, #tpu.memory_space<hbm>>
      %dma_wait3A_1900 = arith.constant 0 : i32
      %dma_wait3A_1901 = tpu.memref_slice %arg6[%dma_wait3A_1900] : memref<640xf32, #tpu.memory_space<hbm>> -> memref<128xf32, #tpu.memory_space<hbm>>
      tpu.wait_dma2 semaphore(%arg20 : memref<!tpu.dma_semaphore, #tpu.memory_space<semaphore_mem>>) src(%dma_wait3A_1901 : memref<128xf32, #tpu.memory_space<hbm>>) dst(%arg16 : memref<128xf32, #tpu.memory_space<vmem>>)
      %dma_wait3A_1902 = arith.constant 0 : i32
      %dma_wait3A_1903 = tpu.memref_slice %arg6[%dma_wait3A_1902] : memref<640xf32, #tpu.memory_space<hbm>> -> memref<128xf32, #tpu.memory_space<hbm>>
      %dma_wait3A_1904 = arith.constant 0 : i32
      %dma_wait3A_1905 = tpu.memref_slice %arg6[%dma_wait3A_1904] : memref<640xf32, #tpu.memory_space<hbm>> -> memref<128xf32, #tpu.memory_space<hbm>>
      tpu.wait_dma2 semaphore(%arg20 : memref<!tpu.dma_semaphore, #tpu.memory_space<semaphore_mem>>) src(%dma_wait3A_1905 : memref<128xf32, #tpu.memory_space<hbm>>) dst(%arg16 : memref<128xf32, #tpu.memory_space<vmem>>)
      %dma_wait3A_1906 = arith.constant 0 : i32
      %dma_wait3A_1907 = tpu.memref_slice %arg6[%dma_wait3A_1906] : memref<640xf32, #tpu.memory_space<hbm>> -> memref<128xf32, #tpu.memory_space<hbm>>
      %dma_wait3A_1908 = arith.constant 0 : i32
      %dma_wait3A_1909 = tpu.memref_slice %arg6[%dma_wait3A_1908] : memref<640xf32, #tpu.memory_space<hbm>> -> memref<128xf32, #tpu.memory_space<hbm>>
      tpu.wait_dma2 semaphore(%arg20 : memref<!tpu.dma_semaphore, #tpu.memory_space<semaphore_mem>>) src(%dma_wait3A_1909 : memref<128xf32, #tpu.memory_space<hbm>>) dst(%arg16 : memref<128xf32, #tpu.memory_space<vmem>>)
      %dma_wait3A_1910 = arith.constant 0 : i32
      %dma_wait3A_1911 = tpu.memref_slice %arg6[%dma_wait3A_1910] : memref<640xf32, #tpu.memory_space<hbm>> -> memref<128xf32, #tpu.memory_space<hbm>>
      %dma_wait3A_1912 = arith.constant 0 : i32
      %dma_wait3A_1913 = tpu.memref_slice %arg6[%dma_wait3A_1912] : memref<640xf32, #tpu.memory_space<hbm>> -> memref<128xf32, #tpu.memory_space<hbm>>
      tpu.wait_dma2 semaphore(%arg20 : memref<!tpu.dma_semaphore, #tpu.memory_space<semaphore_mem>>) src(%dma_wait3A_1913 : memref<128xf32, #tpu.memory_space<hbm>>) dst(%arg16 : memref<128xf32, #tpu.memory_space<vmem>>)
      %dma_wait3A_1914 = arith.constant 0 : i32
      %dma_wait3A_1915 = tpu.memref_slice %arg6[%dma_wait3A_1914] : memref<640xf32, #tpu.memory_space<hbm>> -> memref<128xf32, #tpu.memory_space<hbm>>
      %dma_wait3A_1916 = arith.constant 0 : i32
      %dma_wait3A_1917 = tpu.memref_slice %arg6[%dma_wait3A_1916] : memref<640xf32, #tpu.memory_space<hbm>> -> memref<128xf32, #tpu.memory_space<hbm>>
      tpu.wait_dma2 semaphore(%arg20 : memref<!tpu.dma_semaphore, #tpu.memory_space<semaphore_mem>>) src(%dma_wait3A_1917 : memref<128xf32, #tpu.memory_space<hbm>>) dst(%arg16 : memref<128xf32, #tpu.memory_space<vmem>>)
    }
    %scan3A_11 = arith.constant 20 : i32
    %barrier3A_12 = arith.constant 0 : index
    tpu.barrier barrier_id(%barrier3A_12)
    "tpu.region"() ({
      %run_scoped3A = tpu.sem_alloc : memref<!tpu.dma_semaphore, #tpu.memory_space<semaphore_mem>>
      %dma_start3A_1813 = tpu.memref_slice %arg17[%mul3A_2] : memref<10240xf32, #tpu.memory_space<vmem_shared>> -> memref<640xf32, #tpu.memory_space<vmem_shared>>
      %dma_start3A_1814 = tpu.memref_slice %arg17[%mul3A_2] : memref<10240xf32, #tpu.memory_space<vmem_shared>> -> memref<640xf32, #tpu.memory_space<vmem_shared>>
      tpu.enqueue_dma source(%dma_start3A_1814 : memref<640xf32, #tpu.memory_space<vmem_shared>>) target(%arg13 : memref<640xf32, #tpu.memory_space<vmem>>) target_semaphore(%run_scoped3A : memref<!tpu.dma_semaphore, #tpu.memory_space<semaphore_mem>>)
      %dma_wait3A_1815 = tpu.memref_slice %arg17[%mul3A_2] : memref<10240xf32, #tpu.memory_space<vmem_shared>> -> memref<640xf32, #tpu.memory_space<vmem_shared>>
      %dma_wait3A_1816 = tpu.memref_slice %arg17[%mul3A_2] : memref<10240xf32, #tpu.memory_space<vmem_shared>> -> memref<640xf32, #tpu.memory_space<vmem_shared>>
      tpu.wait_dma2 semaphore(%run_scoped3A : memref<!tpu.dma_semaphore, #tpu.memory_space<semaphore_mem>>) src(%dma_wait3A_1816 : memref<640xf32, #tpu.memory_space<vmem_shared>>) dst(%arg13 : memref<640xf32, #tpu.memory_space<vmem>>)
      tpu.yield
    }) : () -> ()
    %get3A = arith.constant 0 : index
    %get3A_13 = tpu.vector_load %arg13[%get3A] {strides = array<i32>} : memref<640xf32, #tpu.memory_space<vmem>>, vector<16xf32>,
    %add3A_14 = arith.constant 1.000000e+00 : f32
    %add3A_15 = vector.broadcast %add3A_14 : f32 to vector<16xf32>
    %add3A_16 = arith.addf %get3A_13, %add3A_15 : vector<16xf32>
    %bitcast3A = vector.bitcast %add3A_16 : vector<16xf32> to vector<16xi32>
    %shift_right_logical3A = arith.constant 1 : i32
    %shift_right_logical3A_17 = vector.broadcast %shift_right_logical3A : i32 to vector<16xi32>
    %shift_right_logical3A_18 = arith.shrui %bitcast3A, %shift_right_logical3A_17 : vector<16xi32>
    %sub3A = arith.constant 1597463007 : i32
    %sub3A_19 = vector.broadcast %sub3A : i32 to vector<16xi32>
    %sub3A_20 = arith.subi %sub3A_19, %shift_right_logical3A_18 : vector<16xi32>
    %bitcast3A_21 = vector.bitcast %sub3A_20 : vector<16xi32> to vector<16xf32>
    %mul3A_22 = arith.constant 5.000000e-01 : f32
    %mul3A_23 = vector.broadcast %mul3A_22 : f32 to vector<16xf32>
    %mul3A_24 = arith.mulf %mul3A_23, %add3A_16 : vector<16xf32>
    %mul3A_25 = arith.mulf %mul3A_24, %bitcast3A_21 : vector<16xf32>
    %mul3A_26 = arith.mulf %mul3A_25, %bitcast3A_21 : vector<16xf32>
    %sub3A_27 = arith.constant 1.500000e+00 : f32
    %sub3A_28 = vector.broadcast %sub3A_27 : f32 to vector<16xf32>
    %sub3A_29 = arith.subf %sub3A_28, %mul3A_26 : vector<16xf32>
    %mul3A_30 = arith.mulf %bitcast3A_21, %sub3A_29 : vector<16xf32>
    %mul3A_31 = arith.constant 5.000000e-01 : f32
    %mul3A_32 = vector.broadcast %mul3A_31 : f32 to vector<16xf32>
    %mul3A_33 = arith.mulf %mul3A_32, %add3A_16 : vector<16xf32>
    %mul3A_34 = arith.mulf %mul3A_33, %mul3A_30 : vector<16xf32>
    %mul3A_35 = arith.mulf %mul3A_34, %mul3A_30 : vector<16xf32>
    %sub3A_36 = arith.constant 1.500000e+00 : f32
    %sub3A_37 = vector.broadcast %sub3A_36 : f32 to vector<16xf32>
    %sub3A_38 = arith.subf %sub3A_37, %mul3A_35 : vector<16xf32>
    %mul3A_39 = arith.mulf %mul3A_30, %sub3A_38 : vector<16xf32>
    %mul3A_40 = arith.constant 5.000000e-01 : f32
    %mul3A_41 = vector.broadcast %mul3A_40 : f32 to vector<16xf32>
    %mul3A_42 = arith.mulf %mul3A_41, %add3A_16 : vector<16xf32>
    %mul3A_43 = arith.mulf %mul3A_42, %mul3A_39 : vector<16xf32>
    %mul3A_44 = arith.mulf %mul3A_43, %mul3A_39 : vector<16xf32>
    %sub3A_45 = arith.constant 1.500000e+00 : f32
    %sub3A_46 = vector.broadcast %sub3A_45 : f32 to vector<16xf32>
    %sub3A_47 = arith.subf %sub3A_46, %mul3A_44 : vector<16xf32>
    %mul3A_48 = arith.mulf %mul3A_39, %sub3A_47 : vector<16xf32>
    %swap3A = arith.constant 0 : index
    %swap3A_49 = tpu.vector_load %arg14[%swap3A] {strides = array<i32>} : memref<640xf32, #tpu.memory_space<vmem>>, vector<16xf32>,
    tpu.vector_store %arg14[%swap3A], %mul3A_48 {strides = array<i32>} : memref<640xf32, #tpu.memory_space<vmem>>, vector<16xf32>,
    %get3A_50 = arith.constant 16 : index
    %get3A_51 = tpu.vector_load %arg13[%get3A_50] {strides = array<i32>} : memref<640xf32, #tpu.memory_space<vmem>>, vector<16xf32>,
    %add3A_52 = arith.constant 1.000000e+00 : f32
    %add3A_53 = vector.broadcast %add3A_52 : f32 to vector<16xf32>
    %add3A_54 = arith.addf %get3A_51, %add3A_53 : vector<16xf32>
    %bitcast3A_55 = vector.bitcast %add3A_54 : vector<16xf32> to vector<16xi32>
    %shift_right_logical3A_56 = arith.constant 1 : i32
    %shift_right_logical3A_57 = vector.broadcast %shift_right_logical3A_56 : i32 to vector<16xi32>
    %shift_right_logical3A_58 = arith.shrui %bitcast3A_55, %shift_right_logical3A_57 : vector<16xi32>
    %sub3A_59 = arith.constant 1597463007 : i32
    %sub3A_60 = vector.broadcast %sub3A_59 : i32 to vector<16xi32>
    %sub3A_61 = arith.subi %sub3A_60, %shift_right_logical3A_58 : vector<16xi32>
    %bitcast3A_62 = vector.bitcast %sub3A_61 : vector<16xi32> to vector<16xf32>
    %mul3A_63 = arith.constant 5.000000e-01 : f32
    %mul3A_64 = vector.broadcast %mul3A_63 : f32 to vector<16xf32>
    %mul3A_65 = arith.mulf %mul3A_64, %add3A_54 : vector<16xf32>
    %mul3A_66 = arith.mulf %mul3A_65, %bitcast3A_62 : vector<16xf32>
    %mul3A_67 = arith.mulf %mul3A_66, %bitcast3A_62 : vector<16xf32>
    %sub3A_68 = arith.constant 1.500000e+00 : f32
    %sub3A_69 = vector.broadcast %sub3A_68 : f32 to vector<16xf32>
    %sub3A_70 = arith.subf %sub3A_69, %mul3A_67 : vector<16xf32>
    %mul3A_71 = arith.mulf %bitcast3A_62, %sub3A_70 : vector<16xf32>
    %mul3A_72 = arith.constant 5.000000e-01 : f32
    %mul3A_73 = vector.broadcast %mul3A_72 : f32 to vector<16xf32>
    %mul3A_74 = arith.mulf %mul3A_73, %add3A_54 : vector<16xf32>
    %mul3A_75 = arith.mulf %mul3A_74, %mul3A_71 : vector<16xf32>
    %mul3A_76 = arith.mulf %mul3A_75, %mul3A_71 : vector<16xf32>
    %sub3A_77 = arith.constant 1.500000e+00 : f32
    %sub3A_78 = vector.broadcast %sub3A_77 : f32 to vector<16xf32>
    %sub3A_79 = arith.subf %sub3A_78, %mul3A_76 : vector<16xf32>
    %mul3A_80 = arith.mulf %mul3A_71, %sub3A_79 : vector<16xf32>
    %mul3A_81 = arith.constant 5.000000e-01 : f32
    %mul3A_82 = vector.broadcast %mul3A_81 : f32 to vector<16xf32>
    %mul3A_83 = arith.mulf %mul3A_82, %add3A_54 : vector<16xf32>
    %mul3A_84 = arith.mulf %mul3A_83, %mul3A_80 : vector<16xf32>
    %mul3A_85 = arith.mulf %mul3A_84, %mul3A_80 : vector<16xf32>
    %sub3A_86 = arith.constant 1.500000e+00 : f32
    %sub3A_87 = vector.broadcast %sub3A_86 : f32 to vector<16xf32>
    %sub3A_88 = arith.subf %sub3A_87, %mul3A_85 : vector<16xf32>
    %mul3A_89 = arith.mulf %mul3A_80, %sub3A_88 : vector<16xf32>
    %swap3A_90 = arith.constant 16 : index
    %swap3A_91 = tpu.vector_load %arg14[%swap3A_90] {strides = array<i32>} : memref<640xf32, #tpu.memory_space<vmem>>, vector<16xf32>,
    tpu.vector_store %arg14[%swap3A_90], %mul3A_89 {strides = array<i32>} : memref<640xf32, #tpu.memory_space<vmem>>, vector<16xf32>,
    %get3A_92 = arith.constant 32 : index
    %get3A_93 = tpu.vector_load %arg13[%get3A_92] {strides = array<i32>} : memref<640xf32, #tpu.memory_space<vmem>>, vector<16xf32>,
    %add3A_94 = arith.constant 1.000000e+00 : f32
    %add3A_95 = vector.broadcast %add3A_94 : f32 to vector<16xf32>
    %add3A_96 = arith.addf %get3A_93, %add3A_95 : vector<16xf32>
    %bitcast3A_97 = vector.bitcast %add3A_96 : vector<16xf32> to vector<16xi32>
    %shift_right_logical3A_98 = arith.constant 1 : i32
    %shift_right_logical3A_99 = vector.broadcast %shift_right_logical3A_98 : i32 to vector<16xi32>
    %shift_right_logical3A_100 = arith.shrui %bitcast3A_97, %shift_right_logical3A_99 : vector<16xi32>
    %sub3A_101 = arith.constant 1597463007 : i32
    %sub3A_102 = vector.broadcast %sub3A_101 : i32 to vector<16xi32>
    %sub3A_103 = arith.subi %sub3A_102, %shift_right_logical3A_100 : vector<16xi32>
    %bitcast3A_104 = vector.bitcast %sub3A_103 : vector<16xi32> to vector<16xf32>
    %mul3A_105 = arith.constant 5.000000e-01 : f32
    %mul3A_106 = vector.broadcast %mul3A_105 : f32 to vector<16xf32>
    %mul3A_107 = arith.mulf %mul3A_106, %add3A_96 : vector<16xf32>
    %mul3A_108 = arith.mulf %mul3A_107, %bitcast3A_104 : vector<16xf32>
    %mul3A_109 = arith.mulf %mul3A_108, %bitcast3A_104 : vector<16xf32>
    %sub3A_110 = arith.constant 1.500000e+00 : f32
    %sub3A_111 = vector.broadcast %sub3A_110 : f32 to vector<16xf32>
    %sub3A_112 = arith.subf %sub3A_111, %mul3A_109 : vector<16xf32>
    %mul3A_113 = arith.mulf %bitcast3A_104, %sub3A_112 : vector<16xf32>
    %mul3A_114 = arith.constant 5.000000e-01 : f32
    %mul3A_115 = vector.broadcast %mul3A_114 : f32 to vector<16xf32>
    %mul3A_116 = arith.mulf %mul3A_115, %add3A_96 : vector<16xf32>
    %mul3A_117 = arith.mulf %mul3A_116, %mul3A_113 : vector<16xf32>
    %mul3A_118 = arith.mulf %mul3A_117, %mul3A_113 : vector<16xf32>
    %sub3A_119 = arith.constant 1.500000e+00 : f32
    %sub3A_120 = vector.broadcast %sub3A_119 : f32 to vector<16xf32>
    %sub3A_121 = arith.subf %sub3A_120, %mul3A_118 : vector<16xf32>
    %mul3A_122 = arith.mulf %mul3A_113, %sub3A_121 : vector<16xf32>
    %mul3A_123 = arith.constant 5.000000e-01 : f32
    %mul3A_124 = vector.broadcast %mul3A_123 : f32 to vector<16xf32>
    %mul3A_125 = arith.mulf %mul3A_124, %add3A_96 : vector<16xf32>
    %mul3A_126 = arith.mulf %mul3A_125, %mul3A_122 : vector<16xf32>
    %mul3A_127 = arith.mulf %mul3A_126, %mul3A_122 : vector<16xf32>
    %sub3A_128 = arith.constant 1.500000e+00 : f32
    %sub3A_129 = vector.broadcast %sub3A_128 : f32 to vector<16xf32>
    %sub3A_130 = arith.subf %sub3A_129, %mul3A_127 : vector<16xf32>
    %mul3A_131 = arith.mulf %mul3A_122, %sub3A_130 : vector<16xf32>
    %swap3A_132 = arith.constant 32 : index
    %swap3A_133 = tpu.vector_load %arg14[%swap3A_132] {strides = array<i32>} : memref<640xf32, #tpu.memory_space<vmem>>, vector<16xf32>,
    tpu.vector_store %arg14[%swap3A_132], %mul3A_131 {strides = array<i32>} : memref<640xf32, #tpu.memory_space<vmem>>, vector<16xf32>,
    %get3A_134 = arith.constant 48 : index
    %get3A_135 = tpu.vector_load %arg13[%get3A_134] {strides = array<i32>} : memref<640xf32, #tpu.memory_space<vmem>>, vector<16xf32>,
    %add3A_136 = arith.constant 1.000000e+00 : f32
    %add3A_137 = vector.broadcast %add3A_136 : f32 to vector<16xf32>
    %add3A_138 = arith.addf %get3A_135, %add3A_137 : vector<16xf32>
    %bitcast3A_139 = vector.bitcast %add3A_138 : vector<16xf32> to vector<16xi32>
    %shift_right_logical3A_140 = arith.constant 1 : i32
    %shift_right_logical3A_141 = vector.broadcast %shift_right_logical3A_140 : i32 to vector<16xi32>
    %shift_right_logical3A_142 = arith.shrui %bitcast3A_139, %shift_right_logical3A_141 : vector<16xi32>
    %sub3A_143 = arith.constant 1597463007 : i32
    %sub3A_144 = vector.broadcast %sub3A_143 : i32 to vector<16xi32>
    %sub3A_145 = arith.subi %sub3A_144, %shift_right_logical3A_142 : vector<16xi32>
    %bitcast3A_146 = vector.bitcast %sub3A_145 : vector<16xi32> to vector<16xf32>
    %mul3A_147 = arith.constant 5.000000e-01 : f32
    %mul3A_148 = vector.broadcast %mul3A_147 : f32 to vector<16xf32>
    %mul3A_149 = arith.mulf %mul3A_148, %add3A_138 : vector<16xf32>
    %mul3A_150 = arith.mulf %mul3A_149, %bitcast3A_146 : vector<16xf32>
    %mul3A_151 = arith.mulf %mul3A_150, %bitcast3A_146 : vector<16xf32>
    %sub3A_152 = arith.constant 1.500000e+00 : f32
    %sub3A_153 = vector.broadcast %sub3A_152 : f32 to vector<16xf32>
    %sub3A_154 = arith.subf %sub3A_153, %mul3A_151 : vector<16xf32>
    %mul3A_155 = arith.mulf %bitcast3A_146, %sub3A_154 : vector<16xf32>
    %mul3A_156 = arith.constant 5.000000e-01 : f32
    %mul3A_157 = vector.broadcast %mul3A_156 : f32 to vector<16xf32>
    %mul3A_158 = arith.mulf %mul3A_157, %add3A_138 : vector<16xf32>
    %mul3A_159 = arith.mulf %mul3A_158, %mul3A_155 : vector<16xf32>
    %mul3A_160 = arith.mulf %mul3A_159, %mul3A_155 : vector<16xf32>
    %sub3A_161 = arith.constant 1.500000e+00 : f32
    %sub3A_162 = vector.broadcast %sub3A_161 : f32 to vector<16xf32>
    %sub3A_163 = arith.subf %sub3A_162, %mul3A_160 : vector<16xf32>
    %mul3A_164 = arith.mulf %mul3A_155, %sub3A_163 : vector<16xf32>
    %mul3A_165 = arith.constant 5.000000e-01 : f32
    %mul3A_166 = vector.broadcast %mul3A_165 : f32 to vector<16xf32>
    %mul3A_167 = arith.mulf %mul3A_166, %add3A_138 : vector<16xf32>
    %mul3A_168 = arith.mulf %mul3A_167, %mul3A_164 : vector<16xf32>
    %mul3A_169 = arith.mulf %mul3A_168, %mul3A_164 : vector<16xf32>
    %sub3A_170 = arith.constant 1.500000e+00 : f32
    %sub3A_171 = vector.broadcast %sub3A_170 : f32 to vector<16xf32>
    %sub3A_172 = arith.subf %sub3A_171, %mul3A_169 : vector<16xf32>
    %mul3A_173 = arith.mulf %mul3A_164, %sub3A_172 : vector<16xf32>
    %swap3A_174 = arith.constant 48 : index
    %swap3A_175 = tpu.vector_load %arg14[%swap3A_174] {strides = array<i32>} : memref<640xf32, #tpu.memory_space<vmem>>, vector<16xf32>,
    tpu.vector_store %arg14[%swap3A_174], %mul3A_173 {strides = array<i32>} : memref<640xf32, #tpu.memory_space<vmem>>, vector<16xf32>,
    %get3A_176 = arith.constant 64 : index
    %get3A_177 = tpu.vector_load %arg13[%get3A_176] {strides = array<i32>} : memref<640xf32, #tpu.memory_space<vmem>>, vector<16xf32>,
    %add3A_178 = arith.constant 1.000000e+00 : f32
    %add3A_179 = vector.broadcast %add3A_178 : f32 to vector<16xf32>
    %add3A_180 = arith.addf %get3A_177, %add3A_179 : vector<16xf32>
    %bitcast3A_181 = vector.bitcast %add3A_180 : vector<16xf32> to vector<16xi32>
    %shift_right_logical3A_182 = arith.constant 1 : i32
    %shift_right_logical3A_183 = vector.broadcast %shift_right_logical3A_182 : i32 to vector<16xi32>
    %shift_right_logical3A_184 = arith.shrui %bitcast3A_181, %shift_right_logical3A_183 : vector<16xi32>
    %sub3A_185 = arith.constant 1597463007 : i32
    %sub3A_186 = vector.broadcast %sub3A_185 : i32 to vector<16xi32>
    %sub3A_187 = arith.subi %sub3A_186, %shift_right_logical3A_184 : vector<16xi32>
    %bitcast3A_188 = vector.bitcast %sub3A_187 : vector<16xi32> to vector<16xf32>
    %mul3A_189 = arith.constant 5.000000e-01 : f32
    %mul3A_190 = vector.broadcast %mul3A_189 : f32 to vector<16xf32>
    %mul3A_191 = arith.mulf %mul3A_190, %add3A_180 : vector<16xf32>
    %mul3A_192 = arith.mulf %mul3A_191, %bitcast3A_188 : vector<16xf32>
    %mul3A_193 = arith.mulf %mul3A_192, %bitcast3A_188 : vector<16xf32>
    %sub3A_194 = arith.constant 1.500000e+00 : f32
    %sub3A_195 = vector.broadcast %sub3A_194 : f32 to vector<16xf32>
    %sub3A_196 = arith.subf %sub3A_195, %mul3A_193 : vector<16xf32>
    %mul3A_197 = arith.mulf %bitcast3A_188, %sub3A_196 : vector<16xf32>
    %mul3A_198 = arith.constant 5.000000e-01 : f32
    %mul3A_199 = vector.broadcast %mul3A_198 : f32 to vector<16xf32>
    %mul3A_200 = arith.mulf %mul3A_199, %add3A_180 : vector<16xf32>
    %mul3A_201 = arith.mulf %mul3A_200, %mul3A_197 : vector<16xf32>
    %mul3A_202 = arith.mulf %mul3A_201, %mul3A_197 : vector<16xf32>
    %sub3A_203 = arith.constant 1.500000e+00 : f32
    %sub3A_204 = vector.broadcast %sub3A_203 : f32 to vector<16xf32>
    %sub3A_205 = arith.subf %sub3A_204, %mul3A_202 : vector<16xf32>
    %mul3A_206 = arith.mulf %mul3A_197, %sub3A_205 : vector<16xf32>
    %mul3A_207 = arith.constant 5.000000e-01 : f32
    %mul3A_208 = vector.broadcast %mul3A_207 : f32 to vector<16xf32>
    %mul3A_209 = arith.mulf %mul3A_208, %add3A_180 : vector<16xf32>
    %mul3A_210 = arith.mulf %mul3A_209, %mul3A_206 : vector<16xf32>
    %mul3A_211 = arith.mulf %mul3A_210, %mul3A_206 : vector<16xf32>
    %sub3A_212 = arith.constant 1.500000e+00 : f32
    %sub3A_213 = vector.broadcast %sub3A_212 : f32 to vector<16xf32>
    %sub3A_214 = arith.subf %sub3A_213, %mul3A_211 : vector<16xf32>
    %mul3A_215 = arith.mulf %mul3A_206, %sub3A_214 : vector<16xf32>
    %swap3A_216 = arith.constant 64 : index
    %swap3A_217 = tpu.vector_load %arg14[%swap3A_216] {strides = array<i32>} : memref<640xf32, #tpu.memory_space<vmem>>, vector<16xf32>,
    tpu.vector_store %arg14[%swap3A_216], %mul3A_215 {strides = array<i32>} : memref<640xf32, #tpu.memory_space<vmem>>, vector<16xf32>,
    %get3A_218 = arith.constant 80 : index
    %get3A_219 = tpu.vector_load %arg13[%get3A_218] {strides = array<i32>} : memref<640xf32, #tpu.memory_space<vmem>>, vector<16xf32>,
    %add3A_220 = arith.constant 1.000000e+00 : f32
    %add3A_221 = vector.broadcast %add3A_220 : f32 to vector<16xf32>
    %add3A_222 = arith.addf %get3A_219, %add3A_221 : vector<16xf32>
    %bitcast3A_223 = vector.bitcast %add3A_222 : vector<16xf32> to vector<16xi32>
    %shift_right_logical3A_224 = arith.constant 1 : i32
    %shift_right_logical3A_225 = vector.broadcast %shift_right_logical3A_224 : i32 to vector<16xi32>
    %shift_right_logical3A_226 = arith.shrui %bitcast3A_223, %shift_right_logical3A_225 : vector<16xi32>
    %sub3A_227 = arith.constant 1597463007 : i32
    %sub3A_228 = vector.broadcast %sub3A_227 : i32 to vector<16xi32>
    %sub3A_229 = arith.subi %sub3A_228, %shift_right_logical3A_226 : vector<16xi32>
    %bitcast3A_230 = vector.bitcast %sub3A_229 : vector<16xi32> to vector<16xf32>
    %mul3A_231 = arith.constant 5.000000e-01 : f32
    %mul3A_232 = vector.broadcast %mul3A_231 : f32 to vector<16xf32>
    %mul3A_233 = arith.mulf %mul3A_232, %add3A_222 : vector<16xf32>
    %mul3A_234 = arith.mulf %mul3A_233, %bitcast3A_230 : vector<16xf32>
    %mul3A_235 = arith.mulf %mul3A_234, %bitcast3A_230 : vector<16xf32>
    %sub3A_236 = arith.constant 1.500000e+00 : f32
    %sub3A_237 = vector.broadcast %sub3A_236 : f32 to vector<16xf32>
    %sub3A_238 = arith.subf %sub3A_237, %mul3A_235 : vector<16xf32>
    %mul3A_239 = arith.mulf %bitcast3A_230, %sub3A_238 : vector<16xf32>
    %mul3A_240 = arith.constant 5.000000e-01 : f32
    %mul3A_241 = vector.broadcast %mul3A_240 : f32 to vector<16xf32>
    %mul3A_242 = arith.mulf %mul3A_241, %add3A_222 : vector<16xf32>
    %mul3A_243 = arith.mulf %mul3A_242, %mul3A_239 : vector<16xf32>
    %mul3A_244 = arith.mulf %mul3A_243, %mul3A_239 : vector<16xf32>
    %sub3A_245 = arith.constant 1.500000e+00 : f32
    %sub3A_246 = vector.broadcast %sub3A_245 : f32 to vector<16xf32>
    %sub3A_247 = arith.subf %sub3A_246, %mul3A_244 : vector<16xf32>
    %mul3A_248 = arith.mulf %mul3A_239, %sub3A_247 : vector<16xf32>
    %mul3A_249 = arith.constant 5.000000e-01 : f32
    %mul3A_250 = vector.broadcast %mul3A_249 : f32 to vector<16xf32>
    %mul3A_251 = arith.mulf %mul3A_250, %add3A_222 : vector<16xf32>
    %mul3A_252 = arith.mulf %mul3A_251, %mul3A_248 : vector<16xf32>
    %mul3A_253 = arith.mulf %mul3A_252, %mul3A_248 : vector<16xf32>
    %sub3A_254 = arith.constant 1.500000e+00 : f32
    %sub3A_255 = vector.broadcast %sub3A_254 : f32 to vector<16xf32>
    %sub3A_256 = arith.subf %sub3A_255, %mul3A_253 : vector<16xf32>
    %mul3A_257 = arith.mulf %mul3A_248, %sub3A_256 : vector<16xf32>
    %swap3A_258 = arith.constant 80 : index
    %swap3A_259 = tpu.vector_load %arg14[%swap3A_258] {strides = array<i32>} : memref<640xf32, #tpu.memory_space<vmem>>, vector<16xf32>,
    tpu.vector_store %arg14[%swap3A_258], %mul3A_257 {strides = array<i32>} : memref<640xf32, #tpu.memory_space<vmem>>, vector<16xf32>,
    %get3A_260 = arith.constant 96 : index
    %get3A_261 = tpu.vector_load %arg13[%get3A_260] {strides = array<i32>} : memref<640xf32, #tpu.memory_space<vmem>>, vector<16xf32>,
    %add3A_262 = arith.constant 1.000000e+00 : f32
    %add3A_263 = vector.broadcast %add3A_262 : f32 to vector<16xf32>
    %add3A_264 = arith.addf %get3A_261, %add3A_263 : vector<16xf32>
    %bitcast3A_265 = vector.bitcast %add3A_264 : vector<16xf32> to vector<16xi32>
    %shift_right_logical3A_266 = arith.constant 1 : i32
    %shift_right_logical3A_267 = vector.broadcast %shift_right_logical3A_266 : i32 to vector<16xi32>
    %shift_right_logical3A_268 = arith.shrui %bitcast3A_265, %shift_right_logical3A_267 : vector<16xi32>
    %sub3A_269 = arith.constant 1597463007 : i32
    %sub3A_270 = vector.broadcast %sub3A_269 : i32 to vector<16xi32>
    %sub3A_271 = arith.subi %sub3A_270, %shift_right_logical3A_268 : vector<16xi32>
    %bitcast3A_272 = vector.bitcast %sub3A_271 : vector<16xi32> to vector<16xf32>
    %mul3A_273 = arith.constant 5.000000e-01 : f32
    %mul3A_274 = vector.broadcast %mul3A_273 : f32 to vector<16xf32>
    %mul3A_275 = arith.mulf %mul3A_274, %add3A_264 : vector<16xf32>
    %mul3A_276 = arith.mulf %mul3A_275, %bitcast3A_272 : vector<16xf32>
    %mul3A_277 = arith.mulf %mul3A_276, %bitcast3A_272 : vector<16xf32>
    %sub3A_278 = arith.constant 1.500000e+00 : f32
    %sub3A_279 = vector.broadcast %sub3A_278 : f32 to vector<16xf32>
    %sub3A_280 = arith.subf %sub3A_279, %mul3A_277 : vector<16xf32>
    %mul3A_281 = arith.mulf %bitcast3A_272, %sub3A_280 : vector<16xf32>
    %mul3A_282 = arith.constant 5.000000e-01 : f32
    %mul3A_283 = vector.broadcast %mul3A_282 : f32 to vector<16xf32>
    %mul3A_284 = arith.mulf %mul3A_283, %add3A_264 : vector<16xf32>
    %mul3A_285 = arith.mulf %mul3A_284, %mul3A_281 : vector<16xf32>
    %mul3A_286 = arith.mulf %mul3A_285, %mul3A_281 : vector<16xf32>
    %sub3A_287 = arith.constant 1.500000e+00 : f32
    %sub3A_288 = vector.broadcast %sub3A_287 : f32 to vector<16xf32>
    %sub3A_289 = arith.subf %sub3A_288, %mul3A_286 : vector<16xf32>
    %mul3A_290 = arith.mulf %mul3A_281, %sub3A_289 : vector<16xf32>
    %mul3A_291 = arith.constant 5.000000e-01 : f32
    %mul3A_292 = vector.broadcast %mul3A_291 : f32 to vector<16xf32>
    %mul3A_293 = arith.mulf %mul3A_292, %add3A_264 : vector<16xf32>
    %mul3A_294 = arith.mulf %mul3A_293, %mul3A_290 : vector<16xf32>
    %mul3A_295 = arith.mulf %mul3A_294, %mul3A_290 : vector<16xf32>
    %sub3A_296 = arith.constant 1.500000e+00 : f32
    %sub3A_297 = vector.broadcast %sub3A_296 : f32 to vector<16xf32>
    %sub3A_298 = arith.subf %sub3A_297, %mul3A_295 : vector<16xf32>
    %mul3A_299 = arith.mulf %mul3A_290, %sub3A_298 : vector<16xf32>
    %swap3A_300 = arith.constant 96 : index
    %swap3A_301 = tpu.vector_load %arg14[%swap3A_300] {strides = array<i32>} : memref<640xf32, #tpu.memory_space<vmem>>, vector<16xf32>,
    tpu.vector_store %arg14[%swap3A_300], %mul3A_299 {strides = array<i32>} : memref<640xf32, #tpu.memory_space<vmem>>, vector<16xf32>,
    %get3A_302 = arith.constant 112 : index
    %get3A_303 = tpu.vector_load %arg13[%get3A_302] {strides = array<i32>} : memref<640xf32, #tpu.memory_space<vmem>>, vector<16xf32>,
    %add3A_304 = arith.constant 1.000000e+00 : f32
    %add3A_305 = vector.broadcast %add3A_304 : f32 to vector<16xf32>
    %add3A_306 = arith.addf %get3A_303, %add3A_305 : vector<16xf32>
    %bitcast3A_307 = vector.bitcast %add3A_306 : vector<16xf32> to vector<16xi32>
    %shift_right_logical3A_308 = arith.constant 1 : i32
    %shift_right_logical3A_309 = vector.broadcast %shift_right_logical3A_308 : i32 to vector<16xi32>
    %shift_right_logical3A_310 = arith.shrui %bitcast3A_307, %shift_right_logical3A_309 : vector<16xi32>
    %sub3A_311 = arith.constant 1597463007 : i32
    %sub3A_312 = vector.broadcast %sub3A_311 : i32 to vector<16xi32>
    %sub3A_313 = arith.subi %sub3A_312, %shift_right_logical3A_310 : vector<16xi32>
    %bitcast3A_314 = vector.bitcast %sub3A_313 : vector<16xi32> to vector<16xf32>
    %mul3A_315 = arith.constant 5.000000e-01 : f32
    %mul3A_316 = vector.broadcast %mul3A_315 : f32 to vector<16xf32>
    %mul3A_317 = arith.mulf %mul3A_316, %add3A_306 : vector<16xf32>
    %mul3A_318 = arith.mulf %mul3A_317, %bitcast3A_314 : vector<16xf32>
    %mul3A_319 = arith.mulf %mul3A_318, %bitcast3A_314 : vector<16xf32>
    %sub3A_320 = arith.constant 1.500000e+00 : f32
    %sub3A_321 = vector.broadcast %sub3A_320 : f32 to vector<16xf32>
    %sub3A_322 = arith.subf %sub3A_321, %mul3A_319 : vector<16xf32>
    %mul3A_323 = arith.mulf %bitcast3A_314, %sub3A_322 : vector<16xf32>
    %mul3A_324 = arith.constant 5.000000e-01 : f32
    %mul3A_325 = vector.broadcast %mul3A_324 : f32 to vector<16xf32>
    %mul3A_326 = arith.mulf %mul3A_325, %add3A_306 : vector<16xf32>
    %mul3A_327 = arith.mulf %mul3A_326, %mul3A_323 : vector<16xf32>
    %mul3A_328 = arith.mulf %mul3A_327, %mul3A_323 : vector<16xf32>
    %sub3A_329 = arith.constant 1.500000e+00 : f32
    %sub3A_330 = vector.broadcast %sub3A_329 : f32 to vector<16xf32>
    %sub3A_331 = arith.subf %sub3A_330, %mul3A_328 : vector<16xf32>
    %mul3A_332 = arith.mulf %mul3A_323, %sub3A_331 : vector<16xf32>
    %mul3A_333 = arith.constant 5.000000e-01 : f32
    %mul3A_334 = vector.broadcast %mul3A_333 : f32 to vector<16xf32>
    %mul3A_335 = arith.mulf %mul3A_334, %add3A_306 : vector<16xf32>
    %mul3A_336 = arith.mulf %mul3A_335, %mul3A_332 : vector<16xf32>
    %mul3A_337 = arith.mulf %mul3A_336, %mul3A_332 : vector<16xf32>
    %sub3A_338 = arith.constant 1.500000e+00 : f32
    %sub3A_339 = vector.broadcast %sub3A_338 : f32 to vector<16xf32>
    %sub3A_340 = arith.subf %sub3A_339, %mul3A_337 : vector<16xf32>
    %mul3A_341 = arith.mulf %mul3A_332, %sub3A_340 : vector<16xf32>
    %swap3A_342 = arith.constant 112 : index
    %swap3A_343 = tpu.vector_load %arg14[%swap3A_342] {strides = array<i32>} : memref<640xf32, #tpu.memory_space<vmem>>, vector<16xf32>,
    tpu.vector_store %arg14[%swap3A_342], %mul3A_341 {strides = array<i32>} : memref<640xf32, #tpu.memory_space<vmem>>, vector<16xf32>,
    %get3A_344 = arith.constant 128 : index
    %get3A_345 = tpu.vector_load %arg13[%get3A_344] {strides = array<i32>} : memref<640xf32, #tpu.memory_space<vmem>>, vector<16xf32>,
    %add3A_346 = arith.constant 1.000000e+00 : f32
    %add3A_347 = vector.broadcast %add3A_346 : f32 to vector<16xf32>
    %add3A_348 = arith.addf %get3A_345, %add3A_347 : vector<16xf32>
    %bitcast3A_349 = vector.bitcast %add3A_348 : vector<16xf32> to vector<16xi32>
    %shift_right_logical3A_350 = arith.constant 1 : i32
    %shift_right_logical3A_351 = vector.broadcast %shift_right_logical3A_350 : i32 to vector<16xi32>
    %shift_right_logical3A_352 = arith.shrui %bitcast3A_349, %shift_right_logical3A_351 : vector<16xi32>
    %sub3A_353 = arith.constant 1597463007 : i32
    %sub3A_354 = vector.broadcast %sub3A_353 : i32 to vector<16xi32>
    %sub3A_355 = arith.subi %sub3A_354, %shift_right_logical3A_352 : vector<16xi32>
    %bitcast3A_356 = vector.bitcast %sub3A_355 : vector<16xi32> to vector<16xf32>
    %mul3A_357 = arith.constant 5.000000e-01 : f32
    %mul3A_358 = vector.broadcast %mul3A_357 : f32 to vector<16xf32>
    %mul3A_359 = arith.mulf %mul3A_358, %add3A_348 : vector<16xf32>
    %mul3A_360 = arith.mulf %mul3A_359, %bitcast3A_356 : vector<16xf32>
    %mul3A_361 = arith.mulf %mul3A_360, %bitcast3A_356 : vector<16xf32>
    %sub3A_362 = arith.constant 1.500000e+00 : f32
    %sub3A_363 = vector.broadcast %sub3A_362 : f32 to vector<16xf32>
    %sub3A_364 = arith.subf %sub3A_363, %mul3A_361 : vector<16xf32>
    %mul3A_365 = arith.mulf %bitcast3A_356, %sub3A_364 : vector<16xf32>
    %mul3A_366 = arith.constant 5.000000e-01 : f32
    %mul3A_367 = vector.broadcast %mul3A_366 : f32 to vector<16xf32>
    %mul3A_368 = arith.mulf %mul3A_367, %add3A_348 : vector<16xf32>
    %mul3A_369 = arith.mulf %mul3A_368, %mul3A_365 : vector<16xf32>
    %mul3A_370 = arith.mulf %mul3A_369, %mul3A_365 : vector<16xf32>
    %sub3A_371 = arith.constant 1.500000e+00 : f32
    %sub3A_372 = vector.broadcast %sub3A_371 : f32 to vector<16xf32>
    %sub3A_373 = arith.subf %sub3A_372, %mul3A_370 : vector<16xf32>
    %mul3A_374 = arith.mulf %mul3A_365, %sub3A_373 : vector<16xf32>
    %mul3A_375 = arith.constant 5.000000e-01 : f32
    %mul3A_376 = vector.broadcast %mul3A_375 : f32 to vector<16xf32>
    %mul3A_377 = arith.mulf %mul3A_376, %add3A_348 : vector<16xf32>
    %mul3A_378 = arith.mulf %mul3A_377, %mul3A_374 : vector<16xf32>
    %mul3A_379 = arith.mulf %mul3A_378, %mul3A_374 : vector<16xf32>
    %sub3A_380 = arith.constant 1.500000e+00 : f32
    %sub3A_381 = vector.broadcast %sub3A_380 : f32 to vector<16xf32>
    %sub3A_382 = arith.subf %sub3A_381, %mul3A_379 : vector<16xf32>
    %mul3A_383 = arith.mulf %mul3A_374, %sub3A_382 : vector<16xf32>
    %swap3A_384 = arith.constant 128 : index
    %swap3A_385 = tpu.vector_load %arg14[%swap3A_384] {strides = array<i32>} : memref<640xf32, #tpu.memory_space<vmem>>, vector<16xf32>,
    tpu.vector_store %arg14[%swap3A_384], %mul3A_383 {strides = array<i32>} : memref<640xf32, #tpu.memory_space<vmem>>, vector<16xf32>,
    %get3A_386 = arith.constant 144 : index
    %get3A_387 = tpu.vector_load %arg13[%get3A_386] {strides = array<i32>} : memref<640xf32, #tpu.memory_space<vmem>>, vector<16xf32>,
    %add3A_388 = arith.constant 1.000000e+00 : f32
    %add3A_389 = vector.broadcast %add3A_388 : f32 to vector<16xf32>
    %add3A_390 = arith.addf %get3A_387, %add3A_389 : vector<16xf32>
    %bitcast3A_391 = vector.bitcast %add3A_390 : vector<16xf32> to vector<16xi32>
    %shift_right_logical3A_392 = arith.constant 1 : i32
    %shift_right_logical3A_393 = vector.broadcast %shift_right_logical3A_392 : i32 to vector<16xi32>
    %shift_right_logical3A_394 = arith.shrui %bitcast3A_391, %shift_right_logical3A_393 : vector<16xi32>
    %sub3A_395 = arith.constant 1597463007 : i32
    %sub3A_396 = vector.broadcast %sub3A_395 : i32 to vector<16xi32>
    %sub3A_397 = arith.subi %sub3A_396, %shift_right_logical3A_394 : vector<16xi32>
    %bitcast3A_398 = vector.bitcast %sub3A_397 : vector<16xi32> to vector<16xf32>
    %mul3A_399 = arith.constant 5.000000e-01 : f32
    %mul3A_400 = vector.broadcast %mul3A_399 : f32 to vector<16xf32>
    %mul3A_401 = arith.mulf %mul3A_400, %add3A_390 : vector<16xf32>
    %mul3A_402 = arith.mulf %mul3A_401, %bitcast3A_398 : vector<16xf32>
    %mul3A_403 = arith.mulf %mul3A_402, %bitcast3A_398 : vector<16xf32>
    %sub3A_404 = arith.constant 1.500000e+00 : f32
    %sub3A_405 = vector.broadcast %sub3A_404 : f32 to vector<16xf32>
    %sub3A_406 = arith.subf %sub3A_405, %mul3A_403 : vector<16xf32>
    %mul3A_407 = arith.mulf %bitcast3A_398, %sub3A_406 : vector<16xf32>
    %mul3A_408 = arith.constant 5.000000e-01 : f32
    %mul3A_409 = vector.broadcast %mul3A_408 : f32 to vector<16xf32>
    %mul3A_410 = arith.mulf %mul3A_409, %add3A_390 : vector<16xf32>
    %mul3A_411 = arith.mulf %mul3A_410, %mul3A_407 : vector<16xf32>
    %mul3A_412 = arith.mulf %mul3A_411, %mul3A_407 : vector<16xf32>
    %sub3A_413 = arith.constant 1.500000e+00 : f32
    %sub3A_414 = vector.broadcast %sub3A_413 : f32 to vector<16xf32>
    %sub3A_415 = arith.subf %sub3A_414, %mul3A_412 : vector<16xf32>
    %mul3A_416 = arith.mulf %mul3A_407, %sub3A_415 : vector<16xf32>
    %mul3A_417 = arith.constant 5.000000e-01 : f32
    %mul3A_418 = vector.broadcast %mul3A_417 : f32 to vector<16xf32>
    %mul3A_419 = arith.mulf %mul3A_418, %add3A_390 : vector<16xf32>
    %mul3A_420 = arith.mulf %mul3A_419, %mul3A_416 : vector<16xf32>
    %mul3A_421 = arith.mulf %mul3A_420, %mul3A_416 : vector<16xf32>
    %sub3A_422 = arith.constant 1.500000e+00 : f32
    %sub3A_423 = vector.broadcast %sub3A_422 : f32 to vector<16xf32>
    %sub3A_424 = arith.subf %sub3A_423, %mul3A_421 : vector<16xf32>
    %mul3A_425 = arith.mulf %mul3A_416, %sub3A_424 : vector<16xf32>
    %swap3A_426 = arith.constant 144 : index
    %swap3A_427 = tpu.vector_load %arg14[%swap3A_426] {strides = array<i32>} : memref<640xf32, #tpu.memory_space<vmem>>, vector<16xf32>,
    tpu.vector_store %arg14[%swap3A_426], %mul3A_425 {strides = array<i32>} : memref<640xf32, #tpu.memory_space<vmem>>, vector<16xf32>,
    %get3A_428 = arith.constant 160 : index
    %get3A_429 = tpu.vector_load %arg13[%get3A_428] {strides = array<i32>} : memref<640xf32, #tpu.memory_space<vmem>>, vector<16xf32>,
    %add3A_430 = arith.constant 1.000000e+00 : f32
    %add3A_431 = vector.broadcast %add3A_430 : f32 to vector<16xf32>
    %add3A_432 = arith.addf %get3A_429, %add3A_431 : vector<16xf32>
    %bitcast3A_433 = vector.bitcast %add3A_432 : vector<16xf32> to vector<16xi32>
    %shift_right_logical3A_434 = arith.constant 1 : i32
    %shift_right_logical3A_435 = vector.broadcast %shift_right_logical3A_434 : i32 to vector<16xi32>
    %shift_right_logical3A_436 = arith.shrui %bitcast3A_433, %shift_right_logical3A_435 : vector<16xi32>
    %sub3A_437 = arith.constant 1597463007 : i32
    %sub3A_438 = vector.broadcast %sub3A_437 : i32 to vector<16xi32>
    %sub3A_439 = arith.subi %sub3A_438, %shift_right_logical3A_436 : vector<16xi32>
    %bitcast3A_440 = vector.bitcast %sub3A_439 : vector<16xi32> to vector<16xf32>
    %mul3A_441 = arith.constant 5.000000e-01 : f32
    %mul3A_442 = vector.broadcast %mul3A_441 : f32 to vector<16xf32>
    %mul3A_443 = arith.mulf %mul3A_442, %add3A_432 : vector<16xf32>
    %mul3A_444 = arith.mulf %mul3A_443, %bitcast3A_440 : vector<16xf32>
    %mul3A_445 = arith.mulf %mul3A_444, %bitcast3A_440 : vector<16xf32>
    %sub3A_446 = arith.constant 1.500000e+00 : f32
    %sub3A_447 = vector.broadcast %sub3A_446 : f32 to vector<16xf32>
    %sub3A_448 = arith.subf %sub3A_447, %mul3A_445 : vector<16xf32>
    %mul3A_449 = arith.mulf %bitcast3A_440, %sub3A_448 : vector<16xf32>
    %mul3A_450 = arith.constant 5.000000e-01 : f32
    %mul3A_451 = vector.broadcast %mul3A_450 : f32 to vector<16xf32>
    %mul3A_452 = arith.mulf %mul3A_451, %add3A_432 : vector<16xf32>
    %mul3A_453 = arith.mulf %mul3A_452, %mul3A_449 : vector<16xf32>
    %mul3A_454 = arith.mulf %mul3A_453, %mul3A_449 : vector<16xf32>
    %sub3A_455 = arith.constant 1.500000e+00 : f32
    %sub3A_456 = vector.broadcast %sub3A_455 : f32 to vector<16xf32>
    %sub3A_457 = arith.subf %sub3A_456, %mul3A_454 : vector<16xf32>
    %mul3A_458 = arith.mulf %mul3A_449, %sub3A_457 : vector<16xf32>
    %mul3A_459 = arith.constant 5.000000e-01 : f32
    %mul3A_460 = vector.broadcast %mul3A_459 : f32 to vector<16xf32>
    %mul3A_461 = arith.mulf %mul3A_460, %add3A_432 : vector<16xf32>
    %mul3A_462 = arith.mulf %mul3A_461, %mul3A_458 : vector<16xf32>
    %mul3A_463 = arith.mulf %mul3A_462, %mul3A_458 : vector<16xf32>
    %sub3A_464 = arith.constant 1.500000e+00 : f32
    %sub3A_465 = vector.broadcast %sub3A_464 : f32 to vector<16xf32>
    %sub3A_466 = arith.subf %sub3A_465, %mul3A_463 : vector<16xf32>
    %mul3A_467 = arith.mulf %mul3A_458, %sub3A_466 : vector<16xf32>
    %swap3A_468 = arith.constant 160 : index
    %swap3A_469 = tpu.vector_load %arg14[%swap3A_468] {strides = array<i32>} : memref<640xf32, #tpu.memory_space<vmem>>, vector<16xf32>,
    tpu.vector_store %arg14[%swap3A_468], %mul3A_467 {strides = array<i32>} : memref<640xf32, #tpu.memory_space<vmem>>, vector<16xf32>,
    %get3A_470 = arith.constant 176 : index
    %get3A_471 = tpu.vector_load %arg13[%get3A_470] {strides = array<i32>} : memref<640xf32, #tpu.memory_space<vmem>>, vector<16xf32>,
    %add3A_472 = arith.constant 1.000000e+00 : f32
    %add3A_473 = vector.broadcast %add3A_472 : f32 to vector<16xf32>
    %add3A_474 = arith.addf %get3A_471, %add3A_473 : vector<16xf32>
    %bitcast3A_475 = vector.bitcast %add3A_474 : vector<16xf32> to vector<16xi32>
    %shift_right_logical3A_476 = arith.constant 1 : i32
    %shift_right_logical3A_477 = vector.broadcast %shift_right_logical3A_476 : i32 to vector<16xi32>
    %shift_right_logical3A_478 = arith.shrui %bitcast3A_475, %shift_right_logical3A_477 : vector<16xi32>
    %sub3A_479 = arith.constant 1597463007 : i32
    %sub3A_480 = vector.broadcast %sub3A_479 : i32 to vector<16xi32>
    %sub3A_481 = arith.subi %sub3A_480, %shift_right_logical3A_478 : vector<16xi32>
    %bitcast3A_482 = vector.bitcast %sub3A_481 : vector<16xi32> to vector<16xf32>
    %mul3A_483 = arith.constant 5.000000e-01 : f32
    %mul3A_484 = vector.broadcast %mul3A_483 : f32 to vector<16xf32>
    %mul3A_485 = arith.mulf %mul3A_484, %add3A_474 : vector<16xf32>
    %mul3A_486 = arith.mulf %mul3A_485, %bitcast3A_482 : vector<16xf32>
    %mul3A_487 = arith.mulf %mul3A_486, %bitcast3A_482 : vector<16xf32>
    %sub3A_488 = arith.constant 1.500000e+00 : f32
    %sub3A_489 = vector.broadcast %sub3A_488 : f32 to vector<16xf32>
    %sub3A_490 = arith.subf %sub3A_489, %mul3A_487 : vector<16xf32>
    %mul3A_491 = arith.mulf %bitcast3A_482, %sub3A_490 : vector<16xf32>
    %mul3A_492 = arith.constant 5.000000e-01 : f32
    %mul3A_493 = vector.broadcast %mul3A_492 : f32 to vector<16xf32>
    %mul3A_494 = arith.mulf %mul3A_493, %add3A_474 : vector<16xf32>
    %mul3A_495 = arith.mulf %mul3A_494, %mul3A_491 : vector<16xf32>
    %mul3A_496 = arith.mulf %mul3A_495, %mul3A_491 : vector<16xf32>
    %sub3A_497 = arith.constant 1.500000e+00 : f32
    %sub3A_498 = vector.broadcast %sub3A_497 : f32 to vector<16xf32>
    %sub3A_499 = arith.subf %sub3A_498, %mul3A_496 : vector<16xf32>
    %mul3A_500 = arith.mulf %mul3A_491, %sub3A_499 : vector<16xf32>
    %mul3A_501 = arith.constant 5.000000e-01 : f32
    %mul3A_502 = vector.broadcast %mul3A_501 : f32 to vector<16xf32>
    %mul3A_503 = arith.mulf %mul3A_502, %add3A_474 : vector<16xf32>
    %mul3A_504 = arith.mulf %mul3A_503, %mul3A_500 : vector<16xf32>
    %mul3A_505 = arith.mulf %mul3A_504, %mul3A_500 : vector<16xf32>
    %sub3A_506 = arith.constant 1.500000e+00 : f32
    %sub3A_507 = vector.broadcast %sub3A_506 : f32 to vector<16xf32>
    %sub3A_508 = arith.subf %sub3A_507, %mul3A_505 : vector<16xf32>
    %mul3A_509 = arith.mulf %mul3A_500, %sub3A_508 : vector<16xf32>
    %swap3A_510 = arith.constant 176 : index
    %swap3A_511 = tpu.vector_load %arg14[%swap3A_510] {strides = array<i32>} : memref<640xf32, #tpu.memory_space<vmem>>, vector<16xf32>,
    tpu.vector_store %arg14[%swap3A_510], %mul3A_509 {strides = array<i32>} : memref<640xf32, #tpu.memory_space<vmem>>, vector<16xf32>,
    %get3A_512 = arith.constant 192 : index
    %get3A_513 = tpu.vector_load %arg13[%get3A_512] {strides = array<i32>} : memref<640xf32, #tpu.memory_space<vmem>>, vector<16xf32>,
    %add3A_514 = arith.constant 1.000000e+00 : f32
    %add3A_515 = vector.broadcast %add3A_514 : f32 to vector<16xf32>
    %add3A_516 = arith.addf %get3A_513, %add3A_515 : vector<16xf32>
    %bitcast3A_517 = vector.bitcast %add3A_516 : vector<16xf32> to vector<16xi32>
    %shift_right_logical3A_518 = arith.constant 1 : i32
    %shift_right_logical3A_519 = vector.broadcast %shift_right_logical3A_518 : i32 to vector<16xi32>
    %shift_right_logical3A_520 = arith.shrui %bitcast3A_517, %shift_right_logical3A_519 : vector<16xi32>
    %sub3A_521 = arith.constant 1597463007 : i32
    %sub3A_522 = vector.broadcast %sub3A_521 : i32 to vector<16xi32>
    %sub3A_523 = arith.subi %sub3A_522, %shift_right_logical3A_520 : vector<16xi32>
    %bitcast3A_524 = vector.bitcast %sub3A_523 : vector<16xi32> to vector<16xf32>
    %mul3A_525 = arith.constant 5.000000e-01 : f32
    %mul3A_526 = vector.broadcast %mul3A_525 : f32 to vector<16xf32>
    %mul3A_527 = arith.mulf %mul3A_526, %add3A_516 : vector<16xf32>
    %mul3A_528 = arith.mulf %mul3A_527, %bitcast3A_524 : vector<16xf32>
    %mul3A_529 = arith.mulf %mul3A_528, %bitcast3A_524 : vector<16xf32>
    %sub3A_530 = arith.constant 1.500000e+00 : f32
    %sub3A_531 = vector.broadcast %sub3A_530 : f32 to vector<16xf32>
    %sub3A_532 = arith.subf %sub3A_531, %mul3A_529 : vector<16xf32>
    %mul3A_533 = arith.mulf %bitcast3A_524, %sub3A_532 : vector<16xf32>
    %mul3A_534 = arith.constant 5.000000e-01 : f32
    %mul3A_535 = vector.broadcast %mul3A_534 : f32 to vector<16xf32>
    %mul3A_536 = arith.mulf %mul3A_535, %add3A_516 : vector<16xf32>
    %mul3A_537 = arith.mulf %mul3A_536, %mul3A_533 : vector<16xf32>
    %mul3A_538 = arith.mulf %mul3A_537, %mul3A_533 : vector<16xf32>
    %sub3A_539 = arith.constant 1.500000e+00 : f32
    %sub3A_540 = vector.broadcast %sub3A_539 : f32 to vector<16xf32>
    %sub3A_541 = arith.subf %sub3A_540, %mul3A_538 : vector<16xf32>
    %mul3A_542 = arith.mulf %mul3A_533, %sub3A_541 : vector<16xf32>
    %mul3A_543 = arith.constant 5.000000e-01 : f32
    %mul3A_544 = vector.broadcast %mul3A_543 : f32 to vector<16xf32>
    %mul3A_545 = arith.mulf %mul3A_544, %add3A_516 : vector<16xf32>
    %mul3A_546 = arith.mulf %mul3A_545, %mul3A_542 : vector<16xf32>
    %mul3A_547 = arith.mulf %mul3A_546, %mul3A_542 : vector<16xf32>
    %sub3A_548 = arith.constant 1.500000e+00 : f32
    %sub3A_549 = vector.broadcast %sub3A_548 : f32 to vector<16xf32>
    %sub3A_550 = arith.subf %sub3A_549, %mul3A_547 : vector<16xf32>
    %mul3A_551 = arith.mulf %mul3A_542, %sub3A_550 : vector<16xf32>
    %swap3A_552 = arith.constant 192 : index
    %swap3A_553 = tpu.vector_load %arg14[%swap3A_552] {strides = array<i32>} : memref<640xf32, #tpu.memory_space<vmem>>, vector<16xf32>,
    tpu.vector_store %arg14[%swap3A_552], %mul3A_551 {strides = array<i32>} : memref<640xf32, #tpu.memory_space<vmem>>, vector<16xf32>,
    %get3A_554 = arith.constant 208 : index
    %get3A_555 = tpu.vector_load %arg13[%get3A_554] {strides = array<i32>} : memref<640xf32, #tpu.memory_space<vmem>>, vector<16xf32>,
    %add3A_556 = arith.constant 1.000000e+00 : f32
    %add3A_557 = vector.broadcast %add3A_556 : f32 to vector<16xf32>
    %add3A_558 = arith.addf %get3A_555, %add3A_557 : vector<16xf32>
    %bitcast3A_559 = vector.bitcast %add3A_558 : vector<16xf32> to vector<16xi32>
    %shift_right_logical3A_560 = arith.constant 1 : i32
    %shift_right_logical3A_561 = vector.broadcast %shift_right_logical3A_560 : i32 to vector<16xi32>
    %shift_right_logical3A_562 = arith.shrui %bitcast3A_559, %shift_right_logical3A_561 : vector<16xi32>
    %sub3A_563 = arith.constant 1597463007 : i32
    %sub3A_564 = vector.broadcast %sub3A_563 : i32 to vector<16xi32>
    %sub3A_565 = arith.subi %sub3A_564, %shift_right_logical3A_562 : vector<16xi32>
    %bitcast3A_566 = vector.bitcast %sub3A_565 : vector<16xi32> to vector<16xf32>
    %mul3A_567 = arith.constant 5.000000e-01 : f32
    %mul3A_568 = vector.broadcast %mul3A_567 : f32 to vector<16xf32>
    %mul3A_569 = arith.mulf %mul3A_568, %add3A_558 : vector<16xf32>
    %mul3A_570 = arith.mulf %mul3A_569, %bitcast3A_566 : vector<16xf32>
    %mul3A_571 = arith.mulf %mul3A_570, %bitcast3A_566 : vector<16xf32>
    %sub3A_572 = arith.constant 1.500000e+00 : f32
    %sub3A_573 = vector.broadcast %sub3A_572 : f32 to vector<16xf32>
    %sub3A_574 = arith.subf %sub3A_573, %mul3A_571 : vector<16xf32>
    %mul3A_575 = arith.mulf %bitcast3A_566, %sub3A_574 : vector<16xf32>
    %mul3A_576 = arith.constant 5.000000e-01 : f32
    %mul3A_577 = vector.broadcast %mul3A_576 : f32 to vector<16xf32>
    %mul3A_578 = arith.mulf %mul3A_577, %add3A_558 : vector<16xf32>
    %mul3A_579 = arith.mulf %mul3A_578, %mul3A_575 : vector<16xf32>
    %mul3A_580 = arith.mulf %mul3A_579, %mul3A_575 : vector<16xf32>
    %sub3A_581 = arith.constant 1.500000e+00 : f32
    %sub3A_582 = vector.broadcast %sub3A_581 : f32 to vector<16xf32>
    %sub3A_583 = arith.subf %sub3A_582, %mul3A_580 : vector<16xf32>
    %mul3A_584 = arith.mulf %mul3A_575, %sub3A_583 : vector<16xf32>
    %mul3A_585 = arith.constant 5.000000e-01 : f32
    %mul3A_586 = vector.broadcast %mul3A_585 : f32 to vector<16xf32>
    %mul3A_587 = arith.mulf %mul3A_586, %add3A_558 : vector<16xf32>
    %mul3A_588 = arith.mulf %mul3A_587, %mul3A_584 : vector<16xf32>
    %mul3A_589 = arith.mulf %mul3A_588, %mul3A_584 : vector<16xf32>
    %sub3A_590 = arith.constant 1.500000e+00 : f32
    %sub3A_591 = vector.broadcast %sub3A_590 : f32 to vector<16xf32>
    %sub3A_592 = arith.subf %sub3A_591, %mul3A_589 : vector<16xf32>
    %mul3A_593 = arith.mulf %mul3A_584, %sub3A_592 : vector<16xf32>
    %swap3A_594 = arith.constant 208 : index
    %swap3A_595 = tpu.vector_load %arg14[%swap3A_594] {strides = array<i32>} : memref<640xf32, #tpu.memory_space<vmem>>, vector<16xf32>,
    tpu.vector_store %arg14[%swap3A_594], %mul3A_593 {strides = array<i32>} : memref<640xf32, #tpu.memory_space<vmem>>, vector<16xf32>,
    %get3A_596 = arith.constant 224 : index
    %get3A_597 = tpu.vector_load %arg13[%get3A_596] {strides = array<i32>} : memref<640xf32, #tpu.memory_space<vmem>>, vector<16xf32>,
    %add3A_598 = arith.constant 1.000000e+00 : f32
    %add3A_599 = vector.broadcast %add3A_598 : f32 to vector<16xf32>
    %add3A_600 = arith.addf %get3A_597, %add3A_599 : vector<16xf32>
    %bitcast3A_601 = vector.bitcast %add3A_600 : vector<16xf32> to vector<16xi32>
    %shift_right_logical3A_602 = arith.constant 1 : i32
    %shift_right_logical3A_603 = vector.broadcast %shift_right_logical3A_602 : i32 to vector<16xi32>
    %shift_right_logical3A_604 = arith.shrui %bitcast3A_601, %shift_right_logical3A_603 : vector<16xi32>
    %sub3A_605 = arith.constant 1597463007 : i32
    %sub3A_606 = vector.broadcast %sub3A_605 : i32 to vector<16xi32>
    %sub3A_607 = arith.subi %sub3A_606, %shift_right_logical3A_604 : vector<16xi32>
    %bitcast3A_608 = vector.bitcast %sub3A_607 : vector<16xi32> to vector<16xf32>
    %mul3A_609 = arith.constant 5.000000e-01 : f32
    %mul3A_610 = vector.broadcast %mul3A_609 : f32 to vector<16xf32>
    %mul3A_611 = arith.mulf %mul3A_610, %add3A_600 : vector<16xf32>
    %mul3A_612 = arith.mulf %mul3A_611, %bitcast3A_608 : vector<16xf32>
    %mul3A_613 = arith.mulf %mul3A_612, %bitcast3A_608 : vector<16xf32>
    %sub3A_614 = arith.constant 1.500000e+00 : f32
    %sub3A_615 = vector.broadcast %sub3A_614 : f32 to vector<16xf32>
    %sub3A_616 = arith.subf %sub3A_615, %mul3A_613 : vector<16xf32>
    %mul3A_617 = arith.mulf %bitcast3A_608, %sub3A_616 : vector<16xf32>
    %mul3A_618 = arith.constant 5.000000e-01 : f32
    %mul3A_619 = vector.broadcast %mul3A_618 : f32 to vector<16xf32>
    %mul3A_620 = arith.mulf %mul3A_619, %add3A_600 : vector<16xf32>
    %mul3A_621 = arith.mulf %mul3A_620, %mul3A_617 : vector<16xf32>
    %mul3A_622 = arith.mulf %mul3A_621, %mul3A_617 : vector<16xf32>
    %sub3A_623 = arith.constant 1.500000e+00 : f32
    %sub3A_624 = vector.broadcast %sub3A_623 : f32 to vector<16xf32>
    %sub3A_625 = arith.subf %sub3A_624, %mul3A_622 : vector<16xf32>
    %mul3A_626 = arith.mulf %mul3A_617, %sub3A_625 : vector<16xf32>
    %mul3A_627 = arith.constant 5.000000e-01 : f32
    %mul3A_628 = vector.broadcast %mul3A_627 : f32 to vector<16xf32>
    %mul3A_629 = arith.mulf %mul3A_628, %add3A_600 : vector<16xf32>
    %mul3A_630 = arith.mulf %mul3A_629, %mul3A_626 : vector<16xf32>
    %mul3A_631 = arith.mulf %mul3A_630, %mul3A_626 : vector<16xf32>
    %sub3A_632 = arith.constant 1.500000e+00 : f32
    %sub3A_633 = vector.broadcast %sub3A_632 : f32 to vector<16xf32>
    %sub3A_634 = arith.subf %sub3A_633, %mul3A_631 : vector<16xf32>
    %mul3A_635 = arith.mulf %mul3A_626, %sub3A_634 : vector<16xf32>
    %swap3A_636 = arith.constant 224 : index
    %swap3A_637 = tpu.vector_load %arg14[%swap3A_636] {strides = array<i32>} : memref<640xf32, #tpu.memory_space<vmem>>, vector<16xf32>,
    tpu.vector_store %arg14[%swap3A_636], %mul3A_635 {strides = array<i32>} : memref<640xf32, #tpu.memory_space<vmem>>, vector<16xf32>,
    %get3A_638 = arith.constant 240 : index
    %get3A_639 = tpu.vector_load %arg13[%get3A_638] {strides = array<i32>} : memref<640xf32, #tpu.memory_space<vmem>>, vector<16xf32>,
    %add3A_640 = arith.constant 1.000000e+00 : f32
    %add3A_641 = vector.broadcast %add3A_640 : f32 to vector<16xf32>
    %add3A_642 = arith.addf %get3A_639, %add3A_641 : vector<16xf32>
    %bitcast3A_643 = vector.bitcast %add3A_642 : vector<16xf32> to vector<16xi32>
    %shift_right_logical3A_644 = arith.constant 1 : i32
    %shift_right_logical3A_645 = vector.broadcast %shift_right_logical3A_644 : i32 to vector<16xi32>
    %shift_right_logical3A_646 = arith.shrui %bitcast3A_643, %shift_right_logical3A_645 : vector<16xi32>
    %sub3A_647 = arith.constant 1597463007 : i32
    %sub3A_648 = vector.broadcast %sub3A_647 : i32 to vector<16xi32>
    %sub3A_649 = arith.subi %sub3A_648, %shift_right_logical3A_646 : vector<16xi32>
    %bitcast3A_650 = vector.bitcast %sub3A_649 : vector<16xi32> to vector<16xf32>
    %mul3A_651 = arith.constant 5.000000e-01 : f32
    %mul3A_652 = vector.broadcast %mul3A_651 : f32 to vector<16xf32>
    %mul3A_653 = arith.mulf %mul3A_652, %add3A_642 : vector<16xf32>
    %mul3A_654 = arith.mulf %mul3A_653, %bitcast3A_650 : vector<16xf32>
    %mul3A_655 = arith.mulf %mul3A_654, %bitcast3A_650 : vector<16xf32>
    %sub3A_656 = arith.constant 1.500000e+00 : f32
    %sub3A_657 = vector.broadcast %sub3A_656 : f32 to vector<16xf32>
    %sub3A_658 = arith.subf %sub3A_657, %mul3A_655 : vector<16xf32>
    %mul3A_659 = arith.mulf %bitcast3A_650, %sub3A_658 : vector<16xf32>
    %mul3A_660 = arith.constant 5.000000e-01 : f32
    %mul3A_661 = vector.broadcast %mul3A_660 : f32 to vector<16xf32>
    %mul3A_662 = arith.mulf %mul3A_661, %add3A_642 : vector<16xf32>
    %mul3A_663 = arith.mulf %mul3A_662, %mul3A_659 : vector<16xf32>
    %mul3A_664 = arith.mulf %mul3A_663, %mul3A_659 : vector<16xf32>
    %sub3A_665 = arith.constant 1.500000e+00 : f32
    %sub3A_666 = vector.broadcast %sub3A_665 : f32 to vector<16xf32>
    %sub3A_667 = arith.subf %sub3A_666, %mul3A_664 : vector<16xf32>
    %mul3A_668 = arith.mulf %mul3A_659, %sub3A_667 : vector<16xf32>
    %mul3A_669 = arith.constant 5.000000e-01 : f32
    %mul3A_670 = vector.broadcast %mul3A_669 : f32 to vector<16xf32>
    %mul3A_671 = arith.mulf %mul3A_670, %add3A_642 : vector<16xf32>
    %mul3A_672 = arith.mulf %mul3A_671, %mul3A_668 : vector<16xf32>
    %mul3A_673 = arith.mulf %mul3A_672, %mul3A_668 : vector<16xf32>
    %sub3A_674 = arith.constant 1.500000e+00 : f32
    %sub3A_675 = vector.broadcast %sub3A_674 : f32 to vector<16xf32>
    %sub3A_676 = arith.subf %sub3A_675, %mul3A_673 : vector<16xf32>
    %mul3A_677 = arith.mulf %mul3A_668, %sub3A_676 : vector<16xf32>
    %swap3A_678 = arith.constant 240 : index
    %swap3A_679 = tpu.vector_load %arg14[%swap3A_678] {strides = array<i32>} : memref<640xf32, #tpu.memory_space<vmem>>, vector<16xf32>,
    tpu.vector_store %arg14[%swap3A_678], %mul3A_677 {strides = array<i32>} : memref<640xf32, #tpu.memory_space<vmem>>, vector<16xf32>,
    %get3A_680 = arith.constant 256 : index
    %get3A_681 = tpu.vector_load %arg13[%get3A_680] {strides = array<i32>} : memref<640xf32, #tpu.memory_space<vmem>>, vector<16xf32>,
    %add3A_682 = arith.constant 1.000000e+00 : f32
    %add3A_683 = vector.broadcast %add3A_682 : f32 to vector<16xf32>
    %add3A_684 = arith.addf %get3A_681, %add3A_683 : vector<16xf32>
    %bitcast3A_685 = vector.bitcast %add3A_684 : vector<16xf32> to vector<16xi32>
    %shift_right_logical3A_686 = arith.constant 1 : i32
    %shift_right_logical3A_687 = vector.broadcast %shift_right_logical3A_686 : i32 to vector<16xi32>
    %shift_right_logical3A_688 = arith.shrui %bitcast3A_685, %shift_right_logical3A_687 : vector<16xi32>
    %sub3A_689 = arith.constant 1597463007 : i32
    %sub3A_690 = vector.broadcast %sub3A_689 : i32 to vector<16xi32>
    %sub3A_691 = arith.subi %sub3A_690, %shift_right_logical3A_688 : vector<16xi32>
    %bitcast3A_692 = vector.bitcast %sub3A_691 : vector<16xi32> to vector<16xf32>
    %mul3A_693 = arith.constant 5.000000e-01 : f32
    %mul3A_694 = vector.broadcast %mul3A_693 : f32 to vector<16xf32>
    %mul3A_695 = arith.mulf %mul3A_694, %add3A_684 : vector<16xf32>
    %mul3A_696 = arith.mulf %mul3A_695, %bitcast3A_692 : vector<16xf32>
    %mul3A_697 = arith.mulf %mul3A_696, %bitcast3A_692 : vector<16xf32>
    %sub3A_698 = arith.constant 1.500000e+00 : f32
    %sub3A_699 = vector.broadcast %sub3A_698 : f32 to vector<16xf32>
    %sub3A_700 = arith.subf %sub3A_699, %mul3A_697 : vector<16xf32>
    %mul3A_701 = arith.mulf %bitcast3A_692, %sub3A_700 : vector<16xf32>
    %mul3A_702 = arith.constant 5.000000e-01 : f32
    %mul3A_703 = vector.broadcast %mul3A_702 : f32 to vector<16xf32>
    %mul3A_704 = arith.mulf %mul3A_703, %add3A_684 : vector<16xf32>
    %mul3A_705 = arith.mulf %mul3A_704, %mul3A_701 : vector<16xf32>
    %mul3A_706 = arith.mulf %mul3A_705, %mul3A_701 : vector<16xf32>
    %sub3A_707 = arith.constant 1.500000e+00 : f32
    %sub3A_708 = vector.broadcast %sub3A_707 : f32 to vector<16xf32>
    %sub3A_709 = arith.subf %sub3A_708, %mul3A_706 : vector<16xf32>
    %mul3A_710 = arith.mulf %mul3A_701, %sub3A_709 : vector<16xf32>
    %mul3A_711 = arith.constant 5.000000e-01 : f32
    %mul3A_712 = vector.broadcast %mul3A_711 : f32 to vector<16xf32>
    %mul3A_713 = arith.mulf %mul3A_712, %add3A_684 : vector<16xf32>
    %mul3A_714 = arith.mulf %mul3A_713, %mul3A_710 : vector<16xf32>
    %mul3A_715 = arith.mulf %mul3A_714, %mul3A_710 : vector<16xf32>
    %sub3A_716 = arith.constant 1.500000e+00 : f32
    %sub3A_717 = vector.broadcast %sub3A_716 : f32 to vector<16xf32>
    %sub3A_718 = arith.subf %sub3A_717, %mul3A_715 : vector<16xf32>
    %mul3A_719 = arith.mulf %mul3A_710, %sub3A_718 : vector<16xf32>
    %swap3A_720 = arith.constant 256 : index
    %swap3A_721 = tpu.vector_load %arg14[%swap3A_720] {strides = array<i32>} : memref<640xf32, #tpu.memory_space<vmem>>, vector<16xf32>,
    tpu.vector_store %arg14[%swap3A_720], %mul3A_719 {strides = array<i32>} : memref<640xf32, #tpu.memory_space<vmem>>, vector<16xf32>,
    %get3A_722 = arith.constant 272 : index
    %get3A_723 = tpu.vector_load %arg13[%get3A_722] {strides = array<i32>} : memref<640xf32, #tpu.memory_space<vmem>>, vector<16xf32>,
    %add3A_724 = arith.constant 1.000000e+00 : f32
    %add3A_725 = vector.broadcast %add3A_724 : f32 to vector<16xf32>
    %add3A_726 = arith.addf %get3A_723, %add3A_725 : vector<16xf32>
    %bitcast3A_727 = vector.bitcast %add3A_726 : vector<16xf32> to vector<16xi32>
    %shift_right_logical3A_728 = arith.constant 1 : i32
    %shift_right_logical3A_729 = vector.broadcast %shift_right_logical3A_728 : i32 to vector<16xi32>
    %shift_right_logical3A_730 = arith.shrui %bitcast3A_727, %shift_right_logical3A_729 : vector<16xi32>
    %sub3A_731 = arith.constant 1597463007 : i32
    %sub3A_732 = vector.broadcast %sub3A_731 : i32 to vector<16xi32>
    %sub3A_733 = arith.subi %sub3A_732, %shift_right_logical3A_730 : vector<16xi32>
    %bitcast3A_734 = vector.bitcast %sub3A_733 : vector<16xi32> to vector<16xf32>
    %mul3A_735 = arith.constant 5.000000e-01 : f32
    %mul3A_736 = vector.broadcast %mul3A_735 : f32 to vector<16xf32>
    %mul3A_737 = arith.mulf %mul3A_736, %add3A_726 : vector<16xf32>
    %mul3A_738 = arith.mulf %mul3A_737, %bitcast3A_734 : vector<16xf32>
    %mul3A_739 = arith.mulf %mul3A_738, %bitcast3A_734 : vector<16xf32>
    %sub3A_740 = arith.constant 1.500000e+00 : f32
    %sub3A_741 = vector.broadcast %sub3A_740 : f32 to vector<16xf32>
    %sub3A_742 = arith.subf %sub3A_741, %mul3A_739 : vector<16xf32>
    %mul3A_743 = arith.mulf %bitcast3A_734, %sub3A_742 : vector<16xf32>
    %mul3A_744 = arith.constant 5.000000e-01 : f32
    %mul3A_745 = vector.broadcast %mul3A_744 : f32 to vector<16xf32>
    %mul3A_746 = arith.mulf %mul3A_745, %add3A_726 : vector<16xf32>
    %mul3A_747 = arith.mulf %mul3A_746, %mul3A_743 : vector<16xf32>
    %mul3A_748 = arith.mulf %mul3A_747, %mul3A_743 : vector<16xf32>
    %sub3A_749 = arith.constant 1.500000e+00 : f32
    %sub3A_750 = vector.broadcast %sub3A_749 : f32 to vector<16xf32>
    %sub3A_751 = arith.subf %sub3A_750, %mul3A_748 : vector<16xf32>
    %mul3A_752 = arith.mulf %mul3A_743, %sub3A_751 : vector<16xf32>
    %mul3A_753 = arith.constant 5.000000e-01 : f32
    %mul3A_754 = vector.broadcast %mul3A_753 : f32 to vector<16xf32>
    %mul3A_755 = arith.mulf %mul3A_754, %add3A_726 : vector<16xf32>
    %mul3A_756 = arith.mulf %mul3A_755, %mul3A_752 : vector<16xf32>
    %mul3A_757 = arith.mulf %mul3A_756, %mul3A_752 : vector<16xf32>
    %sub3A_758 = arith.constant 1.500000e+00 : f32
    %sub3A_759 = vector.broadcast %sub3A_758 : f32 to vector<16xf32>
    %sub3A_760 = arith.subf %sub3A_759, %mul3A_757 : vector<16xf32>
    %mul3A_761 = arith.mulf %mul3A_752, %sub3A_760 : vector<16xf32>
    %swap3A_762 = arith.constant 272 : index
    %swap3A_763 = tpu.vector_load %arg14[%swap3A_762] {strides = array<i32>} : memref<640xf32, #tpu.memory_space<vmem>>, vector<16xf32>,
    tpu.vector_store %arg14[%swap3A_762], %mul3A_761 {strides = array<i32>} : memref<640xf32, #tpu.memory_space<vmem>>, vector<16xf32>,
    %get3A_764 = arith.constant 288 : index
    %get3A_765 = tpu.vector_load %arg13[%get3A_764] {strides = array<i32>} : memref<640xf32, #tpu.memory_space<vmem>>, vector<16xf32>,
    %add3A_766 = arith.constant 1.000000e+00 : f32
    %add3A_767 = vector.broadcast %add3A_766 : f32 to vector<16xf32>
    %add3A_768 = arith.addf %get3A_765, %add3A_767 : vector<16xf32>
    %bitcast3A_769 = vector.bitcast %add3A_768 : vector<16xf32> to vector<16xi32>
    %shift_right_logical3A_770 = arith.constant 1 : i32
    %shift_right_logical3A_771 = vector.broadcast %shift_right_logical3A_770 : i32 to vector<16xi32>
    %shift_right_logical3A_772 = arith.shrui %bitcast3A_769, %shift_right_logical3A_771 : vector<16xi32>
    %sub3A_773 = arith.constant 1597463007 : i32
    %sub3A_774 = vector.broadcast %sub3A_773 : i32 to vector<16xi32>
    %sub3A_775 = arith.subi %sub3A_774, %shift_right_logical3A_772 : vector<16xi32>
    %bitcast3A_776 = vector.bitcast %sub3A_775 : vector<16xi32> to vector<16xf32>
    %mul3A_777 = arith.constant 5.000000e-01 : f32
    %mul3A_778 = vector.broadcast %mul3A_777 : f32 to vector<16xf32>
    %mul3A_779 = arith.mulf %mul3A_778, %add3A_768 : vector<16xf32>
    %mul3A_780 = arith.mulf %mul3A_779, %bitcast3A_776 : vector<16xf32>
    %mul3A_781 = arith.mulf %mul3A_780, %bitcast3A_776 : vector<16xf32>
    %sub3A_782 = arith.constant 1.500000e+00 : f32
    %sub3A_783 = vector.broadcast %sub3A_782 : f32 to vector<16xf32>
    %sub3A_784 = arith.subf %sub3A_783, %mul3A_781 : vector<16xf32>
    %mul3A_785 = arith.mulf %bitcast3A_776, %sub3A_784 : vector<16xf32>
    %mul3A_786 = arith.constant 5.000000e-01 : f32
    %mul3A_787 = vector.broadcast %mul3A_786 : f32 to vector<16xf32>
    %mul3A_788 = arith.mulf %mul3A_787, %add3A_768 : vector<16xf32>
    %mul3A_789 = arith.mulf %mul3A_788, %mul3A_785 : vector<16xf32>
    %mul3A_790 = arith.mulf %mul3A_789, %mul3A_785 : vector<16xf32>
    %sub3A_791 = arith.constant 1.500000e+00 : f32
    %sub3A_792 = vector.broadcast %sub3A_791 : f32 to vector<16xf32>
    %sub3A_793 = arith.subf %sub3A_792, %mul3A_790 : vector<16xf32>
    %mul3A_794 = arith.mulf %mul3A_785, %sub3A_793 : vector<16xf32>
    %mul3A_795 = arith.constant 5.000000e-01 : f32
    %mul3A_796 = vector.broadcast %mul3A_795 : f32 to vector<16xf32>
    %mul3A_797 = arith.mulf %mul3A_796, %add3A_768 : vector<16xf32>
    %mul3A_798 = arith.mulf %mul3A_797, %mul3A_794 : vector<16xf32>
    %mul3A_799 = arith.mulf %mul3A_798, %mul3A_794 : vector<16xf32>
    %sub3A_800 = arith.constant 1.500000e+00 : f32
    %sub3A_801 = vector.broadcast %sub3A_800 : f32 to vector<16xf32>
    %sub3A_802 = arith.subf %sub3A_801, %mul3A_799 : vector<16xf32>
    %mul3A_803 = arith.mulf %mul3A_794, %sub3A_802 : vector<16xf32>
    %swap3A_804 = arith.constant 288 : index
    %swap3A_805 = tpu.vector_load %arg14[%swap3A_804] {strides = array<i32>} : memref<640xf32, #tpu.memory_space<vmem>>, vector<16xf32>,
    tpu.vector_store %arg14[%swap3A_804], %mul3A_803 {strides = array<i32>} : memref<640xf32, #tpu.memory_space<vmem>>, vector<16xf32>,
    %get3A_806 = arith.constant 304 : index
    %get3A_807 = tpu.vector_load %arg13[%get3A_806] {strides = array<i32>} : memref<640xf32, #tpu.memory_space<vmem>>, vector<16xf32>,
    %add3A_808 = arith.constant 1.000000e+00 : f32
    %add3A_809 = vector.broadcast %add3A_808 : f32 to vector<16xf32>
    %add3A_810 = arith.addf %get3A_807, %add3A_809 : vector<16xf32>
    %bitcast3A_811 = vector.bitcast %add3A_810 : vector<16xf32> to vector<16xi32>
    %shift_right_logical3A_812 = arith.constant 1 : i32
    %shift_right_logical3A_813 = vector.broadcast %shift_right_logical3A_812 : i32 to vector<16xi32>
    %shift_right_logical3A_814 = arith.shrui %bitcast3A_811, %shift_right_logical3A_813 : vector<16xi32>
    %sub3A_815 = arith.constant 1597463007 : i32
    %sub3A_816 = vector.broadcast %sub3A_815 : i32 to vector<16xi32>
    %sub3A_817 = arith.subi %sub3A_816, %shift_right_logical3A_814 : vector<16xi32>
    %bitcast3A_818 = vector.bitcast %sub3A_817 : vector<16xi32> to vector<16xf32>
    %mul3A_819 = arith.constant 5.000000e-01 : f32
    %mul3A_820 = vector.broadcast %mul3A_819 : f32 to vector<16xf32>
    %mul3A_821 = arith.mulf %mul3A_820, %add3A_810 : vector<16xf32>
    %mul3A_822 = arith.mulf %mul3A_821, %bitcast3A_818 : vector<16xf32>
    %mul3A_823 = arith.mulf %mul3A_822, %bitcast3A_818 : vector<16xf32>
    %sub3A_824 = arith.constant 1.500000e+00 : f32
    %sub3A_825 = vector.broadcast %sub3A_824 : f32 to vector<16xf32>
    %sub3A_826 = arith.subf %sub3A_825, %mul3A_823 : vector<16xf32>
    %mul3A_827 = arith.mulf %bitcast3A_818, %sub3A_826 : vector<16xf32>
    %mul3A_828 = arith.constant 5.000000e-01 : f32
    %mul3A_829 = vector.broadcast %mul3A_828 : f32 to vector<16xf32>
    %mul3A_830 = arith.mulf %mul3A_829, %add3A_810 : vector<16xf32>
    %mul3A_831 = arith.mulf %mul3A_830, %mul3A_827 : vector<16xf32>
    %mul3A_832 = arith.mulf %mul3A_831, %mul3A_827 : vector<16xf32>
    %sub3A_833 = arith.constant 1.500000e+00 : f32
    %sub3A_834 = vector.broadcast %sub3A_833 : f32 to vector<16xf32>
    %sub3A_835 = arith.subf %sub3A_834, %mul3A_832 : vector<16xf32>
    %mul3A_836 = arith.mulf %mul3A_827, %sub3A_835 : vector<16xf32>
    %mul3A_837 = arith.constant 5.000000e-01 : f32
    %mul3A_838 = vector.broadcast %mul3A_837 : f32 to vector<16xf32>
    %mul3A_839 = arith.mulf %mul3A_838, %add3A_810 : vector<16xf32>
    %mul3A_840 = arith.mulf %mul3A_839, %mul3A_836 : vector<16xf32>
    %mul3A_841 = arith.mulf %mul3A_840, %mul3A_836 : vector<16xf32>
    %sub3A_842 = arith.constant 1.500000e+00 : f32
    %sub3A_843 = vector.broadcast %sub3A_842 : f32 to vector<16xf32>
    %sub3A_844 = arith.subf %sub3A_843, %mul3A_841 : vector<16xf32>
    %mul3A_845 = arith.mulf %mul3A_836, %sub3A_844 : vector<16xf32>
    %swap3A_846 = arith.constant 304 : index
    %swap3A_847 = tpu.vector_load %arg14[%swap3A_846] {strides = array<i32>} : memref<640xf32, #tpu.memory_space<vmem>>, vector<16xf32>,
    tpu.vector_store %arg14[%swap3A_846], %mul3A_845 {strides = array<i32>} : memref<640xf32, #tpu.memory_space<vmem>>, vector<16xf32>,
    %get3A_848 = arith.constant 320 : index
    %get3A_849 = tpu.vector_load %arg13[%get3A_848] {strides = array<i32>} : memref<640xf32, #tpu.memory_space<vmem>>, vector<16xf32>,
    %add3A_850 = arith.constant 1.000000e+00 : f32
    %add3A_851 = vector.broadcast %add3A_850 : f32 to vector<16xf32>
    %add3A_852 = arith.addf %get3A_849, %add3A_851 : vector<16xf32>
    %bitcast3A_853 = vector.bitcast %add3A_852 : vector<16xf32> to vector<16xi32>
    %shift_right_logical3A_854 = arith.constant 1 : i32
    %shift_right_logical3A_855 = vector.broadcast %shift_right_logical3A_854 : i32 to vector<16xi32>
    %shift_right_logical3A_856 = arith.shrui %bitcast3A_853, %shift_right_logical3A_855 : vector<16xi32>
    %sub3A_857 = arith.constant 1597463007 : i32
    %sub3A_858 = vector.broadcast %sub3A_857 : i32 to vector<16xi32>
    %sub3A_859 = arith.subi %sub3A_858, %shift_right_logical3A_856 : vector<16xi32>
    %bitcast3A_860 = vector.bitcast %sub3A_859 : vector<16xi32> to vector<16xf32>
    %mul3A_861 = arith.constant 5.000000e-01 : f32
    %mul3A_862 = vector.broadcast %mul3A_861 : f32 to vector<16xf32>
    %mul3A_863 = arith.mulf %mul3A_862, %add3A_852 : vector<16xf32>
    %mul3A_864 = arith.mulf %mul3A_863, %bitcast3A_860 : vector<16xf32>
    %mul3A_865 = arith.mulf %mul3A_864, %bitcast3A_860 : vector<16xf32>
    %sub3A_866 = arith.constant 1.500000e+00 : f32
    %sub3A_867 = vector.broadcast %sub3A_866 : f32 to vector<16xf32>
    %sub3A_868 = arith.subf %sub3A_867, %mul3A_865 : vector<16xf32>
    %mul3A_869 = arith.mulf %bitcast3A_860, %sub3A_868 : vector<16xf32>
    %mul3A_870 = arith.constant 5.000000e-01 : f32
    %mul3A_871 = vector.broadcast %mul3A_870 : f32 to vector<16xf32>
    %mul3A_872 = arith.mulf %mul3A_871, %add3A_852 : vector<16xf32>
    %mul3A_873 = arith.mulf %mul3A_872, %mul3A_869 : vector<16xf32>
    %mul3A_874 = arith.mulf %mul3A_873, %mul3A_869 : vector<16xf32>
    %sub3A_875 = arith.constant 1.500000e+00 : f32
    %sub3A_876 = vector.broadcast %sub3A_875 : f32 to vector<16xf32>
    %sub3A_877 = arith.subf %sub3A_876, %mul3A_874 : vector<16xf32>
    %mul3A_878 = arith.mulf %mul3A_869, %sub3A_877 : vector<16xf32>
    %mul3A_879 = arith.constant 5.000000e-01 : f32
    %mul3A_880 = vector.broadcast %mul3A_879 : f32 to vector<16xf32>
    %mul3A_881 = arith.mulf %mul3A_880, %add3A_852 : vector<16xf32>
    %mul3A_882 = arith.mulf %mul3A_881, %mul3A_878 : vector<16xf32>
    %mul3A_883 = arith.mulf %mul3A_882, %mul3A_878 : vector<16xf32>
    %sub3A_884 = arith.constant 1.500000e+00 : f32
    %sub3A_885 = vector.broadcast %sub3A_884 : f32 to vector<16xf32>
    %sub3A_886 = arith.subf %sub3A_885, %mul3A_883 : vector<16xf32>
    %mul3A_887 = arith.mulf %mul3A_878, %sub3A_886 : vector<16xf32>
    %swap3A_888 = arith.constant 320 : index
    %swap3A_889 = tpu.vector_load %arg14[%swap3A_888] {strides = array<i32>} : memref<640xf32, #tpu.memory_space<vmem>>, vector<16xf32>,
    tpu.vector_store %arg14[%swap3A_888], %mul3A_887 {strides = array<i32>} : memref<640xf32, #tpu.memory_space<vmem>>, vector<16xf32>,
    %get3A_890 = arith.constant 336 : index
    %get3A_891 = tpu.vector_load %arg13[%get3A_890] {strides = array<i32>} : memref<640xf32, #tpu.memory_space<vmem>>, vector<16xf32>,
    %add3A_892 = arith.constant 1.000000e+00 : f32
    %add3A_893 = vector.broadcast %add3A_892 : f32 to vector<16xf32>
    %add3A_894 = arith.addf %get3A_891, %add3A_893 : vector<16xf32>
    %bitcast3A_895 = vector.bitcast %add3A_894 : vector<16xf32> to vector<16xi32>
    %shift_right_logical3A_896 = arith.constant 1 : i32
    %shift_right_logical3A_897 = vector.broadcast %shift_right_logical3A_896 : i32 to vector<16xi32>
    %shift_right_logical3A_898 = arith.shrui %bitcast3A_895, %shift_right_logical3A_897 : vector<16xi32>
    %sub3A_899 = arith.constant 1597463007 : i32
    %sub3A_900 = vector.broadcast %sub3A_899 : i32 to vector<16xi32>
    %sub3A_901 = arith.subi %sub3A_900, %shift_right_logical3A_898 : vector<16xi32>
    %bitcast3A_902 = vector.bitcast %sub3A_901 : vector<16xi32> to vector<16xf32>
    %mul3A_903 = arith.constant 5.000000e-01 : f32
    %mul3A_904 = vector.broadcast %mul3A_903 : f32 to vector<16xf32>
    %mul3A_905 = arith.mulf %mul3A_904, %add3A_894 : vector<16xf32>
    %mul3A_906 = arith.mulf %mul3A_905, %bitcast3A_902 : vector<16xf32>
    %mul3A_907 = arith.mulf %mul3A_906, %bitcast3A_902 : vector<16xf32>
    %sub3A_908 = arith.constant 1.500000e+00 : f32
    %sub3A_909 = vector.broadcast %sub3A_908 : f32 to vector<16xf32>
    %sub3A_910 = arith.subf %sub3A_909, %mul3A_907 : vector<16xf32>
    %mul3A_911 = arith.mulf %bitcast3A_902, %sub3A_910 : vector<16xf32>
    %mul3A_912 = arith.constant 5.000000e-01 : f32
    %mul3A_913 = vector.broadcast %mul3A_912 : f32 to vector<16xf32>
    %mul3A_914 = arith.mulf %mul3A_913, %add3A_894 : vector<16xf32>
    %mul3A_915 = arith.mulf %mul3A_914, %mul3A_911 : vector<16xf32>
    %mul3A_916 = arith.mulf %mul3A_915, %mul3A_911 : vector<16xf32>
    %sub3A_917 = arith.constant 1.500000e+00 : f32
    %sub3A_918 = vector.broadcast %sub3A_917 : f32 to vector<16xf32>
    %sub3A_919 = arith.subf %sub3A_918, %mul3A_916 : vector<16xf32>
    %mul3A_920 = arith.mulf %mul3A_911, %sub3A_919 : vector<16xf32>
    %mul3A_921 = arith.constant 5.000000e-01 : f32
    %mul3A_922 = vector.broadcast %mul3A_921 : f32 to vector<16xf32>
    %mul3A_923 = arith.mulf %mul3A_922, %add3A_894 : vector<16xf32>
    %mul3A_924 = arith.mulf %mul3A_923, %mul3A_920 : vector<16xf32>
    %mul3A_925 = arith.mulf %mul3A_924, %mul3A_920 : vector<16xf32>
    %sub3A_926 = arith.constant 1.500000e+00 : f32
    %sub3A_927 = vector.broadcast %sub3A_926 : f32 to vector<16xf32>
    %sub3A_928 = arith.subf %sub3A_927, %mul3A_925 : vector<16xf32>
    %mul3A_929 = arith.mulf %mul3A_920, %sub3A_928 : vector<16xf32>
    %swap3A_930 = arith.constant 336 : index
    %swap3A_931 = tpu.vector_load %arg14[%swap3A_930] {strides = array<i32>} : memref<640xf32, #tpu.memory_space<vmem>>, vector<16xf32>,
    tpu.vector_store %arg14[%swap3A_930], %mul3A_929 {strides = array<i32>} : memref<640xf32, #tpu.memory_space<vmem>>, vector<16xf32>,
    %get3A_932 = arith.constant 352 : index
    %get3A_933 = tpu.vector_load %arg13[%get3A_932] {strides = array<i32>} : memref<640xf32, #tpu.memory_space<vmem>>, vector<16xf32>,
    %add3A_934 = arith.constant 1.000000e+00 : f32
    %add3A_935 = vector.broadcast %add3A_934 : f32 to vector<16xf32>
    %add3A_936 = arith.addf %get3A_933, %add3A_935 : vector<16xf32>
    %bitcast3A_937 = vector.bitcast %add3A_936 : vector<16xf32> to vector<16xi32>
    %shift_right_logical3A_938 = arith.constant 1 : i32
    %shift_right_logical3A_939 = vector.broadcast %shift_right_logical3A_938 : i32 to vector<16xi32>
    %shift_right_logical3A_940 = arith.shrui %bitcast3A_937, %shift_right_logical3A_939 : vector<16xi32>
    %sub3A_941 = arith.constant 1597463007 : i32
    %sub3A_942 = vector.broadcast %sub3A_941 : i32 to vector<16xi32>
    %sub3A_943 = arith.subi %sub3A_942, %shift_right_logical3A_940 : vector<16xi32>
    %bitcast3A_944 = vector.bitcast %sub3A_943 : vector<16xi32> to vector<16xf32>
    %mul3A_945 = arith.constant 5.000000e-01 : f32
    %mul3A_946 = vector.broadcast %mul3A_945 : f32 to vector<16xf32>
    %mul3A_947 = arith.mulf %mul3A_946, %add3A_936 : vector<16xf32>
    %mul3A_948 = arith.mulf %mul3A_947, %bitcast3A_944 : vector<16xf32>
    %mul3A_949 = arith.mulf %mul3A_948, %bitcast3A_944 : vector<16xf32>
    %sub3A_950 = arith.constant 1.500000e+00 : f32
    %sub3A_951 = vector.broadcast %sub3A_950 : f32 to vector<16xf32>
    %sub3A_952 = arith.subf %sub3A_951, %mul3A_949 : vector<16xf32>
    %mul3A_953 = arith.mulf %bitcast3A_944, %sub3A_952 : vector<16xf32>
    %mul3A_954 = arith.constant 5.000000e-01 : f32
    %mul3A_955 = vector.broadcast %mul3A_954 : f32 to vector<16xf32>
    %mul3A_956 = arith.mulf %mul3A_955, %add3A_936 : vector<16xf32>
    %mul3A_957 = arith.mulf %mul3A_956, %mul3A_953 : vector<16xf32>
    %mul3A_958 = arith.mulf %mul3A_957, %mul3A_953 : vector<16xf32>
    %sub3A_959 = arith.constant 1.500000e+00 : f32
    %sub3A_960 = vector.broadcast %sub3A_959 : f32 to vector<16xf32>
    %sub3A_961 = arith.subf %sub3A_960, %mul3A_958 : vector<16xf32>
    %mul3A_962 = arith.mulf %mul3A_953, %sub3A_961 : vector<16xf32>
    %mul3A_963 = arith.constant 5.000000e-01 : f32
    %mul3A_964 = vector.broadcast %mul3A_963 : f32 to vector<16xf32>
    %mul3A_965 = arith.mulf %mul3A_964, %add3A_936 : vector<16xf32>
    %mul3A_966 = arith.mulf %mul3A_965, %mul3A_962 : vector<16xf32>
    %mul3A_967 = arith.mulf %mul3A_966, %mul3A_962 : vector<16xf32>
    %sub3A_968 = arith.constant 1.500000e+00 : f32
    %sub3A_969 = vector.broadcast %sub3A_968 : f32 to vector<16xf32>
    %sub3A_970 = arith.subf %sub3A_969, %mul3A_967 : vector<16xf32>
    %mul3A_971 = arith.mulf %mul3A_962, %sub3A_970 : vector<16xf32>
    %swap3A_972 = arith.constant 352 : index
    %swap3A_973 = tpu.vector_load %arg14[%swap3A_972] {strides = array<i32>} : memref<640xf32, #tpu.memory_space<vmem>>, vector<16xf32>,
    tpu.vector_store %arg14[%swap3A_972], %mul3A_971 {strides = array<i32>} : memref<640xf32, #tpu.memory_space<vmem>>, vector<16xf32>,
    %get3A_974 = arith.constant 368 : index
    %get3A_975 = tpu.vector_load %arg13[%get3A_974] {strides = array<i32>} : memref<640xf32, #tpu.memory_space<vmem>>, vector<16xf32>,
    %add3A_976 = arith.constant 1.000000e+00 : f32
    %add3A_977 = vector.broadcast %add3A_976 : f32 to vector<16xf32>
    %add3A_978 = arith.addf %get3A_975, %add3A_977 : vector<16xf32>
    %bitcast3A_979 = vector.bitcast %add3A_978 : vector<16xf32> to vector<16xi32>
    %shift_right_logical3A_980 = arith.constant 1 : i32
    %shift_right_logical3A_981 = vector.broadcast %shift_right_logical3A_980 : i32 to vector<16xi32>
    %shift_right_logical3A_982 = arith.shrui %bitcast3A_979, %shift_right_logical3A_981 : vector<16xi32>
    %sub3A_983 = arith.constant 1597463007 : i32
    %sub3A_984 = vector.broadcast %sub3A_983 : i32 to vector<16xi32>
    %sub3A_985 = arith.subi %sub3A_984, %shift_right_logical3A_982 : vector<16xi32>
    %bitcast3A_986 = vector.bitcast %sub3A_985 : vector<16xi32> to vector<16xf32>
    %mul3A_987 = arith.constant 5.000000e-01 : f32
    %mul3A_988 = vector.broadcast %mul3A_987 : f32 to vector<16xf32>
    %mul3A_989 = arith.mulf %mul3A_988, %add3A_978 : vector<16xf32>
    %mul3A_990 = arith.mulf %mul3A_989, %bitcast3A_986 : vector<16xf32>
    %mul3A_991 = arith.mulf %mul3A_990, %bitcast3A_986 : vector<16xf32>
    %sub3A_992 = arith.constant 1.500000e+00 : f32
    %sub3A_993 = vector.broadcast %sub3A_992 : f32 to vector<16xf32>
    %sub3A_994 = arith.subf %sub3A_993, %mul3A_991 : vector<16xf32>
    %mul3A_995 = arith.mulf %bitcast3A_986, %sub3A_994 : vector<16xf32>
    %mul3A_996 = arith.constant 5.000000e-01 : f32
    %mul3A_997 = vector.broadcast %mul3A_996 : f32 to vector<16xf32>
    %mul3A_998 = arith.mulf %mul3A_997, %add3A_978 : vector<16xf32>
    %mul3A_999 = arith.mulf %mul3A_998, %mul3A_995 : vector<16xf32>
    %mul3A_1000 = arith.mulf %mul3A_999, %mul3A_995 : vector<16xf32>
    %sub3A_1001 = arith.constant 1.500000e+00 : f32
    %sub3A_1002 = vector.broadcast %sub3A_1001 : f32 to vector<16xf32>
    %sub3A_1003 = arith.subf %sub3A_1002, %mul3A_1000 : vector<16xf32>
    %mul3A_1004 = arith.mulf %mul3A_995, %sub3A_1003 : vector<16xf32>
    %mul3A_1005 = arith.constant 5.000000e-01 : f32
    %mul3A_1006 = vector.broadcast %mul3A_1005 : f32 to vector<16xf32>
    %mul3A_1007 = arith.mulf %mul3A_1006, %add3A_978 : vector<16xf32>
    %mul3A_1008 = arith.mulf %mul3A_1007, %mul3A_1004 : vector<16xf32>
    %mul3A_1009 = arith.mulf %mul3A_1008, %mul3A_1004 : vector<16xf32>
    %sub3A_1010 = arith.constant 1.500000e+00 : f32
    %sub3A_1011 = vector.broadcast %sub3A_1010 : f32 to vector<16xf32>
    %sub3A_1012 = arith.subf %sub3A_1011, %mul3A_1009 : vector<16xf32>
    %mul3A_1013 = arith.mulf %mul3A_1004, %sub3A_1012 : vector<16xf32>
    %swap3A_1014 = arith.constant 368 : index
    %swap3A_1015 = tpu.vector_load %arg14[%swap3A_1014] {strides = array<i32>} : memref<640xf32, #tpu.memory_space<vmem>>, vector<16xf32>,
    tpu.vector_store %arg14[%swap3A_1014], %mul3A_1013 {strides = array<i32>} : memref<640xf32, #tpu.memory_space<vmem>>, vector<16xf32>,
    %get3A_1016 = arith.constant 384 : index
    %get3A_1017 = tpu.vector_load %arg13[%get3A_1016] {strides = array<i32>} : memref<640xf32, #tpu.memory_space<vmem>>, vector<16xf32>,
    %add3A_1018 = arith.constant 1.000000e+00 : f32
    %add3A_1019 = vector.broadcast %add3A_1018 : f32 to vector<16xf32>
    %add3A_1020 = arith.addf %get3A_1017, %add3A_1019 : vector<16xf32>
    %bitcast3A_1021 = vector.bitcast %add3A_1020 : vector<16xf32> to vector<16xi32>
    %shift_right_logical3A_1022 = arith.constant 1 : i32
    %shift_right_logical3A_1023 = vector.broadcast %shift_right_logical3A_1022 : i32 to vector<16xi32>
    %shift_right_logical3A_1024 = arith.shrui %bitcast3A_1021, %shift_right_logical3A_1023 : vector<16xi32>
    %sub3A_1025 = arith.constant 1597463007 : i32
    %sub3A_1026 = vector.broadcast %sub3A_1025 : i32 to vector<16xi32>
    %sub3A_1027 = arith.subi %sub3A_1026, %shift_right_logical3A_1024 : vector<16xi32>
    %bitcast3A_1028 = vector.bitcast %sub3A_1027 : vector<16xi32> to vector<16xf32>
    %mul3A_1029 = arith.constant 5.000000e-01 : f32
    %mul3A_1030 = vector.broadcast %mul3A_1029 : f32 to vector<16xf32>
    %mul3A_1031 = arith.mulf %mul3A_1030, %add3A_1020 : vector<16xf32>
    %mul3A_1032 = arith.mulf %mul3A_1031, %bitcast3A_1028 : vector<16xf32>
    %mul3A_1033 = arith.mulf %mul3A_1032, %bitcast3A_1028 : vector<16xf32>
    %sub3A_1034 = arith.constant 1.500000e+00 : f32
    %sub3A_1035 = vector.broadcast %sub3A_1034 : f32 to vector<16xf32>
    %sub3A_1036 = arith.subf %sub3A_1035, %mul3A_1033 : vector<16xf32>
    %mul3A_1037 = arith.mulf %bitcast3A_1028, %sub3A_1036 : vector<16xf32>
    %mul3A_1038 = arith.constant 5.000000e-01 : f32
    %mul3A_1039 = vector.broadcast %mul3A_1038 : f32 to vector<16xf32>
    %mul3A_1040 = arith.mulf %mul3A_1039, %add3A_1020 : vector<16xf32>
    %mul3A_1041 = arith.mulf %mul3A_1040, %mul3A_1037 : vector<16xf32>
    %mul3A_1042 = arith.mulf %mul3A_1041, %mul3A_1037 : vector<16xf32>
    %sub3A_1043 = arith.constant 1.500000e+00 : f32
    %sub3A_1044 = vector.broadcast %sub3A_1043 : f32 to vector<16xf32>
    %sub3A_1045 = arith.subf %sub3A_1044, %mul3A_1042 : vector<16xf32>
    %mul3A_1046 = arith.mulf %mul3A_1037, %sub3A_1045 : vector<16xf32>
    %mul3A_1047 = arith.constant 5.000000e-01 : f32
    %mul3A_1048 = vector.broadcast %mul3A_1047 : f32 to vector<16xf32>
    %mul3A_1049 = arith.mulf %mul3A_1048, %add3A_1020 : vector<16xf32>
    %mul3A_1050 = arith.mulf %mul3A_1049, %mul3A_1046 : vector<16xf32>
    %mul3A_1051 = arith.mulf %mul3A_1050, %mul3A_1046 : vector<16xf32>
    %sub3A_1052 = arith.constant 1.500000e+00 : f32
    %sub3A_1053 = vector.broadcast %sub3A_1052 : f32 to vector<16xf32>
    %sub3A_1054 = arith.subf %sub3A_1053, %mul3A_1051 : vector<16xf32>
    %mul3A_1055 = arith.mulf %mul3A_1046, %sub3A_1054 : vector<16xf32>
    %swap3A_1056 = arith.constant 384 : index
    %swap3A_1057 = tpu.vector_load %arg14[%swap3A_1056] {strides = array<i32>} : memref<640xf32, #tpu.memory_space<vmem>>, vector<16xf32>,
    tpu.vector_store %arg14[%swap3A_1056], %mul3A_1055 {strides = array<i32>} : memref<640xf32, #tpu.memory_space<vmem>>, vector<16xf32>,
    %get3A_1058 = arith.constant 400 : index
    %get3A_1059 = tpu.vector_load %arg13[%get3A_1058] {strides = array<i32>} : memref<640xf32, #tpu.memory_space<vmem>>, vector<16xf32>,
    %add3A_1060 = arith.constant 1.000000e+00 : f32
    %add3A_1061 = vector.broadcast %add3A_1060 : f32 to vector<16xf32>
    %add3A_1062 = arith.addf %get3A_1059, %add3A_1061 : vector<16xf32>
    %bitcast3A_1063 = vector.bitcast %add3A_1062 : vector<16xf32> to vector<16xi32>
    %shift_right_logical3A_1064 = arith.constant 1 : i32
    %shift_right_logical3A_1065 = vector.broadcast %shift_right_logical3A_1064 : i32 to vector<16xi32>
    %shift_right_logical3A_1066 = arith.shrui %bitcast3A_1063, %shift_right_logical3A_1065 : vector<16xi32>
    %sub3A_1067 = arith.constant 1597463007 : i32
    %sub3A_1068 = vector.broadcast %sub3A_1067 : i32 to vector<16xi32>
    %sub3A_1069 = arith.subi %sub3A_1068, %shift_right_logical3A_1066 : vector<16xi32>
    %bitcast3A_1070 = vector.bitcast %sub3A_1069 : vector<16xi32> to vector<16xf32>
    %mul3A_1071 = arith.constant 5.000000e-01 : f32
    %mul3A_1072 = vector.broadcast %mul3A_1071 : f32 to vector<16xf32>
    %mul3A_1073 = arith.mulf %mul3A_1072, %add3A_1062 : vector<16xf32>
    %mul3A_1074 = arith.mulf %mul3A_1073, %bitcast3A_1070 : vector<16xf32>
    %mul3A_1075 = arith.mulf %mul3A_1074, %bitcast3A_1070 : vector<16xf32>
    %sub3A_1076 = arith.constant 1.500000e+00 : f32
    %sub3A_1077 = vector.broadcast %sub3A_1076 : f32 to vector<16xf32>
    %sub3A_1078 = arith.subf %sub3A_1077, %mul3A_1075 : vector<16xf32>
    %mul3A_1079 = arith.mulf %bitcast3A_1070, %sub3A_1078 : vector<16xf32>
    %mul3A_1080 = arith.constant 5.000000e-01 : f32
    %mul3A_1081 = vector.broadcast %mul3A_1080 : f32 to vector<16xf32>
    %mul3A_1082 = arith.mulf %mul3A_1081, %add3A_1062 : vector<16xf32>
    %mul3A_1083 = arith.mulf %mul3A_1082, %mul3A_1079 : vector<16xf32>
    %mul3A_1084 = arith.mulf %mul3A_1083, %mul3A_1079 : vector<16xf32>
    %sub3A_1085 = arith.constant 1.500000e+00 : f32
    %sub3A_1086 = vector.broadcast %sub3A_1085 : f32 to vector<16xf32>
    %sub3A_1087 = arith.subf %sub3A_1086, %mul3A_1084 : vector<16xf32>
    %mul3A_1088 = arith.mulf %mul3A_1079, %sub3A_1087 : vector<16xf32>
    %mul3A_1089 = arith.constant 5.000000e-01 : f32
    %mul3A_1090 = vector.broadcast %mul3A_1089 : f32 to vector<16xf32>
    %mul3A_1091 = arith.mulf %mul3A_1090, %add3A_1062 : vector<16xf32>
    %mul3A_1092 = arith.mulf %mul3A_1091, %mul3A_1088 : vector<16xf32>
    %mul3A_1093 = arith.mulf %mul3A_1092, %mul3A_1088 : vector<16xf32>
    %sub3A_1094 = arith.constant 1.500000e+00 : f32
    %sub3A_1095 = vector.broadcast %sub3A_1094 : f32 to vector<16xf32>
    %sub3A_1096 = arith.subf %sub3A_1095, %mul3A_1093 : vector<16xf32>
    %mul3A_1097 = arith.mulf %mul3A_1088, %sub3A_1096 : vector<16xf32>
    %swap3A_1098 = arith.constant 400 : index
    %swap3A_1099 = tpu.vector_load %arg14[%swap3A_1098] {strides = array<i32>} : memref<640xf32, #tpu.memory_space<vmem>>, vector<16xf32>,
    tpu.vector_store %arg14[%swap3A_1098], %mul3A_1097 {strides = array<i32>} : memref<640xf32, #tpu.memory_space<vmem>>, vector<16xf32>,
    %get3A_1100 = arith.constant 416 : index
    %get3A_1101 = tpu.vector_load %arg13[%get3A_1100] {strides = array<i32>} : memref<640xf32, #tpu.memory_space<vmem>>, vector<16xf32>,
    %add3A_1102 = arith.constant 1.000000e+00 : f32
    %add3A_1103 = vector.broadcast %add3A_1102 : f32 to vector<16xf32>
    %add3A_1104 = arith.addf %get3A_1101, %add3A_1103 : vector<16xf32>
    %bitcast3A_1105 = vector.bitcast %add3A_1104 : vector<16xf32> to vector<16xi32>
    %shift_right_logical3A_1106 = arith.constant 1 : i32
    %shift_right_logical3A_1107 = vector.broadcast %shift_right_logical3A_1106 : i32 to vector<16xi32>
    %shift_right_logical3A_1108 = arith.shrui %bitcast3A_1105, %shift_right_logical3A_1107 : vector<16xi32>
    %sub3A_1109 = arith.constant 1597463007 : i32
    %sub3A_1110 = vector.broadcast %sub3A_1109 : i32 to vector<16xi32>
    %sub3A_1111 = arith.subi %sub3A_1110, %shift_right_logical3A_1108 : vector<16xi32>
    %bitcast3A_1112 = vector.bitcast %sub3A_1111 : vector<16xi32> to vector<16xf32>
    %mul3A_1113 = arith.constant 5.000000e-01 : f32
    %mul3A_1114 = vector.broadcast %mul3A_1113 : f32 to vector<16xf32>
    %mul3A_1115 = arith.mulf %mul3A_1114, %add3A_1104 : vector<16xf32>
    %mul3A_1116 = arith.mulf %mul3A_1115, %bitcast3A_1112 : vector<16xf32>
    %mul3A_1117 = arith.mulf %mul3A_1116, %bitcast3A_1112 : vector<16xf32>
    %sub3A_1118 = arith.constant 1.500000e+00 : f32
    %sub3A_1119 = vector.broadcast %sub3A_1118 : f32 to vector<16xf32>
    %sub3A_1120 = arith.subf %sub3A_1119, %mul3A_1117 : vector<16xf32>
    %mul3A_1121 = arith.mulf %bitcast3A_1112, %sub3A_1120 : vector<16xf32>
    %mul3A_1122 = arith.constant 5.000000e-01 : f32
    %mul3A_1123 = vector.broadcast %mul3A_1122 : f32 to vector<16xf32>
    %mul3A_1124 = arith.mulf %mul3A_1123, %add3A_1104 : vector<16xf32>
    %mul3A_1125 = arith.mulf %mul3A_1124, %mul3A_1121 : vector<16xf32>
    %mul3A_1126 = arith.mulf %mul3A_1125, %mul3A_1121 : vector<16xf32>
    %sub3A_1127 = arith.constant 1.500000e+00 : f32
    %sub3A_1128 = vector.broadcast %sub3A_1127 : f32 to vector<16xf32>
    %sub3A_1129 = arith.subf %sub3A_1128, %mul3A_1126 : vector<16xf32>
    %mul3A_1130 = arith.mulf %mul3A_1121, %sub3A_1129 : vector<16xf32>
    %mul3A_1131 = arith.constant 5.000000e-01 : f32
    %mul3A_1132 = vector.broadcast %mul3A_1131 : f32 to vector<16xf32>
    %mul3A_1133 = arith.mulf %mul3A_1132, %add3A_1104 : vector<16xf32>
    %mul3A_1134 = arith.mulf %mul3A_1133, %mul3A_1130 : vector<16xf32>
    %mul3A_1135 = arith.mulf %mul3A_1134, %mul3A_1130 : vector<16xf32>
    %sub3A_1136 = arith.constant 1.500000e+00 : f32
    %sub3A_1137 = vector.broadcast %sub3A_1136 : f32 to vector<16xf32>
    %sub3A_1138 = arith.subf %sub3A_1137, %mul3A_1135 : vector<16xf32>
    %mul3A_1139 = arith.mulf %mul3A_1130, %sub3A_1138 : vector<16xf32>
    %swap3A_1140 = arith.constant 416 : index
    %swap3A_1141 = tpu.vector_load %arg14[%swap3A_1140] {strides = array<i32>} : memref<640xf32, #tpu.memory_space<vmem>>, vector<16xf32>,
    tpu.vector_store %arg14[%swap3A_1140], %mul3A_1139 {strides = array<i32>} : memref<640xf32, #tpu.memory_space<vmem>>, vector<16xf32>,
    %get3A_1142 = arith.constant 432 : index
    %get3A_1143 = tpu.vector_load %arg13[%get3A_1142] {strides = array<i32>} : memref<640xf32, #tpu.memory_space<vmem>>, vector<16xf32>,
    %add3A_1144 = arith.constant 1.000000e+00 : f32
    %add3A_1145 = vector.broadcast %add3A_1144 : f32 to vector<16xf32>
    %add3A_1146 = arith.addf %get3A_1143, %add3A_1145 : vector<16xf32>
    %bitcast3A_1147 = vector.bitcast %add3A_1146 : vector<16xf32> to vector<16xi32>
    %shift_right_logical3A_1148 = arith.constant 1 : i32
    %shift_right_logical3A_1149 = vector.broadcast %shift_right_logical3A_1148 : i32 to vector<16xi32>
    %shift_right_logical3A_1150 = arith.shrui %bitcast3A_1147, %shift_right_logical3A_1149 : vector<16xi32>
    %sub3A_1151 = arith.constant 1597463007 : i32
    %sub3A_1152 = vector.broadcast %sub3A_1151 : i32 to vector<16xi32>
    %sub3A_1153 = arith.subi %sub3A_1152, %shift_right_logical3A_1150 : vector<16xi32>
    %bitcast3A_1154 = vector.bitcast %sub3A_1153 : vector<16xi32> to vector<16xf32>
    %mul3A_1155 = arith.constant 5.000000e-01 : f32
    %mul3A_1156 = vector.broadcast %mul3A_1155 : f32 to vector<16xf32>
    %mul3A_1157 = arith.mulf %mul3A_1156, %add3A_1146 : vector<16xf32>
    %mul3A_1158 = arith.mulf %mul3A_1157, %bitcast3A_1154 : vector<16xf32>
    %mul3A_1159 = arith.mulf %mul3A_1158, %bitcast3A_1154 : vector<16xf32>
    %sub3A_1160 = arith.constant 1.500000e+00 : f32
    %sub3A_1161 = vector.broadcast %sub3A_1160 : f32 to vector<16xf32>
    %sub3A_1162 = arith.subf %sub3A_1161, %mul3A_1159 : vector<16xf32>
    %mul3A_1163 = arith.mulf %bitcast3A_1154, %sub3A_1162 : vector<16xf32>
    %mul3A_1164 = arith.constant 5.000000e-01 : f32
    %mul3A_1165 = vector.broadcast %mul3A_1164 : f32 to vector<16xf32>
    %mul3A_1166 = arith.mulf %mul3A_1165, %add3A_1146 : vector<16xf32>
    %mul3A_1167 = arith.mulf %mul3A_1166, %mul3A_1163 : vector<16xf32>
    %mul3A_1168 = arith.mulf %mul3A_1167, %mul3A_1163 : vector<16xf32>
    %sub3A_1169 = arith.constant 1.500000e+00 : f32
    %sub3A_1170 = vector.broadcast %sub3A_1169 : f32 to vector<16xf32>
    %sub3A_1171 = arith.subf %sub3A_1170, %mul3A_1168 : vector<16xf32>
    %mul3A_1172 = arith.mulf %mul3A_1163, %sub3A_1171 : vector<16xf32>
    %mul3A_1173 = arith.constant 5.000000e-01 : f32
    %mul3A_1174 = vector.broadcast %mul3A_1173 : f32 to vector<16xf32>
    %mul3A_1175 = arith.mulf %mul3A_1174, %add3A_1146 : vector<16xf32>
    %mul3A_1176 = arith.mulf %mul3A_1175, %mul3A_1172 : vector<16xf32>
    %mul3A_1177 = arith.mulf %mul3A_1176, %mul3A_1172 : vector<16xf32>
    %sub3A_1178 = arith.constant 1.500000e+00 : f32
    %sub3A_1179 = vector.broadcast %sub3A_1178 : f32 to vector<16xf32>
    %sub3A_1180 = arith.subf %sub3A_1179, %mul3A_1177 : vector<16xf32>
    %mul3A_1181 = arith.mulf %mul3A_1172, %sub3A_1180 : vector<16xf32>
    %swap3A_1182 = arith.constant 432 : index
    %swap3A_1183 = tpu.vector_load %arg14[%swap3A_1182] {strides = array<i32>} : memref<640xf32, #tpu.memory_space<vmem>>, vector<16xf32>,
    tpu.vector_store %arg14[%swap3A_1182], %mul3A_1181 {strides = array<i32>} : memref<640xf32, #tpu.memory_space<vmem>>, vector<16xf32>,
    %get3A_1184 = arith.constant 448 : index
    %get3A_1185 = tpu.vector_load %arg13[%get3A_1184] {strides = array<i32>} : memref<640xf32, #tpu.memory_space<vmem>>, vector<16xf32>,
    %add3A_1186 = arith.constant 1.000000e+00 : f32
    %add3A_1187 = vector.broadcast %add3A_1186 : f32 to vector<16xf32>
    %add3A_1188 = arith.addf %get3A_1185, %add3A_1187 : vector<16xf32>
    %bitcast3A_1189 = vector.bitcast %add3A_1188 : vector<16xf32> to vector<16xi32>
    %shift_right_logical3A_1190 = arith.constant 1 : i32
    %shift_right_logical3A_1191 = vector.broadcast %shift_right_logical3A_1190 : i32 to vector<16xi32>
    %shift_right_logical3A_1192 = arith.shrui %bitcast3A_1189, %shift_right_logical3A_1191 : vector<16xi32>
    %sub3A_1193 = arith.constant 1597463007 : i32
    %sub3A_1194 = vector.broadcast %sub3A_1193 : i32 to vector<16xi32>
    %sub3A_1195 = arith.subi %sub3A_1194, %shift_right_logical3A_1192 : vector<16xi32>
    %bitcast3A_1196 = vector.bitcast %sub3A_1195 : vector<16xi32> to vector<16xf32>
    %mul3A_1197 = arith.constant 5.000000e-01 : f32
    %mul3A_1198 = vector.broadcast %mul3A_1197 : f32 to vector<16xf32>
    %mul3A_1199 = arith.mulf %mul3A_1198, %add3A_1188 : vector<16xf32>
    %mul3A_1200 = arith.mulf %mul3A_1199, %bitcast3A_1196 : vector<16xf32>
    %mul3A_1201 = arith.mulf %mul3A_1200, %bitcast3A_1196 : vector<16xf32>
    %sub3A_1202 = arith.constant 1.500000e+00 : f32
    %sub3A_1203 = vector.broadcast %sub3A_1202 : f32 to vector<16xf32>
    %sub3A_1204 = arith.subf %sub3A_1203, %mul3A_1201 : vector<16xf32>
    %mul3A_1205 = arith.mulf %bitcast3A_1196, %sub3A_1204 : vector<16xf32>
    %mul3A_1206 = arith.constant 5.000000e-01 : f32
    %mul3A_1207 = vector.broadcast %mul3A_1206 : f32 to vector<16xf32>
    %mul3A_1208 = arith.mulf %mul3A_1207, %add3A_1188 : vector<16xf32>
    %mul3A_1209 = arith.mulf %mul3A_1208, %mul3A_1205 : vector<16xf32>
    %mul3A_1210 = arith.mulf %mul3A_1209, %mul3A_1205 : vector<16xf32>
    %sub3A_1211 = arith.constant 1.500000e+00 : f32
    %sub3A_1212 = vector.broadcast %sub3A_1211 : f32 to vector<16xf32>
    %sub3A_1213 = arith.subf %sub3A_1212, %mul3A_1210 : vector<16xf32>
    %mul3A_1214 = arith.mulf %mul3A_1205, %sub3A_1213 : vector<16xf32>
    %mul3A_1215 = arith.constant 5.000000e-01 : f32
    %mul3A_1216 = vector.broadcast %mul3A_1215 : f32 to vector<16xf32>
    %mul3A_1217 = arith.mulf %mul3A_1216, %add3A_1188 : vector<16xf32>
    %mul3A_1218 = arith.mulf %mul3A_1217, %mul3A_1214 : vector<16xf32>
    %mul3A_1219 = arith.mulf %mul3A_1218, %mul3A_1214 : vector<16xf32>
    %sub3A_1220 = arith.constant 1.500000e+00 : f32
    %sub3A_1221 = vector.broadcast %sub3A_1220 : f32 to vector<16xf32>
    %sub3A_1222 = arith.subf %sub3A_1221, %mul3A_1219 : vector<16xf32>
    %mul3A_1223 = arith.mulf %mul3A_1214, %sub3A_1222 : vector<16xf32>
    %swap3A_1224 = arith.constant 448 : index
    %swap3A_1225 = tpu.vector_load %arg14[%swap3A_1224] {strides = array<i32>} : memref<640xf32, #tpu.memory_space<vmem>>, vector<16xf32>,
    tpu.vector_store %arg14[%swap3A_1224], %mul3A_1223 {strides = array<i32>} : memref<640xf32, #tpu.memory_space<vmem>>, vector<16xf32>,
    %get3A_1226 = arith.constant 464 : index
    %get3A_1227 = tpu.vector_load %arg13[%get3A_1226] {strides = array<i32>} : memref<640xf32, #tpu.memory_space<vmem>>, vector<16xf32>,
    %add3A_1228 = arith.constant 1.000000e+00 : f32
    %add3A_1229 = vector.broadcast %add3A_1228 : f32 to vector<16xf32>
    %add3A_1230 = arith.addf %get3A_1227, %add3A_1229 : vector<16xf32>
    %bitcast3A_1231 = vector.bitcast %add3A_1230 : vector<16xf32> to vector<16xi32>
    %shift_right_logical3A_1232 = arith.constant 1 : i32
    %shift_right_logical3A_1233 = vector.broadcast %shift_right_logical3A_1232 : i32 to vector<16xi32>
    %shift_right_logical3A_1234 = arith.shrui %bitcast3A_1231, %shift_right_logical3A_1233 : vector<16xi32>
    %sub3A_1235 = arith.constant 1597463007 : i32
    %sub3A_1236 = vector.broadcast %sub3A_1235 : i32 to vector<16xi32>
    %sub3A_1237 = arith.subi %sub3A_1236, %shift_right_logical3A_1234 : vector<16xi32>
    %bitcast3A_1238 = vector.bitcast %sub3A_1237 : vector<16xi32> to vector<16xf32>
    %mul3A_1239 = arith.constant 5.000000e-01 : f32
    %mul3A_1240 = vector.broadcast %mul3A_1239 : f32 to vector<16xf32>
    %mul3A_1241 = arith.mulf %mul3A_1240, %add3A_1230 : vector<16xf32>
    %mul3A_1242 = arith.mulf %mul3A_1241, %bitcast3A_1238 : vector<16xf32>
    %mul3A_1243 = arith.mulf %mul3A_1242, %bitcast3A_1238 : vector<16xf32>
    %sub3A_1244 = arith.constant 1.500000e+00 : f32
    %sub3A_1245 = vector.broadcast %sub3A_1244 : f32 to vector<16xf32>
    %sub3A_1246 = arith.subf %sub3A_1245, %mul3A_1243 : vector<16xf32>
    %mul3A_1247 = arith.mulf %bitcast3A_1238, %sub3A_1246 : vector<16xf32>
    %mul3A_1248 = arith.constant 5.000000e-01 : f32
    %mul3A_1249 = vector.broadcast %mul3A_1248 : f32 to vector<16xf32>
    %mul3A_1250 = arith.mulf %mul3A_1249, %add3A_1230 : vector<16xf32>
    %mul3A_1251 = arith.mulf %mul3A_1250, %mul3A_1247 : vector<16xf32>
    %mul3A_1252 = arith.mulf %mul3A_1251, %mul3A_1247 : vector<16xf32>
    %sub3A_1253 = arith.constant 1.500000e+00 : f32
    %sub3A_1254 = vector.broadcast %sub3A_1253 : f32 to vector<16xf32>
    %sub3A_1255 = arith.subf %sub3A_1254, %mul3A_1252 : vector<16xf32>
    %mul3A_1256 = arith.mulf %mul3A_1247, %sub3A_1255 : vector<16xf32>
    %mul3A_1257 = arith.constant 5.000000e-01 : f32
    %mul3A_1258 = vector.broadcast %mul3A_1257 : f32 to vector<16xf32>
    %mul3A_1259 = arith.mulf %mul3A_1258, %add3A_1230 : vector<16xf32>
    %mul3A_1260 = arith.mulf %mul3A_1259, %mul3A_1256 : vector<16xf32>
    %mul3A_1261 = arith.mulf %mul3A_1260, %mul3A_1256 : vector<16xf32>
    %sub3A_1262 = arith.constant 1.500000e+00 : f32
    %sub3A_1263 = vector.broadcast %sub3A_1262 : f32 to vector<16xf32>
    %sub3A_1264 = arith.subf %sub3A_1263, %mul3A_1261 : vector<16xf32>
    %mul3A_1265 = arith.mulf %mul3A_1256, %sub3A_1264 : vector<16xf32>
    %swap3A_1266 = arith.constant 464 : index
    %swap3A_1267 = tpu.vector_load %arg14[%swap3A_1266] {strides = array<i32>} : memref<640xf32, #tpu.memory_space<vmem>>, vector<16xf32>,
    tpu.vector_store %arg14[%swap3A_1266], %mul3A_1265 {strides = array<i32>} : memref<640xf32, #tpu.memory_space<vmem>>, vector<16xf32>,
    %get3A_1268 = arith.constant 480 : index
    %get3A_1269 = tpu.vector_load %arg13[%get3A_1268] {strides = array<i32>} : memref<640xf32, #tpu.memory_space<vmem>>, vector<16xf32>,
    %add3A_1270 = arith.constant 1.000000e+00 : f32
    %add3A_1271 = vector.broadcast %add3A_1270 : f32 to vector<16xf32>
    %add3A_1272 = arith.addf %get3A_1269, %add3A_1271 : vector<16xf32>
    %bitcast3A_1273 = vector.bitcast %add3A_1272 : vector<16xf32> to vector<16xi32>
    %shift_right_logical3A_1274 = arith.constant 1 : i32
    %shift_right_logical3A_1275 = vector.broadcast %shift_right_logical3A_1274 : i32 to vector<16xi32>
    %shift_right_logical3A_1276 = arith.shrui %bitcast3A_1273, %shift_right_logical3A_1275 : vector<16xi32>
    %sub3A_1277 = arith.constant 1597463007 : i32
    %sub3A_1278 = vector.broadcast %sub3A_1277 : i32 to vector<16xi32>
    %sub3A_1279 = arith.subi %sub3A_1278, %shift_right_logical3A_1276 : vector<16xi32>
    %bitcast3A_1280 = vector.bitcast %sub3A_1279 : vector<16xi32> to vector<16xf32>
    %mul3A_1281 = arith.constant 5.000000e-01 : f32
    %mul3A_1282 = vector.broadcast %mul3A_1281 : f32 to vector<16xf32>
    %mul3A_1283 = arith.mulf %mul3A_1282, %add3A_1272 : vector<16xf32>
    %mul3A_1284 = arith.mulf %mul3A_1283, %bitcast3A_1280 : vector<16xf32>
    %mul3A_1285 = arith.mulf %mul3A_1284, %bitcast3A_1280 : vector<16xf32>
    %sub3A_1286 = arith.constant 1.500000e+00 : f32
    %sub3A_1287 = vector.broadcast %sub3A_1286 : f32 to vector<16xf32>
    %sub3A_1288 = arith.subf %sub3A_1287, %mul3A_1285 : vector<16xf32>
    %mul3A_1289 = arith.mulf %bitcast3A_1280, %sub3A_1288 : vector<16xf32>
    %mul3A_1290 = arith.constant 5.000000e-01 : f32
    %mul3A_1291 = vector.broadcast %mul3A_1290 : f32 to vector<16xf32>
    %mul3A_1292 = arith.mulf %mul3A_1291, %add3A_1272 : vector<16xf32>
    %mul3A_1293 = arith.mulf %mul3A_1292, %mul3A_1289 : vector<16xf32>
    %mul3A_1294 = arith.mulf %mul3A_1293, %mul3A_1289 : vector<16xf32>
    %sub3A_1295 = arith.constant 1.500000e+00 : f32
    %sub3A_1296 = vector.broadcast %sub3A_1295 : f32 to vector<16xf32>
    %sub3A_1297 = arith.subf %sub3A_1296, %mul3A_1294 : vector<16xf32>
    %mul3A_1298 = arith.mulf %mul3A_1289, %sub3A_1297 : vector<16xf32>
    %mul3A_1299 = arith.constant 5.000000e-01 : f32
    %mul3A_1300 = vector.broadcast %mul3A_1299 : f32 to vector<16xf32>
    %mul3A_1301 = arith.mulf %mul3A_1300, %add3A_1272 : vector<16xf32>
    %mul3A_1302 = arith.mulf %mul3A_1301, %mul3A_1298 : vector<16xf32>
    %mul3A_1303 = arith.mulf %mul3A_1302, %mul3A_1298 : vector<16xf32>
    %sub3A_1304 = arith.constant 1.500000e+00 : f32
    %sub3A_1305 = vector.broadcast %sub3A_1304 : f32 to vector<16xf32>
    %sub3A_1306 = arith.subf %sub3A_1305, %mul3A_1303 : vector<16xf32>
    %mul3A_1307 = arith.mulf %mul3A_1298, %sub3A_1306 : vector<16xf32>
    %swap3A_1308 = arith.constant 480 : index
    %swap3A_1309 = tpu.vector_load %arg14[%swap3A_1308] {strides = array<i32>} : memref<640xf32, #tpu.memory_space<vmem>>, vector<16xf32>,
    tpu.vector_store %arg14[%swap3A_1308], %mul3A_1307 {strides = array<i32>} : memref<640xf32, #tpu.memory_space<vmem>>, vector<16xf32>,
    %get3A_1310 = arith.constant 496 : index
    %get3A_1311 = tpu.vector_load %arg13[%get3A_1310] {strides = array<i32>} : memref<640xf32, #tpu.memory_space<vmem>>, vector<16xf32>,
    %add3A_1312 = arith.constant 1.000000e+00 : f32
    %add3A_1313 = vector.broadcast %add3A_1312 : f32 to vector<16xf32>
    %add3A_1314 = arith.addf %get3A_1311, %add3A_1313 : vector<16xf32>
    %bitcast3A_1315 = vector.bitcast %add3A_1314 : vector<16xf32> to vector<16xi32>
    %shift_right_logical3A_1316 = arith.constant 1 : i32
    %shift_right_logical3A_1317 = vector.broadcast %shift_right_logical3A_1316 : i32 to vector<16xi32>
    %shift_right_logical3A_1318 = arith.shrui %bitcast3A_1315, %shift_right_logical3A_1317 : vector<16xi32>
    %sub3A_1319 = arith.constant 1597463007 : i32
    %sub3A_1320 = vector.broadcast %sub3A_1319 : i32 to vector<16xi32>
    %sub3A_1321 = arith.subi %sub3A_1320, %shift_right_logical3A_1318 : vector<16xi32>
    %bitcast3A_1322 = vector.bitcast %sub3A_1321 : vector<16xi32> to vector<16xf32>
    %mul3A_1323 = arith.constant 5.000000e-01 : f32
    %mul3A_1324 = vector.broadcast %mul3A_1323 : f32 to vector<16xf32>
    %mul3A_1325 = arith.mulf %mul3A_1324, %add3A_1314 : vector<16xf32>
    %mul3A_1326 = arith.mulf %mul3A_1325, %bitcast3A_1322 : vector<16xf32>
    %mul3A_1327 = arith.mulf %mul3A_1326, %bitcast3A_1322 : vector<16xf32>
    %sub3A_1328 = arith.constant 1.500000e+00 : f32
    %sub3A_1329 = vector.broadcast %sub3A_1328 : f32 to vector<16xf32>
    %sub3A_1330 = arith.subf %sub3A_1329, %mul3A_1327 : vector<16xf32>
    %mul3A_1331 = arith.mulf %bitcast3A_1322, %sub3A_1330 : vector<16xf32>
    %mul3A_1332 = arith.constant 5.000000e-01 : f32
    %mul3A_1333 = vector.broadcast %mul3A_1332 : f32 to vector<16xf32>
    %mul3A_1334 = arith.mulf %mul3A_1333, %add3A_1314 : vector<16xf32>
    %mul3A_1335 = arith.mulf %mul3A_1334, %mul3A_1331 : vector<16xf32>
    %mul3A_1336 = arith.mulf %mul3A_1335, %mul3A_1331 : vector<16xf32>
    %sub3A_1337 = arith.constant 1.500000e+00 : f32
    %sub3A_1338 = vector.broadcast %sub3A_1337 : f32 to vector<16xf32>
    %sub3A_1339 = arith.subf %sub3A_1338, %mul3A_1336 : vector<16xf32>
    %mul3A_1340 = arith.mulf %mul3A_1331, %sub3A_1339 : vector<16xf32>
    %mul3A_1341 = arith.constant 5.000000e-01 : f32
    %mul3A_1342 = vector.broadcast %mul3A_1341 : f32 to vector<16xf32>
    %mul3A_1343 = arith.mulf %mul3A_1342, %add3A_1314 : vector<16xf32>
    %mul3A_1344 = arith.mulf %mul3A_1343, %mul3A_1340 : vector<16xf32>
    %mul3A_1345 = arith.mulf %mul3A_1344, %mul3A_1340 : vector<16xf32>
    %sub3A_1346 = arith.constant 1.500000e+00 : f32
    %sub3A_1347 = vector.broadcast %sub3A_1346 : f32 to vector<16xf32>
    %sub3A_1348 = arith.subf %sub3A_1347, %mul3A_1345 : vector<16xf32>
    %mul3A_1349 = arith.mulf %mul3A_1340, %sub3A_1348 : vector<16xf32>
    %swap3A_1350 = arith.constant 496 : index
    %swap3A_1351 = tpu.vector_load %arg14[%swap3A_1350] {strides = array<i32>} : memref<640xf32, #tpu.memory_space<vmem>>, vector<16xf32>,
    tpu.vector_store %arg14[%swap3A_1350], %mul3A_1349 {strides = array<i32>} : memref<640xf32, #tpu.memory_space<vmem>>, vector<16xf32>,
    %get3A_1352 = arith.constant 512 : index
    %get3A_1353 = tpu.vector_load %arg13[%get3A_1352] {strides = array<i32>} : memref<640xf32, #tpu.memory_space<vmem>>, vector<16xf32>,
    %add3A_1354 = arith.constant 1.000000e+00 : f32
    %add3A_1355 = vector.broadcast %add3A_1354 : f32 to vector<16xf32>
    %add3A_1356 = arith.addf %get3A_1353, %add3A_1355 : vector<16xf32>
    %bitcast3A_1357 = vector.bitcast %add3A_1356 : vector<16xf32> to vector<16xi32>
    %shift_right_logical3A_1358 = arith.constant 1 : i32
    %shift_right_logical3A_1359 = vector.broadcast %shift_right_logical3A_1358 : i32 to vector<16xi32>
    %shift_right_logical3A_1360 = arith.shrui %bitcast3A_1357, %shift_right_logical3A_1359 : vector<16xi32>
    %sub3A_1361 = arith.constant 1597463007 : i32
    %sub3A_1362 = vector.broadcast %sub3A_1361 : i32 to vector<16xi32>
    %sub3A_1363 = arith.subi %sub3A_1362, %shift_right_logical3A_1360 : vector<16xi32>
    %bitcast3A_1364 = vector.bitcast %sub3A_1363 : vector<16xi32> to vector<16xf32>
    %mul3A_1365 = arith.constant 5.000000e-01 : f32
    %mul3A_1366 = vector.broadcast %mul3A_1365 : f32 to vector<16xf32>
    %mul3A_1367 = arith.mulf %mul3A_1366, %add3A_1356 : vector<16xf32>
    %mul3A_1368 = arith.mulf %mul3A_1367, %bitcast3A_1364 : vector<16xf32>
    %mul3A_1369 = arith.mulf %mul3A_1368, %bitcast3A_1364 : vector<16xf32>
    %sub3A_1370 = arith.constant 1.500000e+00 : f32
    %sub3A_1371 = vector.broadcast %sub3A_1370 : f32 to vector<16xf32>
    %sub3A_1372 = arith.subf %sub3A_1371, %mul3A_1369 : vector<16xf32>
    %mul3A_1373 = arith.mulf %bitcast3A_1364, %sub3A_1372 : vector<16xf32>
    %mul3A_1374 = arith.constant 5.000000e-01 : f32
    %mul3A_1375 = vector.broadcast %mul3A_1374 : f32 to vector<16xf32>
    %mul3A_1376 = arith.mulf %mul3A_1375, %add3A_1356 : vector<16xf32>
    %mul3A_1377 = arith.mulf %mul3A_1376, %mul3A_1373 : vector<16xf32>
    %mul3A_1378 = arith.mulf %mul3A_1377, %mul3A_1373 : vector<16xf32>
    %sub3A_1379 = arith.constant 1.500000e+00 : f32
    %sub3A_1380 = vector.broadcast %sub3A_1379 : f32 to vector<16xf32>
    %sub3A_1381 = arith.subf %sub3A_1380, %mul3A_1378 : vector<16xf32>
    %mul3A_1382 = arith.mulf %mul3A_1373, %sub3A_1381 : vector<16xf32>
    %mul3A_1383 = arith.constant 5.000000e-01 : f32
    %mul3A_1384 = vector.broadcast %mul3A_1383 : f32 to vector<16xf32>
    %mul3A_1385 = arith.mulf %mul3A_1384, %add3A_1356 : vector<16xf32>
    %mul3A_1386 = arith.mulf %mul3A_1385, %mul3A_1382 : vector<16xf32>
    %mul3A_1387 = arith.mulf %mul3A_1386, %mul3A_1382 : vector<16xf32>
    %sub3A_1388 = arith.constant 1.500000e+00 : f32
    %sub3A_1389 = vector.broadcast %sub3A_1388 : f32 to vector<16xf32>
    %sub3A_1390 = arith.subf %sub3A_1389, %mul3A_1387 : vector<16xf32>
    %mul3A_1391 = arith.mulf %mul3A_1382, %sub3A_1390 : vector<16xf32>
    %swap3A_1392 = arith.constant 512 : index
    %swap3A_1393 = tpu.vector_load %arg14[%swap3A_1392] {strides = array<i32>} : memref<640xf32, #tpu.memory_space<vmem>>, vector<16xf32>,
    tpu.vector_store %arg14[%swap3A_1392], %mul3A_1391 {strides = array<i32>} : memref<640xf32, #tpu.memory_space<vmem>>, vector<16xf32>,
    %get3A_1394 = arith.constant 528 : index
    %get3A_1395 = tpu.vector_load %arg13[%get3A_1394] {strides = array<i32>} : memref<640xf32, #tpu.memory_space<vmem>>, vector<16xf32>,
    %add3A_1396 = arith.constant 1.000000e+00 : f32
    %add3A_1397 = vector.broadcast %add3A_1396 : f32 to vector<16xf32>
    %add3A_1398 = arith.addf %get3A_1395, %add3A_1397 : vector<16xf32>
    %bitcast3A_1399 = vector.bitcast %add3A_1398 : vector<16xf32> to vector<16xi32>
    %shift_right_logical3A_1400 = arith.constant 1 : i32
    %shift_right_logical3A_1401 = vector.broadcast %shift_right_logical3A_1400 : i32 to vector<16xi32>
    %shift_right_logical3A_1402 = arith.shrui %bitcast3A_1399, %shift_right_logical3A_1401 : vector<16xi32>
    %sub3A_1403 = arith.constant 1597463007 : i32
    %sub3A_1404 = vector.broadcast %sub3A_1403 : i32 to vector<16xi32>
    %sub3A_1405 = arith.subi %sub3A_1404, %shift_right_logical3A_1402 : vector<16xi32>
    %bitcast3A_1406 = vector.bitcast %sub3A_1405 : vector<16xi32> to vector<16xf32>
    %mul3A_1407 = arith.constant 5.000000e-01 : f32
    %mul3A_1408 = vector.broadcast %mul3A_1407 : f32 to vector<16xf32>
    %mul3A_1409 = arith.mulf %mul3A_1408, %add3A_1398 : vector<16xf32>
    %mul3A_1410 = arith.mulf %mul3A_1409, %bitcast3A_1406 : vector<16xf32>
    %mul3A_1411 = arith.mulf %mul3A_1410, %bitcast3A_1406 : vector<16xf32>
    %sub3A_1412 = arith.constant 1.500000e+00 : f32
    %sub3A_1413 = vector.broadcast %sub3A_1412 : f32 to vector<16xf32>
    %sub3A_1414 = arith.subf %sub3A_1413, %mul3A_1411 : vector<16xf32>
    %mul3A_1415 = arith.mulf %bitcast3A_1406, %sub3A_1414 : vector<16xf32>
    %mul3A_1416 = arith.constant 5.000000e-01 : f32
    %mul3A_1417 = vector.broadcast %mul3A_1416 : f32 to vector<16xf32>
    %mul3A_1418 = arith.mulf %mul3A_1417, %add3A_1398 : vector<16xf32>
    %mul3A_1419 = arith.mulf %mul3A_1418, %mul3A_1415 : vector<16xf32>
    %mul3A_1420 = arith.mulf %mul3A_1419, %mul3A_1415 : vector<16xf32>
    %sub3A_1421 = arith.constant 1.500000e+00 : f32
    %sub3A_1422 = vector.broadcast %sub3A_1421 : f32 to vector<16xf32>
    %sub3A_1423 = arith.subf %sub3A_1422, %mul3A_1420 : vector<16xf32>
    %mul3A_1424 = arith.mulf %mul3A_1415, %sub3A_1423 : vector<16xf32>
    %mul3A_1425 = arith.constant 5.000000e-01 : f32
    %mul3A_1426 = vector.broadcast %mul3A_1425 : f32 to vector<16xf32>
    %mul3A_1427 = arith.mulf %mul3A_1426, %add3A_1398 : vector<16xf32>
    %mul3A_1428 = arith.mulf %mul3A_1427, %mul3A_1424 : vector<16xf32>
    %mul3A_1429 = arith.mulf %mul3A_1428, %mul3A_1424 : vector<16xf32>
    %sub3A_1430 = arith.constant 1.500000e+00 : f32
    %sub3A_1431 = vector.broadcast %sub3A_1430 : f32 to vector<16xf32>
    %sub3A_1432 = arith.subf %sub3A_1431, %mul3A_1429 : vector<16xf32>
    %mul3A_1433 = arith.mulf %mul3A_1424, %sub3A_1432 : vector<16xf32>
    %swap3A_1434 = arith.constant 528 : index
    %swap3A_1435 = tpu.vector_load %arg14[%swap3A_1434] {strides = array<i32>} : memref<640xf32, #tpu.memory_space<vmem>>, vector<16xf32>,
    tpu.vector_store %arg14[%swap3A_1434], %mul3A_1433 {strides = array<i32>} : memref<640xf32, #tpu.memory_space<vmem>>, vector<16xf32>,
    %get3A_1436 = arith.constant 544 : index
    %get3A_1437 = tpu.vector_load %arg13[%get3A_1436] {strides = array<i32>} : memref<640xf32, #tpu.memory_space<vmem>>, vector<16xf32>,
    %add3A_1438 = arith.constant 1.000000e+00 : f32
    %add3A_1439 = vector.broadcast %add3A_1438 : f32 to vector<16xf32>
    %add3A_1440 = arith.addf %get3A_1437, %add3A_1439 : vector<16xf32>
    %bitcast3A_1441 = vector.bitcast %add3A_1440 : vector<16xf32> to vector<16xi32>
    %shift_right_logical3A_1442 = arith.constant 1 : i32
    %shift_right_logical3A_1443 = vector.broadcast %shift_right_logical3A_1442 : i32 to vector<16xi32>
    %shift_right_logical3A_1444 = arith.shrui %bitcast3A_1441, %shift_right_logical3A_1443 : vector<16xi32>
    %sub3A_1445 = arith.constant 1597463007 : i32
    %sub3A_1446 = vector.broadcast %sub3A_1445 : i32 to vector<16xi32>
    %sub3A_1447 = arith.subi %sub3A_1446, %shift_right_logical3A_1444 : vector<16xi32>
    %bitcast3A_1448 = vector.bitcast %sub3A_1447 : vector<16xi32> to vector<16xf32>
    %mul3A_1449 = arith.constant 5.000000e-01 : f32
    %mul3A_1450 = vector.broadcast %mul3A_1449 : f32 to vector<16xf32>
    %mul3A_1451 = arith.mulf %mul3A_1450, %add3A_1440 : vector<16xf32>
    %mul3A_1452 = arith.mulf %mul3A_1451, %bitcast3A_1448 : vector<16xf32>
    %mul3A_1453 = arith.mulf %mul3A_1452, %bitcast3A_1448 : vector<16xf32>
    %sub3A_1454 = arith.constant 1.500000e+00 : f32
    %sub3A_1455 = vector.broadcast %sub3A_1454 : f32 to vector<16xf32>
    %sub3A_1456 = arith.subf %sub3A_1455, %mul3A_1453 : vector<16xf32>
    %mul3A_1457 = arith.mulf %bitcast3A_1448, %sub3A_1456 : vector<16xf32>
    %mul3A_1458 = arith.constant 5.000000e-01 : f32
    %mul3A_1459 = vector.broadcast %mul3A_1458 : f32 to vector<16xf32>
    %mul3A_1460 = arith.mulf %mul3A_1459, %add3A_1440 : vector<16xf32>
    %mul3A_1461 = arith.mulf %mul3A_1460, %mul3A_1457 : vector<16xf32>
    %mul3A_1462 = arith.mulf %mul3A_1461, %mul3A_1457 : vector<16xf32>
    %sub3A_1463 = arith.constant 1.500000e+00 : f32
    %sub3A_1464 = vector.broadcast %sub3A_1463 : f32 to vector<16xf32>
    %sub3A_1465 = arith.subf %sub3A_1464, %mul3A_1462 : vector<16xf32>
    %mul3A_1466 = arith.mulf %mul3A_1457, %sub3A_1465 : vector<16xf32>
    %mul3A_1467 = arith.constant 5.000000e-01 : f32
    %mul3A_1468 = vector.broadcast %mul3A_1467 : f32 to vector<16xf32>
    %mul3A_1469 = arith.mulf %mul3A_1468, %add3A_1440 : vector<16xf32>
    %mul3A_1470 = arith.mulf %mul3A_1469, %mul3A_1466 : vector<16xf32>
    %mul3A_1471 = arith.mulf %mul3A_1470, %mul3A_1466 : vector<16xf32>
    %sub3A_1472 = arith.constant 1.500000e+00 : f32
    %sub3A_1473 = vector.broadcast %sub3A_1472 : f32 to vector<16xf32>
    %sub3A_1474 = arith.subf %sub3A_1473, %mul3A_1471 : vector<16xf32>
    %mul3A_1475 = arith.mulf %mul3A_1466, %sub3A_1474 : vector<16xf32>
    %swap3A_1476 = arith.constant 544 : index
    %swap3A_1477 = tpu.vector_load %arg14[%swap3A_1476] {strides = array<i32>} : memref<640xf32, #tpu.memory_space<vmem>>, vector<16xf32>,
    tpu.vector_store %arg14[%swap3A_1476], %mul3A_1475 {strides = array<i32>} : memref<640xf32, #tpu.memory_space<vmem>>, vector<16xf32>,
    %get3A_1478 = arith.constant 560 : index
    %get3A_1479 = tpu.vector_load %arg13[%get3A_1478] {strides = array<i32>} : memref<640xf32, #tpu.memory_space<vmem>>, vector<16xf32>,
    %add3A_1480 = arith.constant 1.000000e+00 : f32
    %add3A_1481 = vector.broadcast %add3A_1480 : f32 to vector<16xf32>
    %add3A_1482 = arith.addf %get3A_1479, %add3A_1481 : vector<16xf32>
    %bitcast3A_1483 = vector.bitcast %add3A_1482 : vector<16xf32> to vector<16xi32>
    %shift_right_logical3A_1484 = arith.constant 1 : i32
    %shift_right_logical3A_1485 = vector.broadcast %shift_right_logical3A_1484 : i32 to vector<16xi32>
    %shift_right_logical3A_1486 = arith.shrui %bitcast3A_1483, %shift_right_logical3A_1485 : vector<16xi32>
    %sub3A_1487 = arith.constant 1597463007 : i32
    %sub3A_1488 = vector.broadcast %sub3A_1487 : i32 to vector<16xi32>
    %sub3A_1489 = arith.subi %sub3A_1488, %shift_right_logical3A_1486 : vector<16xi32>
    %bitcast3A_1490 = vector.bitcast %sub3A_1489 : vector<16xi32> to vector<16xf32>
    %mul3A_1491 = arith.constant 5.000000e-01 : f32
    %mul3A_1492 = vector.broadcast %mul3A_1491 : f32 to vector<16xf32>
    %mul3A_1493 = arith.mulf %mul3A_1492, %add3A_1482 : vector<16xf32>
    %mul3A_1494 = arith.mulf %mul3A_1493, %bitcast3A_1490 : vector<16xf32>
    %mul3A_1495 = arith.mulf %mul3A_1494, %bitcast3A_1490 : vector<16xf32>
    %sub3A_1496 = arith.constant 1.500000e+00 : f32
    %sub3A_1497 = vector.broadcast %sub3A_1496 : f32 to vector<16xf32>
    %sub3A_1498 = arith.subf %sub3A_1497, %mul3A_1495 : vector<16xf32>
    %mul3A_1499 = arith.mulf %bitcast3A_1490, %sub3A_1498 : vector<16xf32>
    %mul3A_1500 = arith.constant 5.000000e-01 : f32
    %mul3A_1501 = vector.broadcast %mul3A_1500 : f32 to vector<16xf32>
    %mul3A_1502 = arith.mulf %mul3A_1501, %add3A_1482 : vector<16xf32>
    %mul3A_1503 = arith.mulf %mul3A_1502, %mul3A_1499 : vector<16xf32>
    %mul3A_1504 = arith.mulf %mul3A_1503, %mul3A_1499 : vector<16xf32>
    %sub3A_1505 = arith.constant 1.500000e+00 : f32
    %sub3A_1506 = vector.broadcast %sub3A_1505 : f32 to vector<16xf32>
    %sub3A_1507 = arith.subf %sub3A_1506, %mul3A_1504 : vector<16xf32>
    %mul3A_1508 = arith.mulf %mul3A_1499, %sub3A_1507 : vector<16xf32>
    %mul3A_1509 = arith.constant 5.000000e-01 : f32
    %mul3A_1510 = vector.broadcast %mul3A_1509 : f32 to vector<16xf32>
    %mul3A_1511 = arith.mulf %mul3A_1510, %add3A_1482 : vector<16xf32>
    %mul3A_1512 = arith.mulf %mul3A_1511, %mul3A_1508 : vector<16xf32>
    %mul3A_1513 = arith.mulf %mul3A_1512, %mul3A_1508 : vector<16xf32>
    %sub3A_1514 = arith.constant 1.500000e+00 : f32
    %sub3A_1515 = vector.broadcast %sub3A_1514 : f32 to vector<16xf32>
    %sub3A_1516 = arith.subf %sub3A_1515, %mul3A_1513 : vector<16xf32>
    %mul3A_1517 = arith.mulf %mul3A_1508, %sub3A_1516 : vector<16xf32>
    %swap3A_1518 = arith.constant 560 : index
    %swap3A_1519 = tpu.vector_load %arg14[%swap3A_1518] {strides = array<i32>} : memref<640xf32, #tpu.memory_space<vmem>>, vector<16xf32>,
    tpu.vector_store %arg14[%swap3A_1518], %mul3A_1517 {strides = array<i32>} : memref<640xf32, #tpu.memory_space<vmem>>, vector<16xf32>,
    %get3A_1520 = arith.constant 576 : index
    %get3A_1521 = tpu.vector_load %arg13[%get3A_1520] {strides = array<i32>} : memref<640xf32, #tpu.memory_space<vmem>>, vector<16xf32>,
    %add3A_1522 = arith.constant 1.000000e+00 : f32
    %add3A_1523 = vector.broadcast %add3A_1522 : f32 to vector<16xf32>
    %add3A_1524 = arith.addf %get3A_1521, %add3A_1523 : vector<16xf32>
    %bitcast3A_1525 = vector.bitcast %add3A_1524 : vector<16xf32> to vector<16xi32>
    %shift_right_logical3A_1526 = arith.constant 1 : i32
    %shift_right_logical3A_1527 = vector.broadcast %shift_right_logical3A_1526 : i32 to vector<16xi32>
    %shift_right_logical3A_1528 = arith.shrui %bitcast3A_1525, %shift_right_logical3A_1527 : vector<16xi32>
    %sub3A_1529 = arith.constant 1597463007 : i32
    %sub3A_1530 = vector.broadcast %sub3A_1529 : i32 to vector<16xi32>
    %sub3A_1531 = arith.subi %sub3A_1530, %shift_right_logical3A_1528 : vector<16xi32>
    %bitcast3A_1532 = vector.bitcast %sub3A_1531 : vector<16xi32> to vector<16xf32>
    %mul3A_1533 = arith.constant 5.000000e-01 : f32
    %mul3A_1534 = vector.broadcast %mul3A_1533 : f32 to vector<16xf32>
    %mul3A_1535 = arith.mulf %mul3A_1534, %add3A_1524 : vector<16xf32>
    %mul3A_1536 = arith.mulf %mul3A_1535, %bitcast3A_1532 : vector<16xf32>
    %mul3A_1537 = arith.mulf %mul3A_1536, %bitcast3A_1532 : vector<16xf32>
    %sub3A_1538 = arith.constant 1.500000e+00 : f32
    %sub3A_1539 = vector.broadcast %sub3A_1538 : f32 to vector<16xf32>
    %sub3A_1540 = arith.subf %sub3A_1539, %mul3A_1537 : vector<16xf32>
    %mul3A_1541 = arith.mulf %bitcast3A_1532, %sub3A_1540 : vector<16xf32>
    %mul3A_1542 = arith.constant 5.000000e-01 : f32
    %mul3A_1543 = vector.broadcast %mul3A_1542 : f32 to vector<16xf32>
    %mul3A_1544 = arith.mulf %mul3A_1543, %add3A_1524 : vector<16xf32>
    %mul3A_1545 = arith.mulf %mul3A_1544, %mul3A_1541 : vector<16xf32>
    %mul3A_1546 = arith.mulf %mul3A_1545, %mul3A_1541 : vector<16xf32>
    %sub3A_1547 = arith.constant 1.500000e+00 : f32
    %sub3A_1548 = vector.broadcast %sub3A_1547 : f32 to vector<16xf32>
    %sub3A_1549 = arith.subf %sub3A_1548, %mul3A_1546 : vector<16xf32>
    %mul3A_1550 = arith.mulf %mul3A_1541, %sub3A_1549 : vector<16xf32>
    %mul3A_1551 = arith.constant 5.000000e-01 : f32
    %mul3A_1552 = vector.broadcast %mul3A_1551 : f32 to vector<16xf32>
    %mul3A_1553 = arith.mulf %mul3A_1552, %add3A_1524 : vector<16xf32>
    %mul3A_1554 = arith.mulf %mul3A_1553, %mul3A_1550 : vector<16xf32>
    %mul3A_1555 = arith.mulf %mul3A_1554, %mul3A_1550 : vector<16xf32>
    %sub3A_1556 = arith.constant 1.500000e+00 : f32
    %sub3A_1557 = vector.broadcast %sub3A_1556 : f32 to vector<16xf32>
    %sub3A_1558 = arith.subf %sub3A_1557, %mul3A_1555 : vector<16xf32>
    %mul3A_1559 = arith.mulf %mul3A_1550, %sub3A_1558 : vector<16xf32>
    %swap3A_1560 = arith.constant 576 : index
    %swap3A_1561 = tpu.vector_load %arg14[%swap3A_1560] {strides = array<i32>} : memref<640xf32, #tpu.memory_space<vmem>>, vector<16xf32>,
    tpu.vector_store %arg14[%swap3A_1560], %mul3A_1559 {strides = array<i32>} : memref<640xf32, #tpu.memory_space<vmem>>, vector<16xf32>,
    %get3A_1562 = arith.constant 592 : index
    %get3A_1563 = tpu.vector_load %arg13[%get3A_1562] {strides = array<i32>} : memref<640xf32, #tpu.memory_space<vmem>>, vector<16xf32>,
    %add3A_1564 = arith.constant 1.000000e+00 : f32
    %add3A_1565 = vector.broadcast %add3A_1564 : f32 to vector<16xf32>
    %add3A_1566 = arith.addf %get3A_1563, %add3A_1565 : vector<16xf32>
    %bitcast3A_1567 = vector.bitcast %add3A_1566 : vector<16xf32> to vector<16xi32>
    %shift_right_logical3A_1568 = arith.constant 1 : i32
    %shift_right_logical3A_1569 = vector.broadcast %shift_right_logical3A_1568 : i32 to vector<16xi32>
    %shift_right_logical3A_1570 = arith.shrui %bitcast3A_1567, %shift_right_logical3A_1569 : vector<16xi32>
    %sub3A_1571 = arith.constant 1597463007 : i32
    %sub3A_1572 = vector.broadcast %sub3A_1571 : i32 to vector<16xi32>
    %sub3A_1573 = arith.subi %sub3A_1572, %shift_right_logical3A_1570 : vector<16xi32>
    %bitcast3A_1574 = vector.bitcast %sub3A_1573 : vector<16xi32> to vector<16xf32>
    %mul3A_1575 = arith.constant 5.000000e-01 : f32
    %mul3A_1576 = vector.broadcast %mul3A_1575 : f32 to vector<16xf32>
    %mul3A_1577 = arith.mulf %mul3A_1576, %add3A_1566 : vector<16xf32>
    %mul3A_1578 = arith.mulf %mul3A_1577, %bitcast3A_1574 : vector<16xf32>
    %mul3A_1579 = arith.mulf %mul3A_1578, %bitcast3A_1574 : vector<16xf32>
    %sub3A_1580 = arith.constant 1.500000e+00 : f32
    %sub3A_1581 = vector.broadcast %sub3A_1580 : f32 to vector<16xf32>
    %sub3A_1582 = arith.subf %sub3A_1581, %mul3A_1579 : vector<16xf32>
    %mul3A_1583 = arith.mulf %bitcast3A_1574, %sub3A_1582 : vector<16xf32>
    %mul3A_1584 = arith.constant 5.000000e-01 : f32
    %mul3A_1585 = vector.broadcast %mul3A_1584 : f32 to vector<16xf32>
    %mul3A_1586 = arith.mulf %mul3A_1585, %add3A_1566 : vector<16xf32>
    %mul3A_1587 = arith.mulf %mul3A_1586, %mul3A_1583 : vector<16xf32>
    %mul3A_1588 = arith.mulf %mul3A_1587, %mul3A_1583 : vector<16xf32>
    %sub3A_1589 = arith.constant 1.500000e+00 : f32
    %sub3A_1590 = vector.broadcast %sub3A_1589 : f32 to vector<16xf32>
    %sub3A_1591 = arith.subf %sub3A_1590, %mul3A_1588 : vector<16xf32>
    %mul3A_1592 = arith.mulf %mul3A_1583, %sub3A_1591 : vector<16xf32>
    %mul3A_1593 = arith.constant 5.000000e-01 : f32
    %mul3A_1594 = vector.broadcast %mul3A_1593 : f32 to vector<16xf32>
    %mul3A_1595 = arith.mulf %mul3A_1594, %add3A_1566 : vector<16xf32>
    %mul3A_1596 = arith.mulf %mul3A_1595, %mul3A_1592 : vector<16xf32>
    %mul3A_1597 = arith.mulf %mul3A_1596, %mul3A_1592 : vector<16xf32>
    %sub3A_1598 = arith.constant 1.500000e+00 : f32
    %sub3A_1599 = vector.broadcast %sub3A_1598 : f32 to vector<16xf32>
    %sub3A_1600 = arith.subf %sub3A_1599, %mul3A_1597 : vector<16xf32>
    %mul3A_1601 = arith.mulf %mul3A_1592, %sub3A_1600 : vector<16xf32>
    %swap3A_1602 = arith.constant 592 : index
    %swap3A_1603 = tpu.vector_load %arg14[%swap3A_1602] {strides = array<i32>} : memref<640xf32, #tpu.memory_space<vmem>>, vector<16xf32>,
    tpu.vector_store %arg14[%swap3A_1602], %mul3A_1601 {strides = array<i32>} : memref<640xf32, #tpu.memory_space<vmem>>, vector<16xf32>,
    %get3A_1604 = arith.constant 608 : index
    %get3A_1605 = tpu.vector_load %arg13[%get3A_1604] {strides = array<i32>} : memref<640xf32, #tpu.memory_space<vmem>>, vector<16xf32>,
    %add3A_1606 = arith.constant 1.000000e+00 : f32
    %add3A_1607 = vector.broadcast %add3A_1606 : f32 to vector<16xf32>
    %add3A_1608 = arith.addf %get3A_1605, %add3A_1607 : vector<16xf32>
    %bitcast3A_1609 = vector.bitcast %add3A_1608 : vector<16xf32> to vector<16xi32>
    %shift_right_logical3A_1610 = arith.constant 1 : i32
    %shift_right_logical3A_1611 = vector.broadcast %shift_right_logical3A_1610 : i32 to vector<16xi32>
    %shift_right_logical3A_1612 = arith.shrui %bitcast3A_1609, %shift_right_logical3A_1611 : vector<16xi32>
    %sub3A_1613 = arith.constant 1597463007 : i32
    %sub3A_1614 = vector.broadcast %sub3A_1613 : i32 to vector<16xi32>
    %sub3A_1615 = arith.subi %sub3A_1614, %shift_right_logical3A_1612 : vector<16xi32>
    %bitcast3A_1616 = vector.bitcast %sub3A_1615 : vector<16xi32> to vector<16xf32>
    %mul3A_1617 = arith.constant 5.000000e-01 : f32
    %mul3A_1618 = vector.broadcast %mul3A_1617 : f32 to vector<16xf32>
    %mul3A_1619 = arith.mulf %mul3A_1618, %add3A_1608 : vector<16xf32>
    %mul3A_1620 = arith.mulf %mul3A_1619, %bitcast3A_1616 : vector<16xf32>
    %mul3A_1621 = arith.mulf %mul3A_1620, %bitcast3A_1616 : vector<16xf32>
    %sub3A_1622 = arith.constant 1.500000e+00 : f32
    %sub3A_1623 = vector.broadcast %sub3A_1622 : f32 to vector<16xf32>
    %sub3A_1624 = arith.subf %sub3A_1623, %mul3A_1621 : vector<16xf32>
    %mul3A_1625 = arith.mulf %bitcast3A_1616, %sub3A_1624 : vector<16xf32>
    %mul3A_1626 = arith.constant 5.000000e-01 : f32
    %mul3A_1627 = vector.broadcast %mul3A_1626 : f32 to vector<16xf32>
    %mul3A_1628 = arith.mulf %mul3A_1627, %add3A_1608 : vector<16xf32>
    %mul3A_1629 = arith.mulf %mul3A_1628, %mul3A_1625 : vector<16xf32>
    %mul3A_1630 = arith.mulf %mul3A_1629, %mul3A_1625 : vector<16xf32>
    %sub3A_1631 = arith.constant 1.500000e+00 : f32
    %sub3A_1632 = vector.broadcast %sub3A_1631 : f32 to vector<16xf32>
    %sub3A_1633 = arith.subf %sub3A_1632, %mul3A_1630 : vector<16xf32>
    %mul3A_1634 = arith.mulf %mul3A_1625, %sub3A_1633 : vector<16xf32>
    %mul3A_1635 = arith.constant 5.000000e-01 : f32
    %mul3A_1636 = vector.broadcast %mul3A_1635 : f32 to vector<16xf32>
    %mul3A_1637 = arith.mulf %mul3A_1636, %add3A_1608 : vector<16xf32>
    %mul3A_1638 = arith.mulf %mul3A_1637, %mul3A_1634 : vector<16xf32>
    %mul3A_1639 = arith.mulf %mul3A_1638, %mul3A_1634 : vector<16xf32>
    %sub3A_1640 = arith.constant 1.500000e+00 : f32
    %sub3A_1641 = vector.broadcast %sub3A_1640 : f32 to vector<16xf32>
    %sub3A_1642 = arith.subf %sub3A_1641, %mul3A_1639 : vector<16xf32>
    %mul3A_1643 = arith.mulf %mul3A_1634, %sub3A_1642 : vector<16xf32>
    %swap3A_1644 = arith.constant 608 : index
    %swap3A_1645 = tpu.vector_load %arg14[%swap3A_1644] {strides = array<i32>} : memref<640xf32, #tpu.memory_space<vmem>>, vector<16xf32>,
    tpu.vector_store %arg14[%swap3A_1644], %mul3A_1643 {strides = array<i32>} : memref<640xf32, #tpu.memory_space<vmem>>, vector<16xf32>,
    %get3A_1646 = arith.constant 624 : index
    %get3A_1647 = tpu.vector_load %arg13[%get3A_1646] {strides = array<i32>} : memref<640xf32, #tpu.memory_space<vmem>>, vector<16xf32>,
    %add3A_1648 = arith.constant 1.000000e+00 : f32
    %add3A_1649 = vector.broadcast %add3A_1648 : f32 to vector<16xf32>
    %add3A_1650 = arith.addf %get3A_1647, %add3A_1649 : vector<16xf32>
    %bitcast3A_1651 = vector.bitcast %add3A_1650 : vector<16xf32> to vector<16xi32>
    %shift_right_logical3A_1652 = arith.constant 1 : i32
    %shift_right_logical3A_1653 = vector.broadcast %shift_right_logical3A_1652 : i32 to vector<16xi32>
    %shift_right_logical3A_1654 = arith.shrui %bitcast3A_1651, %shift_right_logical3A_1653 : vector<16xi32>
    %sub3A_1655 = arith.constant 1597463007 : i32
    %sub3A_1656 = vector.broadcast %sub3A_1655 : i32 to vector<16xi32>
    %sub3A_1657 = arith.subi %sub3A_1656, %shift_right_logical3A_1654 : vector<16xi32>
    %bitcast3A_1658 = vector.bitcast %sub3A_1657 : vector<16xi32> to vector<16xf32>
    %mul3A_1659 = arith.constant 5.000000e-01 : f32
    %mul3A_1660 = vector.broadcast %mul3A_1659 : f32 to vector<16xf32>
    %mul3A_1661 = arith.mulf %mul3A_1660, %add3A_1650 : vector<16xf32>
    %mul3A_1662 = arith.mulf %mul3A_1661, %bitcast3A_1658 : vector<16xf32>
    %mul3A_1663 = arith.mulf %mul3A_1662, %bitcast3A_1658 : vector<16xf32>
    %sub3A_1664 = arith.constant 1.500000e+00 : f32
    %sub3A_1665 = vector.broadcast %sub3A_1664 : f32 to vector<16xf32>
    %sub3A_1666 = arith.subf %sub3A_1665, %mul3A_1663 : vector<16xf32>
    %mul3A_1667 = arith.mulf %bitcast3A_1658, %sub3A_1666 : vector<16xf32>
    %mul3A_1668 = arith.constant 5.000000e-01 : f32
    %mul3A_1669 = vector.broadcast %mul3A_1668 : f32 to vector<16xf32>
    %mul3A_1670 = arith.mulf %mul3A_1669, %add3A_1650 : vector<16xf32>
    %mul3A_1671 = arith.mulf %mul3A_1670, %mul3A_1667 : vector<16xf32>
    %mul3A_1672 = arith.mulf %mul3A_1671, %mul3A_1667 : vector<16xf32>
    %sub3A_1673 = arith.constant 1.500000e+00 : f32
    %sub3A_1674 = vector.broadcast %sub3A_1673 : f32 to vector<16xf32>
    %sub3A_1675 = arith.subf %sub3A_1674, %mul3A_1672 : vector<16xf32>
    %mul3A_1676 = arith.mulf %mul3A_1667, %sub3A_1675 : vector<16xf32>
    %mul3A_1677 = arith.constant 5.000000e-01 : f32
    %mul3A_1678 = vector.broadcast %mul3A_1677 : f32 to vector<16xf32>
    %mul3A_1679 = arith.mulf %mul3A_1678, %add3A_1650 : vector<16xf32>
    %mul3A_1680 = arith.mulf %mul3A_1679, %mul3A_1676 : vector<16xf32>
    %mul3A_1681 = arith.mulf %mul3A_1680, %mul3A_1676 : vector<16xf32>
    %sub3A_1682 = arith.constant 1.500000e+00 : f32
    %sub3A_1683 = vector.broadcast %sub3A_1682 : f32 to vector<16xf32>
    %sub3A_1684 = arith.subf %sub3A_1683, %mul3A_1681 : vector<16xf32>
    %mul3A_1685 = arith.mulf %mul3A_1676, %sub3A_1684 : vector<16xf32>
    %swap3A_1686 = arith.constant 624 : index
    %swap3A_1687 = tpu.vector_load %arg14[%swap3A_1686] {strides = array<i32>} : memref<640xf32, #tpu.memory_space<vmem>>, vector<16xf32>,
    tpu.vector_store %arg14[%swap3A_1686], %mul3A_1685 {strides = array<i32>} : memref<640xf32, #tpu.memory_space<vmem>>, vector<16xf32>,
    %scan3A_1688 = arith.constant 0 : i32
    %scan3A_1689 = arith.constant 0 : i32
    %scan3A_1690 = arith.constant 80 : i32
    %scan3A_1691 = arith.addi %scan3A_1689, %scan3A_1690 : i32
    %scan3A_1692 = arith.constant 1 : i32
    scf.for %scan3A_1813 = %scan3A_1689 to %scan3A_1691 step %scan3A_1692  : i32 {
      %mul3A_1814 = arith.constant 8 : i32
      %mul3A_1815 = arith.muli %mul3A_1814, %scan3A_1813 : i32
      %add3A_1816 = arith.constant 0 : i32
      %add3A_1817 = arith.addi %mul3A_1815, %add3A_1816 : i32
      %broadcast_in_dim3A = vector.broadcast %add3A_1817 : i32 to vector<16xi32>
      %gather3A = tpu.vector_load_idx %arg14[%broadcast_in_dim3A] : memref<640xf32, #tpu.memory_space<vmem>>[vector<16xi32>], vector<16xf32>,
      %get3A_1818 = arith.index_cast %add3A_1817 : i32 to index
      %get3A_1819 = arith.constant 0 : index
      %get3A_1820 = tpu.vector_load %arg12[%get3A_1818, %get3A_1819] {strides = array<i32>} : memref<640x16xf32, #tpu.memory_space<vmem>>, vector<16xf32>,
      %mul3A_1821 = arith.mulf %get3A_1820, %gather3A : vector<16xf32>
      %swap3A_1822 = arith.index_cast %add3A_1817 : i32 to index
      %swap3A_1823 = arith.constant 0 : index
      %swap3A_1824 = tpu.vector_load %arg12[%swap3A_1822, %swap3A_1823] {strides = array<i32>} : memref<640x16xf32, #tpu.memory_space<vmem>>, vector<16xf32>,
      tpu.vector_store %arg12[%swap3A_1822, %swap3A_1823], %mul3A_1821 {strides = array<i32>} : memref<640x16xf32, #tpu.memory_space<vmem>>, vector<16xf32>,
      %mul3A_1825 = arith.constant 8 : i32
      %mul3A_1826 = arith.muli %mul3A_1825, %scan3A_1813 : i32
      %add3A_1827 = arith.constant 1 : i32
      %add3A_1828 = arith.addi %mul3A_1826, %add3A_1827 : i32
      %broadcast_in_dim3A_1829 = vector.broadcast %add3A_1828 : i32 to vector<16xi32>
      %gather3A_1830 = tpu.vector_load_idx %arg14[%broadcast_in_dim3A_1829] : memref<640xf32, #tpu.memory_space<vmem>>[vector<16xi32>], vector<16xf32>,
      %get3A_1831 = arith.index_cast %add3A_1828 : i32 to index
      %get3A_1832 = arith.constant 0 : index
      %get3A_1833 = tpu.vector_load %arg12[%get3A_1831, %get3A_1832] {strides = array<i32>} : memref<640x16xf32, #tpu.memory_space<vmem>>, vector<16xf32>,
      %mul3A_1834 = arith.mulf %get3A_1833, %gather3A_1830 : vector<16xf32>
      %swap3A_1835 = arith.index_cast %add3A_1828 : i32 to index
      %swap3A_1836 = arith.constant 0 : index
      %swap3A_1837 = tpu.vector_load %arg12[%swap3A_1835, %swap3A_1836] {strides = array<i32>} : memref<640x16xf32, #tpu.memory_space<vmem>>, vector<16xf32>,
      tpu.vector_store %arg12[%swap3A_1835, %swap3A_1836], %mul3A_1834 {strides = array<i32>} : memref<640x16xf32, #tpu.memory_space<vmem>>, vector<16xf32>,
      %mul3A_1838 = arith.constant 8 : i32
      %mul3A_1839 = arith.muli %mul3A_1838, %scan3A_1813 : i32
      %add3A_1840 = arith.constant 2 : i32
      %add3A_1841 = arith.addi %mul3A_1839, %add3A_1840 : i32
      %broadcast_in_dim3A_1842 = vector.broadcast %add3A_1841 : i32 to vector<16xi32>
      %gather3A_1843 = tpu.vector_load_idx %arg14[%broadcast_in_dim3A_1842] : memref<640xf32, #tpu.memory_space<vmem>>[vector<16xi32>], vector<16xf32>,
      %get3A_1844 = arith.index_cast %add3A_1841 : i32 to index
      %get3A_1845 = arith.constant 0 : index
      %get3A_1846 = tpu.vector_load %arg12[%get3A_1844, %get3A_1845] {strides = array<i32>} : memref<640x16xf32, #tpu.memory_space<vmem>>, vector<16xf32>,
      %mul3A_1847 = arith.mulf %get3A_1846, %gather3A_1843 : vector<16xf32>
      %swap3A_1848 = arith.index_cast %add3A_1841 : i32 to index
      %swap3A_1849 = arith.constant 0 : index
      %swap3A_1850 = tpu.vector_load %arg12[%swap3A_1848, %swap3A_1849] {strides = array<i32>} : memref<640x16xf32, #tpu.memory_space<vmem>>, vector<16xf32>,
      tpu.vector_store %arg12[%swap3A_1848, %swap3A_1849], %mul3A_1847 {strides = array<i32>} : memref<640x16xf32, #tpu.memory_space<vmem>>, vector<16xf32>,
      %mul3A_1851 = arith.constant 8 : i32
      %mul3A_1852 = arith.muli %mul3A_1851, %scan3A_1813 : i32
      %add3A_1853 = arith.constant 3 : i32
      %add3A_1854 = arith.addi %mul3A_1852, %add3A_1853 : i32
      %broadcast_in_dim3A_1855 = vector.broadcast %add3A_1854 : i32 to vector<16xi32>
      %gather3A_1856 = tpu.vector_load_idx %arg14[%broadcast_in_dim3A_1855] : memref<640xf32, #tpu.memory_space<vmem>>[vector<16xi32>], vector<16xf32>,
      %get3A_1857 = arith.index_cast %add3A_1854 : i32 to index
      %get3A_1858 = arith.constant 0 : index
      %get3A_1859 = tpu.vector_load %arg12[%get3A_1857, %get3A_1858] {strides = array<i32>} : memref<640x16xf32, #tpu.memory_space<vmem>>, vector<16xf32>,
      %mul3A_1860 = arith.mulf %get3A_1859, %gather3A_1856 : vector<16xf32>
      %swap3A_1861 = arith.index_cast %add3A_1854 : i32 to index
      %swap3A_1862 = arith.constant 0 : index
      %swap3A_1863 = tpu.vector_load %arg12[%swap3A_1861, %swap3A_1862] {strides = array<i32>} : memref<640x16xf32, #tpu.memory_space<vmem>>, vector<16xf32>,
      tpu.vector_store %arg12[%swap3A_1861, %swap3A_1862], %mul3A_1860 {strides = array<i32>} : memref<640x16xf32, #tpu.memory_space<vmem>>, vector<16xf32>,
      %mul3A_1864 = arith.constant 8 : i32
      %mul3A_1865 = arith.muli %mul3A_1864, %scan3A_1813 : i32
      %add3A_1866 = arith.constant 4 : i32
      %add3A_1867 = arith.addi %mul3A_1865, %add3A_1866 : i32
      %broadcast_in_dim3A_1868 = vector.broadcast %add3A_1867 : i32 to vector<16xi32>
      %gather3A_1869 = tpu.vector_load_idx %arg14[%broadcast_in_dim3A_1868] : memref<640xf32, #tpu.memory_space<vmem>>[vector<16xi32>], vector<16xf32>,
      %get3A_1870 = arith.index_cast %add3A_1867 : i32 to index
      %get3A_1871 = arith.constant 0 : index
      %get3A_1872 = tpu.vector_load %arg12[%get3A_1870, %get3A_1871] {strides = array<i32>} : memref<640x16xf32, #tpu.memory_space<vmem>>, vector<16xf32>,
      %mul3A_1873 = arith.mulf %get3A_1872, %gather3A_1869 : vector<16xf32>
      %swap3A_1874 = arith.index_cast %add3A_1867 : i32 to index
      %swap3A_1875 = arith.constant 0 : index
      %swap3A_1876 = tpu.vector_load %arg12[%swap3A_1874, %swap3A_1875] {strides = array<i32>} : memref<640x16xf32, #tpu.memory_space<vmem>>, vector<16xf32>,
      tpu.vector_store %arg12[%swap3A_1874, %swap3A_1875], %mul3A_1873 {strides = array<i32>} : memref<640x16xf32, #tpu.memory_space<vmem>>, vector<16xf32>,
      %mul3A_1877 = arith.constant 8 : i32
      %mul3A_1878 = arith.muli %mul3A_1877, %scan3A_1813 : i32
      %add3A_1879 = arith.constant 5 : i32
      %add3A_1880 = arith.addi %mul3A_1878, %add3A_1879 : i32
      %broadcast_in_dim3A_1881 = vector.broadcast %add3A_1880 : i32 to vector<16xi32>
      %gather3A_1882 = tpu.vector_load_idx %arg14[%broadcast_in_dim3A_1881] : memref<640xf32, #tpu.memory_space<vmem>>[vector<16xi32>], vector<16xf32>,
      %get3A_1883 = arith.index_cast %add3A_1880 : i32 to index
      %get3A_1884 = arith.constant 0 : index
      %get3A_1885 = tpu.vector_load %arg12[%get3A_1883, %get3A_1884] {strides = array<i32>} : memref<640x16xf32, #tpu.memory_space<vmem>>, vector<16xf32>,
      %mul3A_1886 = arith.mulf %get3A_1885, %gather3A_1882 : vector<16xf32>
      %swap3A_1887 = arith.index_cast %add3A_1880 : i32 to index
      %swap3A_1888 = arith.constant 0 : index
      %swap3A_1889 = tpu.vector_load %arg12[%swap3A_1887, %swap3A_1888] {strides = array<i32>} : memref<640x16xf32, #tpu.memory_space<vmem>>, vector<16xf32>,
      tpu.vector_store %arg12[%swap3A_1887, %swap3A_1888], %mul3A_1886 {strides = array<i32>} : memref<640x16xf32, #tpu.memory_space<vmem>>, vector<16xf32>,
      %mul3A_1890 = arith.constant 8 : i32
      %mul3A_1891 = arith.muli %mul3A_1890, %scan3A_1813 : i32
      %add3A_1892 = arith.constant 6 : i32
      %add3A_1893 = arith.addi %mul3A_1891, %add3A_1892 : i32
      %broadcast_in_dim3A_1894 = vector.broadcast %add3A_1893 : i32 to vector<16xi32>
      %gather3A_1895 = tpu.vector_load_idx %arg14[%broadcast_in_dim3A_1894] : memref<640xf32, #tpu.memory_space<vmem>>[vector<16xi32>], vector<16xf32>,
      %get3A_1896 = arith.index_cast %add3A_1893 : i32 to index
      %get3A_1897 = arith.constant 0 : index
      %get3A_1898 = tpu.vector_load %arg12[%get3A_1896, %get3A_1897] {strides = array<i32>} : memref<640x16xf32, #tpu.memory_space<vmem>>, vector<16xf32>,
      %mul3A_1899 = arith.mulf %get3A_1898, %gather3A_1895 : vector<16xf32>
      %swap3A_1900 = arith.index_cast %add3A_1893 : i32 to index
      %swap3A_1901 = arith.constant 0 : index
      %swap3A_1902 = tpu.vector_load %arg12[%swap3A_1900, %swap3A_1901] {strides = array<i32>} : memref<640x16xf32, #tpu.memory_space<vmem>>, vector<16xf32>,
      tpu.vector_store %arg12[%swap3A_1900, %swap3A_1901], %mul3A_1899 {strides = array<i32>} : memref<640x16xf32, #tpu.memory_space<vmem>>, vector<16xf32>,
      %mul3A_1903 = arith.constant 8 : i32
      %mul3A_1904 = arith.muli %mul3A_1903, %scan3A_1813 : i32
      %add3A_1905 = arith.constant 7 : i32
      %add3A_1906 = arith.addi %mul3A_1904, %add3A_1905 : i32
      %broadcast_in_dim3A_1907 = vector.broadcast %add3A_1906 : i32 to vector<16xi32>
      %gather3A_1908 = tpu.vector_load_idx %arg14[%broadcast_in_dim3A_1907] : memref<640xf32, #tpu.memory_space<vmem>>[vector<16xi32>], vector<16xf32>,
      %get3A_1909 = arith.index_cast %add3A_1906 : i32 to index
      %get3A_1910 = arith.constant 0 : index
      %get3A_1911 = tpu.vector_load %arg12[%get3A_1909, %get3A_1910] {strides = array<i32>} : memref<640x16xf32, #tpu.memory_space<vmem>>, vector<16xf32>,
      %mul3A_1912 = arith.mulf %get3A_1911, %gather3A_1908 : vector<16xf32>
      %swap3A_1913 = arith.index_cast %add3A_1906 : i32 to index
      %swap3A_1914 = arith.constant 0 : index
      %swap3A_1915 = tpu.vector_load %arg12[%swap3A_1913, %swap3A_1914] {strides = array<i32>} : memref<640x16xf32, #tpu.memory_space<vmem>>, vector<16xf32>,
      tpu.vector_store %arg12[%swap3A_1913, %swap3A_1914], %mul3A_1912 {strides = array<i32>} : memref<640x16xf32, #tpu.memory_space<vmem>>, vector<16xf32>,
    }
    %scan3A_1693 = arith.constant 80 : i32
    "tpu.region"() ({
      %run_scoped3A = tpu.sem_alloc : memref<!tpu.dma_semaphore, #tpu.memory_space<semaphore_mem>>
      %dma_start3A_1813 = arith.constant 0 : i32
      %dma_start3A_1814 = tpu.memref_slice %arg18[%mul3A_2, %dma_start3A_1813] : memref<10240x16xf32, #tpu.memory_space<vmem_shared>> -> memref<640x16xf32, #tpu.memory_space<vmem_shared>>
      %dma_start3A_1815 = arith.constant 0 : i32
      %dma_start3A_1816 = tpu.memref_slice %arg18[%mul3A_2, %dma_start3A_1815] : memref<10240x16xf32, #tpu.memory_space<vmem_shared>> -> memref<640x16xf32, #tpu.memory_space<vmem_shared>>
      tpu.enqueue_dma source(%arg12 : memref<640x16xf32, #tpu.memory_space<vmem>>) target(%dma_start3A_1816 : memref<640x16xf32, #tpu.memory_space<vmem_shared>>) target_semaphore(%run_scoped3A : memref<!tpu.dma_semaphore, #tpu.memory_space<semaphore_mem>>)
      %dma_wait3A_1817 = arith.constant 0 : i32
      %dma_wait3A_1818 = tpu.memref_slice %arg18[%mul3A_2, %dma_wait3A_1817] : memref<10240x16xf32, #tpu.memory_space<vmem_shared>> -> memref<640x16xf32, #tpu.memory_space<vmem_shared>>
      %dma_wait3A_1819 = arith.constant 0 : i32
      %dma_wait3A_1820 = tpu.memref_slice %arg18[%mul3A_2, %dma_wait3A_1819] : memref<10240x16xf32, #tpu.memory_space<vmem_shared>> -> memref<640x16xf32, #tpu.memory_space<vmem_shared>>
      tpu.wait_dma2 semaphore(%run_scoped3A : memref<!tpu.dma_semaphore, #tpu.memory_space<semaphore_mem>>) src(%arg12 : memref<640x16xf32, #tpu.memory_space<vmem>>) dst(%dma_wait3A_1820 : memref<640x16xf32, #tpu.memory_space<vmem_shared>>)
      tpu.yield
    }) : () -> ()
    %eq3A = arith.constant 0 : i32
    %eq3A_1694 = arith.cmpi eq, %arg0, %eq3A : i32
    %convert_element_type3A = arith.extui %eq3A_1694 : i1 to i32
    %cond3A = arith.constant 0 : i32
    %cond3A_1695 = arith.cmpi ne, %convert_element_type3A, %cond3A : i32
    scf.if %cond3A_1695 {
      "tpu.region"() ({
        %run_scoped3A = tpu.sem_alloc : memref<!tpu.dma_semaphore, #tpu.memory_space<semaphore_mem>>
        %dma_start3A_1813 = tpu.memref_slice %arg9[%mul3A_2] : memref<10240xf32, #tpu.memory_space<hbm>> -> memref<640xf32, #tpu.memory_space<hbm>>
        %dma_start3A_1814 = tpu.memref_slice %arg9[%mul3A_2] : memref<10240xf32, #tpu.memory_space<hbm>> -> memref<640xf32, #tpu.memory_space<hbm>>
        tpu.enqueue_dma source(%arg14 : memref<640xf32, #tpu.memory_space<vmem>>) target(%dma_start3A_1814 : memref<640xf32, #tpu.memory_space<hbm>>) target_semaphore(%run_scoped3A : memref<!tpu.dma_semaphore, #tpu.memory_space<semaphore_mem>>)
        %dma_wait3A_1815 = tpu.memref_slice %arg9[%mul3A_2] : memref<10240xf32, #tpu.memory_space<hbm>> -> memref<640xf32, #tpu.memory_space<hbm>>
        %dma_wait3A_1816 = tpu.memref_slice %arg9[%mul3A_2] : memref<10240xf32, #tpu.memory_space<hbm>> -> memref<640xf32, #tpu.memory_space<hbm>>
        tpu.wait_dma2 semaphore(%run_scoped3A : memref<!tpu.dma_semaphore, #tpu.memory_space<semaphore_mem>>) src(%arg14 : memref<640xf32, #tpu.memory_space<vmem>>) dst(%dma_wait3A_1816 : memref<640xf32, #tpu.memory_space<hbm>>)
        tpu.yield
      }) : () -> ()
    } else {
    }
    %barrier3A_1696 = arith.constant 0 : index
    tpu.barrier barrier_id(%barrier3A_1696)
    %dma_start3A = arith.constant 0 : i32
    %dma_start3A_1697 = arith.constant 0 : i32
    %dma_start3A_1698 = arith.constant 0 : i32
    %dma_start3A_1699 = arith.constant 0 : i32
    %dma_start3A_1700 = tpu.memref_slice %arg15[%dma_start3A_1697, %dma_start3A_1698, %dma_start3A_1699] : memref<2x512x16xf32, #tpu.memory_space<vmem>> -> memref<1x128x16xf32, #tpu.memory_space<vmem>>
    %dma_start3A_1701 = tpu.memref_squeeze %dma_start3A_1700 : memref<1x128x16xf32, #tpu.memory_space<vmem>> -> memref<128x16xf32, #tpu.memory_space<vmem>>
    %dma_start3A_1702 = arith.constant 0 : i32
    %dma_start3A_1703 = tpu.memref_slice %arg11[%dma_start3A, %dma_start3A_1702] : memref<80x128xi32, #tpu.memory_space<vmem>> -> memref<1x128xi32, #tpu.memory_space<vmem>>
    %dma_start3A_1704 = tpu.memref_squeeze %dma_start3A_1703 : memref<1x128xi32, #tpu.memory_space<vmem>> -> memref<128xi32, #tpu.memory_space<vmem>>
    %dma_start3A_1705 = arith.constant 0 : i32
    %dma_start3A_1706 = arith.constant 0 : i32
    %dma_start3A_1707 = tpu.memref_slice %arg18[%dma_start3A_1705, %dma_start3A_1706] : memref<10240x16xf32, #tpu.memory_space<vmem_shared>> -> memref<10240x16xf32, #tpu.memory_space<vmem_shared>>
    tpu.enqueue_indirect_dma source(%dma_start3A_1707 : memref<10240x16xf32, #tpu.memory_space<vmem_shared>>) target(%dma_start3A_1701 : memref<128x16xf32, #tpu.memory_space<vmem>>) offsets(%dma_start3A_1704 : memref<128xi32, #tpu.memory_space<vmem>>) semaphore(%arg21 : memref<!tpu.dma_semaphore, #tpu.memory_space<semaphore_mem>>)
    %dma_start3A_1708 = arith.constant 1 : i32
    %dma_start3A_1709 = arith.constant 0 : i32
    %dma_start3A_1710 = arith.constant 128 : i32
    %dma_start3A_1711 = arith.constant 0 : i32
    %dma_start3A_1712 = tpu.memref_slice %arg15[%dma_start3A_1709, %dma_start3A_1710, %dma_start3A_1711] : memref<2x512x16xf32, #tpu.memory_space<vmem>> -> memref<1x128x16xf32, #tpu.memory_space<vmem>>
    %dma_start3A_1713 = tpu.memref_squeeze %dma_start3A_1712 : memref<1x128x16xf32, #tpu.memory_space<vmem>> -> memref<128x16xf32, #tpu.memory_space<vmem>>
    %dma_start3A_1714 = arith.constant 0 : i32
    %dma_start3A_1715 = tpu.memref_slice %arg11[%dma_start3A_1708, %dma_start3A_1714] : memref<80x128xi32, #tpu.memory_space<vmem>> -> memref<1x128xi32, #tpu.memory_space<vmem>>
    %dma_start3A_1716 = tpu.memref_squeeze %dma_start3A_1715 : memref<1x128xi32, #tpu.memory_space<vmem>> -> memref<128xi32, #tpu.memory_space<vmem>>
    %dma_start3A_1717 = arith.constant 0 : i32
    %dma_start3A_1718 = arith.constant 0 : i32
    %dma_start3A_1719 = tpu.memref_slice %arg18[%dma_start3A_1717, %dma_start3A_1718] : memref<10240x16xf32, #tpu.memory_space<vmem_shared>> -> memref<10240x16xf32, #tpu.memory_space<vmem_shared>>
    tpu.enqueue_indirect_dma source(%dma_start3A_1719 : memref<10240x16xf32, #tpu.memory_space<vmem_shared>>) target(%dma_start3A_1713 : memref<128x16xf32, #tpu.memory_space<vmem>>) offsets(%dma_start3A_1716 : memref<128xi32, #tpu.memory_space<vmem>>) semaphore(%arg21 : memref<!tpu.dma_semaphore, #tpu.memory_space<semaphore_mem>>)
    %dma_start3A_1720 = arith.constant 2 : i32
    %dma_start3A_1721 = arith.constant 0 : i32
    %dma_start3A_1722 = arith.constant 256 : i32
    %dma_start3A_1723 = arith.constant 0 : i32
    %dma_start3A_1724 = tpu.memref_slice %arg15[%dma_start3A_1721, %dma_start3A_1722, %dma_start3A_1723] : memref<2x512x16xf32, #tpu.memory_space<vmem>> -> memref<1x128x16xf32, #tpu.memory_space<vmem>>
    %dma_start3A_1725 = tpu.memref_squeeze %dma_start3A_1724 : memref<1x128x16xf32, #tpu.memory_space<vmem>> -> memref<128x16xf32, #tpu.memory_space<vmem>>
    %dma_start3A_1726 = arith.constant 0 : i32
    %dma_start3A_1727 = tpu.memref_slice %arg11[%dma_start3A_1720, %dma_start3A_1726] : memref<80x128xi32, #tpu.memory_space<vmem>> -> memref<1x128xi32, #tpu.memory_space<vmem>>
    %dma_start3A_1728 = tpu.memref_squeeze %dma_start3A_1727 : memref<1x128xi32, #tpu.memory_space<vmem>> -> memref<128xi32, #tpu.memory_space<vmem>>
    %dma_start3A_1729 = arith.constant 0 : i32
    %dma_start3A_1730 = arith.constant 0 : i32
    %dma_start3A_1731 = tpu.memref_slice %arg18[%dma_start3A_1729, %dma_start3A_1730] : memref<10240x16xf32, #tpu.memory_space<vmem_shared>> -> memref<10240x16xf32, #tpu.memory_space<vmem_shared>>
    tpu.enqueue_indirect_dma source(%dma_start3A_1731 : memref<10240x16xf32, #tpu.memory_space<vmem_shared>>) target(%dma_start3A_1725 : memref<128x16xf32, #tpu.memory_space<vmem>>) offsets(%dma_start3A_1728 : memref<128xi32, #tpu.memory_space<vmem>>) semaphore(%arg21 : memref<!tpu.dma_semaphore, #tpu.memory_space<semaphore_mem>>)
    %dma_start3A_1732 = arith.constant 3 : i32
    %dma_start3A_1733 = arith.constant 0 : i32
    %dma_start3A_1734 = arith.constant 384 : i32
    %dma_start3A_1735 = arith.constant 0 : i32
    %dma_start3A_1736 = tpu.memref_slice %arg15[%dma_start3A_1733, %dma_start3A_1734, %dma_start3A_1735] : memref<2x512x16xf32, #tpu.memory_space<vmem>> -> memref<1x128x16xf32, #tpu.memory_space<vmem>>
    %dma_start3A_1737 = tpu.memref_squeeze %dma_start3A_1736 : memref<1x128x16xf32, #tpu.memory_space<vmem>> -> memref<128x16xf32, #tpu.memory_space<vmem>>
    %dma_start3A_1738 = arith.constant 0 : i32
    %dma_start3A_1739 = tpu.memref_slice %arg11[%dma_start3A_1732, %dma_start3A_1738] : memref<80x128xi32, #tpu.memory_space<vmem>> -> memref<1x128xi32, #tpu.memory_space<vmem>>
    %dma_start3A_1740 = tpu.memref_squeeze %dma_start3A_1739 : memref<1x128xi32, #tpu.memory_space<vmem>> -> memref<128xi32, #tpu.memory_space<vmem>>
    %dma_start3A_1741 = arith.constant 0 : i32
    %dma_start3A_1742 = arith.constant 0 : i32
    %dma_start3A_1743 = tpu.memref_slice %arg18[%dma_start3A_1741, %dma_start3A_1742] : memref<10240x16xf32, #tpu.memory_space<vmem_shared>> -> memref<10240x16xf32, #tpu.memory_space<vmem_shared>>
    tpu.enqueue_indirect_dma source(%dma_start3A_1743 : memref<10240x16xf32, #tpu.memory_space<vmem_shared>>) target(%dma_start3A_1737 : memref<128x16xf32, #tpu.memory_space<vmem>>) offsets(%dma_start3A_1740 : memref<128xi32, #tpu.memory_space<vmem>>) semaphore(%arg21 : memref<!tpu.dma_semaphore, #tpu.memory_space<semaphore_mem>>)
    %scan3A_1744 = arith.constant 0 : i32
    %scan3A_1745 = arith.constant 0 : i32
    %scan3A_1746 = arith.constant 10 : i32
    %scan3A_1747 = arith.addi %scan3A_1745, %scan3A_1746 : i32
    %scan3A_1748 = arith.constant 1 : i32
    scf.for %scan3A_1813 = %scan3A_1745 to %scan3A_1747 step %scan3A_1748  : i32 {
      %mul3A_1814 = arith.constant 2 : i32
      %mul3A_1815 = arith.muli %mul3A_1814, %scan3A_1813 : i32
      %mul3A_1816 = arith.constant 2 : i32
      %mul3A_1817 = arith.muli %mul3A_1816, %scan3A_1813 : i32
      %add3A_1818 = arith.constant 1 : i32
      %add3A_1819 = arith.addi %mul3A_1817, %add3A_1818 : i32
      %dma_wait3A_1820 = arith.constant 0 : i32
      %dma_wait3A_1821 = arith.constant 0 : i32
      %dma_wait3A_1822 = arith.constant 0 : i32
      %dma_wait3A_1823 = tpu.memref_slice %arg15[%dma_wait3A_1820, %dma_wait3A_1821, %dma_wait3A_1822] : memref<2x512x16xf32, #tpu.memory_space<vmem>> -> memref<1x128x16xf32, #tpu.memory_space<vmem>>
      %dma_wait3A_1824 = tpu.memref_squeeze %dma_wait3A_1823 : memref<1x128x16xf32, #tpu.memory_space<vmem>> -> memref<128x16xf32, #tpu.memory_space<vmem>>
      %dma_wait3A_1825 = arith.constant 0 : i32
      %dma_wait3A_1826 = arith.constant 0 : i32
      %dma_wait3A_1827 = tpu.memref_slice %arg4[%dma_wait3A_1825, %dma_wait3A_1826] : memref<10240x16xf32, #tpu.memory_space<hbm>> -> memref<128x16xf32, #tpu.memory_space<hbm>>
      %dma_wait3A_1828 = arith.constant 0 : i32
      %dma_wait3A_1829 = arith.constant 0 : i32
      %dma_wait3A_1830 = tpu.memref_slice %arg15[%dma_wait3A_1820, %dma_wait3A_1828, %dma_wait3A_1829] : memref<2x512x16xf32, #tpu.memory_space<vmem>> -> memref<1x128x16xf32, #tpu.memory_space<vmem>>
      %dma_wait3A_1831 = tpu.memref_squeeze %dma_wait3A_1830 : memref<1x128x16xf32, #tpu.memory_space<vmem>> -> memref<128x16xf32, #tpu.memory_space<vmem>>
      %dma_wait3A_1832 = arith.constant 0 : i32
      %dma_wait3A_1833 = arith.constant 0 : i32
      %dma_wait3A_1834 = tpu.memref_slice %arg4[%dma_wait3A_1832, %dma_wait3A_1833] : memref<10240x16xf32, #tpu.memory_space<hbm>> -> memref<128x16xf32, #tpu.memory_space<hbm>>
      tpu.wait_dma2 semaphore(%arg21 : memref<!tpu.dma_semaphore, #tpu.memory_space<semaphore_mem>>) src(%dma_wait3A_1834 : memref<128x16xf32, #tpu.memory_space<hbm>>) dst(%dma_wait3A_1831 : memref<128x16xf32, #tpu.memory_space<vmem>>)
      %dma_wait3A_1835 = arith.constant 0 : i32
      %dma_wait3A_1836 = arith.constant 128 : i32
      %dma_wait3A_1837 = arith.constant 0 : i32
      %dma_wait3A_1838 = tpu.memref_slice %arg15[%dma_wait3A_1835, %dma_wait3A_1836, %dma_wait3A_1837] : memref<2x512x16xf32, #tpu.memory_space<vmem>> -> memref<1x128x16xf32, #tpu.memory_space<vmem>>
      %dma_wait3A_1839 = tpu.memref_squeeze %dma_wait3A_1838 : memref<1x128x16xf32, #tpu.memory_space<vmem>> -> memref<128x16xf32, #tpu.memory_space<vmem>>
      %dma_wait3A_1840 = arith.constant 0 : i32
      %dma_wait3A_1841 = arith.constant 0 : i32
      %dma_wait3A_1842 = tpu.memref_slice %arg4[%dma_wait3A_1840, %dma_wait3A_1841] : memref<10240x16xf32, #tpu.memory_space<hbm>> -> memref<128x16xf32, #tpu.memory_space<hbm>>
      %dma_wait3A_1843 = arith.constant 128 : i32
      %dma_wait3A_1844 = arith.constant 0 : i32
      %dma_wait3A_1845 = tpu.memref_slice %arg15[%dma_wait3A_1835, %dma_wait3A_1843, %dma_wait3A_1844] : memref<2x512x16xf32, #tpu.memory_space<vmem>> -> memref<1x128x16xf32, #tpu.memory_space<vmem>>
      %dma_wait3A_1846 = tpu.memref_squeeze %dma_wait3A_1845 : memref<1x128x16xf32, #tpu.memory_space<vmem>> -> memref<128x16xf32, #tpu.memory_space<vmem>>
      %dma_wait3A_1847 = arith.constant 0 : i32
      %dma_wait3A_1848 = arith.constant 0 : i32
      %dma_wait3A_1849 = tpu.memref_slice %arg4[%dma_wait3A_1847, %dma_wait3A_1848] : memref<10240x16xf32, #tpu.memory_space<hbm>> -> memref<128x16xf32, #tpu.memory_space<hbm>>
      tpu.wait_dma2 semaphore(%arg21 : memref<!tpu.dma_semaphore, #tpu.memory_space<semaphore_mem>>) src(%dma_wait3A_1849 : memref<128x16xf32, #tpu.memory_space<hbm>>) dst(%dma_wait3A_1846 : memref<128x16xf32, #tpu.memory_space<vmem>>)
      %dma_wait3A_1850 = arith.constant 0 : i32
      %dma_wait3A_1851 = arith.constant 256 : i32
      %dma_wait3A_1852 = arith.constant 0 : i32
      %dma_wait3A_1853 = tpu.memref_slice %arg15[%dma_wait3A_1850, %dma_wait3A_1851, %dma_wait3A_1852] : memref<2x512x16xf32, #tpu.memory_space<vmem>> -> memref<1x128x16xf32, #tpu.memory_space<vmem>>
      %dma_wait3A_1854 = tpu.memref_squeeze %dma_wait3A_1853 : memref<1x128x16xf32, #tpu.memory_space<vmem>> -> memref<128x16xf32, #tpu.memory_space<vmem>>
      %dma_wait3A_1855 = arith.constant 0 : i32
      %dma_wait3A_1856 = arith.constant 0 : i32
      %dma_wait3A_1857 = tpu.memref_slice %arg4[%dma_wait3A_1855, %dma_wait3A_1856] : memref<10240x16xf32, #tpu.memory_space<hbm>> -> memref<128x16xf32, #tpu.memory_space<hbm>>
      %dma_wait3A_1858 = arith.constant 256 : i32
      %dma_wait3A_1859 = arith.constant 0 : i32
      %dma_wait3A_1860 = tpu.memref_slice %arg15[%dma_wait3A_1850, %dma_wait3A_1858, %dma_wait3A_1859] : memref<2x512x16xf32, #tpu.memory_space<vmem>> -> memref<1x128x16xf32, #tpu.memory_space<vmem>>
      %dma_wait3A_1861 = tpu.memref_squeeze %dma_wait3A_1860 : memref<1x128x16xf32, #tpu.memory_space<vmem>> -> memref<128x16xf32, #tpu.memory_space<vmem>>
      %dma_wait3A_1862 = arith.constant 0 : i32
      %dma_wait3A_1863 = arith.constant 0 : i32
      %dma_wait3A_1864 = tpu.memref_slice %arg4[%dma_wait3A_1862, %dma_wait3A_1863] : memref<10240x16xf32, #tpu.memory_space<hbm>> -> memref<128x16xf32, #tpu.memory_space<hbm>>
      tpu.wait_dma2 semaphore(%arg21 : memref<!tpu.dma_semaphore, #tpu.memory_space<semaphore_mem>>) src(%dma_wait3A_1864 : memref<128x16xf32, #tpu.memory_space<hbm>>) dst(%dma_wait3A_1861 : memref<128x16xf32, #tpu.memory_space<vmem>>)
      %dma_wait3A_1865 = arith.constant 0 : i32
      %dma_wait3A_1866 = arith.constant 384 : i32
      %dma_wait3A_1867 = arith.constant 0 : i32
      %dma_wait3A_1868 = tpu.memref_slice %arg15[%dma_wait3A_1865, %dma_wait3A_1866, %dma_wait3A_1867] : memref<2x512x16xf32, #tpu.memory_space<vmem>> -> memref<1x128x16xf32, #tpu.memory_space<vmem>>
      %dma_wait3A_1869 = tpu.memref_squeeze %dma_wait3A_1868 : memref<1x128x16xf32, #tpu.memory_space<vmem>> -> memref<128x16xf32, #tpu.memory_space<vmem>>
      %dma_wait3A_1870 = arith.constant 0 : i32
      %dma_wait3A_1871 = arith.constant 0 : i32
      %dma_wait3A_1872 = tpu.memref_slice %arg4[%dma_wait3A_1870, %dma_wait3A_1871] : memref<10240x16xf32, #tpu.memory_space<hbm>> -> memref<128x16xf32, #tpu.memory_space<hbm>>
      %dma_wait3A_1873 = arith.constant 384 : i32
      %dma_wait3A_1874 = arith.constant 0 : i32
      %dma_wait3A_1875 = tpu.memref_slice %arg15[%dma_wait3A_1865, %dma_wait3A_1873, %dma_wait3A_1874] : memref<2x512x16xf32, #tpu.memory_space<vmem>> -> memref<1x128x16xf32, #tpu.memory_space<vmem>>
      %dma_wait3A_1876 = tpu.memref_squeeze %dma_wait3A_1875 : memref<1x128x16xf32, #tpu.memory_space<vmem>> -> memref<128x16xf32, #tpu.memory_space<vmem>>
      %dma_wait3A_1877 = arith.constant 0 : i32
      %dma_wait3A_1878 = arith.constant 0 : i32
      %dma_wait3A_1879 = tpu.memref_slice %arg4[%dma_wait3A_1877, %dma_wait3A_1878] : memref<10240x16xf32, #tpu.memory_space<hbm>> -> memref<128x16xf32, #tpu.memory_space<hbm>>
      tpu.wait_dma2 semaphore(%arg21 : memref<!tpu.dma_semaphore, #tpu.memory_space<semaphore_mem>>) src(%dma_wait3A_1879 : memref<128x16xf32, #tpu.memory_space<hbm>>) dst(%dma_wait3A_1876 : memref<128x16xf32, #tpu.memory_space<vmem>>)
      %gt3A = arith.constant 0 : i32
      %gt3A_1880 = arith.cmpi sgt, %scan3A_1813, %gt3A : i32
      %convert_element_type3A_1881 = arith.extui %gt3A_1880 : i1 to i32
      %cond3A_1882 = arith.constant 0 : i32
      %cond3A_1883 = arith.cmpi ne, %convert_element_type3A_1881, %cond3A_1882 : i32
      scf.if %cond3A_1883 {
        %dma_wait3A_2212 = arith.constant 1 : i32
        %dma_wait3A_2213 = arith.constant 0 : i32
        %dma_wait3A_2214 = arith.constant 0 : i32
        %dma_wait3A_2215 = tpu.memref_slice %arg15[%dma_wait3A_2212, %dma_wait3A_2213, %dma_wait3A_2214] : memref<2x512x16xf32, #tpu.memory_space<vmem>> -> memref<1x128x16xf32, #tpu.memory_space<vmem>>
        %dma_wait3A_2216 = tpu.memref_squeeze %dma_wait3A_2215 : memref<1x128x16xf32, #tpu.memory_space<vmem>> -> memref<128x16xf32, #tpu.memory_space<vmem>>
        %dma_wait3A_2217 = arith.constant 0 : i32
        %dma_wait3A_2218 = arith.constant 0 : i32
        %dma_wait3A_2219 = tpu.memref_slice %arg4[%dma_wait3A_2217, %dma_wait3A_2218] : memref<10240x16xf32, #tpu.memory_space<hbm>> -> memref<128x16xf32, #tpu.memory_space<hbm>>
        %dma_wait3A_2220 = arith.constant 0 : i32
        %dma_wait3A_2221 = arith.constant 0 : i32
        %dma_wait3A_2222 = tpu.memref_slice %arg15[%dma_wait3A_2212, %dma_wait3A_2220, %dma_wait3A_2221] : memref<2x512x16xf32, #tpu.memory_space<vmem>> -> memref<1x128x16xf32, #tpu.memory_space<vmem>>
        %dma_wait3A_2223 = tpu.memref_squeeze %dma_wait3A_2222 : memref<1x128x16xf32, #tpu.memory_space<vmem>> -> memref<128x16xf32, #tpu.memory_space<vmem>>
        %dma_wait3A_2224 = arith.constant 0 : i32
        %dma_wait3A_2225 = arith.constant 0 : i32
        %dma_wait3A_2226 = tpu.memref_slice %arg4[%dma_wait3A_2224, %dma_wait3A_2225] : memref<10240x16xf32, #tpu.memory_space<hbm>> -> memref<128x16xf32, #tpu.memory_space<hbm>>
        tpu.wait_dma2 semaphore(%arg24 : memref<!tpu.dma_semaphore, #tpu.memory_space<semaphore_mem>>) src(%dma_wait3A_2226 : memref<128x16xf32, #tpu.memory_space<hbm>>) dst(%dma_wait3A_2223 : memref<128x16xf32, #tpu.memory_space<vmem>>)
        %dma_wait3A_2227 = arith.constant 1 : i32
        %dma_wait3A_2228 = arith.constant 128 : i32
        %dma_wait3A_2229 = arith.constant 0 : i32
        %dma_wait3A_2230 = tpu.memref_slice %arg15[%dma_wait3A_2227, %dma_wait3A_2228, %dma_wait3A_2229] : memref<2x512x16xf32, #tpu.memory_space<vmem>> -> memref<1x128x16xf32, #tpu.memory_space<vmem>>
        %dma_wait3A_2231 = tpu.memref_squeeze %dma_wait3A_2230 : memref<1x128x16xf32, #tpu.memory_space<vmem>> -> memref<128x16xf32, #tpu.memory_space<vmem>>
        %dma_wait3A_2232 = arith.constant 0 : i32
        %dma_wait3A_2233 = arith.constant 0 : i32
        %dma_wait3A_2234 = tpu.memref_slice %arg4[%dma_wait3A_2232, %dma_wait3A_2233] : memref<10240x16xf32, #tpu.memory_space<hbm>> -> memref<128x16xf32, #tpu.memory_space<hbm>>
        %dma_wait3A_2235 = arith.constant 128 : i32
        %dma_wait3A_2236 = arith.constant 0 : i32
        %dma_wait3A_2237 = tpu.memref_slice %arg15[%dma_wait3A_2227, %dma_wait3A_2235, %dma_wait3A_2236] : memref<2x512x16xf32, #tpu.memory_space<vmem>> -> memref<1x128x16xf32, #tpu.memory_space<vmem>>
        %dma_wait3A_2238 = tpu.memref_squeeze %dma_wait3A_2237 : memref<1x128x16xf32, #tpu.memory_space<vmem>> -> memref<128x16xf32, #tpu.memory_space<vmem>>
        %dma_wait3A_2239 = arith.constant 0 : i32
        %dma_wait3A_2240 = arith.constant 0 : i32
        %dma_wait3A_2241 = tpu.memref_slice %arg4[%dma_wait3A_2239, %dma_wait3A_2240] : memref<10240x16xf32, #tpu.memory_space<hbm>> -> memref<128x16xf32, #tpu.memory_space<hbm>>
        tpu.wait_dma2 semaphore(%arg24 : memref<!tpu.dma_semaphore, #tpu.memory_space<semaphore_mem>>) src(%dma_wait3A_2241 : memref<128x16xf32, #tpu.memory_space<hbm>>) dst(%dma_wait3A_2238 : memref<128x16xf32, #tpu.memory_space<vmem>>)
        %dma_wait3A_2242 = arith.constant 1 : i32
        %dma_wait3A_2243 = arith.constant 256 : i32
        %dma_wait3A_2244 = arith.constant 0 : i32
        %dma_wait3A_2245 = tpu.memref_slice %arg15[%dma_wait3A_2242, %dma_wait3A_2243, %dma_wait3A_2244] : memref<2x512x16xf32, #tpu.memory_space<vmem>> -> memref<1x128x16xf32, #tpu.memory_space<vmem>>
        %dma_wait3A_2246 = tpu.memref_squeeze %dma_wait3A_2245 : memref<1x128x16xf32, #tpu.memory_space<vmem>> -> memref<128x16xf32, #tpu.memory_space<vmem>>
        %dma_wait3A_2247 = arith.constant 0 : i32
        %dma_wait3A_2248 = arith.constant 0 : i32
        %dma_wait3A_2249 = tpu.memref_slice %arg4[%dma_wait3A_2247, %dma_wait3A_2248] : memref<10240x16xf32, #tpu.memory_space<hbm>> -> memref<128x16xf32, #tpu.memory_space<hbm>>
        %dma_wait3A_2250 = arith.constant 256 : i32
        %dma_wait3A_2251 = arith.constant 0 : i32
        %dma_wait3A_2252 = tpu.memref_slice %arg15[%dma_wait3A_2242, %dma_wait3A_2250, %dma_wait3A_2251] : memref<2x512x16xf32, #tpu.memory_space<vmem>> -> memref<1x128x16xf32, #tpu.memory_space<vmem>>
        %dma_wait3A_2253 = tpu.memref_squeeze %dma_wait3A_2252 : memref<1x128x16xf32, #tpu.memory_space<vmem>> -> memref<128x16xf32, #tpu.memory_space<vmem>>
        %dma_wait3A_2254 = arith.constant 0 : i32
        %dma_wait3A_2255 = arith.constant 0 : i32
        %dma_wait3A_2256 = tpu.memref_slice %arg4[%dma_wait3A_2254, %dma_wait3A_2255] : memref<10240x16xf32, #tpu.memory_space<hbm>> -> memref<128x16xf32, #tpu.memory_space<hbm>>
        tpu.wait_dma2 semaphore(%arg24 : memref<!tpu.dma_semaphore, #tpu.memory_space<semaphore_mem>>) src(%dma_wait3A_2256 : memref<128x16xf32, #tpu.memory_space<hbm>>) dst(%dma_wait3A_2253 : memref<128x16xf32, #tpu.memory_space<vmem>>)
        %dma_wait3A_2257 = arith.constant 1 : i32
        %dma_wait3A_2258 = arith.constant 384 : i32
        %dma_wait3A_2259 = arith.constant 0 : i32
        %dma_wait3A_2260 = tpu.memref_slice %arg15[%dma_wait3A_2257, %dma_wait3A_2258, %dma_wait3A_2259] : memref<2x512x16xf32, #tpu.memory_space<vmem>> -> memref<1x128x16xf32, #tpu.memory_space<vmem>>
        %dma_wait3A_2261 = tpu.memref_squeeze %dma_wait3A_2260 : memref<1x128x16xf32, #tpu.memory_space<vmem>> -> memref<128x16xf32, #tpu.memory_space<vmem>>
        %dma_wait3A_2262 = arith.constant 0 : i32
        %dma_wait3A_2263 = arith.constant 0 : i32
        %dma_wait3A_2264 = tpu.memref_slice %arg4[%dma_wait3A_2262, %dma_wait3A_2263] : memref<10240x16xf32, #tpu.memory_space<hbm>> -> memref<128x16xf32, #tpu.memory_space<hbm>>
        %dma_wait3A_2265 = arith.constant 384 : i32
        %dma_wait3A_2266 = arith.constant 0 : i32
        %dma_wait3A_2267 = tpu.memref_slice %arg15[%dma_wait3A_2257, %dma_wait3A_2265, %dma_wait3A_2266] : memref<2x512x16xf32, #tpu.memory_space<vmem>> -> memref<1x128x16xf32, #tpu.memory_space<vmem>>
        %dma_wait3A_2268 = tpu.memref_squeeze %dma_wait3A_2267 : memref<1x128x16xf32, #tpu.memory_space<vmem>> -> memref<128x16xf32, #tpu.memory_space<vmem>>
        %dma_wait3A_2269 = arith.constant 0 : i32
        %dma_wait3A_2270 = arith.constant 0 : i32
        %dma_wait3A_2271 = tpu.memref_slice %arg4[%dma_wait3A_2269, %dma_wait3A_2270] : memref<10240x16xf32, #tpu.memory_space<hbm>> -> memref<128x16xf32, #tpu.memory_space<hbm>>
        tpu.wait_dma2 semaphore(%arg24 : memref<!tpu.dma_semaphore, #tpu.memory_space<semaphore_mem>>) src(%dma_wait3A_2271 : memref<128x16xf32, #tpu.memory_space<hbm>>) dst(%dma_wait3A_2268 : memref<128x16xf32, #tpu.memory_space<vmem>>)
      } else {
      }
      %mul3A_1884 = arith.constant 4 : i32
      %mul3A_1885 = arith.muli %add3A_1819, %mul3A_1884 : i32
      %add3A_1886 = arith.constant 0 : i32
      %add3A_1887 = arith.addi %mul3A_1885, %add3A_1886 : i32
      %dma_start3A_1888 = arith.constant 1 : i32
      %dma_start3A_1889 = arith.constant 0 : i32
      %dma_start3A_1890 = arith.constant 0 : i32
      %dma_start3A_1891 = tpu.memref_slice %arg15[%dma_start3A_1888, %dma_start3A_1889, %dma_start3A_1890] : memref<2x512x16xf32, #tpu.memory_space<vmem>> -> memref<1x128x16xf32, #tpu.memory_space<vmem>>
      %dma_start3A_1892 = tpu.memref_squeeze %dma_start3A_1891 : memref<1x128x16xf32, #tpu.memory_space<vmem>> -> memref<128x16xf32, #tpu.memory_space<vmem>>
      %dma_start3A_1893 = arith.constant 0 : i32
      %dma_start3A_1894 = tpu.memref_slice %arg11[%add3A_1887, %dma_start3A_1893] : memref<80x128xi32, #tpu.memory_space<vmem>> -> memref<1x128xi32, #tpu.memory_space<vmem>>
      %dma_start3A_1895 = tpu.memref_squeeze %dma_start3A_1894 : memref<1x128xi32, #tpu.memory_space<vmem>> -> memref<128xi32, #tpu.memory_space<vmem>>
      %dma_start3A_1896 = arith.constant 0 : i32
      %dma_start3A_1897 = arith.constant 0 : i32
      %dma_start3A_1898 = tpu.memref_slice %arg18[%dma_start3A_1896, %dma_start3A_1897] : memref<10240x16xf32, #tpu.memory_space<vmem_shared>> -> memref<10240x16xf32, #tpu.memory_space<vmem_shared>>
      tpu.enqueue_indirect_dma source(%dma_start3A_1898 : memref<10240x16xf32, #tpu.memory_space<vmem_shared>>) target(%dma_start3A_1892 : memref<128x16xf32, #tpu.memory_space<vmem>>) offsets(%dma_start3A_1895 : memref<128xi32, #tpu.memory_space<vmem>>) semaphore(%arg22 : memref<!tpu.dma_semaphore, #tpu.memory_space<semaphore_mem>>)
      %mul3A_1899 = arith.constant 4 : i32
      %mul3A_1900 = arith.muli %add3A_1819, %mul3A_1899 : i32
      %add3A_1901 = arith.constant 1 : i32
      %add3A_1902 = arith.addi %mul3A_1900, %add3A_1901 : i32
      %dma_start3A_1903 = arith.constant 1 : i32
      %dma_start3A_1904 = arith.constant 128 : i32
      %dma_start3A_1905 = arith.constant 0 : i32
      %dma_start3A_1906 = tpu.memref_slice %arg15[%dma_start3A_1903, %dma_start3A_1904, %dma_start3A_1905] : memref<2x512x16xf32, #tpu.memory_space<vmem>> -> memref<1x128x16xf32, #tpu.memory_space<vmem>>
      %dma_start3A_1907 = tpu.memref_squeeze %dma_start3A_1906 : memref<1x128x16xf32, #tpu.memory_space<vmem>> -> memref<128x16xf32, #tpu.memory_space<vmem>>
      %dma_start3A_1908 = arith.constant 0 : i32
      %dma_start3A_1909 = tpu.memref_slice %arg11[%add3A_1902, %dma_start3A_1908] : memref<80x128xi32, #tpu.memory_space<vmem>> -> memref<1x128xi32, #tpu.memory_space<vmem>>
      %dma_start3A_1910 = tpu.memref_squeeze %dma_start3A_1909 : memref<1x128xi32, #tpu.memory_space<vmem>> -> memref<128xi32, #tpu.memory_space<vmem>>
      %dma_start3A_1911 = arith.constant 0 : i32
      %dma_start3A_1912 = arith.constant 0 : i32
      %dma_start3A_1913 = tpu.memref_slice %arg18[%dma_start3A_1911, %dma_start3A_1912] : memref<10240x16xf32, #tpu.memory_space<vmem_shared>> -> memref<10240x16xf32, #tpu.memory_space<vmem_shared>>
      tpu.enqueue_indirect_dma source(%dma_start3A_1913 : memref<10240x16xf32, #tpu.memory_space<vmem_shared>>) target(%dma_start3A_1907 : memref<128x16xf32, #tpu.memory_space<vmem>>) offsets(%dma_start3A_1910 : memref<128xi32, #tpu.memory_space<vmem>>) semaphore(%arg22 : memref<!tpu.dma_semaphore, #tpu.memory_space<semaphore_mem>>)
      %mul3A_1914 = arith.constant 4 : i32
      %mul3A_1915 = arith.muli %add3A_1819, %mul3A_1914 : i32
      %add3A_1916 = arith.constant 2 : i32
      %add3A_1917 = arith.addi %mul3A_1915, %add3A_1916 : i32
      %dma_start3A_1918 = arith.constant 1 : i32
      %dma_start3A_1919 = arith.constant 256 : i32
      %dma_start3A_1920 = arith.constant 0 : i32
      %dma_start3A_1921 = tpu.memref_slice %arg15[%dma_start3A_1918, %dma_start3A_1919, %dma_start3A_1920] : memref<2x512x16xf32, #tpu.memory_space<vmem>> -> memref<1x128x16xf32, #tpu.memory_space<vmem>>
      %dma_start3A_1922 = tpu.memref_squeeze %dma_start3A_1921 : memref<1x128x16xf32, #tpu.memory_space<vmem>> -> memref<128x16xf32, #tpu.memory_space<vmem>>
      %dma_start3A_1923 = arith.constant 0 : i32
      %dma_start3A_1924 = tpu.memref_slice %arg11[%add3A_1917, %dma_start3A_1923] : memref<80x128xi32, #tpu.memory_space<vmem>> -> memref<1x128xi32, #tpu.memory_space<vmem>>
      %dma_start3A_1925 = tpu.memref_squeeze %dma_start3A_1924 : memref<1x128xi32, #tpu.memory_space<vmem>> -> memref<128xi32, #tpu.memory_space<vmem>>
      %dma_start3A_1926 = arith.constant 0 : i32
      %dma_start3A_1927 = arith.constant 0 : i32
      %dma_start3A_1928 = tpu.memref_slice %arg18[%dma_start3A_1926, %dma_start3A_1927] : memref<10240x16xf32, #tpu.memory_space<vmem_shared>> -> memref<10240x16xf32, #tpu.memory_space<vmem_shared>>
      tpu.enqueue_indirect_dma source(%dma_start3A_1928 : memref<10240x16xf32, #tpu.memory_space<vmem_shared>>) target(%dma_start3A_1922 : memref<128x16xf32, #tpu.memory_space<vmem>>) offsets(%dma_start3A_1925 : memref<128xi32, #tpu.memory_space<vmem>>) semaphore(%arg22 : memref<!tpu.dma_semaphore, #tpu.memory_space<semaphore_mem>>)
      %mul3A_1929 = arith.constant 4 : i32
      %mul3A_1930 = arith.muli %add3A_1819, %mul3A_1929 : i32
      %add3A_1931 = arith.constant 3 : i32
      %add3A_1932 = arith.addi %mul3A_1930, %add3A_1931 : i32
      %dma_start3A_1933 = arith.constant 1 : i32
      %dma_start3A_1934 = arith.constant 384 : i32
      %dma_start3A_1935 = arith.constant 0 : i32
      %dma_start3A_1936 = tpu.memref_slice %arg15[%dma_start3A_1933, %dma_start3A_1934, %dma_start3A_1935] : memref<2x512x16xf32, #tpu.memory_space<vmem>> -> memref<1x128x16xf32, #tpu.memory_space<vmem>>
      %dma_start3A_1937 = tpu.memref_squeeze %dma_start3A_1936 : memref<1x128x16xf32, #tpu.memory_space<vmem>> -> memref<128x16xf32, #tpu.memory_space<vmem>>
      %dma_start3A_1938 = arith.constant 0 : i32
      %dma_start3A_1939 = tpu.memref_slice %arg11[%add3A_1932, %dma_start3A_1938] : memref<80x128xi32, #tpu.memory_space<vmem>> -> memref<1x128xi32, #tpu.memory_space<vmem>>
      %dma_start3A_1940 = tpu.memref_squeeze %dma_start3A_1939 : memref<1x128xi32, #tpu.memory_space<vmem>> -> memref<128xi32, #tpu.memory_space<vmem>>
      %dma_start3A_1941 = arith.constant 0 : i32
      %dma_start3A_1942 = arith.constant 0 : i32
      %dma_start3A_1943 = tpu.memref_slice %arg18[%dma_start3A_1941, %dma_start3A_1942] : memref<10240x16xf32, #tpu.memory_space<vmem_shared>> -> memref<10240x16xf32, #tpu.memory_space<vmem_shared>>
      tpu.enqueue_indirect_dma source(%dma_start3A_1943 : memref<10240x16xf32, #tpu.memory_space<vmem_shared>>) target(%dma_start3A_1937 : memref<128x16xf32, #tpu.memory_space<vmem>>) offsets(%dma_start3A_1940 : memref<128xi32, #tpu.memory_space<vmem>>) semaphore(%arg22 : memref<!tpu.dma_semaphore, #tpu.memory_space<semaphore_mem>>)
      %mul3A_1944 = arith.constant 80 : i32
      %mul3A_1945 = arith.muli %arg0, %mul3A_1944 : i32
      %mul3A_1946 = arith.constant 4 : i32
      %mul3A_1947 = arith.muli %mul3A_1815, %mul3A_1946 : i32
      %add3A_1948 = arith.addi %mul3A_1945, %mul3A_1947 : i32
      %add3A_1949 = arith.constant 0 : i32
      %add3A_1950 = arith.addi %add3A_1948, %add3A_1949 : i32
      %dma_start3A_1951 = arith.constant 0 : i32
      %dma_start3A_1952 = arith.constant 0 : i32
      %dma_start3A_1953 = arith.constant 0 : i32
      %dma_start3A_1954 = tpu.memref_slice %arg15[%dma_start3A_1951, %dma_start3A_1952, %dma_start3A_1953] : memref<2x512x16xf32, #tpu.memory_space<vmem>> -> memref<1x128x16xf32, #tpu.memory_space<vmem>>
      %dma_start3A_1955 = tpu.memref_squeeze %dma_start3A_1954 : memref<1x128x16xf32, #tpu.memory_space<vmem>> -> memref<128x16xf32, #tpu.memory_space<vmem>>
      %dma_start3A_1956 = arith.constant 0 : i32
      %dma_start3A_1957 = tpu.memref_slice %arg10[%add3A_1950, %dma_start3A_1956] : memref<160x128xi32, #tpu.memory_space<vmem>> -> memref<1x128xi32, #tpu.memory_space<vmem>>
      %dma_start3A_1958 = tpu.memref_squeeze %dma_start3A_1957 : memref<1x128xi32, #tpu.memory_space<vmem>> -> memref<128xi32, #tpu.memory_space<vmem>>
      %dma_start3A_1959 = arith.constant 0 : i32
      %dma_start3A_1960 = arith.constant 0 : i32
      %dma_start3A_1961 = tpu.memref_slice %arg19[%dma_start3A_1959, %dma_start3A_1960] : memref<10240x16xf32, #tpu.memory_space<vmem_shared>> -> memref<10240x16xf32, #tpu.memory_space<vmem_shared>>
      tpu.enqueue_indirect_dma source(%dma_start3A_1955 : memref<128x16xf32, #tpu.memory_space<vmem>>) target(%dma_start3A_1961 : memref<10240x16xf32, #tpu.memory_space<vmem_shared>>) offsets(%dma_start3A_1958 : memref<128xi32, #tpu.memory_space<vmem>>) semaphore(%arg23 : memref<!tpu.dma_semaphore, #tpu.memory_space<semaphore_mem>>) {add = true}
      %mul3A_1962 = arith.constant 80 : i32
      %mul3A_1963 = arith.muli %arg0, %mul3A_1962 : i32
      %mul3A_1964 = arith.constant 4 : i32
      %mul3A_1965 = arith.muli %mul3A_1815, %mul3A_1964 : i32
      %add3A_1966 = arith.addi %mul3A_1963, %mul3A_1965 : i32
      %add3A_1967 = arith.constant 1 : i32
      %add3A_1968 = arith.addi %add3A_1966, %add3A_1967 : i32
      %dma_start3A_1969 = arith.constant 0 : i32
      %dma_start3A_1970 = arith.constant 128 : i32
      %dma_start3A_1971 = arith.constant 0 : i32
      %dma_start3A_1972 = tpu.memref_slice %arg15[%dma_start3A_1969, %dma_start3A_1970, %dma_start3A_1971] : memref<2x512x16xf32, #tpu.memory_space<vmem>> -> memref<1x128x16xf32, #tpu.memory_space<vmem>>
      %dma_start3A_1973 = tpu.memref_squeeze %dma_start3A_1972 : memref<1x128x16xf32, #tpu.memory_space<vmem>> -> memref<128x16xf32, #tpu.memory_space<vmem>>
      %dma_start3A_1974 = arith.constant 0 : i32
      %dma_start3A_1975 = tpu.memref_slice %arg10[%add3A_1968, %dma_start3A_1974] : memref<160x128xi32, #tpu.memory_space<vmem>> -> memref<1x128xi32, #tpu.memory_space<vmem>>
      %dma_start3A_1976 = tpu.memref_squeeze %dma_start3A_1975 : memref<1x128xi32, #tpu.memory_space<vmem>> -> memref<128xi32, #tpu.memory_space<vmem>>
      %dma_start3A_1977 = arith.constant 0 : i32
      %dma_start3A_1978 = arith.constant 0 : i32
      %dma_start3A_1979 = tpu.memref_slice %arg19[%dma_start3A_1977, %dma_start3A_1978] : memref<10240x16xf32, #tpu.memory_space<vmem_shared>> -> memref<10240x16xf32, #tpu.memory_space<vmem_shared>>
      tpu.enqueue_indirect_dma source(%dma_start3A_1973 : memref<128x16xf32, #tpu.memory_space<vmem>>) target(%dma_start3A_1979 : memref<10240x16xf32, #tpu.memory_space<vmem_shared>>) offsets(%dma_start3A_1976 : memref<128xi32, #tpu.memory_space<vmem>>) semaphore(%arg23 : memref<!tpu.dma_semaphore, #tpu.memory_space<semaphore_mem>>) {add = true}
      %mul3A_1980 = arith.constant 80 : i32
      %mul3A_1981 = arith.muli %arg0, %mul3A_1980 : i32
      %mul3A_1982 = arith.constant 4 : i32
      %mul3A_1983 = arith.muli %mul3A_1815, %mul3A_1982 : i32
      %add3A_1984 = arith.addi %mul3A_1981, %mul3A_1983 : i32
      %add3A_1985 = arith.constant 2 : i32
      %add3A_1986 = arith.addi %add3A_1984, %add3A_1985 : i32
      %dma_start3A_1987 = arith.constant 0 : i32
      %dma_start3A_1988 = arith.constant 256 : i32
      %dma_start3A_1989 = arith.constant 0 : i32
      %dma_start3A_1990 = tpu.memref_slice %arg15[%dma_start3A_1987, %dma_start3A_1988, %dma_start3A_1989] : memref<2x512x16xf32, #tpu.memory_space<vmem>> -> memref<1x128x16xf32, #tpu.memory_space<vmem>>
      %dma_start3A_1991 = tpu.memref_squeeze %dma_start3A_1990 : memref<1x128x16xf32, #tpu.memory_space<vmem>> -> memref<128x16xf32, #tpu.memory_space<vmem>>
      %dma_start3A_1992 = arith.constant 0 : i32
      %dma_start3A_1993 = tpu.memref_slice %arg10[%add3A_1986, %dma_start3A_1992] : memref<160x128xi32, #tpu.memory_space<vmem>> -> memref<1x128xi32, #tpu.memory_space<vmem>>
      %dma_start3A_1994 = tpu.memref_squeeze %dma_start3A_1993 : memref<1x128xi32, #tpu.memory_space<vmem>> -> memref<128xi32, #tpu.memory_space<vmem>>
      %dma_start3A_1995 = arith.constant 0 : i32
      %dma_start3A_1996 = arith.constant 0 : i32
      %dma_start3A_1997 = tpu.memref_slice %arg19[%dma_start3A_1995, %dma_start3A_1996] : memref<10240x16xf32, #tpu.memory_space<vmem_shared>> -> memref<10240x16xf32, #tpu.memory_space<vmem_shared>>
      tpu.enqueue_indirect_dma source(%dma_start3A_1991 : memref<128x16xf32, #tpu.memory_space<vmem>>) target(%dma_start3A_1997 : memref<10240x16xf32, #tpu.memory_space<vmem_shared>>) offsets(%dma_start3A_1994 : memref<128xi32, #tpu.memory_space<vmem>>) semaphore(%arg23 : memref<!tpu.dma_semaphore, #tpu.memory_space<semaphore_mem>>) {add = true}
      %mul3A_1998 = arith.constant 80 : i32
      %mul3A_1999 = arith.muli %arg0, %mul3A_1998 : i32
      %mul3A_2000 = arith.constant 4 : i32
      %mul3A_2001 = arith.muli %mul3A_1815, %mul3A_2000 : i32
      %add3A_2002 = arith.addi %mul3A_1999, %mul3A_2001 : i32
      %add3A_2003 = arith.constant 3 : i32
      %add3A_2004 = arith.addi %add3A_2002, %add3A_2003 : i32
      %dma_start3A_2005 = arith.constant 0 : i32
      %dma_start3A_2006 = arith.constant 384 : i32
      %dma_start3A_2007 = arith.constant 0 : i32
      %dma_start3A_2008 = tpu.memref_slice %arg15[%dma_start3A_2005, %dma_start3A_2006, %dma_start3A_2007] : memref<2x512x16xf32, #tpu.memory_space<vmem>> -> memref<1x128x16xf32, #tpu.memory_space<vmem>>
      %dma_start3A_2009 = tpu.memref_squeeze %dma_start3A_2008 : memref<1x128x16xf32, #tpu.memory_space<vmem>> -> memref<128x16xf32, #tpu.memory_space<vmem>>
      %dma_start3A_2010 = arith.constant 0 : i32
      %dma_start3A_2011 = tpu.memref_slice %arg10[%add3A_2004, %dma_start3A_2010] : memref<160x128xi32, #tpu.memory_space<vmem>> -> memref<1x128xi32, #tpu.memory_space<vmem>>
      %dma_start3A_2012 = tpu.memref_squeeze %dma_start3A_2011 : memref<1x128xi32, #tpu.memory_space<vmem>> -> memref<128xi32, #tpu.memory_space<vmem>>
      %dma_start3A_2013 = arith.constant 0 : i32
      %dma_start3A_2014 = arith.constant 0 : i32
      %dma_start3A_2015 = tpu.memref_slice %arg19[%dma_start3A_2013, %dma_start3A_2014] : memref<10240x16xf32, #tpu.memory_space<vmem_shared>> -> memref<10240x16xf32, #tpu.memory_space<vmem_shared>>
      tpu.enqueue_indirect_dma source(%dma_start3A_2009 : memref<128x16xf32, #tpu.memory_space<vmem>>) target(%dma_start3A_2015 : memref<10240x16xf32, #tpu.memory_space<vmem_shared>>) offsets(%dma_start3A_2012 : memref<128xi32, #tpu.memory_space<vmem>>) semaphore(%arg23 : memref<!tpu.dma_semaphore, #tpu.memory_space<semaphore_mem>>) {add = true}
      %dma_wait3A_2016 = arith.constant 1 : i32
      %dma_wait3A_2017 = arith.constant 0 : i32
      %dma_wait3A_2018 = arith.constant 0 : i32
      %dma_wait3A_2019 = tpu.memref_slice %arg15[%dma_wait3A_2016, %dma_wait3A_2017, %dma_wait3A_2018] : memref<2x512x16xf32, #tpu.memory_space<vmem>> -> memref<1x128x16xf32, #tpu.memory_space<vmem>>
      %dma_wait3A_2020 = tpu.memref_squeeze %dma_wait3A_2019 : memref<1x128x16xf32, #tpu.memory_space<vmem>> -> memref<128x16xf32, #tpu.memory_space<vmem>>
      %dma_wait3A_2021 = arith.constant 0 : i32
      %dma_wait3A_2022 = arith.constant 0 : i32
      %dma_wait3A_2023 = tpu.memref_slice %arg4[%dma_wait3A_2021, %dma_wait3A_2022] : memref<10240x16xf32, #tpu.memory_space<hbm>> -> memref<128x16xf32, #tpu.memory_space<hbm>>
      %dma_wait3A_2024 = arith.constant 0 : i32
      %dma_wait3A_2025 = arith.constant 0 : i32
      %dma_wait3A_2026 = tpu.memref_slice %arg15[%dma_wait3A_2016, %dma_wait3A_2024, %dma_wait3A_2025] : memref<2x512x16xf32, #tpu.memory_space<vmem>> -> memref<1x128x16xf32, #tpu.memory_space<vmem>>
      %dma_wait3A_2027 = tpu.memref_squeeze %dma_wait3A_2026 : memref<1x128x16xf32, #tpu.memory_space<vmem>> -> memref<128x16xf32, #tpu.memory_space<vmem>>
      %dma_wait3A_2028 = arith.constant 0 : i32
      %dma_wait3A_2029 = arith.constant 0 : i32
      %dma_wait3A_2030 = tpu.memref_slice %arg4[%dma_wait3A_2028, %dma_wait3A_2029] : memref<10240x16xf32, #tpu.memory_space<hbm>> -> memref<128x16xf32, #tpu.memory_space<hbm>>
      tpu.wait_dma2 semaphore(%arg22 : memref<!tpu.dma_semaphore, #tpu.memory_space<semaphore_mem>>) src(%dma_wait3A_2030 : memref<128x16xf32, #tpu.memory_space<hbm>>) dst(%dma_wait3A_2027 : memref<128x16xf32, #tpu.memory_space<vmem>>)
      %dma_wait3A_2031 = arith.constant 1 : i32
      %dma_wait3A_2032 = arith.constant 128 : i32
      %dma_wait3A_2033 = arith.constant 0 : i32
      %dma_wait3A_2034 = tpu.memref_slice %arg15[%dma_wait3A_2031, %dma_wait3A_2032, %dma_wait3A_2033] : memref<2x512x16xf32, #tpu.memory_space<vmem>> -> memref<1x128x16xf32, #tpu.memory_space<vmem>>
      %dma_wait3A_2035 = tpu.memref_squeeze %dma_wait3A_2034 : memref<1x128x16xf32, #tpu.memory_space<vmem>> -> memref<128x16xf32, #tpu.memory_space<vmem>>
      %dma_wait3A_2036 = arith.constant 0 : i32
      %dma_wait3A_2037 = arith.constant 0 : i32
      %dma_wait3A_2038 = tpu.memref_slice %arg4[%dma_wait3A_2036, %dma_wait3A_2037] : memref<10240x16xf32, #tpu.memory_space<hbm>> -> memref<128x16xf32, #tpu.memory_space<hbm>>
      %dma_wait3A_2039 = arith.constant 128 : i32
      %dma_wait3A_2040 = arith.constant 0 : i32
      %dma_wait3A_2041 = tpu.memref_slice %arg15[%dma_wait3A_2031, %dma_wait3A_2039, %dma_wait3A_2040] : memref<2x512x16xf32, #tpu.memory_space<vmem>> -> memref<1x128x16xf32, #tpu.memory_space<vmem>>
      %dma_wait3A_2042 = tpu.memref_squeeze %dma_wait3A_2041 : memref<1x128x16xf32, #tpu.memory_space<vmem>> -> memref<128x16xf32, #tpu.memory_space<vmem>>
      %dma_wait3A_2043 = arith.constant 0 : i32
      %dma_wait3A_2044 = arith.constant 0 : i32
      %dma_wait3A_2045 = tpu.memref_slice %arg4[%dma_wait3A_2043, %dma_wait3A_2044] : memref<10240x16xf32, #tpu.memory_space<hbm>> -> memref<128x16xf32, #tpu.memory_space<hbm>>
      tpu.wait_dma2 semaphore(%arg22 : memref<!tpu.dma_semaphore, #tpu.memory_space<semaphore_mem>>) src(%dma_wait3A_2045 : memref<128x16xf32, #tpu.memory_space<hbm>>) dst(%dma_wait3A_2042 : memref<128x16xf32, #tpu.memory_space<vmem>>)
      %dma_wait3A_2046 = arith.constant 1 : i32
      %dma_wait3A_2047 = arith.constant 256 : i32
      %dma_wait3A_2048 = arith.constant 0 : i32
      %dma_wait3A_2049 = tpu.memref_slice %arg15[%dma_wait3A_2046, %dma_wait3A_2047, %dma_wait3A_2048] : memref<2x512x16xf32, #tpu.memory_space<vmem>> -> memref<1x128x16xf32, #tpu.memory_space<vmem>>
      %dma_wait3A_2050 = tpu.memref_squeeze %dma_wait3A_2049 : memref<1x128x16xf32, #tpu.memory_space<vmem>> -> memref<128x16xf32, #tpu.memory_space<vmem>>
      %dma_wait3A_2051 = arith.constant 0 : i32
      %dma_wait3A_2052 = arith.constant 0 : i32
      %dma_wait3A_2053 = tpu.memref_slice %arg4[%dma_wait3A_2051, %dma_wait3A_2052] : memref<10240x16xf32, #tpu.memory_space<hbm>> -> memref<128x16xf32, #tpu.memory_space<hbm>>
      %dma_wait3A_2054 = arith.constant 256 : i32
      %dma_wait3A_2055 = arith.constant 0 : i32
      %dma_wait3A_2056 = tpu.memref_slice %arg15[%dma_wait3A_2046, %dma_wait3A_2054, %dma_wait3A_2055] : memref<2x512x16xf32, #tpu.memory_space<vmem>> -> memref<1x128x16xf32, #tpu.memory_space<vmem>>
      %dma_wait3A_2057 = tpu.memref_squeeze %dma_wait3A_2056 : memref<1x128x16xf32, #tpu.memory_space<vmem>> -> memref<128x16xf32, #tpu.memory_space<vmem>>
      %dma_wait3A_2058 = arith.constant 0 : i32
      %dma_wait3A_2059 = arith.constant 0 : i32
      %dma_wait3A_2060 = tpu.memref_slice %arg4[%dma_wait3A_2058, %dma_wait3A_2059] : memref<10240x16xf32, #tpu.memory_space<hbm>> -> memref<128x16xf32, #tpu.memory_space<hbm>>
      tpu.wait_dma2 semaphore(%arg22 : memref<!tpu.dma_semaphore, #tpu.memory_space<semaphore_mem>>) src(%dma_wait3A_2060 : memref<128x16xf32, #tpu.memory_space<hbm>>) dst(%dma_wait3A_2057 : memref<128x16xf32, #tpu.memory_space<vmem>>)
      %dma_wait3A_2061 = arith.constant 1 : i32
      %dma_wait3A_2062 = arith.constant 384 : i32
      %dma_wait3A_2063 = arith.constant 0 : i32
      %dma_wait3A_2064 = tpu.memref_slice %arg15[%dma_wait3A_2061, %dma_wait3A_2062, %dma_wait3A_2063] : memref<2x512x16xf32, #tpu.memory_space<vmem>> -> memref<1x128x16xf32, #tpu.memory_space<vmem>>
      %dma_wait3A_2065 = tpu.memref_squeeze %dma_wait3A_2064 : memref<1x128x16xf32, #tpu.memory_space<vmem>> -> memref<128x16xf32, #tpu.memory_space<vmem>>
      %dma_wait3A_2066 = arith.constant 0 : i32
      %dma_wait3A_2067 = arith.constant 0 : i32
      %dma_wait3A_2068 = tpu.memref_slice %arg4[%dma_wait3A_2066, %dma_wait3A_2067] : memref<10240x16xf32, #tpu.memory_space<hbm>> -> memref<128x16xf32, #tpu.memory_space<hbm>>
      %dma_wait3A_2069 = arith.constant 384 : i32
      %dma_wait3A_2070 = arith.constant 0 : i32
      %dma_wait3A_2071 = tpu.memref_slice %arg15[%dma_wait3A_2061, %dma_wait3A_2069, %dma_wait3A_2070] : memref<2x512x16xf32, #tpu.memory_space<vmem>> -> memref<1x128x16xf32, #tpu.memory_space<vmem>>
      %dma_wait3A_2072 = tpu.memref_squeeze %dma_wait3A_2071 : memref<1x128x16xf32, #tpu.memory_space<vmem>> -> memref<128x16xf32, #tpu.memory_space<vmem>>
      %dma_wait3A_2073 = arith.constant 0 : i32
      %dma_wait3A_2074 = arith.constant 0 : i32
      %dma_wait3A_2075 = tpu.memref_slice %arg4[%dma_wait3A_2073, %dma_wait3A_2074] : memref<10240x16xf32, #tpu.memory_space<hbm>> -> memref<128x16xf32, #tpu.memory_space<hbm>>
      tpu.wait_dma2 semaphore(%arg22 : memref<!tpu.dma_semaphore, #tpu.memory_space<semaphore_mem>>) src(%dma_wait3A_2075 : memref<128x16xf32, #tpu.memory_space<hbm>>) dst(%dma_wait3A_2072 : memref<128x16xf32, #tpu.memory_space<vmem>>)
      %dma_wait3A_2076 = arith.constant 0 : i32
      %dma_wait3A_2077 = arith.constant 0 : i32
      %dma_wait3A_2078 = arith.constant 0 : i32
      %dma_wait3A_2079 = tpu.memref_slice %arg15[%dma_wait3A_2076, %dma_wait3A_2077, %dma_wait3A_2078] : memref<2x512x16xf32, #tpu.memory_space<vmem>> -> memref<1x128x16xf32, #tpu.memory_space<vmem>>
      %dma_wait3A_2080 = tpu.memref_squeeze %dma_wait3A_2079 : memref<1x128x16xf32, #tpu.memory_space<vmem>> -> memref<128x16xf32, #tpu.memory_space<vmem>>
      %dma_wait3A_2081 = arith.constant 0 : i32
      %dma_wait3A_2082 = arith.constant 0 : i32
      %dma_wait3A_2083 = tpu.memref_slice %arg4[%dma_wait3A_2081, %dma_wait3A_2082] : memref<10240x16xf32, #tpu.memory_space<hbm>> -> memref<128x16xf32, #tpu.memory_space<hbm>>
      %dma_wait3A_2084 = arith.constant 0 : i32
      %dma_wait3A_2085 = arith.constant 0 : i32
      %dma_wait3A_2086 = tpu.memref_slice %arg15[%dma_wait3A_2076, %dma_wait3A_2084, %dma_wait3A_2085] : memref<2x512x16xf32, #tpu.memory_space<vmem>> -> memref<1x128x16xf32, #tpu.memory_space<vmem>>
      %dma_wait3A_2087 = tpu.memref_squeeze %dma_wait3A_2086 : memref<1x128x16xf32, #tpu.memory_space<vmem>> -> memref<128x16xf32, #tpu.memory_space<vmem>>
      %dma_wait3A_2088 = arith.constant 0 : i32
      %dma_wait3A_2089 = arith.constant 0 : i32
      %dma_wait3A_2090 = tpu.memref_slice %arg4[%dma_wait3A_2088, %dma_wait3A_2089] : memref<10240x16xf32, #tpu.memory_space<hbm>> -> memref<128x16xf32, #tpu.memory_space<hbm>>
      tpu.wait_dma2 semaphore(%arg23 : memref<!tpu.dma_semaphore, #tpu.memory_space<semaphore_mem>>) src(%dma_wait3A_2090 : memref<128x16xf32, #tpu.memory_space<hbm>>) dst(%dma_wait3A_2087 : memref<128x16xf32, #tpu.memory_space<vmem>>)
      %dma_wait3A_2091 = arith.constant 0 : i32
      %dma_wait3A_2092 = arith.constant 128 : i32
      %dma_wait3A_2093 = arith.constant 0 : i32
      %dma_wait3A_2094 = tpu.memref_slice %arg15[%dma_wait3A_2091, %dma_wait3A_2092, %dma_wait3A_2093] : memref<2x512x16xf32, #tpu.memory_space<vmem>> -> memref<1x128x16xf32, #tpu.memory_space<vmem>>
      %dma_wait3A_2095 = tpu.memref_squeeze %dma_wait3A_2094 : memref<1x128x16xf32, #tpu.memory_space<vmem>> -> memref<128x16xf32, #tpu.memory_space<vmem>>
      %dma_wait3A_2096 = arith.constant 0 : i32
      %dma_wait3A_2097 = arith.constant 0 : i32
      %dma_wait3A_2098 = tpu.memref_slice %arg4[%dma_wait3A_2096, %dma_wait3A_2097] : memref<10240x16xf32, #tpu.memory_space<hbm>> -> memref<128x16xf32, #tpu.memory_space<hbm>>
      %dma_wait3A_2099 = arith.constant 128 : i32
      %dma_wait3A_2100 = arith.constant 0 : i32
      %dma_wait3A_2101 = tpu.memref_slice %arg15[%dma_wait3A_2091, %dma_wait3A_2099, %dma_wait3A_2100] : memref<2x512x16xf32, #tpu.memory_space<vmem>> -> memref<1x128x16xf32, #tpu.memory_space<vmem>>
      %dma_wait3A_2102 = tpu.memref_squeeze %dma_wait3A_2101 : memref<1x128x16xf32, #tpu.memory_space<vmem>> -> memref<128x16xf32, #tpu.memory_space<vmem>>
      %dma_wait3A_2103 = arith.constant 0 : i32
      %dma_wait3A_2104 = arith.constant 0 : i32
      %dma_wait3A_2105 = tpu.memref_slice %arg4[%dma_wait3A_2103, %dma_wait3A_2104] : memref<10240x16xf32, #tpu.memory_space<hbm>> -> memref<128x16xf32, #tpu.memory_space<hbm>>
      tpu.wait_dma2 semaphore(%arg23 : memref<!tpu.dma_semaphore, #tpu.memory_space<semaphore_mem>>) src(%dma_wait3A_2105 : memref<128x16xf32, #tpu.memory_space<hbm>>) dst(%dma_wait3A_2102 : memref<128x16xf32, #tpu.memory_space<vmem>>)
      %dma_wait3A_2106 = arith.constant 0 : i32
      %dma_wait3A_2107 = arith.constant 256 : i32
      %dma_wait3A_2108 = arith.constant 0 : i32
      %dma_wait3A_2109 = tpu.memref_slice %arg15[%dma_wait3A_2106, %dma_wait3A_2107, %dma_wait3A_2108] : memref<2x512x16xf32, #tpu.memory_space<vmem>> -> memref<1x128x16xf32, #tpu.memory_space<vmem>>
      %dma_wait3A_2110 = tpu.memref_squeeze %dma_wait3A_2109 : memref<1x128x16xf32, #tpu.memory_space<vmem>> -> memref<128x16xf32, #tpu.memory_space<vmem>>
      %dma_wait3A_2111 = arith.constant 0 : i32
      %dma_wait3A_2112 = arith.constant 0 : i32
      %dma_wait3A_2113 = tpu.memref_slice %arg4[%dma_wait3A_2111, %dma_wait3A_2112] : memref<10240x16xf32, #tpu.memory_space<hbm>> -> memref<128x16xf32, #tpu.memory_space<hbm>>
      %dma_wait3A_2114 = arith.constant 256 : i32
      %dma_wait3A_2115 = arith.constant 0 : i32
      %dma_wait3A_2116 = tpu.memref_slice %arg15[%dma_wait3A_2106, %dma_wait3A_2114, %dma_wait3A_2115] : memref<2x512x16xf32, #tpu.memory_space<vmem>> -> memref<1x128x16xf32, #tpu.memory_space<vmem>>
      %dma_wait3A_2117 = tpu.memref_squeeze %dma_wait3A_2116 : memref<1x128x16xf32, #tpu.memory_space<vmem>> -> memref<128x16xf32, #tpu.memory_space<vmem>>
      %dma_wait3A_2118 = arith.constant 0 : i32
      %dma_wait3A_2119 = arith.constant 0 : i32
      %dma_wait3A_2120 = tpu.memref_slice %arg4[%dma_wait3A_2118, %dma_wait3A_2119] : memref<10240x16xf32, #tpu.memory_space<hbm>> -> memref<128x16xf32, #tpu.memory_space<hbm>>
      tpu.wait_dma2 semaphore(%arg23 : memref<!tpu.dma_semaphore, #tpu.memory_space<semaphore_mem>>) src(%dma_wait3A_2120 : memref<128x16xf32, #tpu.memory_space<hbm>>) dst(%dma_wait3A_2117 : memref<128x16xf32, #tpu.memory_space<vmem>>)
      %dma_wait3A_2121 = arith.constant 0 : i32
      %dma_wait3A_2122 = arith.constant 384 : i32
      %dma_wait3A_2123 = arith.constant 0 : i32
      %dma_wait3A_2124 = tpu.memref_slice %arg15[%dma_wait3A_2121, %dma_wait3A_2122, %dma_wait3A_2123] : memref<2x512x16xf32, #tpu.memory_space<vmem>> -> memref<1x128x16xf32, #tpu.memory_space<vmem>>
      %dma_wait3A_2125 = tpu.memref_squeeze %dma_wait3A_2124 : memref<1x128x16xf32, #tpu.memory_space<vmem>> -> memref<128x16xf32, #tpu.memory_space<vmem>>
      %dma_wait3A_2126 = arith.constant 0 : i32
      %dma_wait3A_2127 = arith.constant 0 : i32
      %dma_wait3A_2128 = tpu.memref_slice %arg4[%dma_wait3A_2126, %dma_wait3A_2127] : memref<10240x16xf32, #tpu.memory_space<hbm>> -> memref<128x16xf32, #tpu.memory_space<hbm>>
      %dma_wait3A_2129 = arith.constant 384 : i32
      %dma_wait3A_2130 = arith.constant 0 : i32
      %dma_wait3A_2131 = tpu.memref_slice %arg15[%dma_wait3A_2121, %dma_wait3A_2129, %dma_wait3A_2130] : memref<2x512x16xf32, #tpu.memory_space<vmem>> -> memref<1x128x16xf32, #tpu.memory_space<vmem>>
      %dma_wait3A_2132 = tpu.memref_squeeze %dma_wait3A_2131 : memref<1x128x16xf32, #tpu.memory_space<vmem>> -> memref<128x16xf32, #tpu.memory_space<vmem>>
      %dma_wait3A_2133 = arith.constant 0 : i32
      %dma_wait3A_2134 = arith.constant 0 : i32
      %dma_wait3A_2135 = tpu.memref_slice %arg4[%dma_wait3A_2133, %dma_wait3A_2134] : memref<10240x16xf32, #tpu.memory_space<hbm>> -> memref<128x16xf32, #tpu.memory_space<hbm>>
      tpu.wait_dma2 semaphore(%arg23 : memref<!tpu.dma_semaphore, #tpu.memory_space<semaphore_mem>>) src(%dma_wait3A_2135 : memref<128x16xf32, #tpu.memory_space<hbm>>) dst(%dma_wait3A_2132 : memref<128x16xf32, #tpu.memory_space<vmem>>)
      %lt3A = arith.constant 9 : i32
      %lt3A_2136 = arith.cmpi slt, %scan3A_1813, %lt3A : i32
      %convert_element_type3A_2137 = arith.extui %lt3A_2136 : i1 to i32
      %cond3A_2138 = arith.constant 0 : i32
      %cond3A_2139 = arith.cmpi ne, %convert_element_type3A_2137, %cond3A_2138 : i32
      scf.if %cond3A_2139 {
        %add3A_2212 = arith.constant 2 : i32
        %add3A_2213 = arith.addi %mul3A_1815, %add3A_2212 : i32
        %mul3A_2214 = arith.constant 4 : i32
        %mul3A_2215 = arith.muli %add3A_2213, %mul3A_2214 : i32
        %add3A_2216 = arith.constant 0 : i32
        %add3A_2217 = arith.addi %mul3A_2215, %add3A_2216 : i32
        %dma_start3A_2218 = arith.constant 0 : i32
        %dma_start3A_2219 = arith.constant 0 : i32
        %dma_start3A_2220 = arith.constant 0 : i32
        %dma_start3A_2221 = tpu.memref_slice %arg15[%dma_start3A_2218, %dma_start3A_2219, %dma_start3A_2220] : memref<2x512x16xf32, #tpu.memory_space<vmem>> -> memref<1x128x16xf32, #tpu.memory_space<vmem>>
        %dma_start3A_2222 = tpu.memref_squeeze %dma_start3A_2221 : memref<1x128x16xf32, #tpu.memory_space<vmem>> -> memref<128x16xf32, #tpu.memory_space<vmem>>
        %dma_start3A_2223 = arith.constant 0 : i32
        %dma_start3A_2224 = tpu.memref_slice %arg11[%add3A_2217, %dma_start3A_2223] : memref<80x128xi32, #tpu.memory_space<vmem>> -> memref<1x128xi32, #tpu.memory_space<vmem>>
        %dma_start3A_2225 = tpu.memref_squeeze %dma_start3A_2224 : memref<1x128xi32, #tpu.memory_space<vmem>> -> memref<128xi32, #tpu.memory_space<vmem>>
        %dma_start3A_2226 = arith.constant 0 : i32
        %dma_start3A_2227 = arith.constant 0 : i32
        %dma_start3A_2228 = tpu.memref_slice %arg18[%dma_start3A_2226, %dma_start3A_2227] : memref<10240x16xf32, #tpu.memory_space<vmem_shared>> -> memref<10240x16xf32, #tpu.memory_space<vmem_shared>>
        tpu.enqueue_indirect_dma source(%dma_start3A_2228 : memref<10240x16xf32, #tpu.memory_space<vmem_shared>>) target(%dma_start3A_2222 : memref<128x16xf32, #tpu.memory_space<vmem>>) offsets(%dma_start3A_2225 : memref<128xi32, #tpu.memory_space<vmem>>) semaphore(%arg21 : memref<!tpu.dma_semaphore, #tpu.memory_space<semaphore_mem>>)
        %mul3A_2229 = arith.constant 4 : i32
        %mul3A_2230 = arith.muli %add3A_2213, %mul3A_2229 : i32
        %add3A_2231 = arith.constant 1 : i32
        %add3A_2232 = arith.addi %mul3A_2230, %add3A_2231 : i32
        %dma_start3A_2233 = arith.constant 0 : i32
        %dma_start3A_2234 = arith.constant 128 : i32
        %dma_start3A_2235 = arith.constant 0 : i32
        %dma_start3A_2236 = tpu.memref_slice %arg15[%dma_start3A_2233, %dma_start3A_2234, %dma_start3A_2235] : memref<2x512x16xf32, #tpu.memory_space<vmem>> -> memref<1x128x16xf32, #tpu.memory_space<vmem>>
        %dma_start3A_2237 = tpu.memref_squeeze %dma_start3A_2236 : memref<1x128x16xf32, #tpu.memory_space<vmem>> -> memref<128x16xf32, #tpu.memory_space<vmem>>
        %dma_start3A_2238 = arith.constant 0 : i32
        %dma_start3A_2239 = tpu.memref_slice %arg11[%add3A_2232, %dma_start3A_2238] : memref<80x128xi32, #tpu.memory_space<vmem>> -> memref<1x128xi32, #tpu.memory_space<vmem>>
        %dma_start3A_2240 = tpu.memref_squeeze %dma_start3A_2239 : memref<1x128xi32, #tpu.memory_space<vmem>> -> memref<128xi32, #tpu.memory_space<vmem>>
        %dma_start3A_2241 = arith.constant 0 : i32
        %dma_start3A_2242 = arith.constant 0 : i32
        %dma_start3A_2243 = tpu.memref_slice %arg18[%dma_start3A_2241, %dma_start3A_2242] : memref<10240x16xf32, #tpu.memory_space<vmem_shared>> -> memref<10240x16xf32, #tpu.memory_space<vmem_shared>>
        tpu.enqueue_indirect_dma source(%dma_start3A_2243 : memref<10240x16xf32, #tpu.memory_space<vmem_shared>>) target(%dma_start3A_2237 : memref<128x16xf32, #tpu.memory_space<vmem>>) offsets(%dma_start3A_2240 : memref<128xi32, #tpu.memory_space<vmem>>) semaphore(%arg21 : memref<!tpu.dma_semaphore, #tpu.memory_space<semaphore_mem>>)
        %mul3A_2244 = arith.constant 4 : i32
        %mul3A_2245 = arith.muli %add3A_2213, %mul3A_2244 : i32
        %add3A_2246 = arith.constant 2 : i32
        %add3A_2247 = arith.addi %mul3A_2245, %add3A_2246 : i32
        %dma_start3A_2248 = arith.constant 0 : i32
        %dma_start3A_2249 = arith.constant 256 : i32
        %dma_start3A_2250 = arith.constant 0 : i32
        %dma_start3A_2251 = tpu.memref_slice %arg15[%dma_start3A_2248, %dma_start3A_2249, %dma_start3A_2250] : memref<2x512x16xf32, #tpu.memory_space<vmem>> -> memref<1x128x16xf32, #tpu.memory_space<vmem>>
        %dma_start3A_2252 = tpu.memref_squeeze %dma_start3A_2251 : memref<1x128x16xf32, #tpu.memory_space<vmem>> -> memref<128x16xf32, #tpu.memory_space<vmem>>
        %dma_start3A_2253 = arith.constant 0 : i32
        %dma_start3A_2254 = tpu.memref_slice %arg11[%add3A_2247, %dma_start3A_2253] : memref<80x128xi32, #tpu.memory_space<vmem>> -> memref<1x128xi32, #tpu.memory_space<vmem>>
        %dma_start3A_2255 = tpu.memref_squeeze %dma_start3A_2254 : memref<1x128xi32, #tpu.memory_space<vmem>> -> memref<128xi32, #tpu.memory_space<vmem>>
        %dma_start3A_2256 = arith.constant 0 : i32
        %dma_start3A_2257 = arith.constant 0 : i32
        %dma_start3A_2258 = tpu.memref_slice %arg18[%dma_start3A_2256, %dma_start3A_2257] : memref<10240x16xf32, #tpu.memory_space<vmem_shared>> -> memref<10240x16xf32, #tpu.memory_space<vmem_shared>>
        tpu.enqueue_indirect_dma source(%dma_start3A_2258 : memref<10240x16xf32, #tpu.memory_space<vmem_shared>>) target(%dma_start3A_2252 : memref<128x16xf32, #tpu.memory_space<vmem>>) offsets(%dma_start3A_2255 : memref<128xi32, #tpu.memory_space<vmem>>) semaphore(%arg21 : memref<!tpu.dma_semaphore, #tpu.memory_space<semaphore_mem>>)
        %mul3A_2259 = arith.constant 4 : i32
        %mul3A_2260 = arith.muli %add3A_2213, %mul3A_2259 : i32
        %add3A_2261 = arith.constant 3 : i32
        %add3A_2262 = arith.addi %mul3A_2260, %add3A_2261 : i32
        %dma_start3A_2263 = arith.constant 0 : i32
        %dma_start3A_2264 = arith.constant 384 : i32
        %dma_start3A_2265 = arith.constant 0 : i32
        %dma_start3A_2266 = tpu.memref_slice %arg15[%dma_start3A_2263, %dma_start3A_2264, %dma_start3A_2265] : memref<2x512x16xf32, #tpu.memory_space<vmem>> -> memref<1x128x16xf32, #tpu.memory_space<vmem>>
        %dma_start3A_2267 = tpu.memref_squeeze %dma_start3A_2266 : memref<1x128x16xf32, #tpu.memory_space<vmem>> -> memref<128x16xf32, #tpu.memory_space<vmem>>
        %dma_start3A_2268 = arith.constant 0 : i32
        %dma_start3A_2269 = tpu.memref_slice %arg11[%add3A_2262, %dma_start3A_2268] : memref<80x128xi32, #tpu.memory_space<vmem>> -> memref<1x128xi32, #tpu.memory_space<vmem>>
        %dma_start3A_2270 = tpu.memref_squeeze %dma_start3A_2269 : memref<1x128xi32, #tpu.memory_space<vmem>> -> memref<128xi32, #tpu.memory_space<vmem>>
        %dma_start3A_2271 = arith.constant 0 : i32
        %dma_start3A_2272 = arith.constant 0 : i32
        %dma_start3A_2273 = tpu.memref_slice %arg18[%dma_start3A_2271, %dma_start3A_2272] : memref<10240x16xf32, #tpu.memory_space<vmem_shared>> -> memref<10240x16xf32, #tpu.memory_space<vmem_shared>>
        tpu.enqueue_indirect_dma source(%dma_start3A_2273 : memref<10240x16xf32, #tpu.memory_space<vmem_shared>>) target(%dma_start3A_2267 : memref<128x16xf32, #tpu.memory_space<vmem>>) offsets(%dma_start3A_2270 : memref<128xi32, #tpu.memory_space<vmem>>) semaphore(%arg21 : memref<!tpu.dma_semaphore, #tpu.memory_space<semaphore_mem>>)
      } else {
      }
      %mul3A_2140 = arith.constant 80 : i32
      %mul3A_2141 = arith.muli %arg0, %mul3A_2140 : i32
      %mul3A_2142 = arith.constant 4 : i32
      %mul3A_2143 = arith.muli %add3A_1819, %mul3A_2142 : i32
      %add3A_2144 = arith.addi %mul3A_2141, %mul3A_2143 : i32
      %add3A_2145 = arith.constant 0 : i32
      %add3A_2146 = arith.addi %add3A_2144, %add3A_2145 : i32
      %dma_start3A_2147 = arith.constant 1 : i32
      %dma_start3A_2148 = arith.constant 0 : i32
      %dma_start3A_2149 = arith.constant 0 : i32
      %dma_start3A_2150 = tpu.memref_slice %arg15[%dma_start3A_2147, %dma_start3A_2148, %dma_start3A_2149] : memref<2x512x16xf32, #tpu.memory_space<vmem>> -> memref<1x128x16xf32, #tpu.memory_space<vmem>>
      %dma_start3A_2151 = tpu.memref_squeeze %dma_start3A_2150 : memref<1x128x16xf32, #tpu.memory_space<vmem>> -> memref<128x16xf32, #tpu.memory_space<vmem>>
      %dma_start3A_2152 = arith.constant 0 : i32
      %dma_start3A_2153 = tpu.memref_slice %arg10[%add3A_2146, %dma_start3A_2152] : memref<160x128xi32, #tpu.memory_space<vmem>> -> memref<1x128xi32, #tpu.memory_space<vmem>>
      %dma_start3A_2154 = tpu.memref_squeeze %dma_start3A_2153 : memref<1x128xi32, #tpu.memory_space<vmem>> -> memref<128xi32, #tpu.memory_space<vmem>>
      %dma_start3A_2155 = arith.constant 0 : i32
      %dma_start3A_2156 = arith.constant 0 : i32
      %dma_start3A_2157 = tpu.memref_slice %arg19[%dma_start3A_2155, %dma_start3A_2156] : memref<10240x16xf32, #tpu.memory_space<vmem_shared>> -> memref<10240x16xf32, #tpu.memory_space<vmem_shared>>
      tpu.enqueue_indirect_dma source(%dma_start3A_2151 : memref<128x16xf32, #tpu.memory_space<vmem>>) target(%dma_start3A_2157 : memref<10240x16xf32, #tpu.memory_space<vmem_shared>>) offsets(%dma_start3A_2154 : memref<128xi32, #tpu.memory_space<vmem>>) semaphore(%arg24 : memref<!tpu.dma_semaphore, #tpu.memory_space<semaphore_mem>>) {add = true}
      %mul3A_2158 = arith.constant 80 : i32
      %mul3A_2159 = arith.muli %arg0, %mul3A_2158 : i32
      %mul3A_2160 = arith.constant 4 : i32
      %mul3A_2161 = arith.muli %add3A_1819, %mul3A_2160 : i32
      %add3A_2162 = arith.addi %mul3A_2159, %mul3A_2161 : i32
      %add3A_2163 = arith.constant 1 : i32
      %add3A_2164 = arith.addi %add3A_2162, %add3A_2163 : i32
      %dma_start3A_2165 = arith.constant 1 : i32
      %dma_start3A_2166 = arith.constant 128 : i32
      %dma_start3A_2167 = arith.constant 0 : i32
      %dma_start3A_2168 = tpu.memref_slice %arg15[%dma_start3A_2165, %dma_start3A_2166, %dma_start3A_2167] : memref<2x512x16xf32, #tpu.memory_space<vmem>> -> memref<1x128x16xf32, #tpu.memory_space<vmem>>
      %dma_start3A_2169 = tpu.memref_squeeze %dma_start3A_2168 : memref<1x128x16xf32, #tpu.memory_space<vmem>> -> memref<128x16xf32, #tpu.memory_space<vmem>>
      %dma_start3A_2170 = arith.constant 0 : i32
      %dma_start3A_2171 = tpu.memref_slice %arg10[%add3A_2164, %dma_start3A_2170] : memref<160x128xi32, #tpu.memory_space<vmem>> -> memref<1x128xi32, #tpu.memory_space<vmem>>
      %dma_start3A_2172 = tpu.memref_squeeze %dma_start3A_2171 : memref<1x128xi32, #tpu.memory_space<vmem>> -> memref<128xi32, #tpu.memory_space<vmem>>
      %dma_start3A_2173 = arith.constant 0 : i32
      %dma_start3A_2174 = arith.constant 0 : i32
      %dma_start3A_2175 = tpu.memref_slice %arg19[%dma_start3A_2173, %dma_start3A_2174] : memref<10240x16xf32, #tpu.memory_space<vmem_shared>> -> memref<10240x16xf32, #tpu.memory_space<vmem_shared>>
      tpu.enqueue_indirect_dma source(%dma_start3A_2169 : memref<128x16xf32, #tpu.memory_space<vmem>>) target(%dma_start3A_2175 : memref<10240x16xf32, #tpu.memory_space<vmem_shared>>) offsets(%dma_start3A_2172 : memref<128xi32, #tpu.memory_space<vmem>>) semaphore(%arg24 : memref<!tpu.dma_semaphore, #tpu.memory_space<semaphore_mem>>) {add = true}
      %mul3A_2176 = arith.constant 80 : i32
      %mul3A_2177 = arith.muli %arg0, %mul3A_2176 : i32
      %mul3A_2178 = arith.constant 4 : i32
      %mul3A_2179 = arith.muli %add3A_1819, %mul3A_2178 : i32
      %add3A_2180 = arith.addi %mul3A_2177, %mul3A_2179 : i32
      %add3A_2181 = arith.constant 2 : i32
      %add3A_2182 = arith.addi %add3A_2180, %add3A_2181 : i32
      %dma_start3A_2183 = arith.constant 1 : i32
      %dma_start3A_2184 = arith.constant 256 : i32
      %dma_start3A_2185 = arith.constant 0 : i32
      %dma_start3A_2186 = tpu.memref_slice %arg15[%dma_start3A_2183, %dma_start3A_2184, %dma_start3A_2185] : memref<2x512x16xf32, #tpu.memory_space<vmem>> -> memref<1x128x16xf32, #tpu.memory_space<vmem>>
      %dma_start3A_2187 = tpu.memref_squeeze %dma_start3A_2186 : memref<1x128x16xf32, #tpu.memory_space<vmem>> -> memref<128x16xf32, #tpu.memory_space<vmem>>
      %dma_start3A_2188 = arith.constant 0 : i32
      %dma_start3A_2189 = tpu.memref_slice %arg10[%add3A_2182, %dma_start3A_2188] : memref<160x128xi32, #tpu.memory_space<vmem>> -> memref<1x128xi32, #tpu.memory_space<vmem>>
      %dma_start3A_2190 = tpu.memref_squeeze %dma_start3A_2189 : memref<1x128xi32, #tpu.memory_space<vmem>> -> memref<128xi32, #tpu.memory_space<vmem>>
      %dma_start3A_2191 = arith.constant 0 : i32
      %dma_start3A_2192 = arith.constant 0 : i32
      %dma_start3A_2193 = tpu.memref_slice %arg19[%dma_start3A_2191, %dma_start3A_2192] : memref<10240x16xf32, #tpu.memory_space<vmem_shared>> -> memref<10240x16xf32, #tpu.memory_space<vmem_shared>>
      tpu.enqueue_indirect_dma source(%dma_start3A_2187 : memref<128x16xf32, #tpu.memory_space<vmem>>) target(%dma_start3A_2193 : memref<10240x16xf32, #tpu.memory_space<vmem_shared>>) offsets(%dma_start3A_2190 : memref<128xi32, #tpu.memory_space<vmem>>) semaphore(%arg24 : memref<!tpu.dma_semaphore, #tpu.memory_space<semaphore_mem>>) {add = true}
      %mul3A_2194 = arith.constant 80 : i32
      %mul3A_2195 = arith.muli %arg0, %mul3A_2194 : i32
      %mul3A_2196 = arith.constant 4 : i32
      %mul3A_2197 = arith.muli %add3A_1819, %mul3A_2196 : i32
      %add3A_2198 = arith.addi %mul3A_2195, %mul3A_2197 : i32
      %add3A_2199 = arith.constant 3 : i32
      %add3A_2200 = arith.addi %add3A_2198, %add3A_2199 : i32
      %dma_start3A_2201 = arith.constant 1 : i32
      %dma_start3A_2202 = arith.constant 384 : i32
      %dma_start3A_2203 = arith.constant 0 : i32
      %dma_start3A_2204 = tpu.memref_slice %arg15[%dma_start3A_2201, %dma_start3A_2202, %dma_start3A_2203] : memref<2x512x16xf32, #tpu.memory_space<vmem>> -> memref<1x128x16xf32, #tpu.memory_space<vmem>>
      %dma_start3A_2205 = tpu.memref_squeeze %dma_start3A_2204 : memref<1x128x16xf32, #tpu.memory_space<vmem>> -> memref<128x16xf32, #tpu.memory_space<vmem>>
      %dma_start3A_2206 = arith.constant 0 : i32
      %dma_start3A_2207 = tpu.memref_slice %arg10[%add3A_2200, %dma_start3A_2206] : memref<160x128xi32, #tpu.memory_space<vmem>> -> memref<1x128xi32, #tpu.memory_space<vmem>>
      %dma_start3A_2208 = tpu.memref_squeeze %dma_start3A_2207 : memref<1x128xi32, #tpu.memory_space<vmem>> -> memref<128xi32, #tpu.memory_space<vmem>>
      %dma_start3A_2209 = arith.constant 0 : i32
      %dma_start3A_2210 = arith.constant 0 : i32
      %dma_start3A_2211 = tpu.memref_slice %arg19[%dma_start3A_2209, %dma_start3A_2210] : memref<10240x16xf32, #tpu.memory_space<vmem_shared>> -> memref<10240x16xf32, #tpu.memory_space<vmem_shared>>
      tpu.enqueue_indirect_dma source(%dma_start3A_2205 : memref<128x16xf32, #tpu.memory_space<vmem>>) target(%dma_start3A_2211 : memref<10240x16xf32, #tpu.memory_space<vmem_shared>>) offsets(%dma_start3A_2208 : memref<128xi32, #tpu.memory_space<vmem>>) semaphore(%arg24 : memref<!tpu.dma_semaphore, #tpu.memory_space<semaphore_mem>>) {add = true}
    }
    %scan3A_1749 = arith.constant 10 : i32
    %dma_wait3A = arith.constant 1 : i32
    %dma_wait3A_1750 = arith.constant 0 : i32
    %dma_wait3A_1751 = arith.constant 0 : i32
    %dma_wait3A_1752 = tpu.memref_slice %arg15[%dma_wait3A, %dma_wait3A_1750, %dma_wait3A_1751] : memref<2x512x16xf32, #tpu.memory_space<vmem>> -> memref<1x128x16xf32, #tpu.memory_space<vmem>>
    %dma_wait3A_1753 = tpu.memref_squeeze %dma_wait3A_1752 : memref<1x128x16xf32, #tpu.memory_space<vmem>> -> memref<128x16xf32, #tpu.memory_space<vmem>>
    %dma_wait3A_1754 = arith.constant 0 : i32
    %dma_wait3A_1755 = arith.constant 0 : i32
    %dma_wait3A_1756 = tpu.memref_slice %arg4[%dma_wait3A_1754, %dma_wait3A_1755] : memref<10240x16xf32, #tpu.memory_space<hbm>> -> memref<128x16xf32, #tpu.memory_space<hbm>>
    %dma_wait3A_1757 = arith.constant 0 : i32
    %dma_wait3A_1758 = arith.constant 0 : i32
    %dma_wait3A_1759 = tpu.memref_slice %arg15[%dma_wait3A, %dma_wait3A_1757, %dma_wait3A_1758] : memref<2x512x16xf32, #tpu.memory_space<vmem>> -> memref<1x128x16xf32, #tpu.memory_space<vmem>>
    %dma_wait3A_1760 = tpu.memref_squeeze %dma_wait3A_1759 : memref<1x128x16xf32, #tpu.memory_space<vmem>> -> memref<128x16xf32, #tpu.memory_space<vmem>>
    %dma_wait3A_1761 = arith.constant 0 : i32
    %dma_wait3A_1762 = arith.constant 0 : i32
    %dma_wait3A_1763 = tpu.memref_slice %arg4[%dma_wait3A_1761, %dma_wait3A_1762] : memref<10240x16xf32, #tpu.memory_space<hbm>> -> memref<128x16xf32, #tpu.memory_space<hbm>>
    tpu.wait_dma2 semaphore(%arg24 : memref<!tpu.dma_semaphore, #tpu.memory_space<semaphore_mem>>) src(%dma_wait3A_1763 : memref<128x16xf32, #tpu.memory_space<hbm>>) dst(%dma_wait3A_1760 : memref<128x16xf32, #tpu.memory_space<vmem>>)
    %dma_wait3A_1764 = arith.constant 1 : i32
    %dma_wait3A_1765 = arith.constant 128 : i32
    %dma_wait3A_1766 = arith.constant 0 : i32
    %dma_wait3A_1767 = tpu.memref_slice %arg15[%dma_wait3A_1764, %dma_wait3A_1765, %dma_wait3A_1766] : memref<2x512x16xf32, #tpu.memory_space<vmem>> -> memref<1x128x16xf32, #tpu.memory_space<vmem>>
    %dma_wait3A_1768 = tpu.memref_squeeze %dma_wait3A_1767 : memref<1x128x16xf32, #tpu.memory_space<vmem>> -> memref<128x16xf32, #tpu.memory_space<vmem>>
    %dma_wait3A_1769 = arith.constant 0 : i32
    %dma_wait3A_1770 = arith.constant 0 : i32
    %dma_wait3A_1771 = tpu.memref_slice %arg4[%dma_wait3A_1769, %dma_wait3A_1770] : memref<10240x16xf32, #tpu.memory_space<hbm>> -> memref<128x16xf32, #tpu.memory_space<hbm>>
    %dma_wait3A_1772 = arith.constant 128 : i32
    %dma_wait3A_1773 = arith.constant 0 : i32
    %dma_wait3A_1774 = tpu.memref_slice %arg15[%dma_wait3A_1764, %dma_wait3A_1772, %dma_wait3A_1773] : memref<2x512x16xf32, #tpu.memory_space<vmem>> -> memref<1x128x16xf32, #tpu.memory_space<vmem>>
    %dma_wait3A_1775 = tpu.memref_squeeze %dma_wait3A_1774 : memref<1x128x16xf32, #tpu.memory_space<vmem>> -> memref<128x16xf32, #tpu.memory_space<vmem>>
    %dma_wait3A_1776 = arith.constant 0 : i32
    %dma_wait3A_1777 = arith.constant 0 : i32
    %dma_wait3A_1778 = tpu.memref_slice %arg4[%dma_wait3A_1776, %dma_wait3A_1777] : memref<10240x16xf32, #tpu.memory_space<hbm>> -> memref<128x16xf32, #tpu.memory_space<hbm>>
    tpu.wait_dma2 semaphore(%arg24 : memref<!tpu.dma_semaphore, #tpu.memory_space<semaphore_mem>>) src(%dma_wait3A_1778 : memref<128x16xf32, #tpu.memory_space<hbm>>) dst(%dma_wait3A_1775 : memref<128x16xf32, #tpu.memory_space<vmem>>)
    %dma_wait3A_1779 = arith.constant 1 : i32
    %dma_wait3A_1780 = arith.constant 256 : i32
    %dma_wait3A_1781 = arith.constant 0 : i32
    %dma_wait3A_1782 = tpu.memref_slice %arg15[%dma_wait3A_1779, %dma_wait3A_1780, %dma_wait3A_1781] : memref<2x512x16xf32, #tpu.memory_space<vmem>> -> memref<1x128x16xf32, #tpu.memory_space<vmem>>
    %dma_wait3A_1783 = tpu.memref_squeeze %dma_wait3A_1782 : memref<1x128x16xf32, #tpu.memory_space<vmem>> -> memref<128x16xf32, #tpu.memory_space<vmem>>
    %dma_wait3A_1784 = arith.constant 0 : i32
    %dma_wait3A_1785 = arith.constant 0 : i32
    %dma_wait3A_1786 = tpu.memref_slice %arg4[%dma_wait3A_1784, %dma_wait3A_1785] : memref<10240x16xf32, #tpu.memory_space<hbm>> -> memref<128x16xf32, #tpu.memory_space<hbm>>
    %dma_wait3A_1787 = arith.constant 256 : i32
    %dma_wait3A_1788 = arith.constant 0 : i32
    %dma_wait3A_1789 = tpu.memref_slice %arg15[%dma_wait3A_1779, %dma_wait3A_1787, %dma_wait3A_1788] : memref<2x512x16xf32, #tpu.memory_space<vmem>> -> memref<1x128x16xf32, #tpu.memory_space<vmem>>
    %dma_wait3A_1790 = tpu.memref_squeeze %dma_wait3A_1789 : memref<1x128x16xf32, #tpu.memory_space<vmem>> -> memref<128x16xf32, #tpu.memory_space<vmem>>
    %dma_wait3A_1791 = arith.constant 0 : i32
    %dma_wait3A_1792 = arith.constant 0 : i32
    %dma_wait3A_1793 = tpu.memref_slice %arg4[%dma_wait3A_1791, %dma_wait3A_1792] : memref<10240x16xf32, #tpu.memory_space<hbm>> -> memref<128x16xf32, #tpu.memory_space<hbm>>
    tpu.wait_dma2 semaphore(%arg24 : memref<!tpu.dma_semaphore, #tpu.memory_space<semaphore_mem>>) src(%dma_wait3A_1793 : memref<128x16xf32, #tpu.memory_space<hbm>>) dst(%dma_wait3A_1790 : memref<128x16xf32, #tpu.memory_space<vmem>>)
    %dma_wait3A_1794 = arith.constant 1 : i32
    %dma_wait3A_1795 = arith.constant 384 : i32
    %dma_wait3A_1796 = arith.constant 0 : i32
    %dma_wait3A_1797 = tpu.memref_slice %arg15[%dma_wait3A_1794, %dma_wait3A_1795, %dma_wait3A_1796] : memref<2x512x16xf32, #tpu.memory_space<vmem>> -> memref<1x128x16xf32, #tpu.memory_space<vmem>>
    %dma_wait3A_1798 = tpu.memref_squeeze %dma_wait3A_1797 : memref<1x128x16xf32, #tpu.memory_space<vmem>> -> memref<128x16xf32, #tpu.memory_space<vmem>>
    %dma_wait3A_1799 = arith.constant 0 : i32
    %dma_wait3A_1800 = arith.constant 0 : i32
    %dma_wait3A_1801 = tpu.memref_slice %arg4[%dma_wait3A_1799, %dma_wait3A_1800] : memref<10240x16xf32, #tpu.memory_space<hbm>> -> memref<128x16xf32, #tpu.memory_space<hbm>>
    %dma_wait3A_1802 = arith.constant 384 : i32
    %dma_wait3A_1803 = arith.constant 0 : i32
    %dma_wait3A_1804 = tpu.memref_slice %arg15[%dma_wait3A_1794, %dma_wait3A_1802, %dma_wait3A_1803] : memref<2x512x16xf32, #tpu.memory_space<vmem>> -> memref<1x128x16xf32, #tpu.memory_space<vmem>>
    %dma_wait3A_1805 = tpu.memref_squeeze %dma_wait3A_1804 : memref<1x128x16xf32, #tpu.memory_space<vmem>> -> memref<128x16xf32, #tpu.memory_space<vmem>>
    %dma_wait3A_1806 = arith.constant 0 : i32
    %dma_wait3A_1807 = arith.constant 0 : i32
    %dma_wait3A_1808 = tpu.memref_slice %arg4[%dma_wait3A_1806, %dma_wait3A_1807] : memref<10240x16xf32, #tpu.memory_space<hbm>> -> memref<128x16xf32, #tpu.memory_space<hbm>>
    tpu.wait_dma2 semaphore(%arg24 : memref<!tpu.dma_semaphore, #tpu.memory_space<semaphore_mem>>) src(%dma_wait3A_1808 : memref<128x16xf32, #tpu.memory_space<hbm>>) dst(%dma_wait3A_1805 : memref<128x16xf32, #tpu.memory_space<vmem>>)
    %barrier3A_1809 = arith.constant 0 : index
    tpu.barrier barrier_id(%barrier3A_1809)
    %mul3A_1810 = arith.constant 10240 : i32
    %mul3A_1811 = arith.muli %arg0, %mul3A_1810 : i32
    %add3A_1812 = arith.addi %mul3A_1811, %mul3A_2 : i32
    "tpu.region"() ({
      %run_scoped3A = tpu.sem_alloc : memref<!tpu.dma_semaphore, #tpu.memory_space<semaphore_mem>>
      %dma_start3A_1813 = arith.constant 0 : i32
      %dma_start3A_1814 = tpu.memref_slice %arg8[%add3A_1812, %dma_start3A_1813] : memref<20480x16xf32, #tpu.memory_space<hbm>> -> memref<640x16xf32, #tpu.memory_space<hbm>>
      %dma_start3A_1815 = arith.constant 0 : i32
      %dma_start3A_1816 = tpu.memref_slice %arg19[%mul3A_2, %dma_start3A_1815] : memref<10240x16xf32, #tpu.memory_space<vmem_shared>> -> memref<640x16xf32, #tpu.memory_space<vmem_shared>>
      tpu.enqueue_dma source(%dma_start3A_1816 : memref<640x16xf32, #tpu.memory_space<vmem_shared>>) target(%dma_start3A_1814 : memref<640x16xf32, #tpu.memory_space<hbm>>) target_semaphore(%run_scoped3A : memref<!tpu.dma_semaphore, #tpu.memory_space<semaphore_mem>>)
      %dma_wait3A_1817 = arith.constant 0 : i32
      %dma_wait3A_1818 = tpu.memref_slice %arg8[%add3A_1812, %dma_wait3A_1817] : memref<20480x16xf32, #tpu.memory_space<hbm>> -> memref<640x16xf32, #tpu.memory_space<hbm>>
      %dma_wait3A_1819 = arith.constant 0 : i32
      %dma_wait3A_1820 = tpu.memref_slice %arg19[%mul3A_2, %dma_wait3A_1819] : memref<10240x16xf32, #tpu.memory_space<vmem_shared>> -> memref<640x16xf32, #tpu.memory_space<vmem_shared>>
      tpu.wait_dma2 semaphore(%run_scoped3A : memref<!tpu.dma_semaphore, #tpu.memory_space<semaphore_mem>>) src(%dma_wait3A_1820 : memref<640x16xf32, #tpu.memory_space<vmem_shared>>) dst(%dma_wait3A_1818 : memref<640x16xf32, #tpu.memory_space<hbm>>)
      tpu.yield
    }) : () -> ()
    return
  }
}

module attributes {stable_mosaic.version = 14 : i64} {
  func.func @_prep_body(%arg0: memref<10000x128xf32, #tpu.memory_space<vmem>>, %arg1: memref<128x16xf32, #tpu.memory_space<vmem>>, %arg2: memref<10240x16xf32, #tpu.memory_space<vmem>>) attributes {dimension_semantics = [], scalar_prefetch = 0 : i64, scratch_operands = 0 : i64, tpu.core_type = #tpu.core_type<tc>} {
    %get3A = arith.constant 0 : index
    %get3A_0 = arith.constant 0 : index
    %get3A_1 = vector.load %arg0[%get3A, %get3A_0] : memref<10000x128xf32, #tpu.memory_space<vmem>>, vector<10000x128xf32>
    %get3A_2 = arith.constant 0 : index
    %get3A_3 = arith.constant 0 : index
    %get3A_4 = vector.load %arg1[%get3A_2, %get3A_3] : memref<128x16xf32, #tpu.memory_space<vmem>>, vector<128x16xf32>
    %dot_general3A = arith.constant dense<0.000000e+00> : vector<10000x16xf32>
    %dot_general3A_5 = tpu.matmul %get3A_1, %get3A_4, %dot_general3A {dimension_numbers = #tpu.dot_dimension_numbers<[1], [0], [0], [1], [0, 0, 1, 1], [], []>, transpose_lhs_hint = false} : vector<10000x128xf32>, vector<128x16xf32>, vector<10000x16xf32> -> vector<10000x16xf32>
    %broadcast_in_dim3A = arith.constant 0.000000e+00 : f32
    %broadcast_in_dim3A_6 = vector.broadcast %broadcast_in_dim3A : f32 to vector<240x16xf32>
    %concatenate3A = tpu.concatenate %dot_general3A_5, %broadcast_in_dim3A_6 in 0 : vector<10000x16xf32>, vector<240x16xf32> -> vector<10240x16xf32>
    %swap3A = arith.constant 0 : index
    %swap3A_7 = arith.constant 0 : index
    %swap3A_8 = vector.load %arg2[%swap3A, %swap3A_7] : memref<10240x16xf32, #tpu.memory_space<vmem>>, vector<10240x16xf32>
    tpu.vector_store %arg2[%swap3A, %swap3A_7], %concatenate3A {strides = array<i32>} : memref<10240x16xf32, #tpu.memory_space<vmem>>, vector<10240x16xf32>,
    return
  }
}

module attributes {stable_mosaic.version = 14 : i64} {
  func.func @_final_body(%arg0: memref<2x10240x16xf32, #tpu.memory_space<vmem>>, %arg1: memref<10240x16xf32, #tpu.memory_space<vmem>>, %arg2: memref<10240x1xf32, #tpu.memory_space<vmem>>, %arg3: memref<10000x1xi32, #tpu.memory_space<vmem>>, %arg4: memref<1x16xf32, #tpu.memory_space<vmem>>, %arg5: memref<16x2xf32, #tpu.memory_space<vmem>>, %arg6: memref<1x2xf32, #tpu.memory_space<vmem>>, %arg7: memref<64x2xf32, #tpu.memory_space<vmem>>) attributes {dimension_semantics = [], scalar_prefetch = 0 : i64, scratch_operands = 0 : i64, tpu.core_type = #tpu.core_type<tc>} {
    %get3A = arith.constant 0 : index
    %get3A_0 = arith.constant 0 : index
    %get3A_1 = arith.constant 0 : index
    %get3A_2 = vector.load %arg0[%get3A, %get3A_0, %get3A_1] : memref<2x10240x16xf32, #tpu.memory_space<vmem>>, vector<1x10240x16xf32>
    %get3A_3 = vector.shape_cast %get3A_2 : vector<1x10240x16xf32> to vector<10240x16xf32>
    %slice3A = vector.extract_strided_slice %get3A_3 {offsets = [0, 0], sizes = [10000, 16], strides = [1, 1]} : vector<10240x16xf32> to vector<10000x16xf32>
    %get3A_4 = arith.constant 1 : index
    %get3A_5 = arith.constant 0 : index
    %get3A_6 = arith.constant 0 : index
    %get3A_7 = vector.load %arg0[%get3A_4, %get3A_5, %get3A_6] : memref<2x10240x16xf32, #tpu.memory_space<vmem>>, vector<1x10240x16xf32>
    %get3A_8 = vector.shape_cast %get3A_7 : vector<1x10240x16xf32> to vector<10240x16xf32>
    %slice3A_9 = vector.extract_strided_slice %get3A_8 {offsets = [0, 0], sizes = [10000, 16], strides = [1, 1]} : vector<10240x16xf32> to vector<10000x16xf32>
    %add3A = arith.addf %slice3A, %slice3A_9 : vector<10000x16xf32>
    %get3A_10 = arith.constant 0 : index
    %get3A_11 = arith.constant 0 : index
    %get3A_12 = vector.load %arg1[%get3A_10, %get3A_11] : memref<10240x16xf32, #tpu.memory_space<vmem>>, vector<10240x16xf32>
    %slice3A_13 = vector.extract_strided_slice %get3A_12 {offsets = [0, 0], sizes = [10000, 16], strides = [1, 1]} : vector<10240x16xf32> to vector<10000x16xf32>
    %get3A_14 = arith.constant 0 : index
    %get3A_15 = arith.constant 0 : index
    %get3A_16 = vector.load %arg2[%get3A_14, %get3A_15] : memref<10240x1xf32, #tpu.memory_space<vmem>>, vector<10240x1xf32>
    %slice3A_17 = vector.extract_strided_slice %get3A_16 {offsets = [0, 0], sizes = [10000, 1], strides = [1, 1]} : vector<10240x1xf32> to vector<10000x1xf32>
    %mul3A = vector.broadcast %slice3A_17 : vector<10000x1xf32> to vector<10000x16xf32>
    %mul3A_18 = arith.mulf %mul3A, %add3A : vector<10000x16xf32>
    %mul3A_19 = arith.mulf %slice3A_17, %slice3A_17 : vector<10000x1xf32>
    %mul3A_20 = vector.broadcast %mul3A_19 : vector<10000x1xf32> to vector<10000x16xf32>
    %mul3A_21 = arith.mulf %mul3A_20, %slice3A_13 : vector<10000x16xf32>
    %add3A_22 = arith.addf %mul3A_18, %mul3A_21 : vector<10000x16xf32>
    %get3A_23 = arith.constant 0 : index
    %get3A_24 = arith.constant 0 : index
    %get3A_25 = vector.load %arg4[%get3A_23, %get3A_24] : memref<1x16xf32, #tpu.memory_space<vmem>>, vector<1x16xf32>
    %add3A_26 = vector.broadcast %get3A_25 : vector<1x16xf32> to vector<10000x16xf32>
    %add3A_27 = arith.addf %add3A_22, %add3A_26 : vector<10000x16xf32>
    %max3A = arith.constant 0.000000e+00 : f32
    %max3A_28 = vector.broadcast %max3A : f32 to vector<10000x16xf32>
    %max3A_29 = arith.maximumf %add3A_27, %max3A_28 : vector<10000x16xf32>
    %iota3A = tpu.iota {dimensions = array<i32: 1>} : vector<10000x64xi32>
    %get3A_30 = arith.constant 0 : index
    %get3A_31 = arith.constant 0 : index
    %get3A_32 = vector.load %arg3[%get3A_30, %get3A_31] : memref<10000x1xi32, #tpu.memory_space<vmem>>, vector<10000x1xi32>
    %eq3A = vector.broadcast %get3A_32 : vector<10000x1xi32> to vector<10000x64xi32>
    %eq3A_33 = arith.cmpi eq, %eq3A, %iota3A : vector<10000x64xi32>
    %convert_element_type3A = arith.extui %eq3A_33 : vector<10000x64xi1> to vector<10000x64xi32>
    %convert_element_type3A_34 = arith.sitofp %convert_element_type3A : vector<10000x64xi32> to vector<10000x64xf32>
    %dot_general3A = arith.constant dense<0.000000e+00> : vector<64x16xf32>
    %dot_general3A_35 = tpu.matmul %convert_element_type3A_34, %max3A_29, %dot_general3A {dimension_numbers = #tpu.dot_dimension_numbers<[0], [0], [1], [1], [0, 1, 1, 1], [], []>, transpose_lhs_hint = false} : vector<10000x64xf32>, vector<10000x16xf32>, vector<64x16xf32> -> vector<64x16xf32>
    %broadcast_in_dim3A = arith.constant 1.000000e+00 : f32
    %broadcast_in_dim3A_36 = vector.broadcast %broadcast_in_dim3A : f32 to vector<10000x1xf32>
    %dot_general3A_37 = arith.constant dense<0.000000e+00> : vector<64x1xf32>
    %dot_general3A_38 = tpu.matmul %convert_element_type3A_34, %broadcast_in_dim3A_36, %dot_general3A_37 {dimension_numbers = #tpu.dot_dimension_numbers<[0], [0], [1], [1], [0, 1, 1, 1], [], []>, transpose_lhs_hint = false} : vector<10000x64xf32>, vector<10000x1xf32>, vector<64x1xf32> -> vector<64x1xf32>
    %max3A_39 = arith.constant 1.000000e+00 : f32
    %max3A_40 = vector.broadcast %max3A_39 : f32 to vector<64x1xf32>
    %max3A_41 = arith.maximumf %dot_general3A_38, %max3A_40 : vector<64x1xf32>
    %div3A = vector.broadcast %max3A_41 : vector<64x1xf32> to vector<64x16xf32>
    %div3A_42 = arith.divf %dot_general3A_35, %div3A : vector<64x16xf32>
    %get3A_43 = arith.constant 0 : index
    %get3A_44 = arith.constant 0 : index
    %get3A_45 = vector.load %arg5[%get3A_43, %get3A_44] : memref<16x2xf32, #tpu.memory_space<vmem>>, vector<16x2xf32>
    %dot_general3A_46 = arith.constant dense<0.000000e+00> : vector<64x2xf32>
    %dot_general3A_47 = tpu.matmul %div3A_42, %get3A_45, %dot_general3A_46 {dimension_numbers = #tpu.dot_dimension_numbers<[1], [0], [0], [1], [0, 0, 1, 1], [], []>, transpose_lhs_hint = false} : vector<64x16xf32>, vector<16x2xf32>, vector<64x2xf32> -> vector<64x2xf32>
    %get3A_48 = arith.constant 0 : index
    %get3A_49 = arith.constant 0 : index
    %get3A_50 = vector.load %arg6[%get3A_48, %get3A_49] : memref<1x2xf32, #tpu.memory_space<vmem>>, vector<1x2xf32>
    %add3A_51 = vector.broadcast %get3A_50 : vector<1x2xf32> to vector<64x2xf32>
    %add3A_52 = arith.addf %dot_general3A_47, %add3A_51 : vector<64x2xf32>
    %swap3A = arith.constant 0 : index
    %swap3A_53 = arith.constant 0 : index
    %swap3A_54 = vector.load %arg7[%swap3A, %swap3A_53] : memref<64x2xf32, #tpu.memory_space<vmem>>, vector<64x2xf32>
    tpu.vector_store %arg7[%swap3A, %swap3A_53], %add3A_52 {strides = array<i32>} : memref<64x2xf32, #tpu.memory_space<vmem>>, vector<64x2xf32>,
    return
  }
}

</mosaic_0001>

<sc_bundles>
// kernel: kernel.5.cloned.1.call-start
scs
__scs_entry_jumppad:
0x0: {  	(pc) =	sbr.rel $0x88, $3  }
0x1: {  	(tag) =	ssettag $0x0;
	lr =	simm.s32 $0x1  }
0x2: {  	[smem:$0x3F9A] =	sst lr;
	_ =	strace $0xD0000000  }
0x3: {  	_ = 	snop  }
0x4: {  	_ = 	snop  }
0x5: {  	_ = 	snop  }
0x6: {  	_ = 	snop  }
0x7: {  	_ = 	snop  }
__scs_overlays_trampoline_lowered:
0x8: {  	[smem:$0x3FA9] =	sst s0  }
0x9: {  	[smem:$0x3FAA] =	sst s1  }
0xa: {  	[smem:$0x3FAB] =	sst s2  }
0xb: {  	[smem:$0x3FAC] =	sst s3  }
0xc: {  	[smem:$0x3FAD] =	sst s4  }
0xd: {  	[smem:$0x3FAE] =	sst s5  }
0xe: {  	[smem:$0x3FAF] =	sst s6  }
0xf: {  	[smem:$0x3FB0] =	sst s7  }
0x10: {  	[smem:$0x3FB1] =	sst s8  }
0x11: {  	[smem:$0x3FB2] =	sst s9;
	s0 =	simm.s32 @!p0 $0x0  }
0x12: {  	s1 =	sld [smem:$0x3F98];
	s0 =	simm.s32 @p0 $0x1  }
0x13: {  	[smem:$0x3FB3] =	sst s0;
	s0 =	simm.s32 @!p1 $0x0  }
0x14: {  	s2 =	sld [smem:$0x3F97];
	s0 =	simm.s32 @p1 $0x1  }
0x15: {  	[smem:$0x3FB4] =	sst s0;
	s0 =	simm.s32 @!p2 $0x0  }
0x16: {  	s3 =	sld [smem:$0x3FDB];
	s0 =	simm.s32 @p2 $0x1  }
0x17: {  	s4 =	simm.s32 $0x1BF5;
	[smem:$0x3FB6] =	sst s0  }
0x18: {  	s0 =	sld [smem:$0x3F99];
	_ =	swait.ge [sflag:s4], $0x0  }
0x19: {  	s7 =	sld [smem:$0x3F9A]  }
0x1a: {  	s8 =	sadd.s32 $0xFFFFE003, lr  }
0x1b: {  	s9 =	sadd.s32 $0xFFFFFEF7, lr;
	s5 =	simm.s32 $0xFFFFFFFF;
	p2 =	slt.u32 s8, $0xFFFFF086  }
0x1c: {  	p1 =	slt.u32 s9, $0xF7A;
	s5 =	simm.s32 @!p2 $0x0  }
0x1d: {  	s5 =	simm.s32 @p1 $0x1;
	p0 =	seq.s32 s7, s2  }
0x1e: {  	s7 =	smul.u32 @!p0 $0xF7A, s2;
	p2 =	seq.s32 @!p0 s5, $0x0  }
0x1f: {  	s9 =	smul.u32 $0xF7A, s1;
	s8 =	simm.s32 @!p0 $0x1BF5;
	p2 =	por !p2, p0  }
0x20: {  	[sflag:s8] =	ssyncset.s32 @!p0 $0xFFFFF086;
	s6 =	sadd.s32 @!p0 s3, s7;
	s7 =	simm.s32 @!p0 $0x108  }
0x21: {  	s3 =	sadd.s32 s3, s9;
	s6 =	sadd.s32 @!p0 $0x88, s6;
	s7 =	simm.s32 @p2 $0x1082  }
0x22: {  	[simem:s7], [sflag:s8] =	dma.local @!p0 [hbm:s6], $0xF7A  }
0x23: {  	s9 =	sor.u32 $0xD0000000, s2;
	s6 =	simm.s32 $0x108;
	_ =	swait.ge @!p0 [sflag:s8], $0x0  }
0x24: {  	s3 =	sadd.s32 $0x88, s3;
	s6 =	simm.s32 @!p1 $0x1082;
	[sflag:s4] =	ssyncset.s32 $0xFFFFF086  }
0x25: {  	[simem:s6], [sflag:s4] =	dma.local [hbm:s3], $0xF7A  }
0x26: {  	[smem:$0x3F9A] =	sst s1;
	(tag) =	ssettag s2;
	_ =	strace s9  }
0x27: {  	s1 =	sld [smem:$0x3FAA]  }
0x28: {  	s2 =	sld [smem:$0x3FAB]  }
0x29: {  	s4 =	sld [smem:$0x3FAD]  }
0x2a: {  	p0 =	seq.s32 s5, $0x0;
	s5 =	sld [smem:$0x3FAE]  }
0x2b: {  	s6 =	sld [smem:$0x3FAF]  }
0x2c: {  	s7 =	sld [smem:$0x3FB0]  }
0x2d: {  	s3 =	simm.s32 $0x108;
	s8 =	sld [smem:$0x3FB1]  }
0x2e: {  	s3 =	simm.s32 @!p0 $0x1082;
	s9 =	sld [smem:$0x3FB2]  }
0x2f: {  	lr =	sadd.s32 s0, s3;
	s0 =	sld [smem:$0x3FA9]  }
0x30: {  	s3 =	sld [smem:$0x3FAC]  }
0x31: {  	[smem:$0x3FB5] =	sst s10  }
0x32: {  	s10 =	sld [smem:$0x3FB3];
	_ =	sdelay $0x3  }
0x33: {  	p0 =	seq.s32 s10, $0x1;
	s10 =	sld [smem:$0x3FB5];
	_ =	sdelay $0x3  }
0x34: {  	[smem:$0x3FB5] =	sst s10  }
0x35: {  	s10 =	sld [smem:$0x3FB4];
	_ =	sdelay $0x3  }
0x36: {  	p1 =	seq.s32 s10, $0x1;
	s10 =	sld [smem:$0x3FB5];
	_ =	sdelay $0x3  }
0x37: {  	[smem:$0x3FB5] =	sst s10  }
0x38: {  	s10 =	sld [smem:$0x3FB6]  }
0x39: {  	_ = 	snop;
	(pc) =	sbr.ind lr, $3  }
0x3a: {  	_ = 	snop  }
0x3b: {  	_ = 	snop  }
0x3c: {  	p2 =	seq.s32 s10, $0x1;
	s10 =	sld [smem:$0x3FB5]  }
0x3d: {  	_ =	shalt  }
0x3e: {  	_ =	shalt  }
0x3f: {  	_ =	shalt  }
0x40: {  	_ =	shalt  }
0x41: {  	_ =	shalt  }
0x42: {  	_ =	shalt  }
0x43: {  	_ =	shalt  }
0x44: {  	_ =	shalt  }
0x45: {  	_ =	shalt  }
0x46: {  	_ =	shalt  }
0x47: {  	_ =	shalt  }
0x48: {  	_ =	shalt  }
0x49: {  	_ =	shalt  }
0x4a: {  	_ =	shalt  }
0x4b: {  	_ =	shalt  }
0x4c: {  	_ =	shalt  }
0x4d: {  	_ =	shalt  }
0x4e: {  	_ =	shalt  }
0x4f: {  	_ =	shalt  }
0x50: {  	_ =	shalt  }
0x51: {  	_ =	shalt  }
0x52: {  	_ =	shalt  }
0x53: {  	_ =	shalt  }
0x54: {  	_ =	shalt  }
0x55: {  	_ =	shalt  }
0x56: {  	_ =	shalt  }
0x57: {  	_ =	shalt  }
0x58: {  	_ =	shalt  }
0x59: {  	_ =	shalt  }
0x5a: {  	_ =	shalt  }
0x5b: {  	_ =	shalt  }
0x5c: {  	_ =	shalt  }
0x5d: {  	_ =	shalt  }
0x5e: {  	_ =	shalt  }
0x5f: {  	_ =	shalt  }
0x60: {  	_ =	shalt  }
0x61: {  	_ =	shalt  }
0x62: {  	_ =	shalt  }
0x63: {  	_ =	shalt  }
0x64: {  	_ =	shalt  }
0x65: {  	_ =	shalt  }
0x66: {  	_ =	shalt  }
0x67: {  	_ =	shalt  }
0x68: {  	_ =	shalt  }
0x69: {  	_ =	shalt  }
0x6a: {  	_ =	shalt  }
0x6b: {  	_ =	shalt  }
0x6c: {  	_ =	shalt  }
0x6d: {  	_ =	shalt  }
0x6e: {  	_ =	shalt  }
0x6f: {  	_ =	shalt  }
0x70: {  	_ =	shalt  }
0x71: {  	_ =	shalt  }
0x72: {  	_ =	shalt  }
0x73: {  	_ =	shalt  }
0x74: {  	_ =	shalt  }
0x75: {  	_ =	shalt  }
0x76: {  	_ =	shalt  }
0x77: {  	_ =	shalt  }
0x78: {  	_ =	shalt  }
0x79: {  	_ =	shalt  }
0x7a: {  	_ =	shalt  }
0x7b: {  	_ =	shalt  }
0x7c: {  	_ =	shalt  }
0x7d: {  	_ =	shalt  }
0x7e: {  	_ =	shalt  }
0x7f: {  	_ =	shalt  }
0x80: {  	_ =	shalt  }
0x81: {  	_ =	shalt  }
0x82: {  	_ =	shalt  }
0x83: {  	_ =	shalt  }
0x84: {  	_ =	shalt  }
0x85: {  	_ =	shalt  }
0x86: {  	_ =	shalt  }
0x87: {  	_ =	shalt  }
.Lfunc_end0:
.L_simem_size_0:
called_computation_lowered:
.L_overlay_start_0:
0x88: {  	s2 =	sld [smem:$0x3FD9]  }
0x89: {  	s3 =	sld [smem:$0x3FFE];
	_ =	sdelay $0x1  }
0x8a: {  	s1 =	srdreg.scid  }
0x8b: {  	s0 =	sand.u32 $0x1, s1  }
0x8c: {  	s17 =	sshll.u32 s0, $0xA;
	s2 =	sadd.s32 s3, s2  }
0x8d: {  	s2 =	sadd.s32 s2, s17  }
0x8e: {  	[smem:$0x3FC1] =	sst s2  }
0x8f: {  	_ = 	snop  }
0x90: {  	s2 =	sld [smem:$0x3FD0];
	(tm) =	ssettm $0x1  }
0x91: {  	s18 =	sld [smem:$0x3FFB];
	_ =	sdelay $0x3  }
0x92: {  	_ =	strace s18  }
0x93: {  	s3 =	sld [smem:$0x3FFC];
	_ =	sdelay $0x3  }
0x94: {  	_ =	strace s3  }
0x95: {  	s3 =	sld [smem:$0x3FFD];
	_ =	sdelay $0x3  }
0x96: {  	_ =	strace s3  }
0x97: {  	_ =	strace $0x8FFFFFFF  }
0x98: {  	s19 =	sld [smem:$0x3FDB];
	_ =	sdelay $0x1  }
0x99: {  	s4 =	simm.s32 $_scs_section_size  }
0x9a: {  	s5 =	simm.s32 $_size__tile_overlayer_lowered;
	s6 =	simm.s32 $_tile_overlayer_lowered  }
0x9b: {  	s22 =	simm.s32 $0x1BFF;
	s21 =	sshll.u32 s6, $0x1;
	s3 =	sadd.s32 s4, s19  }
0x9c: {  	s7 =	simm.s32 $0x0;
	s20 =	sshll.u32 s5, $0x1;
	s5 =	sadd.s32 s21, s3  }
0x9d: {  	[timem:s7], [sflag:s22] =	dma.local [hbm:s5], s20  }
0x9e: {  	_ =	swait.ge [sflag:s22], s20  }
0x9f: {  	s4 =	ssub.s32 $0x0, s20;
	[sflag:s22] =	ssyncset.done $0x0  }
0xa0: {  	[sflag:s22] =	ssyncadd.s32 s4;
	_ =	sdelay $0x1  }
0xa1: {  	s23 =	simm.s32 $0x1B8B  }
0xa2: {  	_ =	swait.ge [sflag:s23], $0x1  }
0xa3: {  	[sflag:s23] =	ssyncset.done $0x0  }
0xa4: {  	s25 =	simm.s32 $0x1B8E;
	s24 =	sld [smem:$0x3FFE];
	[sflag:s23] =	ssyncadd.s32 $0xFFFFFFFF  }
0xa5: {  	s26 =	simm.s32 $execute0_lowered;
	[smem:$0x3FD2] =	sst s25  }
0xa6: {  	s5 =	sshll.u32 s26, $0x1;
	_ =	strace $0x80000046;
	[dreg:$0x1] =	wrdreg $0xFFFFFFFF  }
0xa7: {  	s28 =	simm.s32 $_size_execute0_lowered;
	s3 =	sadd.s32 s3, s5;
	[dreg:$0x0] =	wrdreg $0x0  }
0xa8: {  	s5 =	sshll.u32 s28, $0x1;
	[dreg:$0x2] =	wrdreg s3  }
0xa9: {  	[dreg:$0x3] =	wrdreg s5  }
0xaa: {  	[dreg:$0x4] =	wrdreg $0xC0  }
0xab: {  	_ =	task [dreg:s7], $0x5FFFF  }
0xac: {  	[dreg:$0x1] =	wrdreg $0xFFFFFFFF  }
0xad: {  	[dreg:$0x0] =	wrdreg $0x60  }
0xae: {  	[dreg:$0x2] =	wrdreg s24  }
0xaf: {  	[dreg:$0x3] =	wrdreg s2  }
0xb0: {  	[dreg:$0x4] =	wrdreg $0xE5800  }
0xb1: {  	[dreg:$0x5] =	wrdreg $0x110000  }
0xb2: {  	[dreg:$0x6] =	wrdreg $0xE8000  }
0xb3: {  	[dreg:$0x7] =	wrdreg $0x9  }
0xb4: {  	_ =	task.clear_ibuf [dreg:s7], $0x8FFFF;
	_ =	strace $0x90000046  }
0xb5: {  	s29 =	simm.s32 $0x9;
	_ =	strace $0x80000048  }
0xb6: {  	_ =	swait.ge [sflag:s29], $0x1  }
0xb7: {  	[sflag:s29] =	ssyncadd.s32 $0xFFFFFFFF  }
0xb8: {  	_ =	strace $0x90000048  }
0xb9: {  	_ =	sfence  }
0xba: {  	s30 =	sld [smem:$0x0];
	_ =	sdelay $0x2  }
0xbb: {  	s31 =	sshll.u32 s1, $0xD;
	s1 =	sshrl.u32 s1, $0x2  }
0xbc: {  	s3 =	sand.u32 $0x4000, s31;
	s1 =	sadd.s32 s1, s30  }
0xbd: {  	s0 =	sor.u32 s3, s0;
	s1 =	sshll.u32 s1, $0x11  }
0xbe: {  	s0 =	sor.u32 s1, s0  }
0xbf: {  	s0 =	sadd.s32 $0x8F2B, s0  }
0xc0: {  	[sflag:s0] =	ssyncadd.remote.s32 $0x1  }
0xc1: {  	_ =	sfence.sel $0xFFFF  }
0xc2: {  	[dreg:$0x0] =	wrdreg $0xFFFFFFFF;
	(pc) =	sbr.abs _section_cstart, $3  }
0xc3: {  	[dreg:$0x1] =	wrdreg $0xFFFFFFFF  }
0xc4: {  	_ =	task.clear_ibuf [dreg:s7], $0x2FFFF;
	_ =	strace $0x9FFFFFFF  }
0xc5: {  	(tm) =	ssettm $0x7FFFFFFF  }
tec
execute0_lowered:
.L_overlay_start_1:
0x0: {  	(tag) =	ssettag $0x1  }
0x1: {  	s0 =	rddreg [dreg:$0x0]  }
0x2: {  	s3 =	rddreg [dreg:$0x2]  }
0x3: {  	s1 =	srdreg.scid;
	s4 =	rddreg [dreg:$0x3]  }
0x4: {  	s15 =	stileid.u32;
	s5 =	rddreg [dreg:$0x4];
	s6 =	simm.s32 $0x0  }
0x5: {  	s19 =	simm.s32 $0x6;
	s28 =	simm.s32 $0xA280;
	s29 =	simm.s32 $0xA500  }
0x6: {  	s31 =	simm.s32 $0xAD00;
	s30 =	simm.s32 $0x2;
	s7 =	smul.u32 $0xA00, s15  }
0x7: {  	s1 =	sand.u32 $0x1, s1;
	s2 =	sshll.u32 s15, $0x1;
	s8 =	smul.u32 $0x2800, s15  }
0x8: {  	[smem:$0x7FF] =	sst s6;
	s9 =	smul.u32 $0x280, s15;
	s23 =	sadd.s32 $0x1A400, s0  }
0x9: {  	s24 =	sadd.s32 $0x19E00, s0;
	s17 =	sshll.u32 s15, $0x6;
	s2 =	sor.u32 s1, s2  }
0xa: {  	_ =	strace $0x80000047;
	s11 =	smul.u32 $0x2800, s1;
	[dreg:$0x7] =	wrdreg s23  }
0xb: {  	[dreg:$0x8] =	wrdreg s24;
	s13 =	ssub.s32 $0x2, s1;
	s20 =	smul.u32 $0xA000, s1  }
0xc: {  	p0 =	sne.s32 s1, $0x0;
	s1 =	simm.s32 $0xCD00;
	s2 =	smul.u32 $0x500, s2  }
0xd: {  	s10 =	sshrl.u32 s8, $0x3;
	s7 =	sadd.s32 s7, s0;
	s26 =	sshrl.u32 s9, $0x3  }
0xe: {  	s18 =	sadd.s32 s8, s4;
	s22 =	sadd.s32 s8, s5;
	s8 =	simm.s32 $0xDD00  }
0xf: {  	s12 =	sadd.s32 s10, s0;
	s25 =	sadd.s32 s9, s11;
	s11 =	sshrl.u32 s13, $0x1  }
0x10: {  	s9 =	sadd.s32 s9, s3;
	s7 =	sadd.s32 $0x5E00, s7;
	[dreg:$0xd] =	wrdreg s22  }
0x11: {  	s23 =	sshrl.u32 s20, $0x2;
	s20 =	sshrl.u32 s18, $0x3;
	s18 =	simm.s32 $0x7800  }
0x12: {  	s22 =	simm.s32 $0x3;
	s2 =	sadd.s32 s2, s0;
	[dreg:$0xa] =	wrdreg s7  }
0x13: {  	s10 =	sshll.u32 s25, $0x1;
	s16 =	ssub.s32 s13, s11;
	[dreg:$0x6] =	wrdreg s23  }
0x14: {  	s21 =	sadd.s32 $0xE00, s12;
	[dreg:$0x9] =	wrdreg s9;
	s7 =	simm.s32 $0xD500  }
0x15: {  	s23 =	simm.s32 $0x4;
	s11 =	simm.s32 $0x5;
	s12 =	simm.s32 $0x0  }
0x16: {  	s14 =	sadd.s32 s10, s0;
	s0 =	sadd.s32 s26, s0;
	s10 =	sor.u32 $0x1C06, s17  }
0x17: {  	s2 =	sadd.s32 $0xFE00, s2;
	[dreg:$0xc] =	wrdreg s21;
	s25 =	smax.u32 s16, $0x1  }
0x18: {  	s26 =	sshrl.u32 s9, $0x3;
	s21 =	simm.s32 $0xE500;
	[dreg:$0xb] =	wrdreg s2  }
0x19: {  	s17 =	simm.s32 $0x5000;
	s0 =	sadd.s32 $0x24600, s0;
	[dreg:$0x10] =	wrdreg s25  }
0x1a: {  	s24 =	sadd.s32 $0x1A600, s14;
	[dreg:$0x11] =	wrdreg s26;
	s25 =	simm.s32 $0x1  }
0x1b: {  	v0 =	vimm.s32 $0x0;
	vm0 =	vcmask $0x300;
	s26 =	simm.s32 $0xBD00;
	s2 =	simm.s32 $0xC500;
	[dreg:$0xe] =	wrdreg s0  }
0x1c: {  	v0 =	vsel vm0, $0x3, v0;
	[dreg:$0xf] =	wrdreg s24;
	s24 =	simm.s32 $0x80;
	s0 =	simm.s32 $0xB500  }
.LBB2_1:
0x1d: {  	s9 =	rddreg [dreg:$0x7]  }
0x1e: {  	s13 =	rddreg [dreg:$0x11]  }
0x1f: {  	[spmem:s13], [sflag:s10] =	dma.local [hbm:s9], $0x50  }
0x20: {  	_ =	swait.ge [sflag:s19], $0x50  }
0x21: {  	[sflag:s19] =	ssyncset.done $0x0  }
0x22: {  	s16 =	rddreg [dreg:$0x8];
	[sflag:s19] =	ssyncadd.s32 $0xFFFFFFB0  }
0x23: {  	[spmem:s20], [sflag:s10] =	dma.local [hbm:s16], $0x500  }
0x24: {  	_ =	swait.ge [sflag:s19], $0x500  }
0x25: {  	[sflag:s19] =	ssyncset.done $0x0  }
0x26: {  	[sflag:s19] =	ssyncadd.s32 $0xFFFFFB00  }
0x27: {  	s13 =	rddreg [dreg:$0x1]  }
0x28: {  	[tilespmem:s21], [sflag:$0x6] =	stream.linear.gather [hbm4b:s13+s6], $0x80, $0x38;
	[tilespmem:$0x13800] =	vst v63  }
0x29: {  	_ =	swait.ge [sflag:s19], $0x80  }
0x2a: {  	[sflag:s19] =	ssyncset.done $0x0  }
0x2b: {  	s14 =	rddreg [dreg:$0xa];
	[sflag:s19] =	ssyncadd.s32 $0xFFFFFF80  }
0x2c: {  	[tilespmem:s6], [sflag:$0x6] =	stream.linear.gather [hbm4b:s14+s6], $0x5000, $0x38;
	[tilespmem:$0x13800] =	vst v63  }
0x2d: {  	_ =	swait.ge [sflag:s19], $0x5000  }
0x2e: {  	[sflag:s19] =	ssyncset.done $0x0  }
0x2f: {  	s15 =	rddreg [dreg:$0xb];
	[sflag:s19] =	ssyncadd.s32 $0xFFFFB000  }
0x30: {  	[tilespmem:s17], [sflag:$0x6] =	stream.linear.gather [hbm4b:s15+s6], $0x2800, $0x38;
	[tilespmem:$0x13800] =	vst v63  }
0x31: {  	_ =	swait.ge [sflag:s19], $0x2800  }
0x32: {  	[sflag:s19] =	ssyncset.done $0x0  }
0x33: {  	s16 =	rddreg [dreg:$0xc];
	[sflag:s19] =	ssyncadd.s32 $0xFFFFD800  }
0x34: {  	[tilespmem:s18], [sflag:$0x6] =	stream.linear.gather [hbm4b:s16+s6], $0x2800, $0x38;
	[tilespmem:$0x13800] =	vst v63  }
0x35: {  	_ =	swait.ge [sflag:s19], $0x2800  }
0x36: {  	[sflag:s19] =	ssyncset.done $0x0  }
0x37: {  	[sflag:s19] =	ssyncadd.s32 $0xFFFFD800  }
0x38: {  	s9 =	simm.s32 $0x0;
	[bflag:$0x0] =	sbarrier.arrive $0xFFFF  }
0x39: {  	[spmem:s3] =	stream.indirect.scatter.add.f32 [tilespmem:s21], [sflag:$0x1], $0x1, s9, s24, $0xb8;
	[tilespmem:$0x13800] =	vst v63  }
0x3a: {  	s14 =	simm.s32 $0x80  }
0x3b: {  	[spmem:s3] =	stream.indirect.scatter.add.f32 [tilespmem:s21], [sflag:$0x1], $0x1, s14, s24, $0xb8;
	[tilespmem:$0x13800] =	vst v63  }
0x3c: {  	s15 =	simm.s32 $0x100  }
0x3d: {  	[spmem:s3] =	stream.indirect.scatter.add.f32 [tilespmem:s21], [sflag:$0x1], $0x1, s15, s24, $0xb8;
	[tilespmem:$0x13800] =	vst v63  }
0x3e: {  	s16 =	simm.s32 $0x180  }
0x3f: {  	[spmem:s3] =	stream.indirect.scatter.add.f32 [tilespmem:s21], [sflag:$0x1], $0x1, s16, s24, $0xb8;
	[tilespmem:$0x13800] =	vst v63  }
0x40: {  	s9 =	simm.s32 $0x200  }
0x41: {  	[spmem:s3] =	stream.indirect.scatter.add.f32 [tilespmem:s21], [sflag:$0x1], $0x1, s9, s24, $0xb8;
	[tilespmem:$0x13800] =	vst v63  }
0x42: {  	s14 =	simm.s32 $0x280  }
0x43: {  	[spmem:s3] =	stream.indirect.scatter.add.f32 [tilespmem:s21], [sflag:$0x1], $0x1, s14, s24, $0xb8;
	[tilespmem:$0x13800] =	vst v63  }
0x44: {  	s15 =	simm.s32 $0x300  }
0x45: {  	[spmem:s3] =	stream.indirect.scatter.add.f32 [tilespmem:s21], [sflag:$0x1], $0x1, s15, s24, $0xb8;
	[tilespmem:$0x13800] =	vst v63  }
0x46: {  	s16 =	simm.s32 $0x380  }
0x47: {  	[spmem:s3] =	stream.indirect.scatter.add.f32 [tilespmem:s21], [sflag:$0x1], $0x1, s16, s24, $0xb8;
	[tilespmem:$0x13800] =	vst v63  }
0x48: {  	_ =	swait.ge [sflag:s25], $0x80  }
0x49: {  	[sflag:s25] =	ssyncset.done $0x0  }
0x4a: {  	[sflag:s25] =	ssyncadd.s32 $0xFFFFFF80  }
0x4b: {  	_ =	swait.ge [sflag:s25], $0x80  }
0x4c: {  	[sflag:s25] =	ssyncset.done $0x0  }
0x4d: {  	[sflag:s25] =	ssyncadd.s32 $0xFFFFFF80  }
0x4e: {  	_ =	swait.ge [sflag:s25], $0x80  }
0x4f: {  	[sflag:s25] =	ssyncset.done $0x0  }
0x50: {  	[sflag:s25] =	ssyncadd.s32 $0xFFFFFF80  }
0x51: {  	_ =	swait.ge [sflag:s25], $0x80  }
0x52: {  	[sflag:s25] =	ssyncset.done $0x0  }
0x53: {  	[sflag:s25] =	ssyncadd.s32 $0xFFFFFF80  }
0x54: {  	_ =	swait.ge [sflag:s25], $0x80  }
0x55: {  	[sflag:s25] =	ssyncset.done $0x0  }
0x56: {  	[sflag:s25] =	ssyncadd.s32 $0xFFFFFF80  }
0x57: {  	_ =	swait.ge [sflag:s25], $0x80  }
0x58: {  	[sflag:s25] =	ssyncset.done $0x0  }
0x59: {  	[sflag:s25] =	ssyncadd.s32 $0xFFFFFF80  }
0x5a: {  	_ =	swait.ge [sflag:s25], $0x80  }
0x5b: {  	[sflag:s25] =	ssyncset.done $0x0  }
0x5c: {  	[sflag:s25] =	ssyncadd.s32 $0xFFFFFF80  }
0x5d: {  	_ =	swait.ge [sflag:s25], $0x80  }
0x5e: {  	s13 =	simm.s32 $0x1000;
	s15 =	simm.s32 $0x2000;
	[sflag:s25] =	ssyncset.done $0x0  }
.LBB2_2:
0x5f: {  	s16 =	sshra.s32 s13, $0x2  }
0x60: {  	[sflag:s25] =	ssyncadd.s32 $0xFFFFFF80;
	s13 =	smov.u32 s15;
	s14 =	sadd.s32 $0x1000, s15  }
0x61: {  	[spmem:s3] =	stream.indirect.scatter.add.f32 [tilespmem:s21], [sflag:$0x1], $0x1, s16, s24, $0xb8;
	[tilespmem:$0x13800] =	vst v63  }
0x62: {  	p1 =	sne.s32 s15, $0x13000;
	s15 =	sadd.s32 $0x80, s16  }
0x63: {  	[spmem:s3] =	stream.indirect.scatter.add.f32 [tilespmem:s21], [sflag:$0x1], $0x1, s15, s24, $0xb8;
	[tilespmem:$0x13800] =	vst v63  }
0x64: {  	s15 =	sadd.s32 $0x100, s16  }
0x65: {  	[spmem:s3] =	stream.indirect.scatter.add.f32 [tilespmem:s21], [sflag:$0x1], $0x1, s15, s24, $0xb8;
	[tilespmem:$0x13800] =	vst v63  }
0x66: {  	s15 =	sadd.s32 $0x180, s16  }
0x67: {  	[spmem:s3] =	stream.indirect.scatter.add.f32 [tilespmem:s21], [sflag:$0x1], $0x1, s15, s24, $0xb8;
	[tilespmem:$0x13800] =	vst v63  }
0x68: {  	s15 =	sadd.s32 $0x200, s16  }
0x69: {  	[spmem:s3] =	stream.indirect.scatter.add.f32 [tilespmem:s21], [sflag:$0x1], $0x1, s15, s24, $0xb8;
	[tilespmem:$0x13800] =	vst v63  }
0x6a: {  	s15 =	sadd.s32 $0x280, s16  }
0x6b: {  	[spmem:s3] =	stream.indirect.scatter.add.f32 [tilespmem:s21], [sflag:$0x1], $0x1, s15, s24, $0xb8;
	[tilespmem:$0x13800] =	vst v63  }
0x6c: {  	s15 =	sadd.s32 $0x300, s16  }
0x6d: {  	[spmem:s3] =	stream.indirect.scatter.add.f32 [tilespmem:s21], [sflag:$0x1], $0x1, s15, s24, $0xb8;
	[tilespmem:$0x13800] =	vst v63  }
0x6e: {  	s15 =	sadd.s32 $0x380, s16  }
0x6f: {  	[spmem:s3] =	stream.indirect.scatter.add.f32 [tilespmem:s21], [sflag:$0x1], $0x1, s15, s24, $0xb8;
	[tilespmem:$0x13800] =	vst v63  }
0x70: {  	_ =	swait.ge [sflag:s25], $0x80  }
0x71: {  	[sflag:s25] =	ssyncset.done $0x0  }
0x72: {  	[sflag:s25] =	ssyncadd.s32 $0xFFFFFF80  }
0x73: {  	_ =	swait.ge [sflag:s25], $0x80  }
0x74: {  	[sflag:s25] =	ssyncset.done $0x0  }
0x75: {  	[sflag:s25] =	ssyncadd.s32 $0xFFFFFF80  }
0x76: {  	_ =	swait.ge [sflag:s25], $0x80  }
0x77: {  	[sflag:s25] =	ssyncset.done $0x0  }
0x78: {  	[sflag:s25] =	ssyncadd.s32 $0xFFFFFF80  }
0x79: {  	_ =	swait.ge [sflag:s25], $0x80  }
0x7a: {  	[sflag:s25] =	ssyncset.done $0x0  }
0x7b: {  	[sflag:s25] =	ssyncadd.s32 $0xFFFFFF80  }
0x7c: {  	_ =	swait.ge [sflag:s25], $0x80  }
0x7d: {  	[sflag:s25] =	ssyncset.done $0x0  }
0x7e: {  	[sflag:s25] =	ssyncadd.s32 $0xFFFFFF80  }
0x7f: {  	_ =	swait.ge [sflag:s25], $0x80  }
0x80: {  	[sflag:s25] =	ssyncset.done $0x0  }
0x81: {  	[sflag:s25] =	ssyncadd.s32 $0xFFFFFF80  }
.Ltmp0:
0x82: {  	_ =	swait.ge [sflag:s25], $0x80;
	(pc) =	sbr.rel @p1 .LBB2_2-.Ltmp0, $4  }
0x83: {  	[sflag:s25] =	ssyncset.done $0x0  }
0x84: {  	[sflag:s25] =	ssyncadd.s32 $0xFFFFFF80  }
0x85: {  	_ =	swait.ge [sflag:s25], $0x80  }
0x86: {  	s15 =	smov.u32 s14;
	[sflag:s25] =	ssyncset.done $0x0  }
0x87: {  	s13 =	sshra.s32 s13, $0x2;
	[sflag:s25] =	ssyncadd.s32 $0xFFFFFF80  }
0x88: {  	[spmem:s3] =	stream.indirect.scatter.add.f32 [tilespmem:s21], [sflag:$0x1], $0x1, s13, s24, $0xb8;
	[tilespmem:$0x13800] =	vst v63  }
0x89: {  	s14 =	sadd.s32 $0x80, s13  }
0x8a: {  	[spmem:s3] =	stream.indirect.scatter.add.f32 [tilespmem:s21], [sflag:$0x1], $0x1, s14, s24, $0xb8;
	[tilespmem:$0x13800] =	vst v63  }
0x8b: {  	s16 =	sadd.s32 $0x100, s13  }
0x8c: {  	[spmem:s3] =	stream.indirect.scatter.add.f32 [tilespmem:s21], [sflag:$0x1], $0x1, s16, s24, $0xb8;
	[tilespmem:$0x13800] =	vst v63  }
0x8d: {  	s9 =	sadd.s32 $0x180, s13  }
0x8e: {  	[spmem:s3] =	stream.indirect.scatter.add.f32 [tilespmem:s21], [sflag:$0x1], $0x1, s9, s24, $0xb8;
	[tilespmem:$0x13800] =	vst v63  }
0x8f: {  	s15 =	sadd.s32 $0x200, s13  }
0x90: {  	[spmem:s3] =	stream.indirect.scatter.add.f32 [tilespmem:s21], [sflag:$0x1], $0x1, s15, s24, $0xb8;
	[tilespmem:$0x13800] =	vst v63  }
0x91: {  	s16 =	sadd.s32 $0x280, s13  }
0x92: {  	[spmem:s3] =	stream.indirect.scatter.add.f32 [tilespmem:s21], [sflag:$0x1], $0x1, s16, s24, $0xb8;
	[tilespmem:$0x13800] =	vst v63  }
0x93: {  	s9 =	sadd.s32 $0x300, s13  }
0x94: {  	[spmem:s3] =	stream.indirect.scatter.add.f32 [tilespmem:s21], [sflag:$0x1], $0x1, s9, s24, $0xb8;
	[tilespmem:$0x13800] =	vst v63  }
0x95: {  	s13 =	sadd.s32 $0x380, s13  }
0x96: {  	[spmem:s3] =	stream.indirect.scatter.add.f32 [tilespmem:s21], [sflag:$0x1], $0x1, s13, s24, $0xb8;
	[tilespmem:$0x13800] =	vst v63  }
0x97: {  	_ =	swait.ge [sflag:s25], $0x80  }
0x98: {  	[sflag:s25] =	ssyncset.done $0x0  }
0x99: {  	[sflag:s25] =	ssyncadd.s32 $0xFFFFFF80  }
0x9a: {  	_ =	swait.ge [sflag:s25], $0x80  }
0x9b: {  	[sflag:s25] =	ssyncset.done $0x0  }
0x9c: {  	[sflag:s25] =	ssyncadd.s32 $0xFFFFFF80  }
0x9d: {  	_ =	swait.ge [sflag:s25], $0x80  }
0x9e: {  	[sflag:s25] =	ssyncset.done $0x0  }
0x9f: {  	[sflag:s25] =	ssyncadd.s32 $0xFFFFFF80  }
0xa0: {  	_ =	swait.ge [sflag:s25], $0x80  }
0xa1: {  	[sflag:s25] =	ssyncset.done $0x0  }
0xa2: {  	[sflag:s25] =	ssyncadd.s32 $0xFFFFFF80  }
0xa3: {  	_ =	swait.ge [sflag:s25], $0x80  }
0xa4: {  	[sflag:s25] =	ssyncset.done $0x0  }
0xa5: {  	[sflag:s25] =	ssyncadd.s32 $0xFFFFFF80  }
0xa6: {  	_ =	swait.ge [sflag:s25], $0x80  }
0xa7: {  	[sflag:s25] =	ssyncset.done $0x0  }
0xa8: {  	[sflag:s25] =	ssyncadd.s32 $0xFFFFFF80  }
0xa9: {  	_ =	swait.ge [sflag:s25], $0x80  }
0xaa: {  	[sflag:s25] =	ssyncset.done $0x0  }
0xab: {  	[sflag:s25] =	ssyncadd.s32 $0xFFFFFF80  }
0xac: {  	_ =	swait.ge [sflag:s25], $0x80  }
0xad: {  	[sflag:s25] =	ssyncset.done $0x0  }
0xae: {  	[sflag:s25] =	ssyncadd.s32 $0xFFFFFF80  }
0xaf: {  	[bflag:$0x0] =	sbarrier.arrive $0xFFFF  }
0xb0: {  	s14 =	simm.s32 $0xA000;
	s9 =	rddreg [dreg:$0x9]  }
0xb1: {  	[tilespmem:s14], [sflag:$0x6] =	stream.linear.gather [spmem:s9], $0x280, $0x38;
	[tilespmem:$0x13800] =	vst v63  }
0xb2: {  	_ =	swait.ge [sflag:s19], $0x280  }
0xb3: {  	[sflag:s19] =	ssyncset.done $0x0  }
0xb4: {  	[sflag:s19] =	ssyncadd.s32 $0xFFFFFD80  }
0xb5: {  	v1 =	vld [tilespmem:$0xA000]  }
0xb6: {  	v2 =	vld [tilespmem:$0xA010]  }
0xb7: {  	v4 =	vld [tilespmem:$0xA020];
	_ =	sdelay $0x3  }
0xb8: {  	v1 =	vadd.f32 $1.000000000e+00, v1  }
0xb9: {  	v2 =	vadd.f32 $1.000000000e+00, v2;
	v4 =	vadd.f32 $1.000000000e+00, v4  }
0xba: {  	v3 =	vshrl.u32 v1, $0x1;
	v1 =	vmul.f32 $5.000000000e-01, v1  }
0xbb: {  	v6 =	vshrl.u32 v2, $0x1;
	v2 =	vmul.f32 $5.000000000e-01, v2;
	v8 =	vshrl.u32 v4, $0x1  }
0xbc: {  	v4 =	vmul.f32 $5.000000000e-01, v4;
	v3 =	vsub.s32 $0x5F3759DF, v3;
	v6 =	vsub.s32 $0x5F3759DF, v6  }
0xbd: {  	v34 =	vsub.s32 $0x5F3759DF, v8;
	v5 =	vmul.f32 v3, v1;
	v7 =	vmul.f32 v6, v2  }
0xbe: {  	v8 =	vmul.f32 v34, v4  }
0xbf: {  	v14 =	vld [tilespmem:$0xA050];
	v5 =	vmul.f32 v3, v5;
	v7 =	vmul.f32 v6, v7  }
0xc0: {  	v10 =	vld [tilespmem:$0xA040];
	v8 =	vmul.f32 v34, v8  }
0xc1: {  	v35 =	vld [tilespmem:$0xA030];
	v5 =	vsub.f32 $1.500000000e+00, v5;
	v33 =	vsub.f32 $1.500000000e+00, v7  }
0xc2: {  	v19 =	vld [tilespmem:$0xA090];
	v8 =	vsub.f32 $1.500000000e+00, v8  }
0xc3: {  	v3 =	vmul.f32 v3, v5;
	v5 =	vmul.f32 v6, v33  }
0xc4: {  	v42 =	vadd.f32 $1.000000000e+00, v14;
	v7 =	vmul.f32 v34, v8  }
0xc5: {  	v37 =	vadd.f32 $1.000000000e+00, v10;
	v9 =	vmul.f32 v3, v1;
	v11 =	vmul.f32 v5, v2  }
0xc6: {  	v44 =	vmul.f32 $5.000000000e-01, v42;
	v6 =	vadd.f32 $1.000000000e+00, v35;
	v38 =	vmul.f32 v7, v4  }
0xc7: {  	v23 =	vadd.f32 $1.000000000e+00, v19;
	v9 =	vmul.f32 v9, v3;
	v11 =	vmul.f32 v11, v5  }
0xc8: {  	v39 =	vshrl.u32 v6, $0x1;
	v6 =	vmul.f32 $5.000000000e-01, v6;
	v10 =	vmul.f32 v38, v7  }
0xc9: {  	v9 =	vsub.f32 $1.500000000e+00, v9;
	v36 =	vsub.f32 $1.500000000e+00, v11;
	v11 =	vsub.s32 $0x5F3759DF, v39  }
0xca: {  	v27 =	vmul.f32 $5.000000000e-01, v23;
	v10 =	vsub.f32 $1.500000000e+00, v10;
	v13 =	vmul.f32 v11, v6  }
0xcb: {  	v45 =	vld [tilespmem:$0xA060];
	v12 =	vshrl.u32 v37, $0x1;
	v3 =	vmul.f32 v9, v3;
	v9 =	vmul.f32 $5.000000000e-01, v37  }
0xcc: {  	v12 =	vsub.s32 $0x5F3759DF, v12;
	v5 =	vmul.f32 v36, v5;
	v7 =	vmul.f32 v10, v7  }
0xcd: {  	v43 =	vshrl.u32 v42, $0x1;
	v13 =	vmul.f32 v11, v13;
	v40 =	vmul.f32 v12, v9  }
0xce: {  	v26 =	vshrl.u32 v23, $0x1;
	v1 =	vmul.f32 v3, v1;
	v2 =	vmul.f32 v5, v2  }
0xcf: {  	v4 =	vmul.f32 v7, v4;
	v41 =	vsub.f32 $1.500000000e+00, v13;
	v8 =	vmul.f32 v12, v40  }
0xd0: {  	v13 =	vadd.f32 $1.000000000e+00, v45;
	v1 =	vmul.f32 v1, v3;
	v2 =	vmul.f32 v2, v5  }
0xd1: {  	v4 =	vmul.f32 v4, v7;
	v10 =	vmul.f32 v11, v41;
	v11 =	vsub.s32 $0x5F3759DF, v43  }
0xd2: {  	v51 =	vshrl.u32 v13, $0x1;
	v8 =	vsub.f32 $1.500000000e+00, v8;
	v16 =	vmul.f32 v11, v44  }
0xd3: {  	v50 =	vld [tilespmem:$0xA070];
	v13 =	vmul.f32 $5.000000000e-01, v13;
	v1 =	vsub.f32 $1.500000000e+00, v1;
	v46 =	vmul.f32 v10, v6  }
0xd4: {  	v40 =	vld [tilespmem:$0xA0C0];
	v2 =	vsub.f32 $1.500000000e+00, v2;
	v8 =	vmul.f32 v12, v8;
	v16 =	vmul.f32 v11, v16  }
0xd5: {  	v4 =	vsub.f32 $1.500000000e+00, v4;
	v52 =	vsub.s32 $0x5F3759DF, v51;
	v14 =	vmul.f32 v46, v10  }
0xd6: {  	v53 =	vld [tilespmem:$0xA080];
	v1 =	vmul.f32 v1, v3;
	v15 =	vmul.f32 v8, v9;
	v49 =	vsub.f32 $1.500000000e+00, v16  }
0xd7: {  	v3 =	vmul.f32 v2, v5;
	v2 =	vmul.f32 v4, v7;
	v47 =	vsub.f32 $1.500000000e+00, v14  }
0xd8: {  	v14 =	vadd.f32 $1.000000000e+00, v50;
	v15 =	vmul.f32 v15, v8;
	v7 =	vmul.f32 v11, v49  }
0xd9: {  	v46 =	vadd.f32 $1.000000000e+00, v40;
	v5 =	vmul.f32 v47, v10;
	v10 =	vmul.f32 v52, v13  }
0xda: {  	v55 =	vshrl.u32 v14, $0x1;
	v14 =	vmul.f32 $5.000000000e-01, v14;
	v48 =	vsub.f32 $1.500000000e+00, v15  }
0xdb: {  	v11 =	vadd.f32 $1.000000000e+00, v53;
	v54 =	vmul.f32 v7, v44;
	v10 =	vmul.f32 v52, v10  }
0xdc: {  	v16 =	vsub.s32 $0x5F3759DF, v55;
	v6 =	vmul.f32 v5, v6;
	v4 =	vmul.f32 v48, v8  }
0xdd: {  	v56 =	vmul.f32 v16, v14;
	v15 =	vmul.f32 v54, v7;
	v10 =	vsub.f32 $1.500000000e+00, v10  }
0xde: {  	v57 =	vshrl.u32 v11, $0x1;
	v6 =	vmul.f32 v6, v5;
	v9 =	vmul.f32 v4, v9  }
0xdf: {  	v61 =	vld [tilespmem:$0xA0A0];
	v11 =	vmul.f32 $5.000000000e-01, v11;
	v15 =	vsub.f32 $1.500000000e+00, v15;
	v8 =	vmul.f32 v52, v10  }
0xe0: {  	v28 =	vld [tilespmem:$0xA0B0];
	v10 =	vmul.f32 v16, v56;
	v6 =	vsub.f32 $1.500000000e+00, v6;
	v9 =	vmul.f32 v9, v4  }
0xe1: {  	v7 =	vmul.f32 v15, v7;
	v15 =	vsub.s32 $0x5F3759DF, v57;
	v17 =	vmul.f32 v8, v13  }
0xe2: {  	v18 =	vmul.f32 v15, v11;
	v10 =	vsub.f32 $1.500000000e+00, v10;
	v5 =	vmul.f32 v6, v5  }
0xe3: {  	v12 =	vmul.f32 v7, v44;
	v9 =	vsub.f32 $1.500000000e+00, v9;
	v17 =	vmul.f32 v17, v8  }
0xe4: {  	v18 =	vmul.f32 v15, v18;
	v10 =	vmul.f32 v16, v10;
	v16 =	vadd.f32 $1.000000000e+00, v61  }
0xe5: {  	v12 =	vmul.f32 v12, v7;
	v4 =	vmul.f32 v9, v4;
	v9 =	vadd.f32 $1.000000000e+00, v28  }
0xe6: {  	v58 =	vsub.f32 $1.500000000e+00, v17;
	v60 =	vsub.f32 $1.500000000e+00, v18;
	v62 =	vmul.f32 v10, v14  }
0xe7: {  	v17 =	vsub.s32 $0x5F3759DF, v26;
	v30 =	vshrl.u32 v16, $0x1;
	v16 =	vmul.f32 $5.000000000e-01, v16  }
0xe8: {  	v59 =	vsub.f32 $1.500000000e+00, v12;
	v29 =	vmul.f32 v17, v27;
	v8 =	vmul.f32 v58, v8  }
0xe9: {  	v45 =	vld [tilespmem:$0xA0D0];
	v33 =	vshrl.u32 v9, $0x1;
	v63 =	vmul.f32 v15, v60;
	v25 =	vmul.f32 v62, v10  }
0xea: {  	v21 =	vmul.f32 $5.000000000e-01, v9;
	v36 =	vsub.s32 $0x5F3759DF, v33;
	v19 =	vmul.f32 v17, v29  }
0xeb: {  	v24 =	vmul.f32 v8, v13;
	v15 =	vmul.f32 v63, v11;
	v13 =	vsub.f32 $1.500000000e+00, v25  }
0xec: {  	v6 =	vmul.f32 v59, v7;
	v39 =	vmul.f32 v36, v21;
	v31 =	vsub.f32 $1.500000000e+00, v19  }
0xed: {  	v15 =	vmul.f32 v15, v63;
	v10 =	vmul.f32 v13, v10;
	v13 =	vsub.s32 $0x5F3759DF, v30  }
0xee: {  	v41 =	vmul.f32 v36, v39;
	v19 =	vadd.f32 $1.000000000e+00, v45;
	v20 =	vmul.f32 v13, v16  }
0xef: {  	v12 =	vmul.f32 v24, v8;
	v35 =	vmul.f32 v17, v31;
	v15 =	vsub.f32 $1.500000000e+00, v15  }
0xf0: {  	v52 =	vshrl.u32 v19, $0x1;
	v14 =	vmul.f32 v10, v14;
	v32 =	vmul.f32 v13, v20  }
0xf1: {  	v19 =	vmul.f32 $5.000000000e-01, v19;
	v12 =	vsub.f32 $1.500000000e+00, v12;
	v15 =	vmul.f32 v15, v63  }
0xf2: {  	v23 =	vmul.f32 v35, v27;
	v37 =	vmul.f32 v14, v10;
	v38 =	vsub.f32 $1.500000000e+00, v32  }
0xf3: {  	v9 =	vmul.f32 v12, v8;
	v14 =	vsub.f32 $1.500000000e+00, v41;
	v34 =	vmul.f32 v15, v11  }
0xf4: {  	v20 =	vsub.s32 $0x5F3759DF, v52;
	v43 =	vmul.f32 v23, v35;
	v13 =	vmul.f32 v13, v38  }
0xf5: {  	v7 =	vsub.f32 $1.500000000e+00, v37;
	v14 =	vmul.f32 v36, v14;
	v22 =	vmul.f32 v34, v15  }
0xf6: {  	v49 =	vld [tilespmem:$0xA0E0];
	v53 =	vmul.f32 v20, v19;
	v12 =	vsub.f32 $1.500000000e+00, v43;
	v44 =	vmul.f32 v13, v16  }
0xf7: {  	v7 =	vmul.f32 v7, v10;
	v17 =	vmul.f32 v14, v21;
	v42 =	vsub.f32 $1.500000000e+00, v22  }
0xf8: {  	v38 =	vld [tilespmem:$0xA120];
	v11 =	vmul.f32 v12, v35;
	v10 =	vmul.f32 v44, v13  }
0xf9: {  	v47 =	vshrl.u32 v46, $0x1;
	v8 =	vmul.f32 v42, v15;
	v15 =	vmul.f32 $5.000000000e-01, v46  }
0xfa: {  	v12 =	vsub.s32 $0x5F3759DF, v47;
	v50 =	vmul.f32 v17, v14;
	v10 =	vsub.f32 $1.500000000e+00, v10  }
0xfb: {  	v54 =	vadd.f32 $1.000000000e+00, v49;
	v18 =	vmul.f32 v11, v27;
	v48 =	vmul.f32 v12, v15  }
0xfc: {  	v24 =	vld [tilespmem:$0xA0F0];
	v55 =	vmul.f32 v20, v53;
	v10 =	vmul.f32 v10, v13;
	v13 =	vsub.f32 $1.500000000e+00, v50  }
0xfd: {  	v44 =	vadd.f32 $1.000000000e+00, v38;
	v18 =	vmul.f32 v18, v11;
	v51 =	vmul.f32 v12, v48  }
0xfe: {  	v22 =	vshrl.u32 v54, $0x1;
	v16 =	vmul.f32 v10, v16;
	v13 =	vmul.f32 v13, v14  }
0xff: {  	v31 =	vld [tilespmem:$0xA110];
	v49 =	vmul.f32 $5.000000000e-01, v44;
	v14 =	vmul.f32 $5.000000000e-01, v54;
	v17 =	vsub.f32 $1.500000000e+00, v51  }
0x100: {  	v22 =	vsub.s32 $0x5F3759DF, v22;
	v16 =	vmul.f32 v16, v10;
	v21 =	vmul.f32 v13, v21  }
0x101: {  	v62 =	vadd.f32 $1.000000000e+00, v24;
	v25 =	vmul.f32 v22, v14;
	v17 =	vmul.f32 v12, v17  }
0x102: {  	v18 =	vsub.f32 $1.500000000e+00, v18;
	v12 =	vsub.f32 $1.500000000e+00, v55;
	v21 =	vmul.f32 v21, v13  }
0x103: {  	v16 =	vsub.f32 $1.500000000e+00, v16;
	v58 =	vmul.f32 v22, v25;
	v56 =	vmul.f32 v17, v15  }
0x104: {  	v25 =	vadd.f32 $1.000000000e+00, v31;
	v20 =	vmul.f32 v20, v12;
	v12 =	vmul.f32 v18, v11  }
0x105: {  	v18 =	vmul.f32 $5.000000000e-01, v62;
	v57 =	vsub.f32 $1.500000000e+00, v21;
	v11 =	vmul.f32 v16, v10  }
0x106: {  	v63 =	vld [tilespmem:$0xA100];
	v61 =	vsub.f32 $1.500000000e+00, v58;
	v37 =	vshrl.u32 v25, $0x1;
	v25 =	vmul.f32 $5.000000000e-01, v25  }
0x107: {  	v28 =	vshrl.u32 v62, $0x1;
	v23 =	vmul.f32 v56, v17;
	v60 =	vmul.f32 v20, v19  }
0x108: {  	v10 =	vmul.f32 v57, v13;
	v13 =	vmul.f32 v22, v61;
	v22 =	vsub.s32 $0x5F3759DF, v28  }
0x109: {  	v28 =	vsub.s32 $0x5F3759DF, v37;
	v59 =	vsub.f32 $1.500000000e+00, v23;
	v27 =	vmul.f32 v60, v20  }
0x10a: {  	v30 =	vmul.f32 v22, v18;
	v40 =	vmul.f32 v28, v25  }
0x10b: {  	v32 =	vadd.f32 $1.000000000e+00, v63;
	v29 =	vmul.f32 v13, v14;
	v16 =	vmul.f32 v59, v17  }
0x10c: {  	v56 =	vld [tilespmem:$0xA140];
	v17 =	vsub.f32 $1.500000000e+00, v27;
	v34 =	vmul.f32 v22, v30;
	v42 =	vmul.f32 v28, v40  }
0x10d: {  	v47 =	vld [tilespmem:$0xA130];
	v35 =	vshrl.u32 v32, $0x1;
	v33 =	vmul.f32 v29, v13;
	v15 =	vmul.f32 v16, v15  }
0x10e: {  	v24 =	vsub.s32 $0x5F3759DF, v35;
	v29 =	vld [tilespmem:$0xA150];
	v17 =	vmul.f32 v17, v20;
	v20 =	vmul.f32 $5.000000000e-01, v32  }
0x10f: {  	v23 =	vsub.f32 $1.500000000e+00, v34;
	v21 =	vsub.f32 $1.500000000e+00, v33;
	v15 =	vmul.f32 v15, v16  }
0x110: {  	v48 =	vshrl.u32 v44, $0x1;
	v19 =	vmul.f32 v17, v19;
	v26 =	vmul.f32 v24, v20  }
0x111: {  	v60 =	vadd.f32 $1.000000000e+00, v56;
	v22 =	vmul.f32 v22, v23;
	v21 =	vmul.f32 v21, v13  }
0x112: {  	v19 =	vmul.f32 v19, v17;
	v15 =	vsub.f32 $1.500000000e+00, v15;
	v36 =	vmul.f32 v24, v26  }
0x113: {  	v33 =	vld [tilespmem:$0xA160];
	v27 =	vmul.f32 v22, v18;
	v26 =	vadd.f32 $1.000000000e+00, v47;
	v63 =	vadd.f32 $1.000000000e+00, v29  }
0x114: {  	v14 =	vmul.f32 v21, v14;
	v13 =	vmul.f32 v15, v16;
	v39 =	vsub.f32 $1.500000000e+00, v36  }
0x115: {  	v19 =	vsub.f32 $1.500000000e+00, v19;
	v27 =	vmul.f32 v27, v22;
	v15 =	vsub.f32 $1.500000000e+00, v42  }
0x116: {  	v55 =	vshrl.u32 v26, $0x1;
	v26 =	vmul.f32 $5.000000000e-01, v26;
	v24 =	vmul.f32 v24, v39  }
0x117: {  	v41 =	vmul.f32 v14, v21;
	v43 =	vsub.f32 $1.500000000e+00, v27;
	v51 =	vmul.f32 v28, v15  }
0x118: {  	v29 =	vadd.f32 $1.000000000e+00, v33;
	v14 =	vmul.f32 v19, v17;
	v46 =	vmul.f32 v24, v20  }
0x119: {  	v16 =	vmul.f32 v43, v22;
	v22 =	vsub.s32 $0x5F3759DF, v48;
	v53 =	vmul.f32 v51, v25  }
0x11a: {  	v28 =	vshrl.u32 v60, $0x1;
	v38 =	vmul.f32 $5.000000000e-01, v29;
	v52 =	vmul.f32 v22, v49  }
0x11b: {  	v45 =	vsub.f32 $1.500000000e+00, v41;
	v50 =	vmul.f32 v46, v24;
	v19 =	vmul.f32 v53, v51  }
0x11c: {  	v61 =	vsub.s32 $0x5F3759DF, v28;
	v18 =	vmul.f32 v16, v18;
	v54 =	vmul.f32 v22, v52  }
0x11d: {  	v28 =	vmul.f32 $5.000000000e-01, v63;
	v17 =	vsub.f32 $1.500000000e+00, v50;
	v19 =	vsub.f32 $1.500000000e+00, v19  }
0x11e: {  	v15 =	vmul.f32 v45, v21;
	v18 =	vmul.f32 v18, v16;
	v21 =	vsub.f32 $1.500000000e+00, v54  }
0x11f: {  	v17 =	vmul.f32 v17, v24;
	v24 =	vsub.s32 $0x5F3759DF, v55;
	v19 =	vmul.f32 v19, v51  }
0x120: {  	v21 =	vmul.f32 v22, v21;
	v57 =	vmul.f32 v24, v26  }
0x121: {  	v30 =	vshrl.u32 v63, $0x1;
	v20 =	vmul.f32 v17, v20;
	v59 =	vmul.f32 v19, v25  }
0x122: {  	v31 =	vld [tilespmem:$0xA170];
	v30 =	vsub.s32 $0x5F3759DF, v30;
	v58 =	vmul.f32 v21, v49;
	v22 =	vmul.f32 v24, v57  }
0x123: {  	v18 =	vsub.f32 $1.500000000e+00, v18;
	v25 =	vmul.f32 $5.000000000e-01, v60;
	v20 =	vmul.f32 v20, v17  }
0x124: {  	v36 =	vmul.f32 v30, v28;
	v23 =	vmul.f32 v58, v21;
	v22 =	vsub.f32 $1.500000000e+00, v22  }
0x125: {  	v16 =	vmul.f32 v18, v16;
	v62 =	vmul.f32 v61, v25;
	v20 =	vsub.f32 $1.500000000e+00, v20  }
0x126: {  	v18 =	vmul.f32 v59, v19;
	v23 =	vsub.f32 $1.500000000e+00, v23;
	v22 =	vmul.f32 v24, v22  }
0x127: {  	v31 =	vadd.f32 $1.000000000e+00, v31;
	v17 =	vmul.f32 v20, v17;
	v20 =	vmul.f32 v61, v62  }
0x128: {  	v37 =	vshrl.u32 v29, $0x1;
	v55 =	vld [tilespmem:$0xA1A0];
	v21 =	vmul.f32 v23, v21;
	v34 =	vmul.f32 v22, v26  }
0x129: {  	v18 =	vsub.f32 $1.500000000e+00, v18;
	v35 =	vsub.f32 $1.500000000e+00, v20;
	v20 =	vmul.f32 v30, v36  }
0x12a: {  	v41 =	vshrl.u32 v31, $0x1;
	v36 =	vld [tilespmem:$0xA1C0];
	v27 =	vmul.f32 v21, v49;
	v23 =	vmul.f32 v34, v22  }
0x12b: {  	v18 =	vmul.f32 v18, v19;
	v19 =	vmul.f32 v61, v35;
	v20 =	vsub.f32 $1.500000000e+00, v20;
	v35 =	vld [tilespmem:$0xA180]  }
0x12c: {  	v31 =	vmul.f32 $5.000000000e-01, v31;
	v58 =	vld [tilespmem:$0xA1B0];
	v27 =	vmul.f32 v27, v21;
	v23 =	vsub.f32 $1.500000000e+00, v23  }
0x12d: {  	v60 =	vadd.f32 $1.000000000e+00, v55;
	v39 =	vmul.f32 v19, v25;
	v30 =	vmul.f32 v30, v20  }
0x12e: {  	v22 =	vmul.f32 v23, v22;
	v23 =	vsub.s32 $0x5F3759DF, v37;
	v27 =	vsub.f32 $1.500000000e+00, v27  }
0x12f: {  	v36 =	vadd.f32 $1.000000000e+00, v36;
	v32 =	vmul.f32 v23, v38;
	v29 =	vmul.f32 v39, v19  }
0x130: {  	v33 =	vmul.f32 v30, v28;
	v26 =	vmul.f32 v22, v26;
	v48 =	vadd.f32 $1.000000000e+00, v35  }
0x131: {  	v35 =	vadd.f32 $1.000000000e+00, v58;
	v40 =	vmul.f32 v23, v32;
	v29 =	vsub.f32 $1.500000000e+00, v29  }
0x132: {  	v32 =	vsub.s32 $0x5F3759DF, v41;
	v42 =	vmul.f32 v33, v30;
	v26 =	vmul.f32 v26, v22  }
0x133: {  	v34 =	vmul.f32 v32, v31;
	v50 =	vshrl.u32 v48, $0x1;
	v20 =	vsub.f32 $1.500000000e+00, v40  }
0x134: {  	v49 =	vld [tilespmem:$0xA190];
	v29 =	vmul.f32 v29, v19;
	v40 =	vshrl.u32 v35, $0x1;
	v35 =	vmul.f32 $5.000000000e-01, v35  }
0x135: {  	v45 =	vsub.f32 $1.500000000e+00, v42;
	v43 =	vmul.f32 v32, v34;
	v23 =	vmul.f32 v23, v20  }
0x136: {  	v26 =	vsub.f32 $1.500000000e+00, v26;
	v20 =	vmul.f32 v27, v21;
	v44 =	vmul.f32 v29, v25  }
0x137: {  	v25 =	vmul.f32 v45, v30;
	v27 =	vmul.f32 $5.000000000e-01, v48;
	v45 =	vshrl.u32 v36, $0x1  }
0x138: {  	v36 =	vmul.f32 $5.000000000e-01, v36;
	v19 =	vmul.f32 v26, v22;
	v47 =	vsub.f32 $1.500000000e+00, v43  }
0x139: {  	v30 =	vadd.f32 $1.000000000e+00, v49;
	v46 =	vmul.f32 v23, v38;
	v21 =	vmul.f32 v44, v29  }
0x13a: {  	v28 =	vmul.f32 v25, v28;
	v26 =	vmul.f32 v32, v47;
	v32 =	vsub.s32 $0x5F3759DF, v50  }
0x13b: {  	v37 =	vsub.s32 $0x5F3759DF, v40;
	v22 =	vmul.f32 v46, v23;
	v52 =	vmul.f32 v32, v27  }
0x13c: {  	v56 =	vshrl.u32 v30, $0x1;
	v30 =	vmul.f32 $5.000000000e-01, v30;
	v51 =	vmul.f32 v26, v31  }
0x13d: {  	v21 =	vsub.f32 $1.500000000e+00, v21;
	v22 =	vsub.f32 $1.500000000e+00, v22;
	v54 =	vmul.f32 v32, v52  }
0x13e: {  	v34 =	vsub.s32 $0x5F3759DF, v56;
	v28 =	vmul.f32 v28, v25;
	v53 =	vmul.f32 v51, v26  }
0x13f: {  	v21 =	vmul.f32 v21, v29;
	v23 =	vmul.f32 v22, v23;
	v29 =	vsub.f32 $1.500000000e+00, v54  }
0x140: {  	v43 =	vmul.f32 v37, v35;
	v57 =	vmul.f32 v34, v30;
	v22 =	vsub.f32 $1.500000000e+00, v53  }
0x141: {  	v28 =	vsub.f32 $1.500000000e+00, v28;
	v24 =	vmul.f32 v23, v38;
	v29 =	vmul.f32 v32, v29  }
0x142: {  	v33 =	vshrl.u32 v60, $0x1;
	v44 =	vld [tilespmem:$0xA1D0];
	v32 =	vmul.f32 v34, v57;
	v26 =	vmul.f32 v22, v26  }
0x143: {  	v33 =	vsub.s32 $0x5F3759DF, v33;
	v51 =	vld [tilespmem:$0xA1E0];
	v22 =	vmul.f32 v28, v25;
	v28 =	vmul.f32 $5.000000000e-01, v60  }
0x144: {  	v24 =	vmul.f32 v24, v23;
	v61 =	vmul.f32 v29, v27;
	v32 =	vsub.f32 $1.500000000e+00, v32  }
0x145: {  	v59 =	vmul.f32 v26, v31;
	v62 =	vmul.f32 v33, v28  }
0x146: {  	v24 =	vsub.f32 $1.500000000e+00, v24;
	v31 =	vmul.f32 v61, v29;
	v32 =	vmul.f32 v34, v32  }
0x147: {  	v34 =	vadd.f32 $1.000000000e+00, v44;
	v25 =	vmul.f32 v59, v26;
	v63 =	vmul.f32 v33, v62  }
0x148: {  	v59 =	vadd.f32 $1.000000000e+00, v51;
	v23 =	vmul.f32 v24, v23;
	v31 =	vsub.f32 $1.500000000e+00, v31  }
0x149: {  	v41 =	vmul.f32 v32, v30;
	v47 =	vshrl.u32 v34, $0x1;
	v34 =	vmul.f32 $5.000000000e-01, v34  }
0x14a: {  	v25 =	vsub.f32 $1.500000000e+00, v25;
	v42 =	vsub.f32 $1.500000000e+00, v63;
	v63 =	vmul.f32 $5.000000000e-01, v59  }
0x14b: {  	v60 =	vld [tilespmem:$0xA200];
	v29 =	vmul.f32 v31, v29;
	v31 =	vmul.f32 v41, v32  }
0x14c: {  	v24 =	vmul.f32 v25, v26;
	v25 =	vmul.f32 v33, v42;
	v33 =	vsub.s32 $0x5F3759DF, v45  }
0x14d: {  	v26 =	vmul.f32 v37, v43;
	v31 =	vsub.f32 $1.500000000e+00, v31;
	v46 =	vmul.f32 v33, v36  }
0x14e: {  	v27 =	vmul.f32 v29, v27;
	v38 =	vmul.f32 v25, v28  }
0x14f: {  	v26 =	vsub.f32 $1.500000000e+00, v26;
	v31 =	vmul.f32 v31, v32;
	v32 =	vmul.f32 v33, v46  }
0x150: {  	v44 =	vadd.f32 $1.000000000e+00, v60;
	v27 =	vmul.f32 v27, v29;
	v38 =	vmul.f32 v38, v25  }
0x151: {  	v26 =	vmul.f32 v37, v26;
	v37 =	vsub.s32 $0x5F3759DF, v47;
	v32 =	vsub.f32 $1.500000000e+00, v32  }
0x152: {  	v30 =	vmul.f32 v31, v30;
	v40 =	vmul.f32 v37, v34;
	v38 =	vsub.f32 $1.500000000e+00, v38  }
0x153: {  	v62 =	vshrl.u32 v59, $0x1;
	v39 =	vmul.f32 v26, v35;
	v32 =	vmul.f32 v33, v32  }
0x154: {  	v46 =	vld [tilespmem:$0xA210];
	v47 =	vshrl.u32 v44, $0x1;
	v49 =	vmul.f32 v37, v40;
	v38 =	vmul.f32 v38, v25  }
0x155: {  	v27 =	vsub.f32 $1.500000000e+00, v27;
	v48 =	vmul.f32 v39, v26;
	v50 =	vmul.f32 v32, v36  }
0x156: {  	v57 =	vld [tilespmem:$0xA1F0];
	v30 =	vmul.f32 v30, v31;
	v33 =	vsub.f32 $1.500000000e+00, v49;
	v28 =	vmul.f32 v38, v28  }
0x157: {  	v27 =	vmul.f32 v27, v29;
	v25 =	vsub.f32 $1.500000000e+00, v48;
	v53 =	vmul.f32 v50, v32  }
0x158: {  	v52 =	vsub.f32 $1.500000000e+00, v30;
	v54 =	vmul.f32 v37, v33;
	v28 =	vmul.f32 v28, v38  }
0x159: {  	v39 =	vadd.f32 $1.000000000e+00, v46;
	v41 =	vmul.f32 v25, v26;
	v56 =	vsub.f32 $1.500000000e+00, v53  }
0x15a: {  	v25 =	vmul.f32 v52, v31;
	v33 =	vmul.f32 v54, v34;
	v28 =	vsub.f32 $1.500000000e+00, v28  }
0x15b: {  	v55 =	vmul.f32 v41, v35;
	v35 =	vadd.f32 $1.000000000e+00, v57;
	v31 =	vmul.f32 v56, v32  }
0x15c: {  	v61 =	vmul.f32 v33, v54;
	v33 =	vsub.s32 $0x5F3759DF, v62;
	v26 =	vmul.f32 v28, v38  }
0x15d: {  	v58 =	vmul.f32 v55, v41;
	v43 =	vmul.f32 v33, v63;
	v45 =	vshrl.u32 v35, $0x1  }
0x15e: {  	v35 =	vmul.f32 $5.000000000e-01, v35;
	v42 =	vmul.f32 v31, v36;
	v32 =	vsub.f32 $1.500000000e+00, v61  }
0x15f: {  	v51 =	vld [tilespmem:$0xA220];
	v37 =	vsub.s32 $0x5F3759DF, v45;
	v28 =	vsub.f32 $1.500000000e+00, v58;
	v36 =	vmul.f32 v33, v43  }
0x160: {  	v48 =	vmul.f32 v37, v35;
	v43 =	vshrl.u32 v39, $0x1;
	v39 =	vmul.f32 $5.000000000e-01, v39  }
0x161: {  	v40 =	vsub.s32 $0x5F3759DF, v47;
	v29 =	vmul.f32 v42, v31;
	v30 =	vmul.f32 v32, v54  }
0x162: {  	v32 =	vmul.f32 $5.000000000e-01, v44;
	v53 =	vsub.s32 $0x5F3759DF, v43;
	v28 =	vmul.f32 v28, v41  }
0x163: {  	v45 =	vld [tilespmem:$0xA230];
	v36 =	vsub.f32 $1.500000000e+00, v36;
	v49 =	vmul.f32 v37, v48;
	v54 =	vmul.f32 v53, v39  }
0x164: {  	v41 =	vadd.f32 $1.000000000e+00, v51;
	v29 =	vsub.f32 $1.500000000e+00, v29;
	v42 =	vmul.f32 v40, v32  }
0x165: {  	v34 =	vmul.f32 v30, v34;
	v33 =	vmul.f32 v33, v36;
	v36 =	vsub.f32 $1.500000000e+00, v49  }
0x166: {  	v46 =	vshrl.u32 v41, $0x1;
	v41 =	vmul.f32 $5.000000000e-01, v41;
	v50 =	vmul.f32 v40, v42  }
0x167: {  	v34 =	vmul.f32 v34, v30;
	v46 =	vsub.s32 $0x5F3759DF, v46;
	v52 =	vmul.f32 v33, v63  }
0x168: {  	v48 =	vld [tilespmem:$0xA240];
	v60 =	vadd.f32 $1.000000000e+00, v45;
	v36 =	vmul.f32 v37, v36;
	v57 =	vmul.f32 v46, v41  }
0x169: {  	v29 =	vmul.f32 v29, v31;
	v31 =	vsub.f32 $1.500000000e+00, v50;
	v42 =	vmul.f32 v52, v33  }
0x16a: {  	v34 =	vsub.f32 $1.500000000e+00, v34;
	v55 =	vmul.f32 v36, v35;
	v59 =	vmul.f32 v46, v57  }
0x16b: {  	v62 =	vshrl.u32 v60, $0x1;
	v31 =	vmul.f32 v40, v31;
	v40 =	vmul.f32 v53, v54  }
0x16c: {  	v30 =	vmul.f32 v34, v30;
	v42 =	vsub.f32 $1.500000000e+00, v42;
	v43 =	vmul.f32 v55, v36  }
0x16d: {  	v55 =	vadd.f32 $1.000000000e+00, v48;
	v44 =	vmul.f32 v31, v32;
	v40 =	vsub.f32 $1.500000000e+00, v40  }
0x16e: {  	v56 =	vsub.f32 $1.500000000e+00, v43;
	v33 =	vmul.f32 v42, v33;
	v42 =	vmul.f32 $5.000000000e-01, v60  }
0x16f: {  	v43 =	vsub.s32 $0x5F3759DF, v62;
	v60 =	vmul.f32 $5.000000000e-01, v55;
	v44 =	vmul.f32 v44, v31  }
0x170: {  	v37 =	vmul.f32 v53, v40;
	v34 =	vmul.f32 v56, v36;
	v36 =	vsub.f32 $1.500000000e+00, v59  }
0x171: {  	v51 =	vld [tilespmem:$0xA250];
	v38 =	vmul.f32 v33, v63;
	v63 =	vmul.f32 v43, v42  }
0x172: {  	v59 =	vshrl.u32 v55, $0x1;
	v61 =	vmul.f32 v37, v39;
	v36 =	vmul.f32 v46, v36  }
0x173: {  	v58 =	vsub.f32 $1.500000000e+00, v44;
	v38 =	vmul.f32 v38, v33;
	v35 =	vmul.f32 v34, v35  }
0x174: {  	[tilespmem:$0xA2F0] =	vst v7;
	v7 =	vsub.s32 $0x5F3759DF, v59;
	v44 =	vmul.f32 v43, v63;
	v40 =	vmul.f32 v61, v37  }
0x175: {  	v63 =	vmul.f32 v7, v60;
	v31 =	vmul.f32 v58, v31  }
0x176: {  	[tilespmem:$0xA280] =	vst v1;
	v61 =	vadd.f32 $1.000000000e+00, v51;
	v47 =	vmul.f32 v36, v41;
	v40 =	vsub.f32 $1.500000000e+00, v40  }
0x177: {  	[tilespmem:$0xA290] =	vst v3;
	v3 =	vmul.f32 v35, v34;
	v49 =	vsub.f32 $1.500000000e+00, v44;
	v32 =	vmul.f32 v31, v32  }
0x178: {  	[tilespmem:$0xA300] =	vst v8;
	v8 =	vmul.f32 $5.000000000e-01, v61;
	v37 =	vmul.f32 v40, v37  }
0x179: {  	[tilespmem:$0xA2A0] =	vst v2;
	v1 =	vsub.f32 $1.500000000e+00, v38;
	v38 =	vmul.f32 v47, v36;
	v50 =	vmul.f32 v43, v49  }
0x17a: {  	[tilespmem:$0xA2B0] =	vst v5;
	v58 =	vld [tilespmem:$0xA270];
	v3 =	vsub.f32 $1.500000000e+00, v3;
	v32 =	vmul.f32 v32, v31;
	v2 =	vmul.f32 v37, v39  }
0x17b: {  	[tilespmem:$0xA2C0] =	vst v4;
	v56 =	vld [tilespmem:$0xA260];
	v1 =	vmul.f32 v1, v33;
	v53 =	vsub.f32 $1.500000000e+00, v38;
	v54 =	vmul.f32 v50, v42  }
0x17c: {  	[tilespmem:$0xA2D0] =	vst v6;
	v3 =	vmul.f32 v3, v34;
	v52 =	vsub.f32 $1.500000000e+00, v32;
	v2 =	vmul.f32 v2, v37  }
0x17d: {  	[tilespmem:$0xA2E0] =	vst v9;
	v57 =	vmul.f32 v53, v36;
	v6 =	vmul.f32 v54, v50  }
0x17e: {  	[tilespmem:$0xA310] =	vst v12;
	v36 =	vshrl.u32 v61, $0x1;
	v4 =	vmul.f32 v52, v31;
	v2 =	vsub.f32 $1.500000000e+00, v2  }
0x17f: {  	[tilespmem:$0xA320] =	vst v11;
	v11 =	vsub.s32 $0x5F3759DF, v36;
	v31 =	vadd.f32 $1.000000000e+00, v58;
	v62 =	vmul.f32 v57, v41  }
0x180: {  	[tilespmem:$0xA330] =	vst v10;
	v6 =	vsub.f32 $1.500000000e+00, v6;
	v2 =	vmul.f32 v2, v37;
	v37 =	vadd.f32 $1.000000000e+00, v56  }
0x181: {  	[tilespmem:$0xA340] =	vst v13;
	v39 =	vmul.f32 v11, v8;
	v43 =	vshrl.u32 v31, $0x1;
	v31 =	vmul.f32 $5.000000000e-01, v31  }
0x182: {  	[tilespmem:$0xA350] =	vst v14;
	v33 =	vsub.s32 $0x5F3759DF, v43;
	v40 =	vshrl.u32 v37, $0x1;
	v34 =	vmul.f32 $5.000000000e-01, v37  }
0x183: {  	[tilespmem:$0xA360] =	vst v15;
	v13 =	vmul.f32 v11, v39;
	v45 =	vmul.f32 v33, v31;
	v41 =	vsub.s32 $0x5F3759DF, v40  }
0x184: {  	[tilespmem:$0xA370] =	vst v16;
	v38 =	vmul.f32 v7, v63;
	v44 =	vmul.f32 v41, v34  }
0x185: {  	[tilespmem:$0xA380] =	vst v17;
	v5 =	vmul.f32 v6, v50;
	v13 =	vsub.f32 $1.500000000e+00, v13;
	v6 =	vmul.f32 v33, v45  }
0x186: {  	[tilespmem:$0xA390] =	vst v18;
	v10 =	vsub.f32 $1.500000000e+00, v38;
	v15 =	vmul.f32 v41, v44  }
0x187: {  	[tilespmem:$0xA3A0] =	vst v20;
	v47 =	vmul.f32 v11, v13;
	v6 =	vsub.f32 $1.500000000e+00, v6  }
0x188: {  	[tilespmem:$0xA3B0] =	vst v19;
	v7 =	vmul.f32 v7, v10;
	v12 =	vmul.f32 v62, v57;
	v48 =	vsub.f32 $1.500000000e+00, v15  }
0x189: {  	[tilespmem:$0xA3C0] =	vst v21;
	v51 =	vmul.f32 v47, v8;
	v6 =	vmul.f32 v33, v6  }
0x18a: {  	[tilespmem:$0xA3D0] =	vst v22;
	v50 =	vmul.f32 v7, v60;
	v11 =	vmul.f32 v41, v48  }
0x18b: {  	[tilespmem:$0xA3E0] =	vst v23;
	v15 =	vmul.f32 v51, v47;
	v53 =	vmul.f32 v6, v31  }
0x18c: {  	[tilespmem:$0xA3F0] =	vst v24;
	v14 =	vmul.f32 v50, v7;
	v52 =	vmul.f32 v11, v34  }
0x18d: {  	[tilespmem:$0xA400] =	vst v27;
	v46 =	vmul.f32 v5, v42;
	v15 =	vsub.f32 $1.500000000e+00, v15;
	v17 =	vmul.f32 v53, v6  }
0x18e: {  	[tilespmem:$0xA410] =	vst v25;
	v12 =	vsub.f32 $1.500000000e+00, v12;
	v14 =	vsub.f32 $1.500000000e+00, v14;
	v16 =	vmul.f32 v52, v11  }
0x18f: {  	[tilespmem:$0xA420] =	vst v26;
	v49 =	vmul.f32 v46, v5;
	v10 =	vmul.f32 v15, v47;
	v55 =	vsub.f32 $1.500000000e+00, v17  }
0x190: {  	[tilespmem:$0xA430] =	vst v28;
	v9 =	vmul.f32 v12, v57;
	v7 =	vmul.f32 v14, v7;
	v54 =	vsub.f32 $1.500000000e+00, v16  }
0x191: {  	s15 =	simm.s32 $0x0;
	[tilespmem:$0xA440] =	vst v29;
	v6 =	vmul.f32 v55, v6;
	v8 =	vmul.f32 v10, v8  }
0x192: {  	[tilespmem:$0xA450] =	vst v30;
	v59 =	vmov s15;
	v56 =	vmul.f32 v7, v60;
	v11 =	vmul.f32 v54, v11  }
0x193: {  	[tilespmem:$0xA470] =	vst v3;
	v61 =	vshrl.u32 v59, $0x3;
	v3 =	vmul.f32 v8, v10;
	v58 =	vmul.f32 v6, v31  }
0x194: {  	[tilespmem:$0xA460] =	vst v1;
	v13 =	vsub.f32 $1.500000000e+00, v49;
	v1 =	vmul.f32 v56, v7;
	v57 =	vmul.f32 v11, v34  }
0x195: {  	v62 =	vshll.u32 v61, v0;
	[tilespmem:$0xA490] =	vst v2;
	v2 =	vsub.f32 $1.500000000e+00, v3;
	v3 =	vmul.f32 v58, v6  }
0x196: {  	[tilespmem:$0xA480] =	vst v4;
	v5 =	vmul.f32 v13, v5;
	v1 =	vsub.f32 $1.500000000e+00, v1;
	v60 =	vmul.f32 v57, v11  }
0x197: {  	v63 =	vbroadcast v62, $0x0;
	[tilespmem:$0xA4A0] =	vst v9;
	v2 =	vmul.f32 v2, v10;
	v3 =	vsub.f32 $1.500000000e+00, v3  }
0x198: {  	[tilespmem:$0xA4B0] =	vst v5;
	v1 =	vmul.f32 v1, v7;
	v4 =	vsub.f32 $1.500000000e+00, v60  }
0x199: {  	[tilespmem:$0xA4D0] =	vst v2;
	v2 =	vmul.f32 v3, v6  }
0x19a: {  	[tilespmem:$0xA4C0] =	vst v1;
	v1 =	vmul.f32 v4, v11  }
0x19b: {  	[tilespmem:$0xA4F0] =	vst v2  }
0x19c: {  	s16 =	simm.s32 $0x1;
	[tilespmem:$0xA4E0] =	vst v1  }
0x19d: {  	s13 =	simm.s32 $0x7840;
	v1 =	vmov s16;
	v2 =	vld.idx.msk [tilespmem:v63+s28+$0x0], $0xffff  }
0x19e: {  	v1 =	vshrl.u32 v1, $0x3;
	v3 =	vld [tilespmem:s13+$0xFFFFFFC0]  }
0x19f: {  	v1 =	vshll.u32 v1, v0  }
0x1a0: {  	v1 =	vadd.s32 $0x1, v1  }
0x1a1: {  	v1 =	vbroadcast v1, $0x0;
	_ =	sdelay $0x1  }
0x1a2: {  	v2 =	vmul.f32 v3, v2  }
0x1a3: {  	s9 =	simm.s32 $0x2  }
0x1a4: {  	[tilespmem:s13+$0xFFFFFFC0] =	vst v2;
	v2 =	vmov s9  }
0x1a5: {  	v3 =	vld [tilespmem:s13+$0xFFFFFFD0];
	v2 =	vshrl.u32 v2, $0x3  }
0x1a6: {  	v1 =	vld.idx.msk [tilespmem:v1+s28+$0x0], $0xffff;
	v2 =	vshll.u32 v2, v0  }
0x1a7: {  	v2 =	vadd.s32 $0x2, v2  }
0x1a8: {  	v2 =	vbroadcast v2, $0x0;
	_ =	sdelay $0x2  }
0x1a9: {  	v1 =	vmul.f32 v3, v1  }
0x1aa: {  	s15 =	simm.s32 $0x3  }
0x1ab: {  	v3 =	vld [tilespmem:s13+$0xFFFFFFE0];
	[tilespmem:s13+$0xFFFFFFD0] =	vst v1;
	v1 =	vmov s15  }
0x1ac: {  	v2 =	vld.idx.msk [tilespmem:v2+s28+$0x0], $0xffff;
	v1 =	vshrl.u32 v1, $0x3  }
0x1ad: {  	v1 =	vshll.u32 v1, v0  }
0x1ae: {  	v1 =	vadd.s32 $0x3, v1  }
0x1af: {  	v1 =	vbroadcast v1, $0x0;
	_ =	sdelay $0x1  }
0x1b0: {  	v2 =	vmul.f32 v3, v2  }
0x1b1: {  	s16 =	simm.s32 $0x4  }
0x1b2: {  	[tilespmem:s13+$0xFFFFFFE0] =	vst v2;
	v2 =	vmov s16  }
0x1b3: {  	v3 =	vld [tilespmem:s13+$0xFFFFFFF0];
	v2 =	vshrl.u32 v2, $0x3  }
0x1b4: {  	v1 =	vld.idx.msk [tilespmem:v1+s28+$0x0], $0xffff;
	v2 =	vshll.u32 v2, v0  }
0x1b5: {  	v2 =	vadd.s32 $0x4, v2  }
0x1b6: {  	v2 =	vbroadcast v2, $0x0;
	_ =	sdelay $0x2  }
0x1b7: {  	v1 =	vmul.f32 v3, v1  }
0x1b8: {  	s9 =	simm.s32 $0x5  }
0x1b9: {  	v3 =	vld [tilespmem:s13+$0x0];
	[tilespmem:s13+$0xFFFFFFF0] =	vst v1;
	v1 =	vmov s9  }
0x1ba: {  	v2 =	vld.idx.msk [tilespmem:v2+s28+$0x0], $0xffff;
	v1 =	vshrl.u32 v1, $0x3  }
0x1bb: {  	v1 =	vshll.u32 v1, v0  }
0x1bc: {  	v1 =	vadd.s32 $0x5, v1  }
0x1bd: {  	v1 =	vbroadcast v1, $0x0;
	_ =	sdelay $0x1  }
0x1be: {  	v2 =	vmul.f32 v3, v2  }
0x1bf: {  	s15 =	simm.s32 $0x6  }
0x1c0: {  	[tilespmem:s13+$0x0] =	vst v2;
	v2 =	vmov s15  }
0x1c1: {  	v3 =	vld [tilespmem:s13+$0x10];
	v2 =	vshrl.u32 v2, $0x3  }
0x1c2: {  	v1 =	vld.idx.msk [tilespmem:v1+s28+$0x0], $0xffff;
	v2 =	vshll.u32 v2, v0  }
0x1c3: {  	v2 =	vadd.s32 $0x6, v2  }
0x1c4: {  	v2 =	vbroadcast v2, $0x0;
	_ =	sdelay $0x2  }
0x1c5: {  	v1 =	vmul.f32 v3, v1;
	_ =	sdelay $0x1  }
0x1c6: {  	[tilespmem:s13+$0x10] =	vst v1  }
0x1c7: {  	v1 =	vld.idx.msk [tilespmem:v2+s28+$0x0], $0xffff  }
0x1c8: {  	v2 =	vld [tilespmem:s13+$0x20]  }
0x1c9: {  	s16 =	simm.s32 $0x7  }
0x1ca: {  	v3 =	vmov s16  }
0x1cb: {  	v3 =	vshrl.u32 v3, $0x3  }
0x1cc: {  	v3 =	vshll.u32 v3, v0  }
0x1cd: {  	v2 =	vmul.f32 v2, v1;
	v1 =	vadd.s32 $0x7, v3  }
0x1ce: {  	v1 =	vbroadcast v1, $0x0;
	_ =	sdelay $0x4  }
0x1cf: {  	s14 =	simm.s32 $0xF;
	s15 =	simm.s32 $0x17;
	s16 =	simm.s32 $0x8;
	[tilespmem:s13+$0x20] =	vst v2  }
.LBB2_4:
0x1d0: {  	p1 =	sne.s32 s15, $0x27F;
	v2 =	vmov s16;
	v1 =	vld.idx.msk [tilespmem:v1+s28+$0x0], $0xffff  }
0x1d1: {  	v2 =	vshrl.u32 v2, $0x3;
	v3 =	vld [tilespmem:s13+$0x30]  }
0x1d2: {  	v2 =	vshll.u32 v2, v0  }
0x1d3: {  	v2 =	vbroadcast v2, $0x0;
	_ =	sdelay $0x2  }
0x1d4: {  	v1 =	vmul.f32 v3, v1  }
0x1d5: {  	s16 =	sadd.s32 $0xFFFFFFFA, s14  }
0x1d6: {  	v3 =	vmov s16;
	[tilespmem:s13+$0x30] =	vst v1  }
0x1d7: {  	s13 =	sadd.s32 $0x80, s13;
	v1 =	vld.idx.msk [tilespmem:v2+s28+$0x0], $0xffff;
	v2 =	vshrl.u32 v3, $0x3  }
0x1d8: {  	v3 =	vld [tilespmem:s13+$0xFFFFFFC0];
	v2 =	vshll.u32 v2, v0  }
0x1d9: {  	v2 =	vadd.s32 $0x1, v2  }
0x1da: {  	v2 =	vbroadcast v2, $0x0;
	_ =	sdelay $0x2  }
0x1db: {  	v1 =	vmul.f32 v3, v1  }
0x1dc: {  	s16 =	sadd.s32 $0xFFFFFFFB, s14  }
0x1dd: {  	[tilespmem:s13+$0xFFFFFFC0] =	vst v1;
	v1 =	vmov s16  }
0x1de: {  	v2 =	vld.idx.msk [tilespmem:v2+s28+$0x0], $0xffff;
	v1 =	vshrl.u32 v1, $0x3  }
0x1df: {  	v3 =	vld [tilespmem:s13+$0xFFFFFFD0];
	v1 =	vshll.u32 v1, v0  }
0x1e0: {  	v1 =	vadd.s32 $0x2, v1  }
0x1e1: {  	v1 =	vbroadcast v1, $0x0;
	_ =	sdelay $0x2  }
0x1e2: {  	v2 =	vmul.f32 v3, v2  }
0x1e3: {  	s16 =	sadd.s32 $0xFFFFFFFC, s14  }
0x1e4: {  	[tilespmem:s13+$0xFFFFFFD0] =	vst v2;
	v2 =	vmov s16  }
0x1e5: {  	v1 =	vld.idx.msk [tilespmem:v1+s28+$0x0], $0xffff;
	v2 =	vshrl.u32 v2, $0x3  }
0x1e6: {  	v3 =	vld [tilespmem:s13+$0xFFFFFFE0];
	v2 =	vshll.u32 v2, v0  }
0x1e7: {  	v2 =	vadd.s32 $0x3, v2  }
0x1e8: {  	v2 =	vbroadcast v2, $0x0;
	_ =	sdelay $0x2  }
0x1e9: {  	v1 =	vmul.f32 v3, v1  }
0x1ea: {  	s16 =	sadd.s32 $0xFFFFFFFD, s14  }
0x1eb: {  	[tilespmem:s13+$0xFFFFFFE0] =	vst v1;
	v1 =	vmov s16  }
0x1ec: {  	v2 =	vld.idx.msk [tilespmem:v2+s28+$0x0], $0xffff;
	v1 =	vshrl.u32 v1, $0x3  }
0x1ed: {  	v3 =	vld [tilespmem:s13+$0xFFFFFFF0];
	v1 =	vshll.u32 v1, v0  }
0x1ee: {  	v1 =	vadd.s32 $0x4, v1  }
0x1ef: {  	v1 =	vbroadcast v1, $0x0;
	_ =	sdelay $0x2  }
0x1f0: {  	v2 =	vmul.f32 v3, v2  }
0x1f1: {  	s16 =	sadd.s32 $0xFFFFFFFE, s14  }
0x1f2: {  	[tilespmem:s13+$0xFFFFFFF0] =	vst v2;
	v2 =	vmov s16  }
0x1f3: {  	v1 =	vld.idx.msk [tilespmem:v1+s28+$0x0], $0xffff;
	v2 =	vshrl.u32 v2, $0x3  }
0x1f4: {  	v3 =	vld [tilespmem:s13+$0x0];
	v2 =	vshll.u32 v2, v0  }
0x1f5: {  	v2 =	vadd.s32 $0x5, v2  }
0x1f6: {  	v2 =	vbroadcast v2, $0x0;
	_ =	sdelay $0x2  }
0x1f7: {  	v1 =	vmul.f32 v3, v1  }
0x1f8: {  	s16 =	sadd.s32 $0xFFFFFFFF, s14  }
0x1f9: {  	[tilespmem:s13+$0x0] =	vst v1;
	v1 =	vmov s16  }
0x1fa: {  	v2 =	vld.idx.msk [tilespmem:v2+s28+$0x0], $0xffff;
	v1 =	vshrl.u32 v1, $0x3  }
0x1fb: {  	v3 =	vld [tilespmem:s13+$0x10];
	v1 =	vshll.u32 v1, v0  }
0x1fc: {  	v1 =	vadd.s32 $0x6, v1  }
0x1fd: {  	v1 =	vbroadcast v1, $0x0;
	_ =	sdelay $0x2  }
0x1fe: {  	v2 =	vmul.f32 v3, v2;
	_ =	sdelay $0x1  }
0x1ff: {  	[tilespmem:s13+$0x10] =	vst v2;
	v2 =	vmov s14;
	s14 =	smov.u32 s15  }
0x200: {  	v3 =	vld.idx.msk [tilespmem:v1+s28+$0x0], $0xffff;
	v1 =	vshrl.u32 v2, $0x3  }
0x201: {  	v2 =	vld [tilespmem:s13+$0x20];
	v1 =	vshll.u32 v1, v0  }
0x202: {  	v1 =	vadd.s32 $0x7, v1  }
0x203: {  	v1 =	vbroadcast v1, $0x0  }
.Ltmp1:
0x204: {  	(pc) =	sbr.rel @p1 .LBB2_4-.Ltmp1, $3  }
0x205: {  	_ = 	snop  }
0x206: {  	v2 =	vmul.f32 v2, v3;
	_ =	sdelay $0x1  }
0x207: {  	s15 =	sadd.s32 $0x8, s15;
	s16 =	sadd.s32 $0xFFFFFFF9, s14;
	[tilespmem:s13+$0x20] =	vst v2  }
0x208: {  	_ =	sdelay $0x3  }
0x209: {  	v2 =	vmov s16;
	v1 =	vld.idx.msk [tilespmem:v1+s28+$0x0], $0xffff  }
0x20a: {  	v3 =	vld [tilespmem:s13+$0x30];
	v2 =	vshrl.u32 v2, $0x3  }
0x20b: {  	v2 =	vshll.u32 v2, v0  }
0x20c: {  	v2 =	vbroadcast v2, $0x0;
	_ =	sdelay $0x2  }
0x20d: {  	v1 =	vmul.f32 v3, v1  }
0x20e: {  	s15 =	sadd.s32 $0xFFFFFFFA, s14  }
0x20f: {  	v3 =	vmov s15;
	[tilespmem:s13+$0x30] =	vst v1  }
0x210: {  	s13 =	sadd.s32 $0x80, s13;
	v1 =	vld.idx.msk [tilespmem:v2+s28+$0x0], $0xffff;
	v2 =	vshrl.u32 v3, $0x3  }
0x211: {  	v3 =	vld [tilespmem:s13+$0xFFFFFFC0];
	v2 =	vshll.u32 v2, v0  }
0x212: {  	v2 =	vadd.s32 $0x1, v2  }
0x213: {  	v2 =	vbroadcast v2, $0x0;
	_ =	sdelay $0x2  }
0x214: {  	v1 =	vmul.f32 v3, v1  }
0x215: {  	s9 =	sadd.s32 $0xFFFFFFFB, s14  }
0x216: {  	v3 =	vld [tilespmem:s13+$0xFFFFFFD0];
	[tilespmem:s13+$0xFFFFFFC0] =	vst v1;
	v1 =	vmov s9  }
0x217: {  	v1 =	vshrl.u32 v1, $0x3;
	v2 =	vld.idx.msk [tilespmem:v2+s28+$0x0], $0xffff  }
0x218: {  	v1 =	vshll.u32 v1, v0  }
0x219: {  	v1 =	vadd.s32 $0x2, v1  }
0x21a: {  	v1 =	vbroadcast v1, $0x0;
	_ =	sdelay $0x1  }
0x21b: {  	v2 =	vmul.f32 v3, v2  }
0x21c: {  	s16 =	sadd.s32 $0xFFFFFFFC, s14  }
0x21d: {  	[tilespmem:s13+$0xFFFFFFD0] =	vst v2;
	v2 =	vmov s16  }
0x21e: {  	v3 =	vld [tilespmem:s13+$0xFFFFFFE0];
	v2 =	vshrl.u32 v2, $0x3  }
0x21f: {  	v1 =	vld.idx.msk [tilespmem:v1+s28+$0x0], $0xffff;
	v2 =	vshll.u32 v2, v0  }
0x220: {  	v2 =	vadd.s32 $0x3, v2  }
0x221: {  	v2 =	vbroadcast v2, $0x0;
	_ =	sdelay $0x2  }
0x222: {  	v1 =	vmul.f32 v3, v1  }
0x223: {  	s9 =	sadd.s32 $0xFFFFFFFD, s14  }
0x224: {  	v3 =	vld [tilespmem:s13+$0xFFFFFFF0];
	[tilespmem:s13+$0xFFFFFFE0] =	vst v1;
	v1 =	vmov s9  }
0x225: {  	v1 =	vshrl.u32 v1, $0x3;
	v2 =	vld.idx.msk [tilespmem:v2+s28+$0x0], $0xffff  }
0x226: {  	v1 =	vshll.u32 v1, v0  }
0x227: {  	v1 =	vadd.s32 $0x4, v1  }
0x228: {  	v1 =	vbroadcast v1, $0x0;
	_ =	sdelay $0x1  }
0x229: {  	v2 =	vmul.f32 v3, v2  }
0x22a: {  	s16 =	sadd.s32 $0xFFFFFFFE, s14  }
0x22b: {  	[tilespmem:s13+$0xFFFFFFF0] =	vst v2;
	v2 =	vmov s16  }
0x22c: {  	v3 =	vld [tilespmem:s13+$0x0];
	v2 =	vshrl.u32 v2, $0x3  }
0x22d: {  	v1 =	vld.idx.msk [tilespmem:v1+s28+$0x0], $0xffff;
	v2 =	vshll.u32 v2, v0  }
0x22e: {  	v2 =	vadd.s32 $0x5, v2  }
0x22f: {  	v2 =	vbroadcast v2, $0x0;
	_ =	sdelay $0x2  }
0x230: {  	v1 =	vmul.f32 v3, v1  }
0x231: {  	s9 =	sadd.s32 $0xFFFFFFFF, s14  }
0x232: {  	v3 =	vld [tilespmem:s13+$0x10];
	[tilespmem:s13+$0x0] =	vst v1;
	v1 =	vmov s9  }
0x233: {  	v1 =	vshrl.u32 v1, $0x3;
	v2 =	vld.idx.msk [tilespmem:v2+s28+$0x0], $0xffff  }
0x234: {  	v1 =	vshll.u32 v1, v0  }
0x235: {  	v1 =	vadd.s32 $0x6, v1  }
0x236: {  	v1 =	vbroadcast v1, $0x0;
	_ =	sdelay $0x1  }
0x237: {  	v2 =	vmul.f32 v3, v2;
	_ =	sdelay $0x1  }
0x238: {  	[tilespmem:s13+$0x10] =	vst v2;
	v2 =	vmov s14  }
0x239: {  	v3 =	vld [tilespmem:s13+$0x20];
	v2 =	vshrl.u32 v2, $0x3  }
0x23a: {  	v1 =	vld.idx.msk [tilespmem:v1+s28+$0x0], $0xffff;
	v2 =	vshll.u32 v2, v0  }
0x23b: {  	v2 =	vadd.s32 $0x7, v2  }
0x23c: {  	v2 =	vbroadcast v2, $0x0;
	_ =	sdelay $0x2  }
0x23d: {  	v1 =	vmul.f32 v3, v1;
	_ =	sdelay $0x1  }
0x23e: {  	[tilespmem:s13+$0x20] =	vst v1  }
0x23f: {  	v1 =	vld.idx.msk [tilespmem:v2+s28+$0x0], $0xffff  }
0x240: {  	v2 =	vld [tilespmem:s13+$0x30];
	_ =	sdelay $0x4  }
0x241: {  	v1 =	vmul.f32 v2, v1;
	_ =	sdelay $0x1  }
0x242: {  	s9 =	rddreg [dreg:$0xd];
	[tilespmem:s13+$0x30] =	vst v1  }
0x243: {  	[spmem:s9] =	stream.linear.scatter [tilespmem:s18], [sflag:$0x6], $0x2800, $0x38;
	[tilespmem:$0x13800] =	vst v63  }
0x244: {  	_ =	swait.ge [sflag:s19], $0x2800  }
0x245: {  	s14 =	simm.s32 @!p0 $0xA280;
	[sflag:s19] =	ssyncset.done $0x0  }
0x246: {  	s13 =	simm.s32 @!p0 $0x0;
	s9 =	rddreg [dreg:$0xe];
	[sflag:s19] =	ssyncadd.s32 $0xFFFFD800  }
0x247: {  	[hbm4b:s9+s13] =	stream.linear.scatter @!p0 [tilespmem:s14], [sflag:$0x6], $0x280, $0x38;
	[tilespmem:$0x13800] =	vst v63  }
0x248: {  	s13 =	simm.s32 @!p0 $0x6  }
0x249: {  	_ =	swait.ge @!p0 [sflag:s13], $0x280  }
0x24a: {  	[sflag:s13] =	ssyncset.done @!p0 $0x0  }
0x24b: {  	[sflag:s13] =	ssyncadd.s32 @!p0 $0xFFFFFD80  }
0x24c: {  	[bflag:$0x0] =	sbarrier.arrive $0xFFFF  }
0x24d: {  	[tilespmem:s29], [sflag:$0x2] =	stream.indirect.gather [spmem:s5], $0x10, s17, s24, $0xb8;
	[tilespmem:$0x13800] =	vst v63  }
0x24e: {  	s16 =	simm.s32 $0x5080  }
0x24f: {  	[tilespmem:s31], [sflag:$0x2] =	stream.indirect.gather [spmem:s5], $0x10, s16, s24, $0xb8;
	[tilespmem:$0x13800] =	vst v63  }
0x250: {  	s17 =	simm.s32 $0x5100  }
0x251: {  	[tilespmem:s0], [sflag:$0x2] =	stream.indirect.gather [spmem:s5], $0x10, s17, s24, $0xb8;
	[tilespmem:$0x13800] =	vst v63  }
0x252: {  	s18 =	simm.s32 $0x5180  }
0x253: {  	[tilespmem:s26], [sflag:$0x2] =	stream.indirect.gather [spmem:s5], $0x10, s18, s24, $0xb8;
	[tilespmem:$0x13800] =	vst v63  }
0x254: {  	_ =	swait.ge [sflag:s30], $0x800  }
0x255: {  	[sflag:s30] =	ssyncset.done $0x0  }
0x256: {  	[sflag:s30] =	ssyncadd.s32 $0xFFFFF800  }
0x257: {  	_ =	swait.ge [sflag:s30], $0x800  }
0x258: {  	[sflag:s30] =	ssyncset.done $0x0  }
0x259: {  	[sflag:s30] =	ssyncadd.s32 $0xFFFFF800  }
0x25a: {  	_ =	swait.ge [sflag:s30], $0x800  }
0x25b: {  	[sflag:s30] =	ssyncset.done $0x0  }
0x25c: {  	[sflag:s30] =	ssyncadd.s32 $0xFFFFF800  }
0x25d: {  	_ =	swait.ge [sflag:s30], $0x800  }
0x25e: {  	p1 =	por $0x1, $0x1;
	[sflag:s30] =	ssyncset.done $0x0  }
0x25f: {  	s13 =	simm.s32 @!p1 $0x5;
	[sflag:s30] =	ssyncadd.s32 $0xFFFFF800  }
0x260: {  	_ =	swait.ge @!p1 [sflag:s13], $0x800  }
0x261: {  	[sflag:s13] =	ssyncset.done @!p1 $0x0  }
0x262: {  	[sflag:s13] =	ssyncadd.s32 @!p1 $0xFFFFF800  }
0x263: {  	_ =	swait.ge @!p1 [sflag:s13], $0x800  }
0x264: {  	[sflag:s13] =	ssyncset.done @!p1 $0x0  }
0x265: {  	[sflag:s13] =	ssyncadd.s32 @!p1 $0xFFFFF800  }
0x266: {  	_ =	swait.ge @!p1 [sflag:s13], $0x800  }
0x267: {  	[sflag:s13] =	ssyncset.done @!p1 $0x0  }
0x268: {  	[sflag:s13] =	ssyncadd.s32 @!p1 $0xFFFFF800  }
0x269: {  	_ =	swait.ge @!p1 [sflag:s13], $0x800  }
0x26a: {  	[sflag:s13] =	ssyncset.done @!p1 $0x0  }
0x26b: {  	s9 =	simm.s32 $0x5200;
	[sflag:s13] =	ssyncadd.s32 @!p1 $0xFFFFF800  }
0x26c: {  	[tilespmem:s2], [sflag:$0x3] =	stream.indirect.gather [spmem:s5], $0x10, s9, s24, $0xb8;
	[tilespmem:$0x13800] =	vst v63  }
0x26d: {  	s14 =	simm.s32 $0x5280  }
0x26e: {  	[tilespmem:s1], [sflag:$0x3] =	stream.indirect.gather [spmem:s5], $0x10, s14, s24, $0xb8;
	[tilespmem:$0x13800] =	vst v63  }
0x26f: {  	s15 =	simm.s32 $0x5300  }
0x270: {  	[tilespmem:s7], [sflag:$0x3] =	stream.indirect.gather [spmem:s5], $0x10, s15, s24, $0xb8;
	[tilespmem:$0x13800] =	vst v63  }
0x271: {  	s17 =	simm.s32 $0x5380;
	s16 =	rddreg [dreg:$0x6]  }
0x272: {  	[tilespmem:s8], [sflag:$0x3] =	stream.indirect.gather [spmem:s5], $0x10, s17, s24, $0xb8;
	[tilespmem:$0x13800] =	vst v63  }
0x273: {  	s14 =	sadd.s32 $0x0, s16  }
0x274: {  	[spmem:s4] =	stream.indirect.scatter.add.f32 [tilespmem:s29], [sflag:$0x4], $0x10, s14, s24, $0xb8;
	[tilespmem:$0x13800] =	vst v63  }
0x275: {  	s18 =	sadd.s32 $0x80, s14  }
0x276: {  	[spmem:s4] =	stream.indirect.scatter.add.f32 [tilespmem:s31], [sflag:$0x4], $0x10, s18, s24, $0xb8;
	[tilespmem:$0x13800] =	vst v63  }
0x277: {  	s9 =	sadd.s32 $0x100, s14  }
0x278: {  	[spmem:s4] =	stream.indirect.scatter.add.f32 [tilespmem:s0], [sflag:$0x4], $0x10, s9, s24, $0xb8;
	[tilespmem:$0x13800] =	vst v63  }
0x279: {  	s15 =	sadd.s32 $0x180, s14  }
0x27a: {  	[spmem:s4] =	stream.indirect.scatter.add.f32 [tilespmem:s26], [sflag:$0x4], $0x10, s15, s24, $0xb8;
	[tilespmem:$0x13800] =	vst v63  }
0x27b: {  	_ =	swait.ge [sflag:s22], $0x800  }
0x27c: {  	[sflag:s22] =	ssyncset.done $0x0  }
0x27d: {  	[sflag:s22] =	ssyncadd.s32 $0xFFFFF800  }
0x27e: {  	_ =	swait.ge [sflag:s22], $0x800  }
0x27f: {  	[sflag:s22] =	ssyncset.done $0x0  }
0x280: {  	[sflag:s22] =	ssyncadd.s32 $0xFFFFF800  }
0x281: {  	_ =	swait.ge [sflag:s22], $0x800  }
0x282: {  	[sflag:s22] =	ssyncset.done $0x0  }
0x283: {  	[sflag:s22] =	ssyncadd.s32 $0xFFFFF800  }
0x284: {  	_ =	swait.ge [sflag:s22], $0x800  }
0x285: {  	[sflag:s22] =	ssyncset.done $0x0  }
0x286: {  	[sflag:s22] =	ssyncadd.s32 $0xFFFFF800  }
0x287: {  	_ =	swait.ge [sflag:s23], $0x800  }
0x288: {  	[sflag:s23] =	ssyncset.done $0x0  }
0x289: {  	[sflag:s23] =	ssyncadd.s32 $0xFFFFF800  }
0x28a: {  	_ =	swait.ge [sflag:s23], $0x800  }
0x28b: {  	[sflag:s23] =	ssyncset.done $0x0  }
0x28c: {  	[sflag:s23] =	ssyncadd.s32 $0xFFFFF800  }
0x28d: {  	_ =	swait.ge [sflag:s23], $0x800  }
0x28e: {  	[sflag:s23] =	ssyncset.done $0x0  }
0x28f: {  	[sflag:s23] =	ssyncadd.s32 $0xFFFFF800  }
0x290: {  	p1 =	por $0x0, $0x0;
	_ =	swait.ge [sflag:s23], $0x800  }
0x291: {  	s13 =	simm.s32 @!p1 $0xA500;
	[sflag:s23] =	ssyncset.done $0x0  }
0x292: {  	s16 =	simm.s32 @!p1 $0x80;
	s15 =	simm.s32 @!p1 $0x5400;
	[sflag:s23] =	ssyncadd.s32 $0xFFFFF800  }
0x293: {  	[tilespmem:s13], [sflag:$0x2] =	stream.indirect.gather @!p1 [spmem:s5], $0x10, s15, s16, $0xb8;
	[tilespmem:$0x13800] =	vst v63  }
0x294: {  	s13 =	simm.s32 @!p1 $0x5480;
	s15 =	simm.s32 @!p1 $0xAD00  }
0x295: {  	[tilespmem:s15], [sflag:$0x2] =	stream.indirect.gather @!p1 [spmem:s5], $0x10, s13, s16, $0xb8;
	[tilespmem:$0x13800] =	vst v63  }
0x296: {  	s13 =	simm.s32 @!p1 $0x5500;
	s15 =	simm.s32 @!p1 $0xB500  }
0x297: {  	[tilespmem:s15], [sflag:$0x2] =	stream.indirect.gather @!p1 [spmem:s5], $0x10, s13, s16, $0xb8;
	[tilespmem:$0x13800] =	vst v63  }
0x298: {  	s13 =	simm.s32 @!p1 $0x5580;
	s15 =	simm.s32 @!p1 $0xBD00  }
0x299: {  	[tilespmem:s15], [sflag:$0x2] =	stream.indirect.gather @!p1 [spmem:s5], $0x10, s13, s16, $0xb8;
	[tilespmem:$0x13800] =	vst v63  }
0x29a: {  	s16 =	sadd.s32 $0x200, s14  }
0x29b: {  	[spmem:s4] =	stream.indirect.scatter.add.f32 [tilespmem:s2], [sflag:$0x5], $0x10, s16, s24, $0xb8;
	[tilespmem:$0x13800] =	vst v63  }
0x29c: {  	s17 =	sadd.s32 $0x280, s14  }
0x29d: {  	[spmem:s4] =	stream.indirect.scatter.add.f32 [tilespmem:s1], [sflag:$0x5], $0x10, s17, s24, $0xb8;
	[tilespmem:$0x13800] =	vst v63  }
0x29e: {  	s18 =	sadd.s32 $0x300, s14;
	s13 =	simm.s32 $0x1000;
	s14 =	sadd.s32 $0x380, s14  }
0x29f: {  	[spmem:s4] =	stream.indirect.scatter.add.f32 [tilespmem:s7], [sflag:$0x5], $0x10, s18, s24, $0xb8;
	[tilespmem:$0x13800] =	vst v63  }
.LBB2_6:
0x2a0: {  	[spmem:s4] =	stream.indirect.scatter.add.f32 [tilespmem:s8], [sflag:$0x5], $0x10, s14, s24, $0xb8;
	[tilespmem:$0x13800] =	vst v63  }
0x2a1: {  	_ =	swait.ge [sflag:s30], $0x800  }
0x2a2: {  	[sflag:s30] =	ssyncset.done $0x0  }
0x2a3: {  	[sflag:s30] =	ssyncadd.s32 $0xFFFFF800  }
0x2a4: {  	_ =	swait.ge [sflag:s30], $0x800  }
0x2a5: {  	[sflag:s30] =	ssyncset.done $0x0  }
0x2a6: {  	[sflag:s30] =	ssyncadd.s32 $0xFFFFF800  }
0x2a7: {  	_ =	swait.ge [sflag:s30], $0x800  }
0x2a8: {  	[sflag:s30] =	ssyncset.done $0x0  }
0x2a9: {  	[sflag:s30] =	ssyncadd.s32 $0xFFFFF800  }
0x2aa: {  	s14 =	smov.u32 s13;
	_ =	swait.ge [sflag:s30], $0x800  }
0x2ab: {  	p2 =	seq.s32 s14, $0x0;
	[sflag:s30] =	ssyncset.done $0x0  }
0x2ac: {  	s15 =	simm.s32 @!p2 $0x5;
	[sflag:s30] =	ssyncadd.s32 $0xFFFFF800  }
0x2ad: {  	_ =	swait.ge @!p2 [sflag:s15], $0x800  }
0x2ae: {  	[sflag:s15] =	ssyncset.done @!p2 $0x0  }
0x2af: {  	[sflag:s15] =	ssyncadd.s32 @!p2 $0xFFFFF800  }
0x2b0: {  	_ =	swait.ge @!p2 [sflag:s15], $0x800  }
0x2b1: {  	[sflag:s15] =	ssyncset.done @!p2 $0x0  }
0x2b2: {  	[sflag:s15] =	ssyncadd.s32 @!p2 $0xFFFFF800  }
0x2b3: {  	_ =	swait.ge @!p2 [sflag:s15], $0x800  }
0x2b4: {  	[sflag:s15] =	ssyncset.done @!p2 $0x0  }
0x2b5: {  	[sflag:s15] =	ssyncadd.s32 @!p2 $0xFFFFF800  }
0x2b6: {  	_ =	swait.ge @!p2 [sflag:s15], $0x800  }
0x2b7: {  	s16 =	sshra.s32 s14, $0x2;
	[sflag:s15] =	ssyncset.done @!p2 $0x0  }
0x2b8: {  	s9 =	sadd.s32 $0x5200, s16;
	[sflag:s15] =	ssyncadd.s32 @!p2 $0xFFFFF800  }
0x2b9: {  	[tilespmem:s2], [sflag:$0x3] =	stream.indirect.gather [spmem:s5], $0x10, s9, s24, $0xb8;
	[tilespmem:$0x13800] =	vst v63  }
0x2ba: {  	s17 =	sadd.s32 $0x5280, s16  }
0x2bb: {  	[tilespmem:s1], [sflag:$0x3] =	stream.indirect.gather [spmem:s5], $0x10, s17, s24, $0xb8;
	[tilespmem:$0x13800] =	vst v63  }
0x2bc: {  	s18 =	sadd.s32 $0x5300, s16  }
0x2bd: {  	[tilespmem:s7], [sflag:$0x3] =	stream.indirect.gather [spmem:s5], $0x10, s18, s24, $0xb8;
	[tilespmem:$0x13800] =	vst v63  }
0x2be: {  	s9 =	sadd.s32 $0x5380, s16;
	s17 =	rddreg [dreg:$0x6]  }
0x2bf: {  	[tilespmem:s8], [sflag:$0x3] =	stream.indirect.gather [spmem:s5], $0x10, s9, s24, $0xb8;
	[tilespmem:$0x13800] =	vst v63  }
0x2c0: {  	s15 =	sadd.s32 s16, s17  }
0x2c1: {  	[spmem:s4] =	stream.indirect.scatter.add.f32 [tilespmem:s29], [sflag:$0x4], $0x10, s15, s24, $0xb8;
	[tilespmem:$0x13800] =	vst v63  }
0x2c2: {  	s16 =	sadd.s32 $0x80, s15  }
0x2c3: {  	[spmem:s4] =	stream.indirect.scatter.add.f32 [tilespmem:s31], [sflag:$0x4], $0x10, s16, s24, $0xb8;
	[tilespmem:$0x13800] =	vst v63  }
0x2c4: {  	s18 =	sadd.s32 $0x100, s15  }
0x2c5: {  	[spmem:s4] =	stream.indirect.scatter.add.f32 [tilespmem:s0], [sflag:$0x4], $0x10, s18, s24, $0xb8;
	[tilespmem:$0x13800] =	vst v63  }
0x2c6: {  	s9 =	sadd.s32 $0x180, s15  }
0x2c7: {  	[spmem:s4] =	stream.indirect.scatter.add.f32 [tilespmem:s26], [sflag:$0x4], $0x10, s9, s24, $0xb8;
	[tilespmem:$0x13800] =	vst v63  }
0x2c8: {  	_ =	swait.ge [sflag:s22], $0x800  }
0x2c9: {  	[sflag:s22] =	ssyncset.done $0x0  }
0x2ca: {  	[sflag:s22] =	ssyncadd.s32 $0xFFFFF800  }
0x2cb: {  	_ =	swait.ge [sflag:s22], $0x800  }
0x2cc: {  	[sflag:s22] =	ssyncset.done $0x0  }
0x2cd: {  	[sflag:s22] =	ssyncadd.s32 $0xFFFFF800  }
0x2ce: {  	_ =	swait.ge [sflag:s22], $0x800  }
0x2cf: {  	[sflag:s22] =	ssyncset.done $0x0  }
0x2d0: {  	[sflag:s22] =	ssyncadd.s32 $0xFFFFF800  }
0x2d1: {  	_ =	swait.ge [sflag:s22], $0x800  }
0x2d2: {  	[sflag:s22] =	ssyncset.done $0x0  }
0x2d3: {  	[sflag:s22] =	ssyncadd.s32 $0xFFFFF800  }
0x2d4: {  	_ =	swait.ge [sflag:s23], $0x800  }
0x2d5: {  	[sflag:s23] =	ssyncset.done $0x0  }
0x2d6: {  	[sflag:s23] =	ssyncadd.s32 $0xFFFFF800  }
0x2d7: {  	_ =	swait.ge [sflag:s23], $0x800  }
0x2d8: {  	[sflag:s23] =	ssyncset.done $0x0  }
0x2d9: {  	[sflag:s23] =	ssyncadd.s32 $0xFFFFF800  }
0x2da: {  	_ =	swait.ge [sflag:s23], $0x800  }
0x2db: {  	[sflag:s23] =	ssyncset.done $0x0  }
0x2dc: {  	p2 =	seq.s32 s14, $0x9000;
	[sflag:s23] =	ssyncadd.s32 $0xFFFFF800  }
0x2dd: {  	s14 =	sshra.s32 @!p2 s14, $0x2;
	_ =	swait.ge [sflag:s23], $0x800  }
0x2de: {  	s17 =	sadd.s32 @!p2 $0x5400, s14;
	[sflag:s23] =	ssyncset.done $0x0  }
0x2df: {  	s16 =	simm.s32 @!p2 $0xA500;
	s18 =	simm.s32 @!p2 $0x80;
	[sflag:s23] =	ssyncadd.s32 $0xFFFFF800  }
0x2e0: {  	[tilespmem:s16], [sflag:$0x2] =	stream.indirect.gather @!p2 [spmem:s5], $0x10, s17, s18, $0xb8;
	[tilespmem:$0x13800] =	vst v63  }
0x2e1: {  	s16 =	sadd.s32 @!p2 $0x5480, s14;
	s17 =	simm.s32 @!p2 $0xAD00  }
0x2e2: {  	[tilespmem:s17], [sflag:$0x2] =	stream.indirect.gather @!p2 [spmem:s5], $0x10, s16, s18, $0xb8;
	[tilespmem:$0x13800] =	vst v63  }
0x2e3: {  	s9 =	sadd.s32 @!p2 $0x5500, s14;
	s16 =	simm.s32 @!p2 $0xB500  }
0x2e4: {  	[tilespmem:s16], [sflag:$0x2] =	stream.indirect.gather @!p2 [spmem:s5], $0x10, s9, s18, $0xb8;
	[tilespmem:$0x13800] =	vst v63  }
0x2e5: {  	s13 =	sadd.s32 $0x1000, s13;
	s14 =	sadd.s32 @!p2 $0x5580, s14;
	s9 =	simm.s32 @!p2 $0xBD00  }
0x2e6: {  	[tilespmem:s9], [sflag:$0x2] =	stream.indirect.gather @!p2 [spmem:s5], $0x10, s14, s18, $0xb8;
	[tilespmem:$0x13800] =	vst v63  }
0x2e7: {  	p1 =	sne.s32 s13, $0xA000;
	s16 =	sadd.s32 $0x200, s15  }
0x2e8: {  	[spmem:s4] =	stream.indirect.scatter.add.f32 [tilespmem:s2], [sflag:$0x5], $0x10, s16, s24, $0xb8;
	[tilespmem:$0x13800] =	vst v63  }
.Ltmp2:
0x2e9: {  	_ = 	snop;
	(pc) =	sbr.rel @p1 .LBB2_6-.Ltmp2, $4  }
0x2ea: {  	s17 =	sadd.s32 $0x280, s15  }
0x2eb: {  	[spmem:s4] =	stream.indirect.scatter.add.f32 [tilespmem:s1], [sflag:$0x5], $0x10, s17, s24, $0xb8;
	[tilespmem:$0x13800] =	vst v63  }
0x2ec: {  	s18 =	sadd.s32 $0x300, s15;
	s14 =	sadd.s32 $0x380, s15  }
0x2ed: {  	[spmem:s4] =	stream.indirect.scatter.add.f32 [tilespmem:s7], [sflag:$0x5], $0x10, s18, s24, $0xb8;
	[tilespmem:$0x13800] =	vst v63  }
0x2ee: {  	[spmem:s4] =	stream.indirect.scatter.add.f32 [tilespmem:s8], [sflag:$0x5], $0x10, s14, s24, $0xb8;
	[tilespmem:$0x13800] =	vst v63  }
0x2ef: {  	_ =	swait.ge [sflag:s11], $0x800  }
0x2f0: {  	[sflag:s11] =	ssyncset.done $0x0  }
0x2f1: {  	[sflag:s11] =	ssyncadd.s32 $0xFFFFF800  }
0x2f2: {  	_ =	swait.ge [sflag:s11], $0x800  }
0x2f3: {  	[sflag:s11] =	ssyncset.done $0x0  }
0x2f4: {  	[sflag:s11] =	ssyncadd.s32 $0xFFFFF800  }
0x2f5: {  	_ =	swait.ge [sflag:s11], $0x800  }
0x2f6: {  	[sflag:s11] =	ssyncset.done $0x0  }
0x2f7: {  	[sflag:s11] =	ssyncadd.s32 $0xFFFFF800  }
0x2f8: {  	_ =	swait.ge [sflag:s11], $0x800  }
0x2f9: {  	[sflag:s11] =	ssyncset.done $0x0  }
0x2fa: {  	[sflag:s11] =	ssyncadd.s32 $0xFFFFF800  }
0x2fb: {  	[bflag:$0x0] =	sbarrier.arrive $0xFFFF  }
0x2fc: {  	s9 =	rddreg [dreg:$0xf]  }
0x2fd: {  	[hbm:s9], [sflag:s10] =	dma.local [spmem:s20], $0x500  }
0x2fe: {  	_ =	swait.ge [sflag:s19], $0x500  }
0x2ff: {  	s12 =	sadd.s32 $0x1, s12;
	s18 =	rddreg [dreg:$0x10]  }
0x300: {  	p1 =	sne.s32 s12, s18  }
.Ltmp3:
0x301: {  	_ = 	snop;
	(pc) =	sbr.rel @p1 .LBB2_1-.Ltmp3, $3  }
0x302: {  	_ =	sdelay $0x1  }
0x303: {  	[sflag:s19] =	ssyncset.done $0x0  }
0x304: {  	s17 =	simm.s32 $0x5000;
	[sflag:s19] =	ssyncadd.s32 $0xFFFFFB00;
	s18 =	simm.s32 $0x7800  }
0x305: {  	_ =	sfence.sel $0x180000  }
0x306: {  	[bflag:$0x0] =	sbarrier.arrive $0xFFFF  }
0x307: {  	_ =	strace $0x90000047  }
0x308: {  	s0 =	stileid.u32;
	[bflag:$0x2] =	sbarrier.arrive $0xFFFF  }
0x309: {  	p0 =	sne.s32 s0, $0x0;
	s0 =	rddreg [dreg:$0x5]  }
0x30a: {  	s0 =	sadd.s32 @!p0 $0x100000, s0  }
0x30b: {  	[sflag:s0] =	ssyncadd.tile.s32 @!p0 $0x1;
	_ =	shalt  }
.Lfunc_end2:
_tile_overlayer_lowered:
.L_overlay_start_2:
0x30c: {  	(tag) =	ssettag $0x2  }
0x30d: {  	s0 =	rddreg [dreg:$0x0];
	s2 =	stileid.u32  }
0x30e: {  	s1 =	rddreg [dreg:$0x1];
	p0 =	sne.s32 s2, $0x0  }
0x30f: {  	s3 =	rddreg [dreg:$0x2];
	[bflag:$0x3] =	sbarrier.arrive $0xFFFF;
	s2 =	simm.s32 @!p0 $0x1C06  }
0x310: {  	[timem:s3], [sflag:s2] =	dma.local @!p0 [hbm:s0], s1  }
0x311: {  	s0 =	simm.s32 @!p0 $0x6  }
0x312: {  	_ =	swait.ge @!p0 [sflag:s0], s1  }
0x313: {  	s1 =	ssub.s32 @!p0 $0x0, s1;
	[sflag:s0] =	ssyncset.done @!p0 $0x0  }
0x314: {  	[sflag:s0] =	ssyncadd.s32 @!p0 s1  }
0x315: {  	[bflag:$0x3] =	sbarrier.arrive $0xFFFF  }
0x316: {  	_ =	shalt  }

</sc_bundles>
